<compile_context>
chip_gen: v7x
topology: tpu7x:2x2x1
jax: 0.10.2.dev20260603
libtpu: 0.0.44.dev20260713+nightly
codegen_flags: <defaults>
</compile_context>

<pallas_src>
import functools

import jax
import jax.numpy as jnp
from jax import lax
from jax.experimental import pallas as pl
from jax.experimental.pallas import tpu as pltpu
from jax.experimental.pallas import tpu_sc as plsc

B = 16384
L = 50
EMB = 32
VOCAB = 1000000

NC = 2
NS = 16
NW = NC * NS
ROWS_PER_W = B // NW
CHUNK = 16
NCHUNK = ROWS_PER_W // CHUNK
IDX_W = 100
NGATHER = CHUNK * L // IDX_W

_sc_mesh = plsc.VectorSubcoreMesh(core_axis_name="c", subcore_axis_name="s")



TCOL = 8192
NBAND = TCOL // 512
NBLK = (VOCAB + TCOL - 1) // TCOL
VROWS = NBLK * TCOL


def _transpose_body(x_ref, o_ref):
    xt = x_ref[...].T
    bands = [xt[q * 512:(q + 1) * 512, :] for q in range(NBAND)]
    o_ref[...] = jnp.concatenate(bands, axis=1)


def _to_row_major(table_t):
    out = pl.pallas_call(
        _transpose_body,
        grid=(NBLK,),
        in_specs=[pl.BlockSpec((EMB, TCOL), lambda i: (0, i))],
        out_specs=pl.BlockSpec((512, NBAND * EMB), lambda i: (i, 0)),
        out_shape=jax.ShapeDtypeStruct((NBLK * 512, NBAND * EMB), jnp.float32),
    )(table_t)
    return out.reshape(VROWS, EMB)


def _scramble(idx):
    return ((idx >> 13) << 13) + ((idx & 511) << 4) + ((idx & 8191) >> 9)



@functools.partial(
    pl.kernel,
    mesh=_sc_mesh,
    out_type=jax.ShapeDtypeStruct((B, EMB), jnp.float32),
    scratch_types=[
        pltpu.VMEM((NGATHER, IDX_W), jnp.int32),
        pltpu.VMEM((CHUNK * L, EMB), jnp.float32),
        pltpu.VMEM((CHUNK, EMB), jnp.float32),
        pltpu.SemaphoreType.DMA,
    ],
    compiler_params=pltpu.CompilerParams(use_tc_tiling_on_sc=False),
)
def _pool_sc(nids2d, emb, pooled_hbm, idx2, rows_v, pooled_v, gsem):
    wid = lax.axis_index("s") * NC + lax.axis_index("c")
    base = wid * ROWS_PER_W
    offs = [0, 16, 32, 48, 64, 80, IDX_W - 16]

    def chunk_body(c, carry):
        row0 = pl.multiple_of(base + c * CHUNK, CHUNK)
        pltpu.sync_copy(
            nids2d.at[pl.ds(pl.multiple_of(row0 * L // IDX_W, 8), NGATHER)],
            idx2)
        for g in range(NGATHER):
            vals = [_scramble(idx2[g, pl.ds(o, 16)]) for o in offs]
            for o, v in zip(offs, vals):
                idx2[g, pl.ds(o, 16)] = v
        cps = [
            pltpu.async_copy(
                emb.at[idx2.at[g]],
                rows_v.at[pl.ds(g * IDX_W, IDX_W)],
                gsem,
            )
            for g in range(NGATHER)
        ]
        for cp in cps:
            cp.wait()

        def row_body(i, carry2):
            k0 = i * L
            acc0 = rows_v[k0, pl.ds(0, 16)]
            acc1 = rows_v[k0, pl.ds(16, 16)]
            for j in range(1, L):
                acc0 = acc0 + rows_v[k0 + j, pl.ds(0, 16)]
                acc1 = acc1 + rows_v[k0 + j, pl.ds(16, 16)]
            pooled_v[i, pl.ds(0, 16)] = acc0
            pooled_v[i, pl.ds(16, 16)] = acc1
            return carry2

        lax.fori_loop(0, CHUNK, row_body, 0)
        pltpu.sync_copy(pooled_v, pooled_hbm.at[pl.ds(row0, CHUNK)])
        return carry

    lax.fori_loop(0, NCHUNK, chunk_body, 0)



CLK = 128


@functools.partial(
    pl.kernel,
    mesh=_sc_mesh,
    out_type=jax.ShapeDtypeStruct((B, EMB), jnp.float32),
    scratch_types=[
        pltpu.VMEM((CLK,), jnp.int32),
        pltpu.VMEM((CLK, EMB), jnp.float32),
        pltpu.SemaphoreType.DMA,
    ],
    compiler_params=pltpu.CompilerParams(use_tc_tiling_on_sc=False),
)
def _click_sc(click, nid_emb, out_hbm, cidx, crows, csem):
    wid = lax.axis_index("s") * NC + lax.axis_index("c")
    base = wid * ROWS_PER_W

    def chunk_body(c, carry):
        row0 = pl.multiple_of(base + c * CLK, CLK)
        pltpu.sync_copy(click.at[pl.ds(row0, CLK)], cidx)
        for k in range(CLK // 16):
            cidx[pl.ds(k * 16, 16)] = _scramble(cidx[pl.ds(k * 16, 16)])
        pltpu.async_copy(nid_emb.at[cidx], crows, csem).wait()
        pltpu.sync_copy(crows, out_hbm.at[pl.ds(row0, CLK)])
        return carry

    lax.fori_loop(0, ROWS_PER_W // CLK, chunk_body, 0)



BM = 2048


def _mlp_body(x1_ref, x2_ref, w1_ref, b1_ref, w2_ref, b2_ref,
              w3_ref, b3_ref, w4_ref, b4_ref, y_ref):
    x = jnp.concatenate([x1_ref[...], x2_ref[...]], axis=1)
    dn = (((1,), (1,)), ((), ()))
    h = lax.dot_general(x, w1_ref[...], dn, preferred_element_type=jnp.float32)
    h = jnp.maximum(h + b1_ref[...], 0.0)
    h = lax.dot_general(h, w2_ref[...], dn, preferred_element_type=jnp.float32)
    h = jnp.maximum(h + b2_ref[...], 0.0)
    h = lax.dot_general(h, w3_ref[...], dn, preferred_element_type=jnp.float32)
    h = jnp.maximum(h + b3_ref[...], 0.0)
    h = lax.dot_general(h, w4_ref[...], dn, preferred_element_type=jnp.float32)
    y_ref[...] = jnp.maximum(h + b4_ref[...], 0.0)


def _mlp(x1, x2, W1, b1, W2, b2, W3, b3, W4, b4):
    full = lambda s: pl.BlockSpec(s, lambda i: (0, 0))
    return pl.pallas_call(
        _mlp_body,
        grid=(B // BM,),
        in_specs=[
            pl.BlockSpec((BM, EMB), lambda i: (i, 0)),
            pl.BlockSpec((BM, EMB), lambda i: (i, 0)),
            full(W1.shape), full((1, 256)),
            full(W2.shape), full((1, 256)),
            full(W3.shape), full((1, 128)),
            full(W4.shape), full((1, 2)),
        ],
        out_specs=pl.BlockSpec((BM, 2), lambda i: (i, 0)),
        out_shape=jax.ShapeDtypeStruct((B, 2), jnp.float32),
    )(x1, x2, W1, b1.reshape(1, -1), W2, b2.reshape(1, -1),
      W3, b3.reshape(1, -1), W4, b4.reshape(1, -1))


def kernel(input_nids, click_items, input_emb, nid_emb,
           W1, b1, W2, b2, W3, b3, W4, b4):
    emb_rm = _to_row_major(input_emb.T)
    nid_rm = _to_row_major(nid_emb.T)
    nids2d = input_nids.reshape(B * L // IDX_W, IDX_W)
    pooled = _pool_sc(nids2d, emb_rm)
    clicked = _click_sc(click_items, nid_rm)
    return _mlp(pooled, clicked, W1, b1, W2, b2, W3, b3, W4, b4)

# --- scband reference (transcript-rebuilt; emitter-appended) ---
"""Pipeline reference for scband-fcdnn-31370441130446 (READ-ONLY COPY).

The authoritative reference and input builder live on the scoring server;
editing this copy changes nothing except your own understanding.
"""

import jax, jax.numpy as jnp
import numpy as np

VOCAB = 1000000
EMB = 32
B = 16384
L = 50

def setup_inputs(seed: int = 0) -> dict:
    key = jax.random.key(seed)
    ks = jax.random.split(key, 12)
    input_nids = jax.random.randint(ks[0], (B, L), 0, VOCAB, dtype=jnp.int64 if jax.config.jax_enable_x64 else jnp.int32).astype(jnp.int32)
    click_items = jax.random.randint(ks[1], (B,), 0, VOCAB, dtype=jnp.int32)
    input_emb = jax.random.normal(ks[2], (VOCAB, EMB), dtype=jnp.float32) * 0.02
    nid_emb = jax.random.normal(ks[3], (VOCAB, EMB), dtype=jnp.float32) * 0.02
    W1 = jax.random.normal(ks[4], (256, EMB * 2), dtype=jnp.float32) * (1.0 / np.sqrt(EMB * 2))
    b1 = jnp.zeros((256,), dtype=jnp.float32)
    W2 = jax.random.normal(ks[5], (256, 256), dtype=jnp.float32) * (1.0 / np.sqrt(256))
    b2 = jnp.zeros((256,), dtype=jnp.float32)
    W3 = jax.random.normal(ks[6], (128, 256), dtype=jnp.float32) * (1.0 / np.sqrt(256))
    b3 = jnp.zeros((128,), dtype=jnp.float32)
    W4 = jax.random.normal(ks[7], (2, 128), dtype=jnp.float32) * (1.0 / np.sqrt(128))
    b4 = jnp.zeros((2,), dtype=jnp.float32)
    return {"input_nids": input_nids, "click_items": click_items,
            "input_emb": input_emb, "nid_emb": nid_emb,
            "W1": W1, "b1": b1, "W2": W2, "b2": b2,
            "W3": W3, "b3": b3, "W4": W4, "b4": b4}

def reference(input_nids, click_items, input_emb, nid_emb, W1, b1, W2, b2, W3, b3, W4, b4):
    input_embs = jnp.take(input_emb, input_nids, axis=0).sum(axis=1)  # [B, EMB]
    y_emb = jnp.take(nid_emb, click_items, axis=0)                    # [B, EMB]
    x = jnp.concatenate((input_embs, y_emb), axis=1)                  # [B, 2*EMB]
    x = jax.nn.relu(x @ W1.T + b1)
    x = jax.nn.relu(x @ W2.T + b2)
    x = jax.nn.relu(x @ W3.T + b3)
    y = jax.nn.relu(x @ W4.T + b4)
    return y

if __name__ == "__main__":
    import jax
    _d = setup_inputs()
    print(jax.jit(kernel)(*tuple(_d.values())))

</pallas_src>

<mosaic_0001>
#map = affine_map<(d0, d1) -> (0)>
#map1 = affine_map<(d0, d1) -> (0, 0)>
module attributes {stable_mosaic.version = 14 : i64} {
  func.func @_click_sc(%arg0: i32, %arg1: i32, %arg2: memref<16384xi32, #tpu.memory_space<hbm>>, %arg3: memref<1007616x32xf32, #tpu.memory_space<hbm>>, %arg4: memref<16384x32xf32, #tpu.memory_space<hbm>>, %arg5: memref<128xi32, #tpu.memory_space<vmem>>, %arg6: memref<128x32xf32, #tpu.memory_space<vmem>>, %arg7: memref<!tpu.dma_semaphore, #tpu.memory_space<semaphore_mem>>) attributes {dimension_semantics = [#tpu.dimension_semantics<core_parallel>, #tpu.dimension_semantics<subcore_parallel>], iteration_bounds = array<i64: 2, 16>, scalar_prefetch = 0 : i64, scratch_operands = 3 : i64, tpu.core_type = #tpu.core_type<sc_vector_subcore>, window_params = [{transform_indices = #map}, {transform_indices = #map1}, {transform_indices = #map1}]} {
    %mul3A = arith.constant 2 : i32
    %mul3A_0 = arith.muli %arg1, %mul3A : i32
    %add3A = arith.addi %mul3A_0, %arg0 : i32
    %mul3A_1 = arith.constant 512 : i32
    %mul3A_2 = arith.muli %add3A, %mul3A_1 : i32
    %scan3A = arith.constant 0 : i32
    %scan3A_3 = arith.constant 0 : i32
    %scan3A_4 = arith.constant 4 : i32
    %scan3A_5 = arith.addi %scan3A_3, %scan3A_4 : i32
    %scan3A_6 = arith.constant 1 : i32
    scf.for %scan3A_8 = %scan3A_3 to %scan3A_5 step %scan3A_6  : i32 {
      %mul3A_9 = arith.constant 128 : i32
      %mul3A_10 = arith.muli %scan3A_8, %mul3A_9 : i32
      %add3A_11 = arith.addi %mul3A_2, %mul3A_10 : i32
      %multiple_of3A = tpu.assume_multiple %add3A_11, 128 : i32
      "tpu.region"() ({
        %run_scoped3A = tpu.sem_alloc : memref<!tpu.dma_semaphore, #tpu.memory_space<semaphore_mem>>
        %dma_start3A_227 = tpu.memref_slice %arg2[%multiple_of3A] : memref<16384xi32, #tpu.memory_space<hbm>> -> memref<128xi32, #tpu.memory_space<hbm>>
        %dma_start3A_228 = tpu.memref_slice %arg2[%multiple_of3A] : memref<16384xi32, #tpu.memory_space<hbm>> -> memref<128xi32, #tpu.memory_space<hbm>>
        tpu.enqueue_dma source(%dma_start3A_228 : memref<128xi32, #tpu.memory_space<hbm>>) target(%arg5 : memref<128xi32, #tpu.memory_space<vmem>>) target_semaphore(%run_scoped3A : memref<!tpu.dma_semaphore, #tpu.memory_space<semaphore_mem>>)
        %dma_wait3A_229 = tpu.memref_slice %arg2[%multiple_of3A] : memref<16384xi32, #tpu.memory_space<hbm>> -> memref<128xi32, #tpu.memory_space<hbm>>
        %dma_wait3A_230 = tpu.memref_slice %arg2[%multiple_of3A] : memref<16384xi32, #tpu.memory_space<hbm>> -> memref<128xi32, #tpu.memory_space<hbm>>
        tpu.wait_dma2 semaphore(%run_scoped3A : memref<!tpu.dma_semaphore, #tpu.memory_space<semaphore_mem>>) src(%dma_wait3A_230 : memref<128xi32, #tpu.memory_space<hbm>>) dst(%arg5 : memref<128xi32, #tpu.memory_space<vmem>>)
        tpu.yield
      }) : () -> ()
      %get3A = arith.constant 0 : index
      %get3A_12 = tpu.vector_load %arg5[%get3A] {strides = array<i32>} : memref<128xi32, #tpu.memory_space<vmem>>, vector<16xi32>,
      %get3A_13 = vector.shape_cast %get3A_12 : vector<16xi32> to vector<16xi32>
      %shift_right_arithmetic3A = arith.constant 13 : i32
      %shift_right_arithmetic3A_14 = vector.broadcast %shift_right_arithmetic3A : i32 to vector<16xi32>
      %shift_right_arithmetic3A_15 = arith.shrsi %get3A_13, %shift_right_arithmetic3A_14 : vector<16xi32>
      %shift_left3A = arith.constant 13 : i32
      %shift_left3A_16 = vector.broadcast %shift_left3A : i32 to vector<16xi32>
      %shift_left3A_17 = arith.shli %shift_right_arithmetic3A_15, %shift_left3A_16 : vector<16xi32>
      %and3A = arith.constant 511 : i32
      %and3A_18 = vector.broadcast %and3A : i32 to vector<16xi32>
      %and3A_19 = arith.andi %get3A_13, %and3A_18 : vector<16xi32>
      %shift_left3A_20 = arith.constant 4 : i32
      %shift_left3A_21 = vector.broadcast %shift_left3A_20 : i32 to vector<16xi32>
      %shift_left3A_22 = arith.shli %and3A_19, %shift_left3A_21 : vector<16xi32>
      %add3A_23 = arith.addi %shift_left3A_17, %shift_left3A_22 : vector<16xi32>
      %and3A_24 = arith.constant 8191 : i32
      %and3A_25 = vector.broadcast %and3A_24 : i32 to vector<16xi32>
      %and3A_26 = arith.andi %get3A_13, %and3A_25 : vector<16xi32>
      %shift_right_arithmetic3A_27 = arith.constant 9 : i32
      %shift_right_arithmetic3A_28 = vector.broadcast %shift_right_arithmetic3A_27 : i32 to vector<16xi32>
      %shift_right_arithmetic3A_29 = arith.shrsi %and3A_26, %shift_right_arithmetic3A_28 : vector<16xi32>
      %add3A_30 = arith.addi %add3A_23, %shift_right_arithmetic3A_29 : vector<16xi32>
      %swap3A = arith.constant 0 : index
      %swap3A_31 = tpu.vector_load %arg5[%swap3A] {strides = array<i32>} : memref<128xi32, #tpu.memory_space<vmem>>, vector<16xi32>,
      %swap3A_32 = vector.shape_cast %swap3A_31 : vector<16xi32> to vector<16xi32>
      %swap3A_33 = vector.shape_cast %add3A_30 : vector<16xi32> to vector<16xi32>
      tpu.vector_store %arg5[%swap3A], %swap3A_33 {strides = array<i32>} : memref<128xi32, #tpu.memory_space<vmem>>, vector<16xi32>,
      %get3A_34 = arith.constant 16 : index
      %get3A_35 = tpu.vector_load %arg5[%get3A_34] {strides = array<i32>} : memref<128xi32, #tpu.memory_space<vmem>>, vector<16xi32>,
      %get3A_36 = vector.shape_cast %get3A_35 : vector<16xi32> to vector<16xi32>
      %shift_right_arithmetic3A_37 = arith.constant 13 : i32
      %shift_right_arithmetic3A_38 = vector.broadcast %shift_right_arithmetic3A_37 : i32 to vector<16xi32>
      %shift_right_arithmetic3A_39 = arith.shrsi %get3A_36, %shift_right_arithmetic3A_38 : vector<16xi32>
      %shift_left3A_40 = arith.constant 13 : i32
      %shift_left3A_41 = vector.broadcast %shift_left3A_40 : i32 to vector<16xi32>
      %shift_left3A_42 = arith.shli %shift_right_arithmetic3A_39, %shift_left3A_41 : vector<16xi32>
      %and3A_43 = arith.constant 511 : i32
      %and3A_44 = vector.broadcast %and3A_43 : i32 to vector<16xi32>
      %and3A_45 = arith.andi %get3A_36, %and3A_44 : vector<16xi32>
      %shift_left3A_46 = arith.constant 4 : i32
      %shift_left3A_47 = vector.broadcast %shift_left3A_46 : i32 to vector<16xi32>
      %shift_left3A_48 = arith.shli %and3A_45, %shift_left3A_47 : vector<16xi32>
      %add3A_49 = arith.addi %shift_left3A_42, %shift_left3A_48 : vector<16xi32>
      %and3A_50 = arith.constant 8191 : i32
      %and3A_51 = vector.broadcast %and3A_50 : i32 to vector<16xi32>
      %and3A_52 = arith.andi %get3A_36, %and3A_51 : vector<16xi32>
      %shift_right_arithmetic3A_53 = arith.constant 9 : i32
      %shift_right_arithmetic3A_54 = vector.broadcast %shift_right_arithmetic3A_53 : i32 to vector<16xi32>
      %shift_right_arithmetic3A_55 = arith.shrsi %and3A_52, %shift_right_arithmetic3A_54 : vector<16xi32>
      %add3A_56 = arith.addi %add3A_49, %shift_right_arithmetic3A_55 : vector<16xi32>
      %swap3A_57 = arith.constant 16 : index
      %swap3A_58 = tpu.vector_load %arg5[%swap3A_57] {strides = array<i32>} : memref<128xi32, #tpu.memory_space<vmem>>, vector<16xi32>,
      %swap3A_59 = vector.shape_cast %swap3A_58 : vector<16xi32> to vector<16xi32>
      %swap3A_60 = vector.shape_cast %add3A_56 : vector<16xi32> to vector<16xi32>
      tpu.vector_store %arg5[%swap3A_57], %swap3A_60 {strides = array<i32>} : memref<128xi32, #tpu.memory_space<vmem>>, vector<16xi32>,
      %get3A_61 = arith.constant 32 : index
      %get3A_62 = tpu.vector_load %arg5[%get3A_61] {strides = array<i32>} : memref<128xi32, #tpu.memory_space<vmem>>, vector<16xi32>,
      %get3A_63 = vector.shape_cast %get3A_62 : vector<16xi32> to vector<16xi32>
      %shift_right_arithmetic3A_64 = arith.constant 13 : i32
      %shift_right_arithmetic3A_65 = vector.broadcast %shift_right_arithmetic3A_64 : i32 to vector<16xi32>
      %shift_right_arithmetic3A_66 = arith.shrsi %get3A_63, %shift_right_arithmetic3A_65 : vector<16xi32>
      %shift_left3A_67 = arith.constant 13 : i32
      %shift_left3A_68 = vector.broadcast %shift_left3A_67 : i32 to vector<16xi32>
      %shift_left3A_69 = arith.shli %shift_right_arithmetic3A_66, %shift_left3A_68 : vector<16xi32>
      %and3A_70 = arith.constant 511 : i32
      %and3A_71 = vector.broadcast %and3A_70 : i32 to vector<16xi32>
      %and3A_72 = arith.andi %get3A_63, %and3A_71 : vector<16xi32>
      %shift_left3A_73 = arith.constant 4 : i32
      %shift_left3A_74 = vector.broadcast %shift_left3A_73 : i32 to vector<16xi32>
      %shift_left3A_75 = arith.shli %and3A_72, %shift_left3A_74 : vector<16xi32>
      %add3A_76 = arith.addi %shift_left3A_69, %shift_left3A_75 : vector<16xi32>
      %and3A_77 = arith.constant 8191 : i32
      %and3A_78 = vector.broadcast %and3A_77 : i32 to vector<16xi32>
      %and3A_79 = arith.andi %get3A_63, %and3A_78 : vector<16xi32>
      %shift_right_arithmetic3A_80 = arith.constant 9 : i32
      %shift_right_arithmetic3A_81 = vector.broadcast %shift_right_arithmetic3A_80 : i32 to vector<16xi32>
      %shift_right_arithmetic3A_82 = arith.shrsi %and3A_79, %shift_right_arithmetic3A_81 : vector<16xi32>
      %add3A_83 = arith.addi %add3A_76, %shift_right_arithmetic3A_82 : vector<16xi32>
      %swap3A_84 = arith.constant 32 : index
      %swap3A_85 = tpu.vector_load %arg5[%swap3A_84] {strides = array<i32>} : memref<128xi32, #tpu.memory_space<vmem>>, vector<16xi32>,
      %swap3A_86 = vector.shape_cast %swap3A_85 : vector<16xi32> to vector<16xi32>
      %swap3A_87 = vector.shape_cast %add3A_83 : vector<16xi32> to vector<16xi32>
      tpu.vector_store %arg5[%swap3A_84], %swap3A_87 {strides = array<i32>} : memref<128xi32, #tpu.memory_space<vmem>>, vector<16xi32>,
      %get3A_88 = arith.constant 48 : index
      %get3A_89 = tpu.vector_load %arg5[%get3A_88] {strides = array<i32>} : memref<128xi32, #tpu.memory_space<vmem>>, vector<16xi32>,
      %get3A_90 = vector.shape_cast %get3A_89 : vector<16xi32> to vector<16xi32>
      %shift_right_arithmetic3A_91 = arith.constant 13 : i32
      %shift_right_arithmetic3A_92 = vector.broadcast %shift_right_arithmetic3A_91 : i32 to vector<16xi32>
      %shift_right_arithmetic3A_93 = arith.shrsi %get3A_90, %shift_right_arithmetic3A_92 : vector<16xi32>
      %shift_left3A_94 = arith.constant 13 : i32
      %shift_left3A_95 = vector.broadcast %shift_left3A_94 : i32 to vector<16xi32>
      %shift_left3A_96 = arith.shli %shift_right_arithmetic3A_93, %shift_left3A_95 : vector<16xi32>
      %and3A_97 = arith.constant 511 : i32
      %and3A_98 = vector.broadcast %and3A_97 : i32 to vector<16xi32>
      %and3A_99 = arith.andi %get3A_90, %and3A_98 : vector<16xi32>
      %shift_left3A_100 = arith.constant 4 : i32
      %shift_left3A_101 = vector.broadcast %shift_left3A_100 : i32 to vector<16xi32>
      %shift_left3A_102 = arith.shli %and3A_99, %shift_left3A_101 : vector<16xi32>
      %add3A_103 = arith.addi %shift_left3A_96, %shift_left3A_102 : vector<16xi32>
      %and3A_104 = arith.constant 8191 : i32
      %and3A_105 = vector.broadcast %and3A_104 : i32 to vector<16xi32>
      %and3A_106 = arith.andi %get3A_90, %and3A_105 : vector<16xi32>
      %shift_right_arithmetic3A_107 = arith.constant 9 : i32
      %shift_right_arithmetic3A_108 = vector.broadcast %shift_right_arithmetic3A_107 : i32 to vector<16xi32>
      %shift_right_arithmetic3A_109 = arith.shrsi %and3A_106, %shift_right_arithmetic3A_108 : vector<16xi32>
      %add3A_110 = arith.addi %add3A_103, %shift_right_arithmetic3A_109 : vector<16xi32>
      %swap3A_111 = arith.constant 48 : index
      %swap3A_112 = tpu.vector_load %arg5[%swap3A_111] {strides = array<i32>} : memref<128xi32, #tpu.memory_space<vmem>>, vector<16xi32>,
      %swap3A_113 = vector.shape_cast %swap3A_112 : vector<16xi32> to vector<16xi32>
      %swap3A_114 = vector.shape_cast %add3A_110 : vector<16xi32> to vector<16xi32>
      tpu.vector_store %arg5[%swap3A_111], %swap3A_114 {strides = array<i32>} : memref<128xi32, #tpu.memory_space<vmem>>, vector<16xi32>,
      %get3A_115 = arith.constant 64 : index
      %get3A_116 = tpu.vector_load %arg5[%get3A_115] {strides = array<i32>} : memref<128xi32, #tpu.memory_space<vmem>>, vector<16xi32>,
      %get3A_117 = vector.shape_cast %get3A_116 : vector<16xi32> to vector<16xi32>
      %shift_right_arithmetic3A_118 = arith.constant 13 : i32
      %shift_right_arithmetic3A_119 = vector.broadcast %shift_right_arithmetic3A_118 : i32 to vector<16xi32>
      %shift_right_arithmetic3A_120 = arith.shrsi %get3A_117, %shift_right_arithmetic3A_119 : vector<16xi32>
      %shift_left3A_121 = arith.constant 13 : i32
      %shift_left3A_122 = vector.broadcast %shift_left3A_121 : i32 to vector<16xi32>
      %shift_left3A_123 = arith.shli %shift_right_arithmetic3A_120, %shift_left3A_122 : vector<16xi32>
      %and3A_124 = arith.constant 511 : i32
      %and3A_125 = vector.broadcast %and3A_124 : i32 to vector<16xi32>
      %and3A_126 = arith.andi %get3A_117, %and3A_125 : vector<16xi32>
      %shift_left3A_127 = arith.constant 4 : i32
      %shift_left3A_128 = vector.broadcast %shift_left3A_127 : i32 to vector<16xi32>
      %shift_left3A_129 = arith.shli %and3A_126, %shift_left3A_128 : vector<16xi32>
      %add3A_130 = arith.addi %shift_left3A_123, %shift_left3A_129 : vector<16xi32>
      %and3A_131 = arith.constant 8191 : i32
      %and3A_132 = vector.broadcast %and3A_131 : i32 to vector<16xi32>
      %and3A_133 = arith.andi %get3A_117, %and3A_132 : vector<16xi32>
      %shift_right_arithmetic3A_134 = arith.constant 9 : i32
      %shift_right_arithmetic3A_135 = vector.broadcast %shift_right_arithmetic3A_134 : i32 to vector<16xi32>
      %shift_right_arithmetic3A_136 = arith.shrsi %and3A_133, %shift_right_arithmetic3A_135 : vector<16xi32>
      %add3A_137 = arith.addi %add3A_130, %shift_right_arithmetic3A_136 : vector<16xi32>
      %swap3A_138 = arith.constant 64 : index
      %swap3A_139 = tpu.vector_load %arg5[%swap3A_138] {strides = array<i32>} : memref<128xi32, #tpu.memory_space<vmem>>, vector<16xi32>,
      %swap3A_140 = vector.shape_cast %swap3A_139 : vector<16xi32> to vector<16xi32>
      %swap3A_141 = vector.shape_cast %add3A_137 : vector<16xi32> to vector<16xi32>
      tpu.vector_store %arg5[%swap3A_138], %swap3A_141 {strides = array<i32>} : memref<128xi32, #tpu.memory_space<vmem>>, vector<16xi32>,
      %get3A_142 = arith.constant 80 : index
      %get3A_143 = tpu.vector_load %arg5[%get3A_142] {strides = array<i32>} : memref<128xi32, #tpu.memory_space<vmem>>, vector<16xi32>,
      %get3A_144 = vector.shape_cast %get3A_143 : vector<16xi32> to vector<16xi32>
      %shift_right_arithmetic3A_145 = arith.constant 13 : i32
      %shift_right_arithmetic3A_146 = vector.broadcast %shift_right_arithmetic3A_145 : i32 to vector<16xi32>
      %shift_right_arithmetic3A_147 = arith.shrsi %get3A_144, %shift_right_arithmetic3A_146 : vector<16xi32>
      %shift_left3A_148 = arith.constant 13 : i32
      %shift_left3A_149 = vector.broadcast %shift_left3A_148 : i32 to vector<16xi32>
      %shift_left3A_150 = arith.shli %shift_right_arithmetic3A_147, %shift_left3A_149 : vector<16xi32>
      %and3A_151 = arith.constant 511 : i32
      %and3A_152 = vector.broadcast %and3A_151 : i32 to vector<16xi32>
      %and3A_153 = arith.andi %get3A_144, %and3A_152 : vector<16xi32>
      %shift_left3A_154 = arith.constant 4 : i32
      %shift_left3A_155 = vector.broadcast %shift_left3A_154 : i32 to vector<16xi32>
      %shift_left3A_156 = arith.shli %and3A_153, %shift_left3A_155 : vector<16xi32>
      %add3A_157 = arith.addi %shift_left3A_150, %shift_left3A_156 : vector<16xi32>
      %and3A_158 = arith.constant 8191 : i32
      %and3A_159 = vector.broadcast %and3A_158 : i32 to vector<16xi32>
      %and3A_160 = arith.andi %get3A_144, %and3A_159 : vector<16xi32>
      %shift_right_arithmetic3A_161 = arith.constant 9 : i32
      %shift_right_arithmetic3A_162 = vector.broadcast %shift_right_arithmetic3A_161 : i32 to vector<16xi32>
      %shift_right_arithmetic3A_163 = arith.shrsi %and3A_160, %shift_right_arithmetic3A_162 : vector<16xi32>
      %add3A_164 = arith.addi %add3A_157, %shift_right_arithmetic3A_163 : vector<16xi32>
      %swap3A_165 = arith.constant 80 : index
      %swap3A_166 = tpu.vector_load %arg5[%swap3A_165] {strides = array<i32>} : memref<128xi32, #tpu.memory_space<vmem>>, vector<16xi32>,
      %swap3A_167 = vector.shape_cast %swap3A_166 : vector<16xi32> to vector<16xi32>
      %swap3A_168 = vector.shape_cast %add3A_164 : vector<16xi32> to vector<16xi32>
      tpu.vector_store %arg5[%swap3A_165], %swap3A_168 {strides = array<i32>} : memref<128xi32, #tpu.memory_space<vmem>>, vector<16xi32>,
      %get3A_169 = arith.constant 96 : index
      %get3A_170 = tpu.vector_load %arg5[%get3A_169] {strides = array<i32>} : memref<128xi32, #tpu.memory_space<vmem>>, vector<16xi32>,
      %get3A_171 = vector.shape_cast %get3A_170 : vector<16xi32> to vector<16xi32>
      %shift_right_arithmetic3A_172 = arith.constant 13 : i32
      %shift_right_arithmetic3A_173 = vector.broadcast %shift_right_arithmetic3A_172 : i32 to vector<16xi32>
      %shift_right_arithmetic3A_174 = arith.shrsi %get3A_171, %shift_right_arithmetic3A_173 : vector<16xi32>
      %shift_left3A_175 = arith.constant 13 : i32
      %shift_left3A_176 = vector.broadcast %shift_left3A_175 : i32 to vector<16xi32>
      %shift_left3A_177 = arith.shli %shift_right_arithmetic3A_174, %shift_left3A_176 : vector<16xi32>
      %and3A_178 = arith.constant 511 : i32
      %and3A_179 = vector.broadcast %and3A_178 : i32 to vector<16xi32>
      %and3A_180 = arith.andi %get3A_171, %and3A_179 : vector<16xi32>
      %shift_left3A_181 = arith.constant 4 : i32
      %shift_left3A_182 = vector.broadcast %shift_left3A_181 : i32 to vector<16xi32>
      %shift_left3A_183 = arith.shli %and3A_180, %shift_left3A_182 : vector<16xi32>
      %add3A_184 = arith.addi %shift_left3A_177, %shift_left3A_183 : vector<16xi32>
      %and3A_185 = arith.constant 8191 : i32
      %and3A_186 = vector.broadcast %and3A_185 : i32 to vector<16xi32>
      %and3A_187 = arith.andi %get3A_171, %and3A_186 : vector<16xi32>
      %shift_right_arithmetic3A_188 = arith.constant 9 : i32
      %shift_right_arithmetic3A_189 = vector.broadcast %shift_right_arithmetic3A_188 : i32 to vector<16xi32>
      %shift_right_arithmetic3A_190 = arith.shrsi %and3A_187, %shift_right_arithmetic3A_189 : vector<16xi32>
      %add3A_191 = arith.addi %add3A_184, %shift_right_arithmetic3A_190 : vector<16xi32>
      %swap3A_192 = arith.constant 96 : index
      %swap3A_193 = tpu.vector_load %arg5[%swap3A_192] {strides = array<i32>} : memref<128xi32, #tpu.memory_space<vmem>>, vector<16xi32>,
      %swap3A_194 = vector.shape_cast %swap3A_193 : vector<16xi32> to vector<16xi32>
      %swap3A_195 = vector.shape_cast %add3A_191 : vector<16xi32> to vector<16xi32>
      tpu.vector_store %arg5[%swap3A_192], %swap3A_195 {strides = array<i32>} : memref<128xi32, #tpu.memory_space<vmem>>, vector<16xi32>,
      %get3A_196 = arith.constant 112 : index
      %get3A_197 = tpu.vector_load %arg5[%get3A_196] {strides = array<i32>} : memref<128xi32, #tpu.memory_space<vmem>>, vector<16xi32>,
      %get3A_198 = vector.shape_cast %get3A_197 : vector<16xi32> to vector<16xi32>
      %shift_right_arithmetic3A_199 = arith.constant 13 : i32
      %shift_right_arithmetic3A_200 = vector.broadcast %shift_right_arithmetic3A_199 : i32 to vector<16xi32>
      %shift_right_arithmetic3A_201 = arith.shrsi %get3A_198, %shift_right_arithmetic3A_200 : vector<16xi32>
      %shift_left3A_202 = arith.constant 13 : i32
      %shift_left3A_203 = vector.broadcast %shift_left3A_202 : i32 to vector<16xi32>
      %shift_left3A_204 = arith.shli %shift_right_arithmetic3A_201, %shift_left3A_203 : vector<16xi32>
      %and3A_205 = arith.constant 511 : i32
      %and3A_206 = vector.broadcast %and3A_205 : i32 to vector<16xi32>
      %and3A_207 = arith.andi %get3A_198, %and3A_206 : vector<16xi32>
      %shift_left3A_208 = arith.constant 4 : i32
      %shift_left3A_209 = vector.broadcast %shift_left3A_208 : i32 to vector<16xi32>
      %shift_left3A_210 = arith.shli %and3A_207, %shift_left3A_209 : vector<16xi32>
      %add3A_211 = arith.addi %shift_left3A_204, %shift_left3A_210 : vector<16xi32>
      %and3A_212 = arith.constant 8191 : i32
      %and3A_213 = vector.broadcast %and3A_212 : i32 to vector<16xi32>
      %and3A_214 = arith.andi %get3A_198, %and3A_213 : vector<16xi32>
      %shift_right_arithmetic3A_215 = arith.constant 9 : i32
      %shift_right_arithmetic3A_216 = vector.broadcast %shift_right_arithmetic3A_215 : i32 to vector<16xi32>
      %shift_right_arithmetic3A_217 = arith.shrsi %and3A_214, %shift_right_arithmetic3A_216 : vector<16xi32>
      %add3A_218 = arith.addi %add3A_211, %shift_right_arithmetic3A_217 : vector<16xi32>
      %swap3A_219 = arith.constant 112 : index
      %swap3A_220 = tpu.vector_load %arg5[%swap3A_219] {strides = array<i32>} : memref<128xi32, #tpu.memory_space<vmem>>, vector<16xi32>,
      %swap3A_221 = vector.shape_cast %swap3A_220 : vector<16xi32> to vector<16xi32>
      %swap3A_222 = vector.shape_cast %add3A_218 : vector<16xi32> to vector<16xi32>
      tpu.vector_store %arg5[%swap3A_219], %swap3A_222 {strides = array<i32>} : memref<128xi32, #tpu.memory_space<vmem>>, vector<16xi32>,
      %dma_start3A = arith.constant 0 : i32
      %dma_start3A_223 = arith.constant 0 : i32
      %dma_start3A_224 = tpu.memref_slice %arg3[%dma_start3A, %dma_start3A_223] : memref<1007616x32xf32, #tpu.memory_space<hbm>> -> memref<1007616x32xf32, #tpu.memory_space<hbm>>
      tpu.enqueue_indirect_dma source(%dma_start3A_224 : memref<1007616x32xf32, #tpu.memory_space<hbm>>) target(%arg6 : memref<128x32xf32, #tpu.memory_space<vmem>>) offsets(%arg5 : memref<128xi32, #tpu.memory_space<vmem>>) semaphore(%arg7 : memref<!tpu.dma_semaphore, #tpu.memory_space<semaphore_mem>>)
      %dma_wait3A = arith.constant 0 : i32
      %dma_wait3A_225 = arith.constant 0 : i32
      %dma_wait3A_226 = tpu.memref_slice %arg3[%dma_wait3A, %dma_wait3A_225] : memref<1007616x32xf32, #tpu.memory_space<hbm>> -> memref<1007616x32xf32, #tpu.memory_space<hbm>>
      tpu.wait_indirect_dma semaphore(%arg7 : memref<!tpu.dma_semaphore, #tpu.memory_space<semaphore_mem>>) src(%dma_wait3A_226 : memref<1007616x32xf32, #tpu.memory_space<hbm>>) dst(%arg6 : memref<128x32xf32, #tpu.memory_space<vmem>>)
      "tpu.region"() ({
        %run_scoped3A = tpu.sem_alloc : memref<!tpu.dma_semaphore, #tpu.memory_space<semaphore_mem>>
        %dma_start3A_227 = arith.constant 0 : i32
        %dma_start3A_228 = tpu.memref_slice %arg4[%multiple_of3A, %dma_start3A_227] : memref<16384x32xf32, #tpu.memory_space<hbm>> -> memref<128x32xf32, #tpu.memory_space<hbm>>
        %dma_start3A_229 = arith.constant 0 : i32
        %dma_start3A_230 = tpu.memref_slice %arg4[%multiple_of3A, %dma_start3A_229] : memref<16384x32xf32, #tpu.memory_space<hbm>> -> memref<128x32xf32, #tpu.memory_space<hbm>>
        tpu.enqueue_dma source(%arg6 : memref<128x32xf32, #tpu.memory_space<vmem>>) target(%dma_start3A_230 : memref<128x32xf32, #tpu.memory_space<hbm>>) target_semaphore(%run_scoped3A : memref<!tpu.dma_semaphore, #tpu.memory_space<semaphore_mem>>)
        %dma_wait3A_231 = arith.constant 0 : i32
        %dma_wait3A_232 = tpu.memref_slice %arg4[%multiple_of3A, %dma_wait3A_231] : memref<16384x32xf32, #tpu.memory_space<hbm>> -> memref<128x32xf32, #tpu.memory_space<hbm>>
        %dma_wait3A_233 = arith.constant 0 : i32
        %dma_wait3A_234 = tpu.memref_slice %arg4[%multiple_of3A, %dma_wait3A_233] : memref<16384x32xf32, #tpu.memory_space<hbm>> -> memref<128x32xf32, #tpu.memory_space<hbm>>
        tpu.wait_dma2 semaphore(%run_scoped3A : memref<!tpu.dma_semaphore, #tpu.memory_space<semaphore_mem>>) src(%arg6 : memref<128x32xf32, #tpu.memory_space<vmem>>) dst(%dma_wait3A_234 : memref<128x32xf32, #tpu.memory_space<hbm>>)
        tpu.yield
      }) : () -> ()
    }
    %scan3A_7 = arith.constant 4 : i32
    return
  }
}

#map = affine_map<(d0, d1) -> (0, 0)>
module attributes {stable_mosaic.version = 14 : i64} {
  func.func @_pool_sc(%arg0: i32, %arg1: i32, %arg2: memref<8192x100xi32, #tpu.memory_space<hbm>>, %arg3: memref<1007616x32xf32, #tpu.memory_space<hbm>>, %arg4: memref<16384x32xf32, #tpu.memory_space<hbm>>, %arg5: memref<8x100xi32, #tpu.memory_space<vmem>>, %arg6: memref<800x32xf32, #tpu.memory_space<vmem>>, %arg7: memref<16x32xf32, #tpu.memory_space<vmem>>, %arg8: memref<!tpu.dma_semaphore, #tpu.memory_space<semaphore_mem>>) attributes {dimension_semantics = [#tpu.dimension_semantics<core_parallel>, #tpu.dimension_semantics<subcore_parallel>], iteration_bounds = array<i64: 2, 16>, scalar_prefetch = 0 : i64, scratch_operands = 4 : i64, tpu.core_type = #tpu.core_type<sc_vector_subcore>, window_params = [{transform_indices = #map}, {transform_indices = #map}, {transform_indices = #map}]} {
    %mul3A = arith.constant 2 : i32
    %mul3A_0 = arith.muli %arg1, %mul3A : i32
    %add3A = arith.addi %mul3A_0, %arg0 : i32
    %mul3A_1 = arith.constant 512 : i32
    %mul3A_2 = arith.muli %add3A, %mul3A_1 : i32
    %scan3A = arith.constant 0 : i32
    %scan3A_3 = arith.constant 0 : i32
    %scan3A_4 = arith.constant 32 : i32
    %scan3A_5 = arith.addi %scan3A_3, %scan3A_4 : i32
    %scan3A_6 = arith.constant 1 : i32
    scf.for %scan3A_8 = %scan3A_3 to %scan3A_5 step %scan3A_6  : i32 {
      %mul3A_9 = arith.constant 16 : i32
      %mul3A_10 = arith.muli %scan3A_8, %mul3A_9 : i32
      %add3A_11 = arith.addi %mul3A_2, %mul3A_10 : i32
      %multiple_of3A = tpu.assume_multiple %add3A_11, 16 : i32
      %mul3A_12 = arith.constant 50 : i32
      %mul3A_13 = arith.muli %multiple_of3A, %mul3A_12 : i32
      %jit3A = arith.constant 100 : i32
      %div3A = arith.divsi %mul3A_13, %jit3A : i32
      %sign3A = arith.constant 0 : i32
      %sign3A_14 = arith.cmpi sgt, %mul3A_13, %sign3A : i32
      %sign3A_15 = arith.extui %sign3A_14 : i1 to i32
      %sign3A_16 = arith.constant 0 : i32
      %sign3A_17 = arith.cmpi slt, %mul3A_13, %sign3A_16 : i32
      %sign3A_18 = arith.extui %sign3A_17 : i1 to i32
      %sign3A_19 = arith.subi %sign3A_15, %sign3A_18 : i32
      %sign3A_20 = arith.constant 0 : i32
      %sign3A_21 = arith.cmpi sgt, %jit3A, %sign3A_20 : i32
      %sign3A_22 = arith.extui %sign3A_21 : i1 to i32
      %sign3A_23 = arith.constant 0 : i32
      %sign3A_24 = arith.cmpi slt, %jit3A, %sign3A_23 : i32
      %sign3A_25 = arith.extui %sign3A_24 : i1 to i32
      %sign3A_26 = arith.subi %sign3A_22, %sign3A_25 : i32
      %ne3A = arith.cmpi ne, %sign3A_19, %sign3A_26 : i32
      %rem3A = arith.remsi %mul3A_13, %jit3A : i32
      %ne3A_27 = arith.constant 0 : i32
      %ne3A_28 = arith.cmpi ne, %rem3A, %ne3A_27 : i32
      %and3A = arith.andi %ne3A, %ne3A_28 : i1
      %sub3A = arith.constant 1 : i32
      %sub3A_29 = arith.subi %div3A, %sub3A : i32
      %select_n3A = arith.select %and3A, %sub3A_29, %div3A : i32
      %multiple_of3A_30 = tpu.assume_multiple %select_n3A, 8 : i32
      "tpu.region"() ({
        %run_scoped3A = tpu.sem_alloc : memref<!tpu.dma_semaphore, #tpu.memory_space<semaphore_mem>>
        %dma_start3A_1927 = arith.constant 0 : i32
        %dma_start3A_1928 = tpu.memref_slice %arg2[%multiple_of3A_30, %dma_start3A_1927] : memref<8192x100xi32, #tpu.memory_space<hbm>> -> memref<8x100xi32, #tpu.memory_space<hbm>>
        %dma_start3A_1929 = arith.constant 0 : i32
        %dma_start3A_1930 = tpu.memref_slice %arg2[%multiple_of3A_30, %dma_start3A_1929] : memref<8192x100xi32, #tpu.memory_space<hbm>> -> memref<8x100xi32, #tpu.memory_space<hbm>>
        tpu.enqueue_dma source(%dma_start3A_1930 : memref<8x100xi32, #tpu.memory_space<hbm>>) target(%arg5 : memref<8x100xi32, #tpu.memory_space<vmem>>) target_semaphore(%run_scoped3A : memref<!tpu.dma_semaphore, #tpu.memory_space<semaphore_mem>>)
        %dma_wait3A_1931 = arith.constant 0 : i32
        %dma_wait3A_1932 = tpu.memref_slice %arg2[%multiple_of3A_30, %dma_wait3A_1931] : memref<8192x100xi32, #tpu.memory_space<hbm>> -> memref<8x100xi32, #tpu.memory_space<hbm>>
        %dma_wait3A_1933 = arith.constant 0 : i32
        %dma_wait3A_1934 = tpu.memref_slice %arg2[%multiple_of3A_30, %dma_wait3A_1933] : memref<8192x100xi32, #tpu.memory_space<hbm>> -> memref<8x100xi32, #tpu.memory_space<hbm>>
        tpu.wait_dma2 semaphore(%run_scoped3A : memref<!tpu.dma_semaphore, #tpu.memory_space<semaphore_mem>>) src(%dma_wait3A_1934 : memref<8x100xi32, #tpu.memory_space<hbm>>) dst(%arg5 : memref<8x100xi32, #tpu.memory_space<vmem>>)
        tpu.yield
      }) : () -> ()
      %get3A = arith.constant 0 : i32
      %get3A_31 = arith.index_cast %get3A : i32 to index
      %get3A_32 = arith.constant 0 : index
      %get3A_33 = tpu.vector_load %arg5[%get3A_31, %get3A_32] {strides = array<i32>} : memref<8x100xi32, #tpu.memory_space<vmem>>, vector<1x16xi32>,
      %get3A_34 = vector.shape_cast %get3A_33 : vector<1x16xi32> to vector<16xi32>
      %shift_right_arithmetic3A = arith.constant 13 : i32
      %shift_right_arithmetic3A_35 = vector.broadcast %shift_right_arithmetic3A : i32 to vector<16xi32>
      %shift_right_arithmetic3A_36 = arith.shrsi %get3A_34, %shift_right_arithmetic3A_35 : vector<16xi32>
      %shift_left3A = arith.constant 13 : i32
      %shift_left3A_37 = vector.broadcast %shift_left3A : i32 to vector<16xi32>
      %shift_left3A_38 = arith.shli %shift_right_arithmetic3A_36, %shift_left3A_37 : vector<16xi32>
      %and3A_39 = arith.constant 511 : i32
      %and3A_40 = vector.broadcast %and3A_39 : i32 to vector<16xi32>
      %and3A_41 = arith.andi %get3A_34, %and3A_40 : vector<16xi32>
      %shift_left3A_42 = arith.constant 4 : i32
      %shift_left3A_43 = vector.broadcast %shift_left3A_42 : i32 to vector<16xi32>
      %shift_left3A_44 = arith.shli %and3A_41, %shift_left3A_43 : vector<16xi32>
      %add3A_45 = arith.addi %shift_left3A_38, %shift_left3A_44 : vector<16xi32>
      %and3A_46 = arith.constant 8191 : i32
      %and3A_47 = vector.broadcast %and3A_46 : i32 to vector<16xi32>
      %and3A_48 = arith.andi %get3A_34, %and3A_47 : vector<16xi32>
      %shift_right_arithmetic3A_49 = arith.constant 9 : i32
      %shift_right_arithmetic3A_50 = vector.broadcast %shift_right_arithmetic3A_49 : i32 to vector<16xi32>
      %shift_right_arithmetic3A_51 = arith.shrsi %and3A_48, %shift_right_arithmetic3A_50 : vector<16xi32>
      %add3A_52 = arith.addi %add3A_45, %shift_right_arithmetic3A_51 : vector<16xi32>
      %get3A_53 = arith.constant 0 : i32
      %get3A_54 = arith.index_cast %get3A_53 : i32 to index
      %get3A_55 = arith.constant 16 : index
      %get3A_56 = tpu.vector_load %arg5[%get3A_54, %get3A_55] {strides = array<i32>} : memref<8x100xi32, #tpu.memory_space<vmem>>, vector<1x16xi32>,
      %get3A_57 = vector.shape_cast %get3A_56 : vector<1x16xi32> to vector<16xi32>
      %shift_right_arithmetic3A_58 = arith.constant 13 : i32
      %shift_right_arithmetic3A_59 = vector.broadcast %shift_right_arithmetic3A_58 : i32 to vector<16xi32>
      %shift_right_arithmetic3A_60 = arith.shrsi %get3A_57, %shift_right_arithmetic3A_59 : vector<16xi32>
      %shift_left3A_61 = arith.constant 13 : i32
      %shift_left3A_62 = vector.broadcast %shift_left3A_61 : i32 to vector<16xi32>
      %shift_left3A_63 = arith.shli %shift_right_arithmetic3A_60, %shift_left3A_62 : vector<16xi32>
      %and3A_64 = arith.constant 511 : i32
      %and3A_65 = vector.broadcast %and3A_64 : i32 to vector<16xi32>
      %and3A_66 = arith.andi %get3A_57, %and3A_65 : vector<16xi32>
      %shift_left3A_67 = arith.constant 4 : i32
      %shift_left3A_68 = vector.broadcast %shift_left3A_67 : i32 to vector<16xi32>
      %shift_left3A_69 = arith.shli %and3A_66, %shift_left3A_68 : vector<16xi32>
      %add3A_70 = arith.addi %shift_left3A_63, %shift_left3A_69 : vector<16xi32>
      %and3A_71 = arith.constant 8191 : i32
      %and3A_72 = vector.broadcast %and3A_71 : i32 to vector<16xi32>
      %and3A_73 = arith.andi %get3A_57, %and3A_72 : vector<16xi32>
      %shift_right_arithmetic3A_74 = arith.constant 9 : i32
      %shift_right_arithmetic3A_75 = vector.broadcast %shift_right_arithmetic3A_74 : i32 to vector<16xi32>
      %shift_right_arithmetic3A_76 = arith.shrsi %and3A_73, %shift_right_arithmetic3A_75 : vector<16xi32>
      %add3A_77 = arith.addi %add3A_70, %shift_right_arithmetic3A_76 : vector<16xi32>
      %get3A_78 = arith.constant 0 : i32
      %get3A_79 = arith.index_cast %get3A_78 : i32 to index
      %get3A_80 = arith.constant 32 : index
      %get3A_81 = tpu.vector_load %arg5[%get3A_79, %get3A_80] {strides = array<i32>} : memref<8x100xi32, #tpu.memory_space<vmem>>, vector<1x16xi32>,
      %get3A_82 = vector.shape_cast %get3A_81 : vector<1x16xi32> to vector<16xi32>
      %shift_right_arithmetic3A_83 = arith.constant 13 : i32
      %shift_right_arithmetic3A_84 = vector.broadcast %shift_right_arithmetic3A_83 : i32 to vector<16xi32>
      %shift_right_arithmetic3A_85 = arith.shrsi %get3A_82, %shift_right_arithmetic3A_84 : vector<16xi32>
      %shift_left3A_86 = arith.constant 13 : i32
      %shift_left3A_87 = vector.broadcast %shift_left3A_86 : i32 to vector<16xi32>
      %shift_left3A_88 = arith.shli %shift_right_arithmetic3A_85, %shift_left3A_87 : vector<16xi32>
      %and3A_89 = arith.constant 511 : i32
      %and3A_90 = vector.broadcast %and3A_89 : i32 to vector<16xi32>
      %and3A_91 = arith.andi %get3A_82, %and3A_90 : vector<16xi32>
      %shift_left3A_92 = arith.constant 4 : i32
      %shift_left3A_93 = vector.broadcast %shift_left3A_92 : i32 to vector<16xi32>
      %shift_left3A_94 = arith.shli %and3A_91, %shift_left3A_93 : vector<16xi32>
      %add3A_95 = arith.addi %shift_left3A_88, %shift_left3A_94 : vector<16xi32>
      %and3A_96 = arith.constant 8191 : i32
      %and3A_97 = vector.broadcast %and3A_96 : i32 to vector<16xi32>
      %and3A_98 = arith.andi %get3A_82, %and3A_97 : vector<16xi32>
      %shift_right_arithmetic3A_99 = arith.constant 9 : i32
      %shift_right_arithmetic3A_100 = vector.broadcast %shift_right_arithmetic3A_99 : i32 to vector<16xi32>
      %shift_right_arithmetic3A_101 = arith.shrsi %and3A_98, %shift_right_arithmetic3A_100 : vector<16xi32>
      %add3A_102 = arith.addi %add3A_95, %shift_right_arithmetic3A_101 : vector<16xi32>
      %get3A_103 = arith.constant 0 : i32
      %get3A_104 = arith.index_cast %get3A_103 : i32 to index
      %get3A_105 = arith.constant 48 : index
      %get3A_106 = tpu.vector_load %arg5[%get3A_104, %get3A_105] {strides = array<i32>} : memref<8x100xi32, #tpu.memory_space<vmem>>, vector<1x16xi32>,
      %get3A_107 = vector.shape_cast %get3A_106 : vector<1x16xi32> to vector<16xi32>
      %shift_right_arithmetic3A_108 = arith.constant 13 : i32
      %shift_right_arithmetic3A_109 = vector.broadcast %shift_right_arithmetic3A_108 : i32 to vector<16xi32>
      %shift_right_arithmetic3A_110 = arith.shrsi %get3A_107, %shift_right_arithmetic3A_109 : vector<16xi32>
      %shift_left3A_111 = arith.constant 13 : i32
      %shift_left3A_112 = vector.broadcast %shift_left3A_111 : i32 to vector<16xi32>
      %shift_left3A_113 = arith.shli %shift_right_arithmetic3A_110, %shift_left3A_112 : vector<16xi32>
      %and3A_114 = arith.constant 511 : i32
      %and3A_115 = vector.broadcast %and3A_114 : i32 to vector<16xi32>
      %and3A_116 = arith.andi %get3A_107, %and3A_115 : vector<16xi32>
      %shift_left3A_117 = arith.constant 4 : i32
      %shift_left3A_118 = vector.broadcast %shift_left3A_117 : i32 to vector<16xi32>
      %shift_left3A_119 = arith.shli %and3A_116, %shift_left3A_118 : vector<16xi32>
      %add3A_120 = arith.addi %shift_left3A_113, %shift_left3A_119 : vector<16xi32>
      %and3A_121 = arith.constant 8191 : i32
      %and3A_122 = vector.broadcast %and3A_121 : i32 to vector<16xi32>
      %and3A_123 = arith.andi %get3A_107, %and3A_122 : vector<16xi32>
      %shift_right_arithmetic3A_124 = arith.constant 9 : i32
      %shift_right_arithmetic3A_125 = vector.broadcast %shift_right_arithmetic3A_124 : i32 to vector<16xi32>
      %shift_right_arithmetic3A_126 = arith.shrsi %and3A_123, %shift_right_arithmetic3A_125 : vector<16xi32>
      %add3A_127 = arith.addi %add3A_120, %shift_right_arithmetic3A_126 : vector<16xi32>
      %get3A_128 = arith.constant 0 : i32
      %get3A_129 = arith.index_cast %get3A_128 : i32 to index
      %get3A_130 = arith.constant 64 : index
      %get3A_131 = tpu.vector_load %arg5[%get3A_129, %get3A_130] {strides = array<i32>} : memref<8x100xi32, #tpu.memory_space<vmem>>, vector<1x16xi32>,
      %get3A_132 = vector.shape_cast %get3A_131 : vector<1x16xi32> to vector<16xi32>
      %shift_right_arithmetic3A_133 = arith.constant 13 : i32
      %shift_right_arithmetic3A_134 = vector.broadcast %shift_right_arithmetic3A_133 : i32 to vector<16xi32>
      %shift_right_arithmetic3A_135 = arith.shrsi %get3A_132, %shift_right_arithmetic3A_134 : vector<16xi32>
      %shift_left3A_136 = arith.constant 13 : i32
      %shift_left3A_137 = vector.broadcast %shift_left3A_136 : i32 to vector<16xi32>
      %shift_left3A_138 = arith.shli %shift_right_arithmetic3A_135, %shift_left3A_137 : vector<16xi32>
      %and3A_139 = arith.constant 511 : i32
      %and3A_140 = vector.broadcast %and3A_139 : i32 to vector<16xi32>
      %and3A_141 = arith.andi %get3A_132, %and3A_140 : vector<16xi32>
      %shift_left3A_142 = arith.constant 4 : i32
      %shift_left3A_143 = vector.broadcast %shift_left3A_142 : i32 to vector<16xi32>
      %shift_left3A_144 = arith.shli %and3A_141, %shift_left3A_143 : vector<16xi32>
      %add3A_145 = arith.addi %shift_left3A_138, %shift_left3A_144 : vector<16xi32>
      %and3A_146 = arith.constant 8191 : i32
      %and3A_147 = vector.broadcast %and3A_146 : i32 to vector<16xi32>
      %and3A_148 = arith.andi %get3A_132, %and3A_147 : vector<16xi32>
      %shift_right_arithmetic3A_149 = arith.constant 9 : i32
      %shift_right_arithmetic3A_150 = vector.broadcast %shift_right_arithmetic3A_149 : i32 to vector<16xi32>
      %shift_right_arithmetic3A_151 = arith.shrsi %and3A_148, %shift_right_arithmetic3A_150 : vector<16xi32>
      %add3A_152 = arith.addi %add3A_145, %shift_right_arithmetic3A_151 : vector<16xi32>
      %get3A_153 = arith.constant 0 : i32
      %get3A_154 = arith.index_cast %get3A_153 : i32 to index
      %get3A_155 = arith.constant 80 : index
      %get3A_156 = tpu.vector_load %arg5[%get3A_154, %get3A_155] {strides = array<i32>} : memref<8x100xi32, #tpu.memory_space<vmem>>, vector<1x16xi32>,
      %get3A_157 = vector.shape_cast %get3A_156 : vector<1x16xi32> to vector<16xi32>
      %shift_right_arithmetic3A_158 = arith.constant 13 : i32
      %shift_right_arithmetic3A_159 = vector.broadcast %shift_right_arithmetic3A_158 : i32 to vector<16xi32>
      %shift_right_arithmetic3A_160 = arith.shrsi %get3A_157, %shift_right_arithmetic3A_159 : vector<16xi32>
      %shift_left3A_161 = arith.constant 13 : i32
      %shift_left3A_162 = vector.broadcast %shift_left3A_161 : i32 to vector<16xi32>
      %shift_left3A_163 = arith.shli %shift_right_arithmetic3A_160, %shift_left3A_162 : vector<16xi32>
      %and3A_164 = arith.constant 511 : i32
      %and3A_165 = vector.broadcast %and3A_164 : i32 to vector<16xi32>
      %and3A_166 = arith.andi %get3A_157, %and3A_165 : vector<16xi32>
      %shift_left3A_167 = arith.constant 4 : i32
      %shift_left3A_168 = vector.broadcast %shift_left3A_167 : i32 to vector<16xi32>
      %shift_left3A_169 = arith.shli %and3A_166, %shift_left3A_168 : vector<16xi32>
      %add3A_170 = arith.addi %shift_left3A_163, %shift_left3A_169 : vector<16xi32>
      %and3A_171 = arith.constant 8191 : i32
      %and3A_172 = vector.broadcast %and3A_171 : i32 to vector<16xi32>
      %and3A_173 = arith.andi %get3A_157, %and3A_172 : vector<16xi32>
      %shift_right_arithmetic3A_174 = arith.constant 9 : i32
      %shift_right_arithmetic3A_175 = vector.broadcast %shift_right_arithmetic3A_174 : i32 to vector<16xi32>
      %shift_right_arithmetic3A_176 = arith.shrsi %and3A_173, %shift_right_arithmetic3A_175 : vector<16xi32>
      %add3A_177 = arith.addi %add3A_170, %shift_right_arithmetic3A_176 : vector<16xi32>
      %get3A_178 = arith.constant 0 : i32
      %get3A_179 = arith.index_cast %get3A_178 : i32 to index
      %get3A_180 = arith.constant 84 : index
      %get3A_181 = tpu.vector_load %arg5[%get3A_179, %get3A_180] {strides = array<i32>} : memref<8x100xi32, #tpu.memory_space<vmem>>, vector<1x16xi32>,
      %get3A_182 = vector.shape_cast %get3A_181 : vector<1x16xi32> to vector<16xi32>
      %shift_right_arithmetic3A_183 = arith.constant 13 : i32
      %shift_right_arithmetic3A_184 = vector.broadcast %shift_right_arithmetic3A_183 : i32 to vector<16xi32>
      %shift_right_arithmetic3A_185 = arith.shrsi %get3A_182, %shift_right_arithmetic3A_184 : vector<16xi32>
      %shift_left3A_186 = arith.constant 13 : i32
      %shift_left3A_187 = vector.broadcast %shift_left3A_186 : i32 to vector<16xi32>
      %shift_left3A_188 = arith.shli %shift_right_arithmetic3A_185, %shift_left3A_187 : vector<16xi32>
      %and3A_189 = arith.constant 511 : i32
      %and3A_190 = vector.broadcast %and3A_189 : i32 to vector<16xi32>
      %and3A_191 = arith.andi %get3A_182, %and3A_190 : vector<16xi32>
      %shift_left3A_192 = arith.constant 4 : i32
      %shift_left3A_193 = vector.broadcast %shift_left3A_192 : i32 to vector<16xi32>
      %shift_left3A_194 = arith.shli %and3A_191, %shift_left3A_193 : vector<16xi32>
      %add3A_195 = arith.addi %shift_left3A_188, %shift_left3A_194 : vector<16xi32>
      %and3A_196 = arith.constant 8191 : i32
      %and3A_197 = vector.broadcast %and3A_196 : i32 to vector<16xi32>
      %and3A_198 = arith.andi %get3A_182, %and3A_197 : vector<16xi32>
      %shift_right_arithmetic3A_199 = arith.constant 9 : i32
      %shift_right_arithmetic3A_200 = vector.broadcast %shift_right_arithmetic3A_199 : i32 to vector<16xi32>
      %shift_right_arithmetic3A_201 = arith.shrsi %and3A_198, %shift_right_arithmetic3A_200 : vector<16xi32>
      %add3A_202 = arith.addi %add3A_195, %shift_right_arithmetic3A_201 : vector<16xi32>
      %swap3A = arith.constant 0 : i32
      %swap3A_203 = arith.index_cast %swap3A : i32 to index
      %swap3A_204 = arith.constant 0 : index
      %swap3A_205 = tpu.vector_load %arg5[%swap3A_203, %swap3A_204] {strides = array<i32>} : memref<8x100xi32, #tpu.memory_space<vmem>>, vector<1x16xi32>,
      %swap3A_206 = vector.shape_cast %swap3A_205 : vector<1x16xi32> to vector<16xi32>
      %swap3A_207 = vector.shape_cast %add3A_52 : vector<16xi32> to vector<1x16xi32>
      tpu.vector_store %arg5[%swap3A_203, %swap3A_204], %swap3A_207 {strides = array<i32>} : memref<8x100xi32, #tpu.memory_space<vmem>>, vector<1x16xi32>,
      %swap3A_208 = arith.constant 0 : i32
      %swap3A_209 = arith.index_cast %swap3A_208 : i32 to index
      %swap3A_210 = arith.constant 16 : index
      %swap3A_211 = tpu.vector_load %arg5[%swap3A_209, %swap3A_210] {strides = array<i32>} : memref<8x100xi32, #tpu.memory_space<vmem>>, vector<1x16xi32>,
      %swap3A_212 = vector.shape_cast %swap3A_211 : vector<1x16xi32> to vector<16xi32>
      %swap3A_213 = vector.shape_cast %add3A_77 : vector<16xi32> to vector<1x16xi32>
      tpu.vector_store %arg5[%swap3A_209, %swap3A_210], %swap3A_213 {strides = array<i32>} : memref<8x100xi32, #tpu.memory_space<vmem>>, vector<1x16xi32>,
      %swap3A_214 = arith.constant 0 : i32
      %swap3A_215 = arith.index_cast %swap3A_214 : i32 to index
      %swap3A_216 = arith.constant 32 : index
      %swap3A_217 = tpu.vector_load %arg5[%swap3A_215, %swap3A_216] {strides = array<i32>} : memref<8x100xi32, #tpu.memory_space<vmem>>, vector<1x16xi32>,
      %swap3A_218 = vector.shape_cast %swap3A_217 : vector<1x16xi32> to vector<16xi32>
      %swap3A_219 = vector.shape_cast %add3A_102 : vector<16xi32> to vector<1x16xi32>
      tpu.vector_store %arg5[%swap3A_215, %swap3A_216], %swap3A_219 {strides = array<i32>} : memref<8x100xi32, #tpu.memory_space<vmem>>, vector<1x16xi32>,
      %swap3A_220 = arith.constant 0 : i32
      %swap3A_221 = arith.index_cast %swap3A_220 : i32 to index
      %swap3A_222 = arith.constant 48 : index
      %swap3A_223 = tpu.vector_load %arg5[%swap3A_221, %swap3A_222] {strides = array<i32>} : memref<8x100xi32, #tpu.memory_space<vmem>>, vector<1x16xi32>,
      %swap3A_224 = vector.shape_cast %swap3A_223 : vector<1x16xi32> to vector<16xi32>
      %swap3A_225 = vector.shape_cast %add3A_127 : vector<16xi32> to vector<1x16xi32>
      tpu.vector_store %arg5[%swap3A_221, %swap3A_222], %swap3A_225 {strides = array<i32>} : memref<8x100xi32, #tpu.memory_space<vmem>>, vector<1x16xi32>,
      %swap3A_226 = arith.constant 0 : i32
      %swap3A_227 = arith.index_cast %swap3A_226 : i32 to index
      %swap3A_228 = arith.constant 64 : index
      %swap3A_229 = tpu.vector_load %arg5[%swap3A_227, %swap3A_228] {strides = array<i32>} : memref<8x100xi32, #tpu.memory_space<vmem>>, vector<1x16xi32>,
      %swap3A_230 = vector.shape_cast %swap3A_229 : vector<1x16xi32> to vector<16xi32>
      %swap3A_231 = vector.shape_cast %add3A_152 : vector<16xi32> to vector<1x16xi32>
      tpu.vector_store %arg5[%swap3A_227, %swap3A_228], %swap3A_231 {strides = array<i32>} : memref<8x100xi32, #tpu.memory_space<vmem>>, vector<1x16xi32>,
      %swap3A_232 = arith.constant 0 : i32
      %swap3A_233 = arith.index_cast %swap3A_232 : i32 to index
      %swap3A_234 = arith.constant 80 : index
      %swap3A_235 = tpu.vector_load %arg5[%swap3A_233, %swap3A_234] {strides = array<i32>} : memref<8x100xi32, #tpu.memory_space<vmem>>, vector<1x16xi32>,
      %swap3A_236 = vector.shape_cast %swap3A_235 : vector<1x16xi32> to vector<16xi32>
      %swap3A_237 = vector.shape_cast %add3A_177 : vector<16xi32> to vector<1x16xi32>
      tpu.vector_store %arg5[%swap3A_233, %swap3A_234], %swap3A_237 {strides = array<i32>} : memref<8x100xi32, #tpu.memory_space<vmem>>, vector<1x16xi32>,
      %swap3A_238 = arith.constant 0 : i32
      %swap3A_239 = arith.index_cast %swap3A_238 : i32 to index
      %swap3A_240 = arith.constant 84 : index
      %swap3A_241 = tpu.vector_load %arg5[%swap3A_239, %swap3A_240] {strides = array<i32>} : memref<8x100xi32, #tpu.memory_space<vmem>>, vector<1x16xi32>,
      %swap3A_242 = vector.shape_cast %swap3A_241 : vector<1x16xi32> to vector<16xi32>
      %swap3A_243 = vector.shape_cast %add3A_202 : vector<16xi32> to vector<1x16xi32>
      tpu.vector_store %arg5[%swap3A_239, %swap3A_240], %swap3A_243 {strides = array<i32>} : memref<8x100xi32, #tpu.memory_space<vmem>>, vector<1x16xi32>,
      %get3A_244 = arith.constant 1 : i32
      %get3A_245 = arith.index_cast %get3A_244 : i32 to index
      %get3A_246 = arith.constant 0 : index
      %get3A_247 = tpu.vector_load %arg5[%get3A_245, %get3A_246] {strides = array<i32>} : memref<8x100xi32, #tpu.memory_space<vmem>>, vector<1x16xi32>,
      %get3A_248 = vector.shape_cast %get3A_247 : vector<1x16xi32> to vector<16xi32>
      %shift_right_arithmetic3A_249 = arith.constant 13 : i32
      %shift_right_arithmetic3A_250 = vector.broadcast %shift_right_arithmetic3A_249 : i32 to vector<16xi32>
      %shift_right_arithmetic3A_251 = arith.shrsi %get3A_248, %shift_right_arithmetic3A_250 : vector<16xi32>
      %shift_left3A_252 = arith.constant 13 : i32
      %shift_left3A_253 = vector.broadcast %shift_left3A_252 : i32 to vector<16xi32>
      %shift_left3A_254 = arith.shli %shift_right_arithmetic3A_251, %shift_left3A_253 : vector<16xi32>
      %and3A_255 = arith.constant 511 : i32
      %and3A_256 = vector.broadcast %and3A_255 : i32 to vector<16xi32>
      %and3A_257 = arith.andi %get3A_248, %and3A_256 : vector<16xi32>
      %shift_left3A_258 = arith.constant 4 : i32
      %shift_left3A_259 = vector.broadcast %shift_left3A_258 : i32 to vector<16xi32>
      %shift_left3A_260 = arith.shli %and3A_257, %shift_left3A_259 : vector<16xi32>
      %add3A_261 = arith.addi %shift_left3A_254, %shift_left3A_260 : vector<16xi32>
      %and3A_262 = arith.constant 8191 : i32
      %and3A_263 = vector.broadcast %and3A_262 : i32 to vector<16xi32>
      %and3A_264 = arith.andi %get3A_248, %and3A_263 : vector<16xi32>
      %shift_right_arithmetic3A_265 = arith.constant 9 : i32
      %shift_right_arithmetic3A_266 = vector.broadcast %shift_right_arithmetic3A_265 : i32 to vector<16xi32>
      %shift_right_arithmetic3A_267 = arith.shrsi %and3A_264, %shift_right_arithmetic3A_266 : vector<16xi32>
      %add3A_268 = arith.addi %add3A_261, %shift_right_arithmetic3A_267 : vector<16xi32>
      %get3A_269 = arith.constant 1 : i32
      %get3A_270 = arith.index_cast %get3A_269 : i32 to index
      %get3A_271 = arith.constant 16 : index
      %get3A_272 = tpu.vector_load %arg5[%get3A_270, %get3A_271] {strides = array<i32>} : memref<8x100xi32, #tpu.memory_space<vmem>>, vector<1x16xi32>,
      %get3A_273 = vector.shape_cast %get3A_272 : vector<1x16xi32> to vector<16xi32>
      %shift_right_arithmetic3A_274 = arith.constant 13 : i32
      %shift_right_arithmetic3A_275 = vector.broadcast %shift_right_arithmetic3A_274 : i32 to vector<16xi32>
      %shift_right_arithmetic3A_276 = arith.shrsi %get3A_273, %shift_right_arithmetic3A_275 : vector<16xi32>
      %shift_left3A_277 = arith.constant 13 : i32
      %shift_left3A_278 = vector.broadcast %shift_left3A_277 : i32 to vector<16xi32>
      %shift_left3A_279 = arith.shli %shift_right_arithmetic3A_276, %shift_left3A_278 : vector<16xi32>
      %and3A_280 = arith.constant 511 : i32
      %and3A_281 = vector.broadcast %and3A_280 : i32 to vector<16xi32>
      %and3A_282 = arith.andi %get3A_273, %and3A_281 : vector<16xi32>
      %shift_left3A_283 = arith.constant 4 : i32
      %shift_left3A_284 = vector.broadcast %shift_left3A_283 : i32 to vector<16xi32>
      %shift_left3A_285 = arith.shli %and3A_282, %shift_left3A_284 : vector<16xi32>
      %add3A_286 = arith.addi %shift_left3A_279, %shift_left3A_285 : vector<16xi32>
      %and3A_287 = arith.constant 8191 : i32
      %and3A_288 = vector.broadcast %and3A_287 : i32 to vector<16xi32>
      %and3A_289 = arith.andi %get3A_273, %and3A_288 : vector<16xi32>
      %shift_right_arithmetic3A_290 = arith.constant 9 : i32
      %shift_right_arithmetic3A_291 = vector.broadcast %shift_right_arithmetic3A_290 : i32 to vector<16xi32>
      %shift_right_arithmetic3A_292 = arith.shrsi %and3A_289, %shift_right_arithmetic3A_291 : vector<16xi32>
      %add3A_293 = arith.addi %add3A_286, %shift_right_arithmetic3A_292 : vector<16xi32>
      %get3A_294 = arith.constant 1 : i32
      %get3A_295 = arith.index_cast %get3A_294 : i32 to index
      %get3A_296 = arith.constant 32 : index
      %get3A_297 = tpu.vector_load %arg5[%get3A_295, %get3A_296] {strides = array<i32>} : memref<8x100xi32, #tpu.memory_space<vmem>>, vector<1x16xi32>,
      %get3A_298 = vector.shape_cast %get3A_297 : vector<1x16xi32> to vector<16xi32>
      %shift_right_arithmetic3A_299 = arith.constant 13 : i32
      %shift_right_arithmetic3A_300 = vector.broadcast %shift_right_arithmetic3A_299 : i32 to vector<16xi32>
      %shift_right_arithmetic3A_301 = arith.shrsi %get3A_298, %shift_right_arithmetic3A_300 : vector<16xi32>
      %shift_left3A_302 = arith.constant 13 : i32
      %shift_left3A_303 = vector.broadcast %shift_left3A_302 : i32 to vector<16xi32>
      %shift_left3A_304 = arith.shli %shift_right_arithmetic3A_301, %shift_left3A_303 : vector<16xi32>
      %and3A_305 = arith.constant 511 : i32
      %and3A_306 = vector.broadcast %and3A_305 : i32 to vector<16xi32>
      %and3A_307 = arith.andi %get3A_298, %and3A_306 : vector<16xi32>
      %shift_left3A_308 = arith.constant 4 : i32
      %shift_left3A_309 = vector.broadcast %shift_left3A_308 : i32 to vector<16xi32>
      %shift_left3A_310 = arith.shli %and3A_307, %shift_left3A_309 : vector<16xi32>
      %add3A_311 = arith.addi %shift_left3A_304, %shift_left3A_310 : vector<16xi32>
      %and3A_312 = arith.constant 8191 : i32
      %and3A_313 = vector.broadcast %and3A_312 : i32 to vector<16xi32>
      %and3A_314 = arith.andi %get3A_298, %and3A_313 : vector<16xi32>
      %shift_right_arithmetic3A_315 = arith.constant 9 : i32
      %shift_right_arithmetic3A_316 = vector.broadcast %shift_right_arithmetic3A_315 : i32 to vector<16xi32>
      %shift_right_arithmetic3A_317 = arith.shrsi %and3A_314, %shift_right_arithmetic3A_316 : vector<16xi32>
      %add3A_318 = arith.addi %add3A_311, %shift_right_arithmetic3A_317 : vector<16xi32>
      %get3A_319 = arith.constant 1 : i32
      %get3A_320 = arith.index_cast %get3A_319 : i32 to index
      %get3A_321 = arith.constant 48 : index
      %get3A_322 = tpu.vector_load %arg5[%get3A_320, %get3A_321] {strides = array<i32>} : memref<8x100xi32, #tpu.memory_space<vmem>>, vector<1x16xi32>,
      %get3A_323 = vector.shape_cast %get3A_322 : vector<1x16xi32> to vector<16xi32>
      %shift_right_arithmetic3A_324 = arith.constant 13 : i32
      %shift_right_arithmetic3A_325 = vector.broadcast %shift_right_arithmetic3A_324 : i32 to vector<16xi32>
      %shift_right_arithmetic3A_326 = arith.shrsi %get3A_323, %shift_right_arithmetic3A_325 : vector<16xi32>
      %shift_left3A_327 = arith.constant 13 : i32
      %shift_left3A_328 = vector.broadcast %shift_left3A_327 : i32 to vector<16xi32>
      %shift_left3A_329 = arith.shli %shift_right_arithmetic3A_326, %shift_left3A_328 : vector<16xi32>
      %and3A_330 = arith.constant 511 : i32
      %and3A_331 = vector.broadcast %and3A_330 : i32 to vector<16xi32>
      %and3A_332 = arith.andi %get3A_323, %and3A_331 : vector<16xi32>
      %shift_left3A_333 = arith.constant 4 : i32
      %shift_left3A_334 = vector.broadcast %shift_left3A_333 : i32 to vector<16xi32>
      %shift_left3A_335 = arith.shli %and3A_332, %shift_left3A_334 : vector<16xi32>
      %add3A_336 = arith.addi %shift_left3A_329, %shift_left3A_335 : vector<16xi32>
      %and3A_337 = arith.constant 8191 : i32
      %and3A_338 = vector.broadcast %and3A_337 : i32 to vector<16xi32>
      %and3A_339 = arith.andi %get3A_323, %and3A_338 : vector<16xi32>
      %shift_right_arithmetic3A_340 = arith.constant 9 : i32
      %shift_right_arithmetic3A_341 = vector.broadcast %shift_right_arithmetic3A_340 : i32 to vector<16xi32>
      %shift_right_arithmetic3A_342 = arith.shrsi %and3A_339, %shift_right_arithmetic3A_341 : vector<16xi32>
      %add3A_343 = arith.addi %add3A_336, %shift_right_arithmetic3A_342 : vector<16xi32>
      %get3A_344 = arith.constant 1 : i32
      %get3A_345 = arith.index_cast %get3A_344 : i32 to index
      %get3A_346 = arith.constant 64 : index
      %get3A_347 = tpu.vector_load %arg5[%get3A_345, %get3A_346] {strides = array<i32>} : memref<8x100xi32, #tpu.memory_space<vmem>>, vector<1x16xi32>,
      %get3A_348 = vector.shape_cast %get3A_347 : vector<1x16xi32> to vector<16xi32>
      %shift_right_arithmetic3A_349 = arith.constant 13 : i32
      %shift_right_arithmetic3A_350 = vector.broadcast %shift_right_arithmetic3A_349 : i32 to vector<16xi32>
      %shift_right_arithmetic3A_351 = arith.shrsi %get3A_348, %shift_right_arithmetic3A_350 : vector<16xi32>
      %shift_left3A_352 = arith.constant 13 : i32
      %shift_left3A_353 = vector.broadcast %shift_left3A_352 : i32 to vector<16xi32>
      %shift_left3A_354 = arith.shli %shift_right_arithmetic3A_351, %shift_left3A_353 : vector<16xi32>
      %and3A_355 = arith.constant 511 : i32
      %and3A_356 = vector.broadcast %and3A_355 : i32 to vector<16xi32>
      %and3A_357 = arith.andi %get3A_348, %and3A_356 : vector<16xi32>
      %shift_left3A_358 = arith.constant 4 : i32
      %shift_left3A_359 = vector.broadcast %shift_left3A_358 : i32 to vector<16xi32>
      %shift_left3A_360 = arith.shli %and3A_357, %shift_left3A_359 : vector<16xi32>
      %add3A_361 = arith.addi %shift_left3A_354, %shift_left3A_360 : vector<16xi32>
      %and3A_362 = arith.constant 8191 : i32
      %and3A_363 = vector.broadcast %and3A_362 : i32 to vector<16xi32>
      %and3A_364 = arith.andi %get3A_348, %and3A_363 : vector<16xi32>
      %shift_right_arithmetic3A_365 = arith.constant 9 : i32
      %shift_right_arithmetic3A_366 = vector.broadcast %shift_right_arithmetic3A_365 : i32 to vector<16xi32>
      %shift_right_arithmetic3A_367 = arith.shrsi %and3A_364, %shift_right_arithmetic3A_366 : vector<16xi32>
      %add3A_368 = arith.addi %add3A_361, %shift_right_arithmetic3A_367 : vector<16xi32>
      %get3A_369 = arith.constant 1 : i32
      %get3A_370 = arith.index_cast %get3A_369 : i32 to index
      %get3A_371 = arith.constant 80 : index
      %get3A_372 = tpu.vector_load %arg5[%get3A_370, %get3A_371] {strides = array<i32>} : memref<8x100xi32, #tpu.memory_space<vmem>>, vector<1x16xi32>,
      %get3A_373 = vector.shape_cast %get3A_372 : vector<1x16xi32> to vector<16xi32>
      %shift_right_arithmetic3A_374 = arith.constant 13 : i32
      %shift_right_arithmetic3A_375 = vector.broadcast %shift_right_arithmetic3A_374 : i32 to vector<16xi32>
      %shift_right_arithmetic3A_376 = arith.shrsi %get3A_373, %shift_right_arithmetic3A_375 : vector<16xi32>
      %shift_left3A_377 = arith.constant 13 : i32
      %shift_left3A_378 = vector.broadcast %shift_left3A_377 : i32 to vector<16xi32>
      %shift_left3A_379 = arith.shli %shift_right_arithmetic3A_376, %shift_left3A_378 : vector<16xi32>
      %and3A_380 = arith.constant 511 : i32
      %and3A_381 = vector.broadcast %and3A_380 : i32 to vector<16xi32>
      %and3A_382 = arith.andi %get3A_373, %and3A_381 : vector<16xi32>
      %shift_left3A_383 = arith.constant 4 : i32
      %shift_left3A_384 = vector.broadcast %shift_left3A_383 : i32 to vector<16xi32>
      %shift_left3A_385 = arith.shli %and3A_382, %shift_left3A_384 : vector<16xi32>
      %add3A_386 = arith.addi %shift_left3A_379, %shift_left3A_385 : vector<16xi32>
      %and3A_387 = arith.constant 8191 : i32
      %and3A_388 = vector.broadcast %and3A_387 : i32 to vector<16xi32>
      %and3A_389 = arith.andi %get3A_373, %and3A_388 : vector<16xi32>
      %shift_right_arithmetic3A_390 = arith.constant 9 : i32
      %shift_right_arithmetic3A_391 = vector.broadcast %shift_right_arithmetic3A_390 : i32 to vector<16xi32>
      %shift_right_arithmetic3A_392 = arith.shrsi %and3A_389, %shift_right_arithmetic3A_391 : vector<16xi32>
      %add3A_393 = arith.addi %add3A_386, %shift_right_arithmetic3A_392 : vector<16xi32>
      %get3A_394 = arith.constant 1 : i32
      %get3A_395 = arith.index_cast %get3A_394 : i32 to index
      %get3A_396 = arith.constant 84 : index
      %get3A_397 = tpu.vector_load %arg5[%get3A_395, %get3A_396] {strides = array<i32>} : memref<8x100xi32, #tpu.memory_space<vmem>>, vector<1x16xi32>,
      %get3A_398 = vector.shape_cast %get3A_397 : vector<1x16xi32> to vector<16xi32>
      %shift_right_arithmetic3A_399 = arith.constant 13 : i32
      %shift_right_arithmetic3A_400 = vector.broadcast %shift_right_arithmetic3A_399 : i32 to vector<16xi32>
      %shift_right_arithmetic3A_401 = arith.shrsi %get3A_398, %shift_right_arithmetic3A_400 : vector<16xi32>
      %shift_left3A_402 = arith.constant 13 : i32
      %shift_left3A_403 = vector.broadcast %shift_left3A_402 : i32 to vector<16xi32>
      %shift_left3A_404 = arith.shli %shift_right_arithmetic3A_401, %shift_left3A_403 : vector<16xi32>
      %and3A_405 = arith.constant 511 : i32
      %and3A_406 = vector.broadcast %and3A_405 : i32 to vector<16xi32>
      %and3A_407 = arith.andi %get3A_398, %and3A_406 : vector<16xi32>
      %shift_left3A_408 = arith.constant 4 : i32
      %shift_left3A_409 = vector.broadcast %shift_left3A_408 : i32 to vector<16xi32>
      %shift_left3A_410 = arith.shli %and3A_407, %shift_left3A_409 : vector<16xi32>
      %add3A_411 = arith.addi %shift_left3A_404, %shift_left3A_410 : vector<16xi32>
      %and3A_412 = arith.constant 8191 : i32
      %and3A_413 = vector.broadcast %and3A_412 : i32 to vector<16xi32>
      %and3A_414 = arith.andi %get3A_398, %and3A_413 : vector<16xi32>
      %shift_right_arithmetic3A_415 = arith.constant 9 : i32
      %shift_right_arithmetic3A_416 = vector.broadcast %shift_right_arithmetic3A_415 : i32 to vector<16xi32>
      %shift_right_arithmetic3A_417 = arith.shrsi %and3A_414, %shift_right_arithmetic3A_416 : vector<16xi32>
      %add3A_418 = arith.addi %add3A_411, %shift_right_arithmetic3A_417 : vector<16xi32>
      %swap3A_419 = arith.constant 1 : i32
      %swap3A_420 = arith.index_cast %swap3A_419 : i32 to index
      %swap3A_421 = arith.constant 0 : index
      %swap3A_422 = tpu.vector_load %arg5[%swap3A_420, %swap3A_421] {strides = array<i32>} : memref<8x100xi32, #tpu.memory_space<vmem>>, vector<1x16xi32>,
      %swap3A_423 = vector.shape_cast %swap3A_422 : vector<1x16xi32> to vector<16xi32>
      %swap3A_424 = vector.shape_cast %add3A_268 : vector<16xi32> to vector<1x16xi32>
      tpu.vector_store %arg5[%swap3A_420, %swap3A_421], %swap3A_424 {strides = array<i32>} : memref<8x100xi32, #tpu.memory_space<vmem>>, vector<1x16xi32>,
      %swap3A_425 = arith.constant 1 : i32
      %swap3A_426 = arith.index_cast %swap3A_425 : i32 to index
      %swap3A_427 = arith.constant 16 : index
      %swap3A_428 = tpu.vector_load %arg5[%swap3A_426, %swap3A_427] {strides = array<i32>} : memref<8x100xi32, #tpu.memory_space<vmem>>, vector<1x16xi32>,
      %swap3A_429 = vector.shape_cast %swap3A_428 : vector<1x16xi32> to vector<16xi32>
      %swap3A_430 = vector.shape_cast %add3A_293 : vector<16xi32> to vector<1x16xi32>
      tpu.vector_store %arg5[%swap3A_426, %swap3A_427], %swap3A_430 {strides = array<i32>} : memref<8x100xi32, #tpu.memory_space<vmem>>, vector<1x16xi32>,
      %swap3A_431 = arith.constant 1 : i32
      %swap3A_432 = arith.index_cast %swap3A_431 : i32 to index
      %swap3A_433 = arith.constant 32 : index
      %swap3A_434 = tpu.vector_load %arg5[%swap3A_432, %swap3A_433] {strides = array<i32>} : memref<8x100xi32, #tpu.memory_space<vmem>>, vector<1x16xi32>,
      %swap3A_435 = vector.shape_cast %swap3A_434 : vector<1x16xi32> to vector<16xi32>
      %swap3A_436 = vector.shape_cast %add3A_318 : vector<16xi32> to vector<1x16xi32>
      tpu.vector_store %arg5[%swap3A_432, %swap3A_433], %swap3A_436 {strides = array<i32>} : memref<8x100xi32, #tpu.memory_space<vmem>>, vector<1x16xi32>,
      %swap3A_437 = arith.constant 1 : i32
      %swap3A_438 = arith.index_cast %swap3A_437 : i32 to index
      %swap3A_439 = arith.constant 48 : index
      %swap3A_440 = tpu.vector_load %arg5[%swap3A_438, %swap3A_439] {strides = array<i32>} : memref<8x100xi32, #tpu.memory_space<vmem>>, vector<1x16xi32>,
      %swap3A_441 = vector.shape_cast %swap3A_440 : vector<1x16xi32> to vector<16xi32>
      %swap3A_442 = vector.shape_cast %add3A_343 : vector<16xi32> to vector<1x16xi32>
      tpu.vector_store %arg5[%swap3A_438, %swap3A_439], %swap3A_442 {strides = array<i32>} : memref<8x100xi32, #tpu.memory_space<vmem>>, vector<1x16xi32>,
      %swap3A_443 = arith.constant 1 : i32
      %swap3A_444 = arith.index_cast %swap3A_443 : i32 to index
      %swap3A_445 = arith.constant 64 : index
      %swap3A_446 = tpu.vector_load %arg5[%swap3A_444, %swap3A_445] {strides = array<i32>} : memref<8x100xi32, #tpu.memory_space<vmem>>, vector<1x16xi32>,
      %swap3A_447 = vector.shape_cast %swap3A_446 : vector<1x16xi32> to vector<16xi32>
      %swap3A_448 = vector.shape_cast %add3A_368 : vector<16xi32> to vector<1x16xi32>
      tpu.vector_store %arg5[%swap3A_444, %swap3A_445], %swap3A_448 {strides = array<i32>} : memref<8x100xi32, #tpu.memory_space<vmem>>, vector<1x16xi32>,
      %swap3A_449 = arith.constant 1 : i32
      %swap3A_450 = arith.index_cast %swap3A_449 : i32 to index
      %swap3A_451 = arith.constant 80 : index
      %swap3A_452 = tpu.vector_load %arg5[%swap3A_450, %swap3A_451] {strides = array<i32>} : memref<8x100xi32, #tpu.memory_space<vmem>>, vector<1x16xi32>,
      %swap3A_453 = vector.shape_cast %swap3A_452 : vector<1x16xi32> to vector<16xi32>
      %swap3A_454 = vector.shape_cast %add3A_393 : vector<16xi32> to vector<1x16xi32>
      tpu.vector_store %arg5[%swap3A_450, %swap3A_451], %swap3A_454 {strides = array<i32>} : memref<8x100xi32, #tpu.memory_space<vmem>>, vector<1x16xi32>,
      %swap3A_455 = arith.constant 1 : i32
      %swap3A_456 = arith.index_cast %swap3A_455 : i32 to index
      %swap3A_457 = arith.constant 84 : index
      %swap3A_458 = tpu.vector_load %arg5[%swap3A_456, %swap3A_457] {strides = array<i32>} : memref<8x100xi32, #tpu.memory_space<vmem>>, vector<1x16xi32>,
      %swap3A_459 = vector.shape_cast %swap3A_458 : vector<1x16xi32> to vector<16xi32>
      %swap3A_460 = vector.shape_cast %add3A_418 : vector<16xi32> to vector<1x16xi32>
      tpu.vector_store %arg5[%swap3A_456, %swap3A_457], %swap3A_460 {strides = array<i32>} : memref<8x100xi32, #tpu.memory_space<vmem>>, vector<1x16xi32>,
      %get3A_461 = arith.constant 2 : i32
      %get3A_462 = arith.index_cast %get3A_461 : i32 to index
      %get3A_463 = arith.constant 0 : index
      %get3A_464 = tpu.vector_load %arg5[%get3A_462, %get3A_463] {strides = array<i32>} : memref<8x100xi32, #tpu.memory_space<vmem>>, vector<1x16xi32>,
      %get3A_465 = vector.shape_cast %get3A_464 : vector<1x16xi32> to vector<16xi32>
      %shift_right_arithmetic3A_466 = arith.constant 13 : i32
      %shift_right_arithmetic3A_467 = vector.broadcast %shift_right_arithmetic3A_466 : i32 to vector<16xi32>
      %shift_right_arithmetic3A_468 = arith.shrsi %get3A_465, %shift_right_arithmetic3A_467 : vector<16xi32>
      %shift_left3A_469 = arith.constant 13 : i32
      %shift_left3A_470 = vector.broadcast %shift_left3A_469 : i32 to vector<16xi32>
      %shift_left3A_471 = arith.shli %shift_right_arithmetic3A_468, %shift_left3A_470 : vector<16xi32>
      %and3A_472 = arith.constant 511 : i32
      %and3A_473 = vector.broadcast %and3A_472 : i32 to vector<16xi32>
      %and3A_474 = arith.andi %get3A_465, %and3A_473 : vector<16xi32>
      %shift_left3A_475 = arith.constant 4 : i32
      %shift_left3A_476 = vector.broadcast %shift_left3A_475 : i32 to vector<16xi32>
      %shift_left3A_477 = arith.shli %and3A_474, %shift_left3A_476 : vector<16xi32>
      %add3A_478 = arith.addi %shift_left3A_471, %shift_left3A_477 : vector<16xi32>
      %and3A_479 = arith.constant 8191 : i32
      %and3A_480 = vector.broadcast %and3A_479 : i32 to vector<16xi32>
      %and3A_481 = arith.andi %get3A_465, %and3A_480 : vector<16xi32>
      %shift_right_arithmetic3A_482 = arith.constant 9 : i32
      %shift_right_arithmetic3A_483 = vector.broadcast %shift_right_arithmetic3A_482 : i32 to vector<16xi32>
      %shift_right_arithmetic3A_484 = arith.shrsi %and3A_481, %shift_right_arithmetic3A_483 : vector<16xi32>
      %add3A_485 = arith.addi %add3A_478, %shift_right_arithmetic3A_484 : vector<16xi32>
      %get3A_486 = arith.constant 2 : i32
      %get3A_487 = arith.index_cast %get3A_486 : i32 to index
      %get3A_488 = arith.constant 16 : index
      %get3A_489 = tpu.vector_load %arg5[%get3A_487, %get3A_488] {strides = array<i32>} : memref<8x100xi32, #tpu.memory_space<vmem>>, vector<1x16xi32>,
      %get3A_490 = vector.shape_cast %get3A_489 : vector<1x16xi32> to vector<16xi32>
      %shift_right_arithmetic3A_491 = arith.constant 13 : i32
      %shift_right_arithmetic3A_492 = vector.broadcast %shift_right_arithmetic3A_491 : i32 to vector<16xi32>
      %shift_right_arithmetic3A_493 = arith.shrsi %get3A_490, %shift_right_arithmetic3A_492 : vector<16xi32>
      %shift_left3A_494 = arith.constant 13 : i32
      %shift_left3A_495 = vector.broadcast %shift_left3A_494 : i32 to vector<16xi32>
      %shift_left3A_496 = arith.shli %shift_right_arithmetic3A_493, %shift_left3A_495 : vector<16xi32>
      %and3A_497 = arith.constant 511 : i32
      %and3A_498 = vector.broadcast %and3A_497 : i32 to vector<16xi32>
      %and3A_499 = arith.andi %get3A_490, %and3A_498 : vector<16xi32>
      %shift_left3A_500 = arith.constant 4 : i32
      %shift_left3A_501 = vector.broadcast %shift_left3A_500 : i32 to vector<16xi32>
      %shift_left3A_502 = arith.shli %and3A_499, %shift_left3A_501 : vector<16xi32>
      %add3A_503 = arith.addi %shift_left3A_496, %shift_left3A_502 : vector<16xi32>
      %and3A_504 = arith.constant 8191 : i32
      %and3A_505 = vector.broadcast %and3A_504 : i32 to vector<16xi32>
      %and3A_506 = arith.andi %get3A_490, %and3A_505 : vector<16xi32>
      %shift_right_arithmetic3A_507 = arith.constant 9 : i32
      %shift_right_arithmetic3A_508 = vector.broadcast %shift_right_arithmetic3A_507 : i32 to vector<16xi32>
      %shift_right_arithmetic3A_509 = arith.shrsi %and3A_506, %shift_right_arithmetic3A_508 : vector<16xi32>
      %add3A_510 = arith.addi %add3A_503, %shift_right_arithmetic3A_509 : vector<16xi32>
      %get3A_511 = arith.constant 2 : i32
      %get3A_512 = arith.index_cast %get3A_511 : i32 to index
      %get3A_513 = arith.constant 32 : index
      %get3A_514 = tpu.vector_load %arg5[%get3A_512, %get3A_513] {strides = array<i32>} : memref<8x100xi32, #tpu.memory_space<vmem>>, vector<1x16xi32>,
      %get3A_515 = vector.shape_cast %get3A_514 : vector<1x16xi32> to vector<16xi32>
      %shift_right_arithmetic3A_516 = arith.constant 13 : i32
      %shift_right_arithmetic3A_517 = vector.broadcast %shift_right_arithmetic3A_516 : i32 to vector<16xi32>
      %shift_right_arithmetic3A_518 = arith.shrsi %get3A_515, %shift_right_arithmetic3A_517 : vector<16xi32>
      %shift_left3A_519 = arith.constant 13 : i32
      %shift_left3A_520 = vector.broadcast %shift_left3A_519 : i32 to vector<16xi32>
      %shift_left3A_521 = arith.shli %shift_right_arithmetic3A_518, %shift_left3A_520 : vector<16xi32>
      %and3A_522 = arith.constant 511 : i32
      %and3A_523 = vector.broadcast %and3A_522 : i32 to vector<16xi32>
      %and3A_524 = arith.andi %get3A_515, %and3A_523 : vector<16xi32>
      %shift_left3A_525 = arith.constant 4 : i32
      %shift_left3A_526 = vector.broadcast %shift_left3A_525 : i32 to vector<16xi32>
      %shift_left3A_527 = arith.shli %and3A_524, %shift_left3A_526 : vector<16xi32>
      %add3A_528 = arith.addi %shift_left3A_521, %shift_left3A_527 : vector<16xi32>
      %and3A_529 = arith.constant 8191 : i32
      %and3A_530 = vector.broadcast %and3A_529 : i32 to vector<16xi32>
      %and3A_531 = arith.andi %get3A_515, %and3A_530 : vector<16xi32>
      %shift_right_arithmetic3A_532 = arith.constant 9 : i32
      %shift_right_arithmetic3A_533 = vector.broadcast %shift_right_arithmetic3A_532 : i32 to vector<16xi32>
      %shift_right_arithmetic3A_534 = arith.shrsi %and3A_531, %shift_right_arithmetic3A_533 : vector<16xi32>
      %add3A_535 = arith.addi %add3A_528, %shift_right_arithmetic3A_534 : vector<16xi32>
      %get3A_536 = arith.constant 2 : i32
      %get3A_537 = arith.index_cast %get3A_536 : i32 to index
      %get3A_538 = arith.constant 48 : index
      %get3A_539 = tpu.vector_load %arg5[%get3A_537, %get3A_538] {strides = array<i32>} : memref<8x100xi32, #tpu.memory_space<vmem>>, vector<1x16xi32>,
      %get3A_540 = vector.shape_cast %get3A_539 : vector<1x16xi32> to vector<16xi32>
      %shift_right_arithmetic3A_541 = arith.constant 13 : i32
      %shift_right_arithmetic3A_542 = vector.broadcast %shift_right_arithmetic3A_541 : i32 to vector<16xi32>
      %shift_right_arithmetic3A_543 = arith.shrsi %get3A_540, %shift_right_arithmetic3A_542 : vector<16xi32>
      %shift_left3A_544 = arith.constant 13 : i32
      %shift_left3A_545 = vector.broadcast %shift_left3A_544 : i32 to vector<16xi32>
      %shift_left3A_546 = arith.shli %shift_right_arithmetic3A_543, %shift_left3A_545 : vector<16xi32>
      %and3A_547 = arith.constant 511 : i32
      %and3A_548 = vector.broadcast %and3A_547 : i32 to vector<16xi32>
      %and3A_549 = arith.andi %get3A_540, %and3A_548 : vector<16xi32>
      %shift_left3A_550 = arith.constant 4 : i32
      %shift_left3A_551 = vector.broadcast %shift_left3A_550 : i32 to vector<16xi32>
      %shift_left3A_552 = arith.shli %and3A_549, %shift_left3A_551 : vector<16xi32>
      %add3A_553 = arith.addi %shift_left3A_546, %shift_left3A_552 : vector<16xi32>
      %and3A_554 = arith.constant 8191 : i32
      %and3A_555 = vector.broadcast %and3A_554 : i32 to vector<16xi32>
      %and3A_556 = arith.andi %get3A_540, %and3A_555 : vector<16xi32>
      %shift_right_arithmetic3A_557 = arith.constant 9 : i32
      %shift_right_arithmetic3A_558 = vector.broadcast %shift_right_arithmetic3A_557 : i32 to vector<16xi32>
      %shift_right_arithmetic3A_559 = arith.shrsi %and3A_556, %shift_right_arithmetic3A_558 : vector<16xi32>
      %add3A_560 = arith.addi %add3A_553, %shift_right_arithmetic3A_559 : vector<16xi32>
      %get3A_561 = arith.constant 2 : i32
      %get3A_562 = arith.index_cast %get3A_561 : i32 to index
      %get3A_563 = arith.constant 64 : index
      %get3A_564 = tpu.vector_load %arg5[%get3A_562, %get3A_563] {strides = array<i32>} : memref<8x100xi32, #tpu.memory_space<vmem>>, vector<1x16xi32>,
      %get3A_565 = vector.shape_cast %get3A_564 : vector<1x16xi32> to vector<16xi32>
      %shift_right_arithmetic3A_566 = arith.constant 13 : i32
      %shift_right_arithmetic3A_567 = vector.broadcast %shift_right_arithmetic3A_566 : i32 to vector<16xi32>
      %shift_right_arithmetic3A_568 = arith.shrsi %get3A_565, %shift_right_arithmetic3A_567 : vector<16xi32>
      %shift_left3A_569 = arith.constant 13 : i32
      %shift_left3A_570 = vector.broadcast %shift_left3A_569 : i32 to vector<16xi32>
      %shift_left3A_571 = arith.shli %shift_right_arithmetic3A_568, %shift_left3A_570 : vector<16xi32>
      %and3A_572 = arith.constant 511 : i32
      %and3A_573 = vector.broadcast %and3A_572 : i32 to vector<16xi32>
      %and3A_574 = arith.andi %get3A_565, %and3A_573 : vector<16xi32>
      %shift_left3A_575 = arith.constant 4 : i32
      %shift_left3A_576 = vector.broadcast %shift_left3A_575 : i32 to vector<16xi32>
      %shift_left3A_577 = arith.shli %and3A_574, %shift_left3A_576 : vector<16xi32>
      %add3A_578 = arith.addi %shift_left3A_571, %shift_left3A_577 : vector<16xi32>
      %and3A_579 = arith.constant 8191 : i32
      %and3A_580 = vector.broadcast %and3A_579 : i32 to vector<16xi32>
      %and3A_581 = arith.andi %get3A_565, %and3A_580 : vector<16xi32>
      %shift_right_arithmetic3A_582 = arith.constant 9 : i32
      %shift_right_arithmetic3A_583 = vector.broadcast %shift_right_arithmetic3A_582 : i32 to vector<16xi32>
      %shift_right_arithmetic3A_584 = arith.shrsi %and3A_581, %shift_right_arithmetic3A_583 : vector<16xi32>
      %add3A_585 = arith.addi %add3A_578, %shift_right_arithmetic3A_584 : vector<16xi32>
      %get3A_586 = arith.constant 2 : i32
      %get3A_587 = arith.index_cast %get3A_586 : i32 to index
      %get3A_588 = arith.constant 80 : index
      %get3A_589 = tpu.vector_load %arg5[%get3A_587, %get3A_588] {strides = array<i32>} : memref<8x100xi32, #tpu.memory_space<vmem>>, vector<1x16xi32>,
      %get3A_590 = vector.shape_cast %get3A_589 : vector<1x16xi32> to vector<16xi32>
      %shift_right_arithmetic3A_591 = arith.constant 13 : i32
      %shift_right_arithmetic3A_592 = vector.broadcast %shift_right_arithmetic3A_591 : i32 to vector<16xi32>
      %shift_right_arithmetic3A_593 = arith.shrsi %get3A_590, %shift_right_arithmetic3A_592 : vector<16xi32>
      %shift_left3A_594 = arith.constant 13 : i32
      %shift_left3A_595 = vector.broadcast %shift_left3A_594 : i32 to vector<16xi32>
      %shift_left3A_596 = arith.shli %shift_right_arithmetic3A_593, %shift_left3A_595 : vector<16xi32>
      %and3A_597 = arith.constant 511 : i32
      %and3A_598 = vector.broadcast %and3A_597 : i32 to vector<16xi32>
      %and3A_599 = arith.andi %get3A_590, %and3A_598 : vector<16xi32>
      %shift_left3A_600 = arith.constant 4 : i32
      %shift_left3A_601 = vector.broadcast %shift_left3A_600 : i32 to vector<16xi32>
      %shift_left3A_602 = arith.shli %and3A_599, %shift_left3A_601 : vector<16xi32>
      %add3A_603 = arith.addi %shift_left3A_596, %shift_left3A_602 : vector<16xi32>
      %and3A_604 = arith.constant 8191 : i32
      %and3A_605 = vector.broadcast %and3A_604 : i32 to vector<16xi32>
      %and3A_606 = arith.andi %get3A_590, %and3A_605 : vector<16xi32>
      %shift_right_arithmetic3A_607 = arith.constant 9 : i32
      %shift_right_arithmetic3A_608 = vector.broadcast %shift_right_arithmetic3A_607 : i32 to vector<16xi32>
      %shift_right_arithmetic3A_609 = arith.shrsi %and3A_606, %shift_right_arithmetic3A_608 : vector<16xi32>
      %add3A_610 = arith.addi %add3A_603, %shift_right_arithmetic3A_609 : vector<16xi32>
      %get3A_611 = arith.constant 2 : i32
      %get3A_612 = arith.index_cast %get3A_611 : i32 to index
      %get3A_613 = arith.constant 84 : index
      %get3A_614 = tpu.vector_load %arg5[%get3A_612, %get3A_613] {strides = array<i32>} : memref<8x100xi32, #tpu.memory_space<vmem>>, vector<1x16xi32>,
      %get3A_615 = vector.shape_cast %get3A_614 : vector<1x16xi32> to vector<16xi32>
      %shift_right_arithmetic3A_616 = arith.constant 13 : i32
      %shift_right_arithmetic3A_617 = vector.broadcast %shift_right_arithmetic3A_616 : i32 to vector<16xi32>
      %shift_right_arithmetic3A_618 = arith.shrsi %get3A_615, %shift_right_arithmetic3A_617 : vector<16xi32>
      %shift_left3A_619 = arith.constant 13 : i32
      %shift_left3A_620 = vector.broadcast %shift_left3A_619 : i32 to vector<16xi32>
      %shift_left3A_621 = arith.shli %shift_right_arithmetic3A_618, %shift_left3A_620 : vector<16xi32>
      %and3A_622 = arith.constant 511 : i32
      %and3A_623 = vector.broadcast %and3A_622 : i32 to vector<16xi32>
      %and3A_624 = arith.andi %get3A_615, %and3A_623 : vector<16xi32>
      %shift_left3A_625 = arith.constant 4 : i32
      %shift_left3A_626 = vector.broadcast %shift_left3A_625 : i32 to vector<16xi32>
      %shift_left3A_627 = arith.shli %and3A_624, %shift_left3A_626 : vector<16xi32>
      %add3A_628 = arith.addi %shift_left3A_621, %shift_left3A_627 : vector<16xi32>
      %and3A_629 = arith.constant 8191 : i32
      %and3A_630 = vector.broadcast %and3A_629 : i32 to vector<16xi32>
      %and3A_631 = arith.andi %get3A_615, %and3A_630 : vector<16xi32>
      %shift_right_arithmetic3A_632 = arith.constant 9 : i32
      %shift_right_arithmetic3A_633 = vector.broadcast %shift_right_arithmetic3A_632 : i32 to vector<16xi32>
      %shift_right_arithmetic3A_634 = arith.shrsi %and3A_631, %shift_right_arithmetic3A_633 : vector<16xi32>
      %add3A_635 = arith.addi %add3A_628, %shift_right_arithmetic3A_634 : vector<16xi32>
      %swap3A_636 = arith.constant 2 : i32
      %swap3A_637 = arith.index_cast %swap3A_636 : i32 to index
      %swap3A_638 = arith.constant 0 : index
      %swap3A_639 = tpu.vector_load %arg5[%swap3A_637, %swap3A_638] {strides = array<i32>} : memref<8x100xi32, #tpu.memory_space<vmem>>, vector<1x16xi32>,
      %swap3A_640 = vector.shape_cast %swap3A_639 : vector<1x16xi32> to vector<16xi32>
      %swap3A_641 = vector.shape_cast %add3A_485 : vector<16xi32> to vector<1x16xi32>
      tpu.vector_store %arg5[%swap3A_637, %swap3A_638], %swap3A_641 {strides = array<i32>} : memref<8x100xi32, #tpu.memory_space<vmem>>, vector<1x16xi32>,
      %swap3A_642 = arith.constant 2 : i32
      %swap3A_643 = arith.index_cast %swap3A_642 : i32 to index
      %swap3A_644 = arith.constant 16 : index
      %swap3A_645 = tpu.vector_load %arg5[%swap3A_643, %swap3A_644] {strides = array<i32>} : memref<8x100xi32, #tpu.memory_space<vmem>>, vector<1x16xi32>,
      %swap3A_646 = vector.shape_cast %swap3A_645 : vector<1x16xi32> to vector<16xi32>
      %swap3A_647 = vector.shape_cast %add3A_510 : vector<16xi32> to vector<1x16xi32>
      tpu.vector_store %arg5[%swap3A_643, %swap3A_644], %swap3A_647 {strides = array<i32>} : memref<8x100xi32, #tpu.memory_space<vmem>>, vector<1x16xi32>,
      %swap3A_648 = arith.constant 2 : i32
      %swap3A_649 = arith.index_cast %swap3A_648 : i32 to index
      %swap3A_650 = arith.constant 32 : index
      %swap3A_651 = tpu.vector_load %arg5[%swap3A_649, %swap3A_650] {strides = array<i32>} : memref<8x100xi32, #tpu.memory_space<vmem>>, vector<1x16xi32>,
      %swap3A_652 = vector.shape_cast %swap3A_651 : vector<1x16xi32> to vector<16xi32>
      %swap3A_653 = vector.shape_cast %add3A_535 : vector<16xi32> to vector<1x16xi32>
      tpu.vector_store %arg5[%swap3A_649, %swap3A_650], %swap3A_653 {strides = array<i32>} : memref<8x100xi32, #tpu.memory_space<vmem>>, vector<1x16xi32>,
      %swap3A_654 = arith.constant 2 : i32
      %swap3A_655 = arith.index_cast %swap3A_654 : i32 to index
      %swap3A_656 = arith.constant 48 : index
      %swap3A_657 = tpu.vector_load %arg5[%swap3A_655, %swap3A_656] {strides = array<i32>} : memref<8x100xi32, #tpu.memory_space<vmem>>, vector<1x16xi32>,
      %swap3A_658 = vector.shape_cast %swap3A_657 : vector<1x16xi32> to vector<16xi32>
      %swap3A_659 = vector.shape_cast %add3A_560 : vector<16xi32> to vector<1x16xi32>
      tpu.vector_store %arg5[%swap3A_655, %swap3A_656], %swap3A_659 {strides = array<i32>} : memref<8x100xi32, #tpu.memory_space<vmem>>, vector<1x16xi32>,
      %swap3A_660 = arith.constant 2 : i32
      %swap3A_661 = arith.index_cast %swap3A_660 : i32 to index
      %swap3A_662 = arith.constant 64 : index
      %swap3A_663 = tpu.vector_load %arg5[%swap3A_661, %swap3A_662] {strides = array<i32>} : memref<8x100xi32, #tpu.memory_space<vmem>>, vector<1x16xi32>,
      %swap3A_664 = vector.shape_cast %swap3A_663 : vector<1x16xi32> to vector<16xi32>
      %swap3A_665 = vector.shape_cast %add3A_585 : vector<16xi32> to vector<1x16xi32>
      tpu.vector_store %arg5[%swap3A_661, %swap3A_662], %swap3A_665 {strides = array<i32>} : memref<8x100xi32, #tpu.memory_space<vmem>>, vector<1x16xi32>,
      %swap3A_666 = arith.constant 2 : i32
      %swap3A_667 = arith.index_cast %swap3A_666 : i32 to index
      %swap3A_668 = arith.constant 80 : index
      %swap3A_669 = tpu.vector_load %arg5[%swap3A_667, %swap3A_668] {strides = array<i32>} : memref<8x100xi32, #tpu.memory_space<vmem>>, vector<1x16xi32>,
      %swap3A_670 = vector.shape_cast %swap3A_669 : vector<1x16xi32> to vector<16xi32>
      %swap3A_671 = vector.shape_cast %add3A_610 : vector<16xi32> to vector<1x16xi32>
      tpu.vector_store %arg5[%swap3A_667, %swap3A_668], %swap3A_671 {strides = array<i32>} : memref<8x100xi32, #tpu.memory_space<vmem>>, vector<1x16xi32>,
      %swap3A_672 = arith.constant 2 : i32
      %swap3A_673 = arith.index_cast %swap3A_672 : i32 to index
      %swap3A_674 = arith.constant 84 : index
      %swap3A_675 = tpu.vector_load %arg5[%swap3A_673, %swap3A_674] {strides = array<i32>} : memref<8x100xi32, #tpu.memory_space<vmem>>, vector<1x16xi32>,
      %swap3A_676 = vector.shape_cast %swap3A_675 : vector<1x16xi32> to vector<16xi32>
      %swap3A_677 = vector.shape_cast %add3A_635 : vector<16xi32> to vector<1x16xi32>
      tpu.vector_store %arg5[%swap3A_673, %swap3A_674], %swap3A_677 {strides = array<i32>} : memref<8x100xi32, #tpu.memory_space<vmem>>, vector<1x16xi32>,
      %get3A_678 = arith.constant 3 : i32
      %get3A_679 = arith.index_cast %get3A_678 : i32 to index
      %get3A_680 = arith.constant 0 : index
      %get3A_681 = tpu.vector_load %arg5[%get3A_679, %get3A_680] {strides = array<i32>} : memref<8x100xi32, #tpu.memory_space<vmem>>, vector<1x16xi32>,
      %get3A_682 = vector.shape_cast %get3A_681 : vector<1x16xi32> to vector<16xi32>
      %shift_right_arithmetic3A_683 = arith.constant 13 : i32
      %shift_right_arithmetic3A_684 = vector.broadcast %shift_right_arithmetic3A_683 : i32 to vector<16xi32>
      %shift_right_arithmetic3A_685 = arith.shrsi %get3A_682, %shift_right_arithmetic3A_684 : vector<16xi32>
      %shift_left3A_686 = arith.constant 13 : i32
      %shift_left3A_687 = vector.broadcast %shift_left3A_686 : i32 to vector<16xi32>
      %shift_left3A_688 = arith.shli %shift_right_arithmetic3A_685, %shift_left3A_687 : vector<16xi32>
      %and3A_689 = arith.constant 511 : i32
      %and3A_690 = vector.broadcast %and3A_689 : i32 to vector<16xi32>
      %and3A_691 = arith.andi %get3A_682, %and3A_690 : vector<16xi32>
      %shift_left3A_692 = arith.constant 4 : i32
      %shift_left3A_693 = vector.broadcast %shift_left3A_692 : i32 to vector<16xi32>
      %shift_left3A_694 = arith.shli %and3A_691, %shift_left3A_693 : vector<16xi32>
      %add3A_695 = arith.addi %shift_left3A_688, %shift_left3A_694 : vector<16xi32>
      %and3A_696 = arith.constant 8191 : i32
      %and3A_697 = vector.broadcast %and3A_696 : i32 to vector<16xi32>
      %and3A_698 = arith.andi %get3A_682, %and3A_697 : vector<16xi32>
      %shift_right_arithmetic3A_699 = arith.constant 9 : i32
      %shift_right_arithmetic3A_700 = vector.broadcast %shift_right_arithmetic3A_699 : i32 to vector<16xi32>
      %shift_right_arithmetic3A_701 = arith.shrsi %and3A_698, %shift_right_arithmetic3A_700 : vector<16xi32>
      %add3A_702 = arith.addi %add3A_695, %shift_right_arithmetic3A_701 : vector<16xi32>
      %get3A_703 = arith.constant 3 : i32
      %get3A_704 = arith.index_cast %get3A_703 : i32 to index
      %get3A_705 = arith.constant 16 : index
      %get3A_706 = tpu.vector_load %arg5[%get3A_704, %get3A_705] {strides = array<i32>} : memref<8x100xi32, #tpu.memory_space<vmem>>, vector<1x16xi32>,
      %get3A_707 = vector.shape_cast %get3A_706 : vector<1x16xi32> to vector<16xi32>
      %shift_right_arithmetic3A_708 = arith.constant 13 : i32
      %shift_right_arithmetic3A_709 = vector.broadcast %shift_right_arithmetic3A_708 : i32 to vector<16xi32>
      %shift_right_arithmetic3A_710 = arith.shrsi %get3A_707, %shift_right_arithmetic3A_709 : vector<16xi32>
      %shift_left3A_711 = arith.constant 13 : i32
      %shift_left3A_712 = vector.broadcast %shift_left3A_711 : i32 to vector<16xi32>
      %shift_left3A_713 = arith.shli %shift_right_arithmetic3A_710, %shift_left3A_712 : vector<16xi32>
      %and3A_714 = arith.constant 511 : i32
      %and3A_715 = vector.broadcast %and3A_714 : i32 to vector<16xi32>
      %and3A_716 = arith.andi %get3A_707, %and3A_715 : vector<16xi32>
      %shift_left3A_717 = arith.constant 4 : i32
      %shift_left3A_718 = vector.broadcast %shift_left3A_717 : i32 to vector<16xi32>
      %shift_left3A_719 = arith.shli %and3A_716, %shift_left3A_718 : vector<16xi32>
      %add3A_720 = arith.addi %shift_left3A_713, %shift_left3A_719 : vector<16xi32>
      %and3A_721 = arith.constant 8191 : i32
      %and3A_722 = vector.broadcast %and3A_721 : i32 to vector<16xi32>
      %and3A_723 = arith.andi %get3A_707, %and3A_722 : vector<16xi32>
      %shift_right_arithmetic3A_724 = arith.constant 9 : i32
      %shift_right_arithmetic3A_725 = vector.broadcast %shift_right_arithmetic3A_724 : i32 to vector<16xi32>
      %shift_right_arithmetic3A_726 = arith.shrsi %and3A_723, %shift_right_arithmetic3A_725 : vector<16xi32>
      %add3A_727 = arith.addi %add3A_720, %shift_right_arithmetic3A_726 : vector<16xi32>
      %get3A_728 = arith.constant 3 : i32
      %get3A_729 = arith.index_cast %get3A_728 : i32 to index
      %get3A_730 = arith.constant 32 : index
      %get3A_731 = tpu.vector_load %arg5[%get3A_729, %get3A_730] {strides = array<i32>} : memref<8x100xi32, #tpu.memory_space<vmem>>, vector<1x16xi32>,
      %get3A_732 = vector.shape_cast %get3A_731 : vector<1x16xi32> to vector<16xi32>
      %shift_right_arithmetic3A_733 = arith.constant 13 : i32
      %shift_right_arithmetic3A_734 = vector.broadcast %shift_right_arithmetic3A_733 : i32 to vector<16xi32>
      %shift_right_arithmetic3A_735 = arith.shrsi %get3A_732, %shift_right_arithmetic3A_734 : vector<16xi32>
      %shift_left3A_736 = arith.constant 13 : i32
      %shift_left3A_737 = vector.broadcast %shift_left3A_736 : i32 to vector<16xi32>
      %shift_left3A_738 = arith.shli %shift_right_arithmetic3A_735, %shift_left3A_737 : vector<16xi32>
      %and3A_739 = arith.constant 511 : i32
      %and3A_740 = vector.broadcast %and3A_739 : i32 to vector<16xi32>
      %and3A_741 = arith.andi %get3A_732, %and3A_740 : vector<16xi32>
      %shift_left3A_742 = arith.constant 4 : i32
      %shift_left3A_743 = vector.broadcast %shift_left3A_742 : i32 to vector<16xi32>
      %shift_left3A_744 = arith.shli %and3A_741, %shift_left3A_743 : vector<16xi32>
      %add3A_745 = arith.addi %shift_left3A_738, %shift_left3A_744 : vector<16xi32>
      %and3A_746 = arith.constant 8191 : i32
      %and3A_747 = vector.broadcast %and3A_746 : i32 to vector<16xi32>
      %and3A_748 = arith.andi %get3A_732, %and3A_747 : vector<16xi32>
      %shift_right_arithmetic3A_749 = arith.constant 9 : i32
      %shift_right_arithmetic3A_750 = vector.broadcast %shift_right_arithmetic3A_749 : i32 to vector<16xi32>
      %shift_right_arithmetic3A_751 = arith.shrsi %and3A_748, %shift_right_arithmetic3A_750 : vector<16xi32>
      %add3A_752 = arith.addi %add3A_745, %shift_right_arithmetic3A_751 : vector<16xi32>
      %get3A_753 = arith.constant 3 : i32
      %get3A_754 = arith.index_cast %get3A_753 : i32 to index
      %get3A_755 = arith.constant 48 : index
      %get3A_756 = tpu.vector_load %arg5[%get3A_754, %get3A_755] {strides = array<i32>} : memref<8x100xi32, #tpu.memory_space<vmem>>, vector<1x16xi32>,
      %get3A_757 = vector.shape_cast %get3A_756 : vector<1x16xi32> to vector<16xi32>
      %shift_right_arithmetic3A_758 = arith.constant 13 : i32
      %shift_right_arithmetic3A_759 = vector.broadcast %shift_right_arithmetic3A_758 : i32 to vector<16xi32>
      %shift_right_arithmetic3A_760 = arith.shrsi %get3A_757, %shift_right_arithmetic3A_759 : vector<16xi32>
      %shift_left3A_761 = arith.constant 13 : i32
      %shift_left3A_762 = vector.broadcast %shift_left3A_761 : i32 to vector<16xi32>
      %shift_left3A_763 = arith.shli %shift_right_arithmetic3A_760, %shift_left3A_762 : vector<16xi32>
      %and3A_764 = arith.constant 511 : i32
      %and3A_765 = vector.broadcast %and3A_764 : i32 to vector<16xi32>
      %and3A_766 = arith.andi %get3A_757, %and3A_765 : vector<16xi32>
      %shift_left3A_767 = arith.constant 4 : i32
      %shift_left3A_768 = vector.broadcast %shift_left3A_767 : i32 to vector<16xi32>
      %shift_left3A_769 = arith.shli %and3A_766, %shift_left3A_768 : vector<16xi32>
      %add3A_770 = arith.addi %shift_left3A_763, %shift_left3A_769 : vector<16xi32>
      %and3A_771 = arith.constant 8191 : i32
      %and3A_772 = vector.broadcast %and3A_771 : i32 to vector<16xi32>
      %and3A_773 = arith.andi %get3A_757, %and3A_772 : vector<16xi32>
      %shift_right_arithmetic3A_774 = arith.constant 9 : i32
      %shift_right_arithmetic3A_775 = vector.broadcast %shift_right_arithmetic3A_774 : i32 to vector<16xi32>
      %shift_right_arithmetic3A_776 = arith.shrsi %and3A_773, %shift_right_arithmetic3A_775 : vector<16xi32>
      %add3A_777 = arith.addi %add3A_770, %shift_right_arithmetic3A_776 : vector<16xi32>
      %get3A_778 = arith.constant 3 : i32
      %get3A_779 = arith.index_cast %get3A_778 : i32 to index
      %get3A_780 = arith.constant 64 : index
      %get3A_781 = tpu.vector_load %arg5[%get3A_779, %get3A_780] {strides = array<i32>} : memref<8x100xi32, #tpu.memory_space<vmem>>, vector<1x16xi32>,
      %get3A_782 = vector.shape_cast %get3A_781 : vector<1x16xi32> to vector<16xi32>
      %shift_right_arithmetic3A_783 = arith.constant 13 : i32
      %shift_right_arithmetic3A_784 = vector.broadcast %shift_right_arithmetic3A_783 : i32 to vector<16xi32>
      %shift_right_arithmetic3A_785 = arith.shrsi %get3A_782, %shift_right_arithmetic3A_784 : vector<16xi32>
      %shift_left3A_786 = arith.constant 13 : i32
      %shift_left3A_787 = vector.broadcast %shift_left3A_786 : i32 to vector<16xi32>
      %shift_left3A_788 = arith.shli %shift_right_arithmetic3A_785, %shift_left3A_787 : vector<16xi32>
      %and3A_789 = arith.constant 511 : i32
      %and3A_790 = vector.broadcast %and3A_789 : i32 to vector<16xi32>
      %and3A_791 = arith.andi %get3A_782, %and3A_790 : vector<16xi32>
      %shift_left3A_792 = arith.constant 4 : i32
      %shift_left3A_793 = vector.broadcast %shift_left3A_792 : i32 to vector<16xi32>
      %shift_left3A_794 = arith.shli %and3A_791, %shift_left3A_793 : vector<16xi32>
      %add3A_795 = arith.addi %shift_left3A_788, %shift_left3A_794 : vector<16xi32>
      %and3A_796 = arith.constant 8191 : i32
      %and3A_797 = vector.broadcast %and3A_796 : i32 to vector<16xi32>
      %and3A_798 = arith.andi %get3A_782, %and3A_797 : vector<16xi32>
      %shift_right_arithmetic3A_799 = arith.constant 9 : i32
      %shift_right_arithmetic3A_800 = vector.broadcast %shift_right_arithmetic3A_799 : i32 to vector<16xi32>
      %shift_right_arithmetic3A_801 = arith.shrsi %and3A_798, %shift_right_arithmetic3A_800 : vector<16xi32>
      %add3A_802 = arith.addi %add3A_795, %shift_right_arithmetic3A_801 : vector<16xi32>
      %get3A_803 = arith.constant 3 : i32
      %get3A_804 = arith.index_cast %get3A_803 : i32 to index
      %get3A_805 = arith.constant 80 : index
      %get3A_806 = tpu.vector_load %arg5[%get3A_804, %get3A_805] {strides = array<i32>} : memref<8x100xi32, #tpu.memory_space<vmem>>, vector<1x16xi32>,
      %get3A_807 = vector.shape_cast %get3A_806 : vector<1x16xi32> to vector<16xi32>
      %shift_right_arithmetic3A_808 = arith.constant 13 : i32
      %shift_right_arithmetic3A_809 = vector.broadcast %shift_right_arithmetic3A_808 : i32 to vector<16xi32>
      %shift_right_arithmetic3A_810 = arith.shrsi %get3A_807, %shift_right_arithmetic3A_809 : vector<16xi32>
      %shift_left3A_811 = arith.constant 13 : i32
      %shift_left3A_812 = vector.broadcast %shift_left3A_811 : i32 to vector<16xi32>
      %shift_left3A_813 = arith.shli %shift_right_arithmetic3A_810, %shift_left3A_812 : vector<16xi32>
      %and3A_814 = arith.constant 511 : i32
      %and3A_815 = vector.broadcast %and3A_814 : i32 to vector<16xi32>
      %and3A_816 = arith.andi %get3A_807, %and3A_815 : vector<16xi32>
      %shift_left3A_817 = arith.constant 4 : i32
      %shift_left3A_818 = vector.broadcast %shift_left3A_817 : i32 to vector<16xi32>
      %shift_left3A_819 = arith.shli %and3A_816, %shift_left3A_818 : vector<16xi32>
      %add3A_820 = arith.addi %shift_left3A_813, %shift_left3A_819 : vector<16xi32>
      %and3A_821 = arith.constant 8191 : i32
      %and3A_822 = vector.broadcast %and3A_821 : i32 to vector<16xi32>
      %and3A_823 = arith.andi %get3A_807, %and3A_822 : vector<16xi32>
      %shift_right_arithmetic3A_824 = arith.constant 9 : i32
      %shift_right_arithmetic3A_825 = vector.broadcast %shift_right_arithmetic3A_824 : i32 to vector<16xi32>
      %shift_right_arithmetic3A_826 = arith.shrsi %and3A_823, %shift_right_arithmetic3A_825 : vector<16xi32>
      %add3A_827 = arith.addi %add3A_820, %shift_right_arithmetic3A_826 : vector<16xi32>
      %get3A_828 = arith.constant 3 : i32
      %get3A_829 = arith.index_cast %get3A_828 : i32 to index
      %get3A_830 = arith.constant 84 : index
      %get3A_831 = tpu.vector_load %arg5[%get3A_829, %get3A_830] {strides = array<i32>} : memref<8x100xi32, #tpu.memory_space<vmem>>, vector<1x16xi32>,
      %get3A_832 = vector.shape_cast %get3A_831 : vector<1x16xi32> to vector<16xi32>
      %shift_right_arithmetic3A_833 = arith.constant 13 : i32
      %shift_right_arithmetic3A_834 = vector.broadcast %shift_right_arithmetic3A_833 : i32 to vector<16xi32>
      %shift_right_arithmetic3A_835 = arith.shrsi %get3A_832, %shift_right_arithmetic3A_834 : vector<16xi32>
      %shift_left3A_836 = arith.constant 13 : i32
      %shift_left3A_837 = vector.broadcast %shift_left3A_836 : i32 to vector<16xi32>
      %shift_left3A_838 = arith.shli %shift_right_arithmetic3A_835, %shift_left3A_837 : vector<16xi32>
      %and3A_839 = arith.constant 511 : i32
      %and3A_840 = vector.broadcast %and3A_839 : i32 to vector<16xi32>
      %and3A_841 = arith.andi %get3A_832, %and3A_840 : vector<16xi32>
      %shift_left3A_842 = arith.constant 4 : i32
      %shift_left3A_843 = vector.broadcast %shift_left3A_842 : i32 to vector<16xi32>
      %shift_left3A_844 = arith.shli %and3A_841, %shift_left3A_843 : vector<16xi32>
      %add3A_845 = arith.addi %shift_left3A_838, %shift_left3A_844 : vector<16xi32>
      %and3A_846 = arith.constant 8191 : i32
      %and3A_847 = vector.broadcast %and3A_846 : i32 to vector<16xi32>
      %and3A_848 = arith.andi %get3A_832, %and3A_847 : vector<16xi32>
      %shift_right_arithmetic3A_849 = arith.constant 9 : i32
      %shift_right_arithmetic3A_850 = vector.broadcast %shift_right_arithmetic3A_849 : i32 to vector<16xi32>
      %shift_right_arithmetic3A_851 = arith.shrsi %and3A_848, %shift_right_arithmetic3A_850 : vector<16xi32>
      %add3A_852 = arith.addi %add3A_845, %shift_right_arithmetic3A_851 : vector<16xi32>
      %swap3A_853 = arith.constant 3 : i32
      %swap3A_854 = arith.index_cast %swap3A_853 : i32 to index
      %swap3A_855 = arith.constant 0 : index
      %swap3A_856 = tpu.vector_load %arg5[%swap3A_854, %swap3A_855] {strides = array<i32>} : memref<8x100xi32, #tpu.memory_space<vmem>>, vector<1x16xi32>,
      %swap3A_857 = vector.shape_cast %swap3A_856 : vector<1x16xi32> to vector<16xi32>
      %swap3A_858 = vector.shape_cast %add3A_702 : vector<16xi32> to vector<1x16xi32>
      tpu.vector_store %arg5[%swap3A_854, %swap3A_855], %swap3A_858 {strides = array<i32>} : memref<8x100xi32, #tpu.memory_space<vmem>>, vector<1x16xi32>,
      %swap3A_859 = arith.constant 3 : i32
      %swap3A_860 = arith.index_cast %swap3A_859 : i32 to index
      %swap3A_861 = arith.constant 16 : index
      %swap3A_862 = tpu.vector_load %arg5[%swap3A_860, %swap3A_861] {strides = array<i32>} : memref<8x100xi32, #tpu.memory_space<vmem>>, vector<1x16xi32>,
      %swap3A_863 = vector.shape_cast %swap3A_862 : vector<1x16xi32> to vector<16xi32>
      %swap3A_864 = vector.shape_cast %add3A_727 : vector<16xi32> to vector<1x16xi32>
      tpu.vector_store %arg5[%swap3A_860, %swap3A_861], %swap3A_864 {strides = array<i32>} : memref<8x100xi32, #tpu.memory_space<vmem>>, vector<1x16xi32>,
      %swap3A_865 = arith.constant 3 : i32
      %swap3A_866 = arith.index_cast %swap3A_865 : i32 to index
      %swap3A_867 = arith.constant 32 : index
      %swap3A_868 = tpu.vector_load %arg5[%swap3A_866, %swap3A_867] {strides = array<i32>} : memref<8x100xi32, #tpu.memory_space<vmem>>, vector<1x16xi32>,
      %swap3A_869 = vector.shape_cast %swap3A_868 : vector<1x16xi32> to vector<16xi32>
      %swap3A_870 = vector.shape_cast %add3A_752 : vector<16xi32> to vector<1x16xi32>
      tpu.vector_store %arg5[%swap3A_866, %swap3A_867], %swap3A_870 {strides = array<i32>} : memref<8x100xi32, #tpu.memory_space<vmem>>, vector<1x16xi32>,
      %swap3A_871 = arith.constant 3 : i32
      %swap3A_872 = arith.index_cast %swap3A_871 : i32 to index
      %swap3A_873 = arith.constant 48 : index
      %swap3A_874 = tpu.vector_load %arg5[%swap3A_872, %swap3A_873] {strides = array<i32>} : memref<8x100xi32, #tpu.memory_space<vmem>>, vector<1x16xi32>,
      %swap3A_875 = vector.shape_cast %swap3A_874 : vector<1x16xi32> to vector<16xi32>
      %swap3A_876 = vector.shape_cast %add3A_777 : vector<16xi32> to vector<1x16xi32>
      tpu.vector_store %arg5[%swap3A_872, %swap3A_873], %swap3A_876 {strides = array<i32>} : memref<8x100xi32, #tpu.memory_space<vmem>>, vector<1x16xi32>,
      %swap3A_877 = arith.constant 3 : i32
      %swap3A_878 = arith.index_cast %swap3A_877 : i32 to index
      %swap3A_879 = arith.constant 64 : index
      %swap3A_880 = tpu.vector_load %arg5[%swap3A_878, %swap3A_879] {strides = array<i32>} : memref<8x100xi32, #tpu.memory_space<vmem>>, vector<1x16xi32>,
      %swap3A_881 = vector.shape_cast %swap3A_880 : vector<1x16xi32> to vector<16xi32>
      %swap3A_882 = vector.shape_cast %add3A_802 : vector<16xi32> to vector<1x16xi32>
      tpu.vector_store %arg5[%swap3A_878, %swap3A_879], %swap3A_882 {strides = array<i32>} : memref<8x100xi32, #tpu.memory_space<vmem>>, vector<1x16xi32>,
      %swap3A_883 = arith.constant 3 : i32
      %swap3A_884 = arith.index_cast %swap3A_883 : i32 to index
      %swap3A_885 = arith.constant 80 : index
      %swap3A_886 = tpu.vector_load %arg5[%swap3A_884, %swap3A_885] {strides = array<i32>} : memref<8x100xi32, #tpu.memory_space<vmem>>, vector<1x16xi32>,
      %swap3A_887 = vector.shape_cast %swap3A_886 : vector<1x16xi32> to vector<16xi32>
      %swap3A_888 = vector.shape_cast %add3A_827 : vector<16xi32> to vector<1x16xi32>
      tpu.vector_store %arg5[%swap3A_884, %swap3A_885], %swap3A_888 {strides = array<i32>} : memref<8x100xi32, #tpu.memory_space<vmem>>, vector<1x16xi32>,
      %swap3A_889 = arith.constant 3 : i32
      %swap3A_890 = arith.index_cast %swap3A_889 : i32 to index
      %swap3A_891 = arith.constant 84 : index
      %swap3A_892 = tpu.vector_load %arg5[%swap3A_890, %swap3A_891] {strides = array<i32>} : memref<8x100xi32, #tpu.memory_space<vmem>>, vector<1x16xi32>,
      %swap3A_893 = vector.shape_cast %swap3A_892 : vector<1x16xi32> to vector<16xi32>
      %swap3A_894 = vector.shape_cast %add3A_852 : vector<16xi32> to vector<1x16xi32>
      tpu.vector_store %arg5[%swap3A_890, %swap3A_891], %swap3A_894 {strides = array<i32>} : memref<8x100xi32, #tpu.memory_space<vmem>>, vector<1x16xi32>,
      %get3A_895 = arith.constant 4 : i32
      %get3A_896 = arith.index_cast %get3A_895 : i32 to index
      %get3A_897 = arith.constant 0 : index
      %get3A_898 = tpu.vector_load %arg5[%get3A_896, %get3A_897] {strides = array<i32>} : memref<8x100xi32, #tpu.memory_space<vmem>>, vector<1x16xi32>,
      %get3A_899 = vector.shape_cast %get3A_898 : vector<1x16xi32> to vector<16xi32>
      %shift_right_arithmetic3A_900 = arith.constant 13 : i32
      %shift_right_arithmetic3A_901 = vector.broadcast %shift_right_arithmetic3A_900 : i32 to vector<16xi32>
      %shift_right_arithmetic3A_902 = arith.shrsi %get3A_899, %shift_right_arithmetic3A_901 : vector<16xi32>
      %shift_left3A_903 = arith.constant 13 : i32
      %shift_left3A_904 = vector.broadcast %shift_left3A_903 : i32 to vector<16xi32>
      %shift_left3A_905 = arith.shli %shift_right_arithmetic3A_902, %shift_left3A_904 : vector<16xi32>
      %and3A_906 = arith.constant 511 : i32
      %and3A_907 = vector.broadcast %and3A_906 : i32 to vector<16xi32>
      %and3A_908 = arith.andi %get3A_899, %and3A_907 : vector<16xi32>
      %shift_left3A_909 = arith.constant 4 : i32
      %shift_left3A_910 = vector.broadcast %shift_left3A_909 : i32 to vector<16xi32>
      %shift_left3A_911 = arith.shli %and3A_908, %shift_left3A_910 : vector<16xi32>
      %add3A_912 = arith.addi %shift_left3A_905, %shift_left3A_911 : vector<16xi32>
      %and3A_913 = arith.constant 8191 : i32
      %and3A_914 = vector.broadcast %and3A_913 : i32 to vector<16xi32>
      %and3A_915 = arith.andi %get3A_899, %and3A_914 : vector<16xi32>
      %shift_right_arithmetic3A_916 = arith.constant 9 : i32
      %shift_right_arithmetic3A_917 = vector.broadcast %shift_right_arithmetic3A_916 : i32 to vector<16xi32>
      %shift_right_arithmetic3A_918 = arith.shrsi %and3A_915, %shift_right_arithmetic3A_917 : vector<16xi32>
      %add3A_919 = arith.addi %add3A_912, %shift_right_arithmetic3A_918 : vector<16xi32>
      %get3A_920 = arith.constant 4 : i32
      %get3A_921 = arith.index_cast %get3A_920 : i32 to index
      %get3A_922 = arith.constant 16 : index
      %get3A_923 = tpu.vector_load %arg5[%get3A_921, %get3A_922] {strides = array<i32>} : memref<8x100xi32, #tpu.memory_space<vmem>>, vector<1x16xi32>,
      %get3A_924 = vector.shape_cast %get3A_923 : vector<1x16xi32> to vector<16xi32>
      %shift_right_arithmetic3A_925 = arith.constant 13 : i32
      %shift_right_arithmetic3A_926 = vector.broadcast %shift_right_arithmetic3A_925 : i32 to vector<16xi32>
      %shift_right_arithmetic3A_927 = arith.shrsi %get3A_924, %shift_right_arithmetic3A_926 : vector<16xi32>
      %shift_left3A_928 = arith.constant 13 : i32
      %shift_left3A_929 = vector.broadcast %shift_left3A_928 : i32 to vector<16xi32>
      %shift_left3A_930 = arith.shli %shift_right_arithmetic3A_927, %shift_left3A_929 : vector<16xi32>
      %and3A_931 = arith.constant 511 : i32
      %and3A_932 = vector.broadcast %and3A_931 : i32 to vector<16xi32>
      %and3A_933 = arith.andi %get3A_924, %and3A_932 : vector<16xi32>
      %shift_left3A_934 = arith.constant 4 : i32
      %shift_left3A_935 = vector.broadcast %shift_left3A_934 : i32 to vector<16xi32>
      %shift_left3A_936 = arith.shli %and3A_933, %shift_left3A_935 : vector<16xi32>
      %add3A_937 = arith.addi %shift_left3A_930, %shift_left3A_936 : vector<16xi32>
      %and3A_938 = arith.constant 8191 : i32
      %and3A_939 = vector.broadcast %and3A_938 : i32 to vector<16xi32>
      %and3A_940 = arith.andi %get3A_924, %and3A_939 : vector<16xi32>
      %shift_right_arithmetic3A_941 = arith.constant 9 : i32
      %shift_right_arithmetic3A_942 = vector.broadcast %shift_right_arithmetic3A_941 : i32 to vector<16xi32>
      %shift_right_arithmetic3A_943 = arith.shrsi %and3A_940, %shift_right_arithmetic3A_942 : vector<16xi32>
      %add3A_944 = arith.addi %add3A_937, %shift_right_arithmetic3A_943 : vector<16xi32>
      %get3A_945 = arith.constant 4 : i32
      %get3A_946 = arith.index_cast %get3A_945 : i32 to index
      %get3A_947 = arith.constant 32 : index
      %get3A_948 = tpu.vector_load %arg5[%get3A_946, %get3A_947] {strides = array<i32>} : memref<8x100xi32, #tpu.memory_space<vmem>>, vector<1x16xi32>,
      %get3A_949 = vector.shape_cast %get3A_948 : vector<1x16xi32> to vector<16xi32>
      %shift_right_arithmetic3A_950 = arith.constant 13 : i32
      %shift_right_arithmetic3A_951 = vector.broadcast %shift_right_arithmetic3A_950 : i32 to vector<16xi32>
      %shift_right_arithmetic3A_952 = arith.shrsi %get3A_949, %shift_right_arithmetic3A_951 : vector<16xi32>
      %shift_left3A_953 = arith.constant 13 : i32
      %shift_left3A_954 = vector.broadcast %shift_left3A_953 : i32 to vector<16xi32>
      %shift_left3A_955 = arith.shli %shift_right_arithmetic3A_952, %shift_left3A_954 : vector<16xi32>
      %and3A_956 = arith.constant 511 : i32
      %and3A_957 = vector.broadcast %and3A_956 : i32 to vector<16xi32>
      %and3A_958 = arith.andi %get3A_949, %and3A_957 : vector<16xi32>
      %shift_left3A_959 = arith.constant 4 : i32
      %shift_left3A_960 = vector.broadcast %shift_left3A_959 : i32 to vector<16xi32>
      %shift_left3A_961 = arith.shli %and3A_958, %shift_left3A_960 : vector<16xi32>
      %add3A_962 = arith.addi %shift_left3A_955, %shift_left3A_961 : vector<16xi32>
      %and3A_963 = arith.constant 8191 : i32
      %and3A_964 = vector.broadcast %and3A_963 : i32 to vector<16xi32>
      %and3A_965 = arith.andi %get3A_949, %and3A_964 : vector<16xi32>
      %shift_right_arithmetic3A_966 = arith.constant 9 : i32
      %shift_right_arithmetic3A_967 = vector.broadcast %shift_right_arithmetic3A_966 : i32 to vector<16xi32>
      %shift_right_arithmetic3A_968 = arith.shrsi %and3A_965, %shift_right_arithmetic3A_967 : vector<16xi32>
      %add3A_969 = arith.addi %add3A_962, %shift_right_arithmetic3A_968 : vector<16xi32>
      %get3A_970 = arith.constant 4 : i32
      %get3A_971 = arith.index_cast %get3A_970 : i32 to index
      %get3A_972 = arith.constant 48 : index
      %get3A_973 = tpu.vector_load %arg5[%get3A_971, %get3A_972] {strides = array<i32>} : memref<8x100xi32, #tpu.memory_space<vmem>>, vector<1x16xi32>,
      %get3A_974 = vector.shape_cast %get3A_973 : vector<1x16xi32> to vector<16xi32>
      %shift_right_arithmetic3A_975 = arith.constant 13 : i32
      %shift_right_arithmetic3A_976 = vector.broadcast %shift_right_arithmetic3A_975 : i32 to vector<16xi32>
      %shift_right_arithmetic3A_977 = arith.shrsi %get3A_974, %shift_right_arithmetic3A_976 : vector<16xi32>
      %shift_left3A_978 = arith.constant 13 : i32
      %shift_left3A_979 = vector.broadcast %shift_left3A_978 : i32 to vector<16xi32>
      %shift_left3A_980 = arith.shli %shift_right_arithmetic3A_977, %shift_left3A_979 : vector<16xi32>
      %and3A_981 = arith.constant 511 : i32
      %and3A_982 = vector.broadcast %and3A_981 : i32 to vector<16xi32>
      %and3A_983 = arith.andi %get3A_974, %and3A_982 : vector<16xi32>
      %shift_left3A_984 = arith.constant 4 : i32
      %shift_left3A_985 = vector.broadcast %shift_left3A_984 : i32 to vector<16xi32>
      %shift_left3A_986 = arith.shli %and3A_983, %shift_left3A_985 : vector<16xi32>
      %add3A_987 = arith.addi %shift_left3A_980, %shift_left3A_986 : vector<16xi32>
      %and3A_988 = arith.constant 8191 : i32
      %and3A_989 = vector.broadcast %and3A_988 : i32 to vector<16xi32>
      %and3A_990 = arith.andi %get3A_974, %and3A_989 : vector<16xi32>
      %shift_right_arithmetic3A_991 = arith.constant 9 : i32
      %shift_right_arithmetic3A_992 = vector.broadcast %shift_right_arithmetic3A_991 : i32 to vector<16xi32>
      %shift_right_arithmetic3A_993 = arith.shrsi %and3A_990, %shift_right_arithmetic3A_992 : vector<16xi32>
      %add3A_994 = arith.addi %add3A_987, %shift_right_arithmetic3A_993 : vector<16xi32>
      %get3A_995 = arith.constant 4 : i32
      %get3A_996 = arith.index_cast %get3A_995 : i32 to index
      %get3A_997 = arith.constant 64 : index
      %get3A_998 = tpu.vector_load %arg5[%get3A_996, %get3A_997] {strides = array<i32>} : memref<8x100xi32, #tpu.memory_space<vmem>>, vector<1x16xi32>,
      %get3A_999 = vector.shape_cast %get3A_998 : vector<1x16xi32> to vector<16xi32>
      %shift_right_arithmetic3A_1000 = arith.constant 13 : i32
      %shift_right_arithmetic3A_1001 = vector.broadcast %shift_right_arithmetic3A_1000 : i32 to vector<16xi32>
      %shift_right_arithmetic3A_1002 = arith.shrsi %get3A_999, %shift_right_arithmetic3A_1001 : vector<16xi32>
      %shift_left3A_1003 = arith.constant 13 : i32
      %shift_left3A_1004 = vector.broadcast %shift_left3A_1003 : i32 to vector<16xi32>
      %shift_left3A_1005 = arith.shli %shift_right_arithmetic3A_1002, %shift_left3A_1004 : vector<16xi32>
      %and3A_1006 = arith.constant 511 : i32
      %and3A_1007 = vector.broadcast %and3A_1006 : i32 to vector<16xi32>
      %and3A_1008 = arith.andi %get3A_999, %and3A_1007 : vector<16xi32>
      %shift_left3A_1009 = arith.constant 4 : i32
      %shift_left3A_1010 = vector.broadcast %shift_left3A_1009 : i32 to vector<16xi32>
      %shift_left3A_1011 = arith.shli %and3A_1008, %shift_left3A_1010 : vector<16xi32>
      %add3A_1012 = arith.addi %shift_left3A_1005, %shift_left3A_1011 : vector<16xi32>
      %and3A_1013 = arith.constant 8191 : i32
      %and3A_1014 = vector.broadcast %and3A_1013 : i32 to vector<16xi32>
      %and3A_1015 = arith.andi %get3A_999, %and3A_1014 : vector<16xi32>
      %shift_right_arithmetic3A_1016 = arith.constant 9 : i32
      %shift_right_arithmetic3A_1017 = vector.broadcast %shift_right_arithmetic3A_1016 : i32 to vector<16xi32>
      %shift_right_arithmetic3A_1018 = arith.shrsi %and3A_1015, %shift_right_arithmetic3A_1017 : vector<16xi32>
      %add3A_1019 = arith.addi %add3A_1012, %shift_right_arithmetic3A_1018 : vector<16xi32>
      %get3A_1020 = arith.constant 4 : i32
      %get3A_1021 = arith.index_cast %get3A_1020 : i32 to index
      %get3A_1022 = arith.constant 80 : index
      %get3A_1023 = tpu.vector_load %arg5[%get3A_1021, %get3A_1022] {strides = array<i32>} : memref<8x100xi32, #tpu.memory_space<vmem>>, vector<1x16xi32>,
      %get3A_1024 = vector.shape_cast %get3A_1023 : vector<1x16xi32> to vector<16xi32>
      %shift_right_arithmetic3A_1025 = arith.constant 13 : i32
      %shift_right_arithmetic3A_1026 = vector.broadcast %shift_right_arithmetic3A_1025 : i32 to vector<16xi32>
      %shift_right_arithmetic3A_1027 = arith.shrsi %get3A_1024, %shift_right_arithmetic3A_1026 : vector<16xi32>
      %shift_left3A_1028 = arith.constant 13 : i32
      %shift_left3A_1029 = vector.broadcast %shift_left3A_1028 : i32 to vector<16xi32>
      %shift_left3A_1030 = arith.shli %shift_right_arithmetic3A_1027, %shift_left3A_1029 : vector<16xi32>
      %and3A_1031 = arith.constant 511 : i32
      %and3A_1032 = vector.broadcast %and3A_1031 : i32 to vector<16xi32>
      %and3A_1033 = arith.andi %get3A_1024, %and3A_1032 : vector<16xi32>
      %shift_left3A_1034 = arith.constant 4 : i32
      %shift_left3A_1035 = vector.broadcast %shift_left3A_1034 : i32 to vector<16xi32>
      %shift_left3A_1036 = arith.shli %and3A_1033, %shift_left3A_1035 : vector<16xi32>
      %add3A_1037 = arith.addi %shift_left3A_1030, %shift_left3A_1036 : vector<16xi32>
      %and3A_1038 = arith.constant 8191 : i32
      %and3A_1039 = vector.broadcast %and3A_1038 : i32 to vector<16xi32>
      %and3A_1040 = arith.andi %get3A_1024, %and3A_1039 : vector<16xi32>
      %shift_right_arithmetic3A_1041 = arith.constant 9 : i32
      %shift_right_arithmetic3A_1042 = vector.broadcast %shift_right_arithmetic3A_1041 : i32 to vector<16xi32>
      %shift_right_arithmetic3A_1043 = arith.shrsi %and3A_1040, %shift_right_arithmetic3A_1042 : vector<16xi32>
      %add3A_1044 = arith.addi %add3A_1037, %shift_right_arithmetic3A_1043 : vector<16xi32>
      %get3A_1045 = arith.constant 4 : i32
      %get3A_1046 = arith.index_cast %get3A_1045 : i32 to index
      %get3A_1047 = arith.constant 84 : index
      %get3A_1048 = tpu.vector_load %arg5[%get3A_1046, %get3A_1047] {strides = array<i32>} : memref<8x100xi32, #tpu.memory_space<vmem>>, vector<1x16xi32>,
      %get3A_1049 = vector.shape_cast %get3A_1048 : vector<1x16xi32> to vector<16xi32>
      %shift_right_arithmetic3A_1050 = arith.constant 13 : i32
      %shift_right_arithmetic3A_1051 = vector.broadcast %shift_right_arithmetic3A_1050 : i32 to vector<16xi32>
      %shift_right_arithmetic3A_1052 = arith.shrsi %get3A_1049, %shift_right_arithmetic3A_1051 : vector<16xi32>
      %shift_left3A_1053 = arith.constant 13 : i32
      %shift_left3A_1054 = vector.broadcast %shift_left3A_1053 : i32 to vector<16xi32>
      %shift_left3A_1055 = arith.shli %shift_right_arithmetic3A_1052, %shift_left3A_1054 : vector<16xi32>
      %and3A_1056 = arith.constant 511 : i32
      %and3A_1057 = vector.broadcast %and3A_1056 : i32 to vector<16xi32>
      %and3A_1058 = arith.andi %get3A_1049, %and3A_1057 : vector<16xi32>
      %shift_left3A_1059 = arith.constant 4 : i32
      %shift_left3A_1060 = vector.broadcast %shift_left3A_1059 : i32 to vector<16xi32>
      %shift_left3A_1061 = arith.shli %and3A_1058, %shift_left3A_1060 : vector<16xi32>
      %add3A_1062 = arith.addi %shift_left3A_1055, %shift_left3A_1061 : vector<16xi32>
      %and3A_1063 = arith.constant 8191 : i32
      %and3A_1064 = vector.broadcast %and3A_1063 : i32 to vector<16xi32>
      %and3A_1065 = arith.andi %get3A_1049, %and3A_1064 : vector<16xi32>
      %shift_right_arithmetic3A_1066 = arith.constant 9 : i32
      %shift_right_arithmetic3A_1067 = vector.broadcast %shift_right_arithmetic3A_1066 : i32 to vector<16xi32>
      %shift_right_arithmetic3A_1068 = arith.shrsi %and3A_1065, %shift_right_arithmetic3A_1067 : vector<16xi32>
      %add3A_1069 = arith.addi %add3A_1062, %shift_right_arithmetic3A_1068 : vector<16xi32>
      %swap3A_1070 = arith.constant 4 : i32
      %swap3A_1071 = arith.index_cast %swap3A_1070 : i32 to index
      %swap3A_1072 = arith.constant 0 : index
      %swap3A_1073 = tpu.vector_load %arg5[%swap3A_1071, %swap3A_1072] {strides = array<i32>} : memref<8x100xi32, #tpu.memory_space<vmem>>, vector<1x16xi32>,
      %swap3A_1074 = vector.shape_cast %swap3A_1073 : vector<1x16xi32> to vector<16xi32>
      %swap3A_1075 = vector.shape_cast %add3A_919 : vector<16xi32> to vector<1x16xi32>
      tpu.vector_store %arg5[%swap3A_1071, %swap3A_1072], %swap3A_1075 {strides = array<i32>} : memref<8x100xi32, #tpu.memory_space<vmem>>, vector<1x16xi32>,
      %swap3A_1076 = arith.constant 4 : i32
      %swap3A_1077 = arith.index_cast %swap3A_1076 : i32 to index
      %swap3A_1078 = arith.constant 16 : index
      %swap3A_1079 = tpu.vector_load %arg5[%swap3A_1077, %swap3A_1078] {strides = array<i32>} : memref<8x100xi32, #tpu.memory_space<vmem>>, vector<1x16xi32>,
      %swap3A_1080 = vector.shape_cast %swap3A_1079 : vector<1x16xi32> to vector<16xi32>
      %swap3A_1081 = vector.shape_cast %add3A_944 : vector<16xi32> to vector<1x16xi32>
      tpu.vector_store %arg5[%swap3A_1077, %swap3A_1078], %swap3A_1081 {strides = array<i32>} : memref<8x100xi32, #tpu.memory_space<vmem>>, vector<1x16xi32>,
      %swap3A_1082 = arith.constant 4 : i32
      %swap3A_1083 = arith.index_cast %swap3A_1082 : i32 to index
      %swap3A_1084 = arith.constant 32 : index
      %swap3A_1085 = tpu.vector_load %arg5[%swap3A_1083, %swap3A_1084] {strides = array<i32>} : memref<8x100xi32, #tpu.memory_space<vmem>>, vector<1x16xi32>,
      %swap3A_1086 = vector.shape_cast %swap3A_1085 : vector<1x16xi32> to vector<16xi32>
      %swap3A_1087 = vector.shape_cast %add3A_969 : vector<16xi32> to vector<1x16xi32>
      tpu.vector_store %arg5[%swap3A_1083, %swap3A_1084], %swap3A_1087 {strides = array<i32>} : memref<8x100xi32, #tpu.memory_space<vmem>>, vector<1x16xi32>,
      %swap3A_1088 = arith.constant 4 : i32
      %swap3A_1089 = arith.index_cast %swap3A_1088 : i32 to index
      %swap3A_1090 = arith.constant 48 : index
      %swap3A_1091 = tpu.vector_load %arg5[%swap3A_1089, %swap3A_1090] {strides = array<i32>} : memref<8x100xi32, #tpu.memory_space<vmem>>, vector<1x16xi32>,
      %swap3A_1092 = vector.shape_cast %swap3A_1091 : vector<1x16xi32> to vector<16xi32>
      %swap3A_1093 = vector.shape_cast %add3A_994 : vector<16xi32> to vector<1x16xi32>
      tpu.vector_store %arg5[%swap3A_1089, %swap3A_1090], %swap3A_1093 {strides = array<i32>} : memref<8x100xi32, #tpu.memory_space<vmem>>, vector<1x16xi32>,
      %swap3A_1094 = arith.constant 4 : i32
      %swap3A_1095 = arith.index_cast %swap3A_1094 : i32 to index
      %swap3A_1096 = arith.constant 64 : index
      %swap3A_1097 = tpu.vector_load %arg5[%swap3A_1095, %swap3A_1096] {strides = array<i32>} : memref<8x100xi32, #tpu.memory_space<vmem>>, vector<1x16xi32>,
      %swap3A_1098 = vector.shape_cast %swap3A_1097 : vector<1x16xi32> to vector<16xi32>
      %swap3A_1099 = vector.shape_cast %add3A_1019 : vector<16xi32> to vector<1x16xi32>
      tpu.vector_store %arg5[%swap3A_1095, %swap3A_1096], %swap3A_1099 {strides = array<i32>} : memref<8x100xi32, #tpu.memory_space<vmem>>, vector<1x16xi32>,
      %swap3A_1100 = arith.constant 4 : i32
      %swap3A_1101 = arith.index_cast %swap3A_1100 : i32 to index
      %swap3A_1102 = arith.constant 80 : index
      %swap3A_1103 = tpu.vector_load %arg5[%swap3A_1101, %swap3A_1102] {strides = array<i32>} : memref<8x100xi32, #tpu.memory_space<vmem>>, vector<1x16xi32>,
      %swap3A_1104 = vector.shape_cast %swap3A_1103 : vector<1x16xi32> to vector<16xi32>
      %swap3A_1105 = vector.shape_cast %add3A_1044 : vector<16xi32> to vector<1x16xi32>
      tpu.vector_store %arg5[%swap3A_1101, %swap3A_1102], %swap3A_1105 {strides = array<i32>} : memref<8x100xi32, #tpu.memory_space<vmem>>, vector<1x16xi32>,
      %swap3A_1106 = arith.constant 4 : i32
      %swap3A_1107 = arith.index_cast %swap3A_1106 : i32 to index
      %swap3A_1108 = arith.constant 84 : index
      %swap3A_1109 = tpu.vector_load %arg5[%swap3A_1107, %swap3A_1108] {strides = array<i32>} : memref<8x100xi32, #tpu.memory_space<vmem>>, vector<1x16xi32>,
      %swap3A_1110 = vector.shape_cast %swap3A_1109 : vector<1x16xi32> to vector<16xi32>
      %swap3A_1111 = vector.shape_cast %add3A_1069 : vector<16xi32> to vector<1x16xi32>
      tpu.vector_store %arg5[%swap3A_1107, %swap3A_1108], %swap3A_1111 {strides = array<i32>} : memref<8x100xi32, #tpu.memory_space<vmem>>, vector<1x16xi32>,
      %get3A_1112 = arith.constant 5 : i32
      %get3A_1113 = arith.index_cast %get3A_1112 : i32 to index
      %get3A_1114 = arith.constant 0 : index
      %get3A_1115 = tpu.vector_load %arg5[%get3A_1113, %get3A_1114] {strides = array<i32>} : memref<8x100xi32, #tpu.memory_space<vmem>>, vector<1x16xi32>,
      %get3A_1116 = vector.shape_cast %get3A_1115 : vector<1x16xi32> to vector<16xi32>
      %shift_right_arithmetic3A_1117 = arith.constant 13 : i32
      %shift_right_arithmetic3A_1118 = vector.broadcast %shift_right_arithmetic3A_1117 : i32 to vector<16xi32>
      %shift_right_arithmetic3A_1119 = arith.shrsi %get3A_1116, %shift_right_arithmetic3A_1118 : vector<16xi32>
      %shift_left3A_1120 = arith.constant 13 : i32
      %shift_left3A_1121 = vector.broadcast %shift_left3A_1120 : i32 to vector<16xi32>
      %shift_left3A_1122 = arith.shli %shift_right_arithmetic3A_1119, %shift_left3A_1121 : vector<16xi32>
      %and3A_1123 = arith.constant 511 : i32
      %and3A_1124 = vector.broadcast %and3A_1123 : i32 to vector<16xi32>
      %and3A_1125 = arith.andi %get3A_1116, %and3A_1124 : vector<16xi32>
      %shift_left3A_1126 = arith.constant 4 : i32
      %shift_left3A_1127 = vector.broadcast %shift_left3A_1126 : i32 to vector<16xi32>
      %shift_left3A_1128 = arith.shli %and3A_1125, %shift_left3A_1127 : vector<16xi32>
      %add3A_1129 = arith.addi %shift_left3A_1122, %shift_left3A_1128 : vector<16xi32>
      %and3A_1130 = arith.constant 8191 : i32
      %and3A_1131 = vector.broadcast %and3A_1130 : i32 to vector<16xi32>
      %and3A_1132 = arith.andi %get3A_1116, %and3A_1131 : vector<16xi32>
      %shift_right_arithmetic3A_1133 = arith.constant 9 : i32
      %shift_right_arithmetic3A_1134 = vector.broadcast %shift_right_arithmetic3A_1133 : i32 to vector<16xi32>
      %shift_right_arithmetic3A_1135 = arith.shrsi %and3A_1132, %shift_right_arithmetic3A_1134 : vector<16xi32>
      %add3A_1136 = arith.addi %add3A_1129, %shift_right_arithmetic3A_1135 : vector<16xi32>
      %get3A_1137 = arith.constant 5 : i32
      %get3A_1138 = arith.index_cast %get3A_1137 : i32 to index
      %get3A_1139 = arith.constant 16 : index
      %get3A_1140 = tpu.vector_load %arg5[%get3A_1138, %get3A_1139] {strides = array<i32>} : memref<8x100xi32, #tpu.memory_space<vmem>>, vector<1x16xi32>,
      %get3A_1141 = vector.shape_cast %get3A_1140 : vector<1x16xi32> to vector<16xi32>
      %shift_right_arithmetic3A_1142 = arith.constant 13 : i32
      %shift_right_arithmetic3A_1143 = vector.broadcast %shift_right_arithmetic3A_1142 : i32 to vector<16xi32>
      %shift_right_arithmetic3A_1144 = arith.shrsi %get3A_1141, %shift_right_arithmetic3A_1143 : vector<16xi32>
      %shift_left3A_1145 = arith.constant 13 : i32
      %shift_left3A_1146 = vector.broadcast %shift_left3A_1145 : i32 to vector<16xi32>
      %shift_left3A_1147 = arith.shli %shift_right_arithmetic3A_1144, %shift_left3A_1146 : vector<16xi32>
      %and3A_1148 = arith.constant 511 : i32
      %and3A_1149 = vector.broadcast %and3A_1148 : i32 to vector<16xi32>
      %and3A_1150 = arith.andi %get3A_1141, %and3A_1149 : vector<16xi32>
      %shift_left3A_1151 = arith.constant 4 : i32
      %shift_left3A_1152 = vector.broadcast %shift_left3A_1151 : i32 to vector<16xi32>
      %shift_left3A_1153 = arith.shli %and3A_1150, %shift_left3A_1152 : vector<16xi32>
      %add3A_1154 = arith.addi %shift_left3A_1147, %shift_left3A_1153 : vector<16xi32>
      %and3A_1155 = arith.constant 8191 : i32
      %and3A_1156 = vector.broadcast %and3A_1155 : i32 to vector<16xi32>
      %and3A_1157 = arith.andi %get3A_1141, %and3A_1156 : vector<16xi32>
      %shift_right_arithmetic3A_1158 = arith.constant 9 : i32
      %shift_right_arithmetic3A_1159 = vector.broadcast %shift_right_arithmetic3A_1158 : i32 to vector<16xi32>
      %shift_right_arithmetic3A_1160 = arith.shrsi %and3A_1157, %shift_right_arithmetic3A_1159 : vector<16xi32>
      %add3A_1161 = arith.addi %add3A_1154, %shift_right_arithmetic3A_1160 : vector<16xi32>
      %get3A_1162 = arith.constant 5 : i32
      %get3A_1163 = arith.index_cast %get3A_1162 : i32 to index
      %get3A_1164 = arith.constant 32 : index
      %get3A_1165 = tpu.vector_load %arg5[%get3A_1163, %get3A_1164] {strides = array<i32>} : memref<8x100xi32, #tpu.memory_space<vmem>>, vector<1x16xi32>,
      %get3A_1166 = vector.shape_cast %get3A_1165 : vector<1x16xi32> to vector<16xi32>
      %shift_right_arithmetic3A_1167 = arith.constant 13 : i32
      %shift_right_arithmetic3A_1168 = vector.broadcast %shift_right_arithmetic3A_1167 : i32 to vector<16xi32>
      %shift_right_arithmetic3A_1169 = arith.shrsi %get3A_1166, %shift_right_arithmetic3A_1168 : vector<16xi32>
      %shift_left3A_1170 = arith.constant 13 : i32
      %shift_left3A_1171 = vector.broadcast %shift_left3A_1170 : i32 to vector<16xi32>
      %shift_left3A_1172 = arith.shli %shift_right_arithmetic3A_1169, %shift_left3A_1171 : vector<16xi32>
      %and3A_1173 = arith.constant 511 : i32
      %and3A_1174 = vector.broadcast %and3A_1173 : i32 to vector<16xi32>
      %and3A_1175 = arith.andi %get3A_1166, %and3A_1174 : vector<16xi32>
      %shift_left3A_1176 = arith.constant 4 : i32
      %shift_left3A_1177 = vector.broadcast %shift_left3A_1176 : i32 to vector<16xi32>
      %shift_left3A_1178 = arith.shli %and3A_1175, %shift_left3A_1177 : vector<16xi32>
      %add3A_1179 = arith.addi %shift_left3A_1172, %shift_left3A_1178 : vector<16xi32>
      %and3A_1180 = arith.constant 8191 : i32
      %and3A_1181 = vector.broadcast %and3A_1180 : i32 to vector<16xi32>
      %and3A_1182 = arith.andi %get3A_1166, %and3A_1181 : vector<16xi32>
      %shift_right_arithmetic3A_1183 = arith.constant 9 : i32
      %shift_right_arithmetic3A_1184 = vector.broadcast %shift_right_arithmetic3A_1183 : i32 to vector<16xi32>
      %shift_right_arithmetic3A_1185 = arith.shrsi %and3A_1182, %shift_right_arithmetic3A_1184 : vector<16xi32>
      %add3A_1186 = arith.addi %add3A_1179, %shift_right_arithmetic3A_1185 : vector<16xi32>
      %get3A_1187 = arith.constant 5 : i32
      %get3A_1188 = arith.index_cast %get3A_1187 : i32 to index
      %get3A_1189 = arith.constant 48 : index
      %get3A_1190 = tpu.vector_load %arg5[%get3A_1188, %get3A_1189] {strides = array<i32>} : memref<8x100xi32, #tpu.memory_space<vmem>>, vector<1x16xi32>,
      %get3A_1191 = vector.shape_cast %get3A_1190 : vector<1x16xi32> to vector<16xi32>
      %shift_right_arithmetic3A_1192 = arith.constant 13 : i32
      %shift_right_arithmetic3A_1193 = vector.broadcast %shift_right_arithmetic3A_1192 : i32 to vector<16xi32>
      %shift_right_arithmetic3A_1194 = arith.shrsi %get3A_1191, %shift_right_arithmetic3A_1193 : vector<16xi32>
      %shift_left3A_1195 = arith.constant 13 : i32
      %shift_left3A_1196 = vector.broadcast %shift_left3A_1195 : i32 to vector<16xi32>
      %shift_left3A_1197 = arith.shli %shift_right_arithmetic3A_1194, %shift_left3A_1196 : vector<16xi32>
      %and3A_1198 = arith.constant 511 : i32
      %and3A_1199 = vector.broadcast %and3A_1198 : i32 to vector<16xi32>
      %and3A_1200 = arith.andi %get3A_1191, %and3A_1199 : vector<16xi32>
      %shift_left3A_1201 = arith.constant 4 : i32
      %shift_left3A_1202 = vector.broadcast %shift_left3A_1201 : i32 to vector<16xi32>
      %shift_left3A_1203 = arith.shli %and3A_1200, %shift_left3A_1202 : vector<16xi32>
      %add3A_1204 = arith.addi %shift_left3A_1197, %shift_left3A_1203 : vector<16xi32>
      %and3A_1205 = arith.constant 8191 : i32
      %and3A_1206 = vector.broadcast %and3A_1205 : i32 to vector<16xi32>
      %and3A_1207 = arith.andi %get3A_1191, %and3A_1206 : vector<16xi32>
      %shift_right_arithmetic3A_1208 = arith.constant 9 : i32
      %shift_right_arithmetic3A_1209 = vector.broadcast %shift_right_arithmetic3A_1208 : i32 to vector<16xi32>
      %shift_right_arithmetic3A_1210 = arith.shrsi %and3A_1207, %shift_right_arithmetic3A_1209 : vector<16xi32>
      %add3A_1211 = arith.addi %add3A_1204, %shift_right_arithmetic3A_1210 : vector<16xi32>
      %get3A_1212 = arith.constant 5 : i32
      %get3A_1213 = arith.index_cast %get3A_1212 : i32 to index
      %get3A_1214 = arith.constant 64 : index
      %get3A_1215 = tpu.vector_load %arg5[%get3A_1213, %get3A_1214] {strides = array<i32>} : memref<8x100xi32, #tpu.memory_space<vmem>>, vector<1x16xi32>,
      %get3A_1216 = vector.shape_cast %get3A_1215 : vector<1x16xi32> to vector<16xi32>
      %shift_right_arithmetic3A_1217 = arith.constant 13 : i32
      %shift_right_arithmetic3A_1218 = vector.broadcast %shift_right_arithmetic3A_1217 : i32 to vector<16xi32>
      %shift_right_arithmetic3A_1219 = arith.shrsi %get3A_1216, %shift_right_arithmetic3A_1218 : vector<16xi32>
      %shift_left3A_1220 = arith.constant 13 : i32
      %shift_left3A_1221 = vector.broadcast %shift_left3A_1220 : i32 to vector<16xi32>
      %shift_left3A_1222 = arith.shli %shift_right_arithmetic3A_1219, %shift_left3A_1221 : vector<16xi32>
      %and3A_1223 = arith.constant 511 : i32
      %and3A_1224 = vector.broadcast %and3A_1223 : i32 to vector<16xi32>
      %and3A_1225 = arith.andi %get3A_1216, %and3A_1224 : vector<16xi32>
      %shift_left3A_1226 = arith.constant 4 : i32
      %shift_left3A_1227 = vector.broadcast %shift_left3A_1226 : i32 to vector<16xi32>
      %shift_left3A_1228 = arith.shli %and3A_1225, %shift_left3A_1227 : vector<16xi32>
      %add3A_1229 = arith.addi %shift_left3A_1222, %shift_left3A_1228 : vector<16xi32>
      %and3A_1230 = arith.constant 8191 : i32
      %and3A_1231 = vector.broadcast %and3A_1230 : i32 to vector<16xi32>
      %and3A_1232 = arith.andi %get3A_1216, %and3A_1231 : vector<16xi32>
      %shift_right_arithmetic3A_1233 = arith.constant 9 : i32
      %shift_right_arithmetic3A_1234 = vector.broadcast %shift_right_arithmetic3A_1233 : i32 to vector<16xi32>
      %shift_right_arithmetic3A_1235 = arith.shrsi %and3A_1232, %shift_right_arithmetic3A_1234 : vector<16xi32>
      %add3A_1236 = arith.addi %add3A_1229, %shift_right_arithmetic3A_1235 : vector<16xi32>
      %get3A_1237 = arith.constant 5 : i32
      %get3A_1238 = arith.index_cast %get3A_1237 : i32 to index
      %get3A_1239 = arith.constant 80 : index
      %get3A_1240 = tpu.vector_load %arg5[%get3A_1238, %get3A_1239] {strides = array<i32>} : memref<8x100xi32, #tpu.memory_space<vmem>>, vector<1x16xi32>,
      %get3A_1241 = vector.shape_cast %get3A_1240 : vector<1x16xi32> to vector<16xi32>
      %shift_right_arithmetic3A_1242 = arith.constant 13 : i32
      %shift_right_arithmetic3A_1243 = vector.broadcast %shift_right_arithmetic3A_1242 : i32 to vector<16xi32>
      %shift_right_arithmetic3A_1244 = arith.shrsi %get3A_1241, %shift_right_arithmetic3A_1243 : vector<16xi32>
      %shift_left3A_1245 = arith.constant 13 : i32
      %shift_left3A_1246 = vector.broadcast %shift_left3A_1245 : i32 to vector<16xi32>
      %shift_left3A_1247 = arith.shli %shift_right_arithmetic3A_1244, %shift_left3A_1246 : vector<16xi32>
      %and3A_1248 = arith.constant 511 : i32
      %and3A_1249 = vector.broadcast %and3A_1248 : i32 to vector<16xi32>
      %and3A_1250 = arith.andi %get3A_1241, %and3A_1249 : vector<16xi32>
      %shift_left3A_1251 = arith.constant 4 : i32
      %shift_left3A_1252 = vector.broadcast %shift_left3A_1251 : i32 to vector<16xi32>
      %shift_left3A_1253 = arith.shli %and3A_1250, %shift_left3A_1252 : vector<16xi32>
      %add3A_1254 = arith.addi %shift_left3A_1247, %shift_left3A_1253 : vector<16xi32>
      %and3A_1255 = arith.constant 8191 : i32
      %and3A_1256 = vector.broadcast %and3A_1255 : i32 to vector<16xi32>
      %and3A_1257 = arith.andi %get3A_1241, %and3A_1256 : vector<16xi32>
      %shift_right_arithmetic3A_1258 = arith.constant 9 : i32
      %shift_right_arithmetic3A_1259 = vector.broadcast %shift_right_arithmetic3A_1258 : i32 to vector<16xi32>
      %shift_right_arithmetic3A_1260 = arith.shrsi %and3A_1257, %shift_right_arithmetic3A_1259 : vector<16xi32>
      %add3A_1261 = arith.addi %add3A_1254, %shift_right_arithmetic3A_1260 : vector<16xi32>
      %get3A_1262 = arith.constant 5 : i32
      %get3A_1263 = arith.index_cast %get3A_1262 : i32 to index
      %get3A_1264 = arith.constant 84 : index
      %get3A_1265 = tpu.vector_load %arg5[%get3A_1263, %get3A_1264] {strides = array<i32>} : memref<8x100xi32, #tpu.memory_space<vmem>>, vector<1x16xi32>,
      %get3A_1266 = vector.shape_cast %get3A_1265 : vector<1x16xi32> to vector<16xi32>
      %shift_right_arithmetic3A_1267 = arith.constant 13 : i32
      %shift_right_arithmetic3A_1268 = vector.broadcast %shift_right_arithmetic3A_1267 : i32 to vector<16xi32>
      %shift_right_arithmetic3A_1269 = arith.shrsi %get3A_1266, %shift_right_arithmetic3A_1268 : vector<16xi32>
      %shift_left3A_1270 = arith.constant 13 : i32
      %shift_left3A_1271 = vector.broadcast %shift_left3A_1270 : i32 to vector<16xi32>
      %shift_left3A_1272 = arith.shli %shift_right_arithmetic3A_1269, %shift_left3A_1271 : vector<16xi32>
      %and3A_1273 = arith.constant 511 : i32
      %and3A_1274 = vector.broadcast %and3A_1273 : i32 to vector<16xi32>
      %and3A_1275 = arith.andi %get3A_1266, %and3A_1274 : vector<16xi32>
      %shift_left3A_1276 = arith.constant 4 : i32
      %shift_left3A_1277 = vector.broadcast %shift_left3A_1276 : i32 to vector<16xi32>
      %shift_left3A_1278 = arith.shli %and3A_1275, %shift_left3A_1277 : vector<16xi32>
      %add3A_1279 = arith.addi %shift_left3A_1272, %shift_left3A_1278 : vector<16xi32>
      %and3A_1280 = arith.constant 8191 : i32
      %and3A_1281 = vector.broadcast %and3A_1280 : i32 to vector<16xi32>
      %and3A_1282 = arith.andi %get3A_1266, %and3A_1281 : vector<16xi32>
      %shift_right_arithmetic3A_1283 = arith.constant 9 : i32
      %shift_right_arithmetic3A_1284 = vector.broadcast %shift_right_arithmetic3A_1283 : i32 to vector<16xi32>
      %shift_right_arithmetic3A_1285 = arith.shrsi %and3A_1282, %shift_right_arithmetic3A_1284 : vector<16xi32>
      %add3A_1286 = arith.addi %add3A_1279, %shift_right_arithmetic3A_1285 : vector<16xi32>
      %swap3A_1287 = arith.constant 5 : i32
      %swap3A_1288 = arith.index_cast %swap3A_1287 : i32 to index
      %swap3A_1289 = arith.constant 0 : index
      %swap3A_1290 = tpu.vector_load %arg5[%swap3A_1288, %swap3A_1289] {strides = array<i32>} : memref<8x100xi32, #tpu.memory_space<vmem>>, vector<1x16xi32>,
      %swap3A_1291 = vector.shape_cast %swap3A_1290 : vector<1x16xi32> to vector<16xi32>
      %swap3A_1292 = vector.shape_cast %add3A_1136 : vector<16xi32> to vector<1x16xi32>
      tpu.vector_store %arg5[%swap3A_1288, %swap3A_1289], %swap3A_1292 {strides = array<i32>} : memref<8x100xi32, #tpu.memory_space<vmem>>, vector<1x16xi32>,
      %swap3A_1293 = arith.constant 5 : i32
      %swap3A_1294 = arith.index_cast %swap3A_1293 : i32 to index
      %swap3A_1295 = arith.constant 16 : index
      %swap3A_1296 = tpu.vector_load %arg5[%swap3A_1294, %swap3A_1295] {strides = array<i32>} : memref<8x100xi32, #tpu.memory_space<vmem>>, vector<1x16xi32>,
      %swap3A_1297 = vector.shape_cast %swap3A_1296 : vector<1x16xi32> to vector<16xi32>
      %swap3A_1298 = vector.shape_cast %add3A_1161 : vector<16xi32> to vector<1x16xi32>
      tpu.vector_store %arg5[%swap3A_1294, %swap3A_1295], %swap3A_1298 {strides = array<i32>} : memref<8x100xi32, #tpu.memory_space<vmem>>, vector<1x16xi32>,
      %swap3A_1299 = arith.constant 5 : i32
      %swap3A_1300 = arith.index_cast %swap3A_1299 : i32 to index
      %swap3A_1301 = arith.constant 32 : index
      %swap3A_1302 = tpu.vector_load %arg5[%swap3A_1300, %swap3A_1301] {strides = array<i32>} : memref<8x100xi32, #tpu.memory_space<vmem>>, vector<1x16xi32>,
      %swap3A_1303 = vector.shape_cast %swap3A_1302 : vector<1x16xi32> to vector<16xi32>
      %swap3A_1304 = vector.shape_cast %add3A_1186 : vector<16xi32> to vector<1x16xi32>
      tpu.vector_store %arg5[%swap3A_1300, %swap3A_1301], %swap3A_1304 {strides = array<i32>} : memref<8x100xi32, #tpu.memory_space<vmem>>, vector<1x16xi32>,
      %swap3A_1305 = arith.constant 5 : i32
      %swap3A_1306 = arith.index_cast %swap3A_1305 : i32 to index
      %swap3A_1307 = arith.constant 48 : index
      %swap3A_1308 = tpu.vector_load %arg5[%swap3A_1306, %swap3A_1307] {strides = array<i32>} : memref<8x100xi32, #tpu.memory_space<vmem>>, vector<1x16xi32>,
      %swap3A_1309 = vector.shape_cast %swap3A_1308 : vector<1x16xi32> to vector<16xi32>
      %swap3A_1310 = vector.shape_cast %add3A_1211 : vector<16xi32> to vector<1x16xi32>
      tpu.vector_store %arg5[%swap3A_1306, %swap3A_1307], %swap3A_1310 {strides = array<i32>} : memref<8x100xi32, #tpu.memory_space<vmem>>, vector<1x16xi32>,
      %swap3A_1311 = arith.constant 5 : i32
      %swap3A_1312 = arith.index_cast %swap3A_1311 : i32 to index
      %swap3A_1313 = arith.constant 64 : index
      %swap3A_1314 = tpu.vector_load %arg5[%swap3A_1312, %swap3A_1313] {strides = array<i32>} : memref<8x100xi32, #tpu.memory_space<vmem>>, vector<1x16xi32>,
      %swap3A_1315 = vector.shape_cast %swap3A_1314 : vector<1x16xi32> to vector<16xi32>
      %swap3A_1316 = vector.shape_cast %add3A_1236 : vector<16xi32> to vector<1x16xi32>
      tpu.vector_store %arg5[%swap3A_1312, %swap3A_1313], %swap3A_1316 {strides = array<i32>} : memref<8x100xi32, #tpu.memory_space<vmem>>, vector<1x16xi32>,
      %swap3A_1317 = arith.constant 5 : i32
      %swap3A_1318 = arith.index_cast %swap3A_1317 : i32 to index
      %swap3A_1319 = arith.constant 80 : index
      %swap3A_1320 = tpu.vector_load %arg5[%swap3A_1318, %swap3A_1319] {strides = array<i32>} : memref<8x100xi32, #tpu.memory_space<vmem>>, vector<1x16xi32>,
      %swap3A_1321 = vector.shape_cast %swap3A_1320 : vector<1x16xi32> to vector<16xi32>
      %swap3A_1322 = vector.shape_cast %add3A_1261 : vector<16xi32> to vector<1x16xi32>
      tpu.vector_store %arg5[%swap3A_1318, %swap3A_1319], %swap3A_1322 {strides = array<i32>} : memref<8x100xi32, #tpu.memory_space<vmem>>, vector<1x16xi32>,
      %swap3A_1323 = arith.constant 5 : i32
      %swap3A_1324 = arith.index_cast %swap3A_1323 : i32 to index
      %swap3A_1325 = arith.constant 84 : index
      %swap3A_1326 = tpu.vector_load %arg5[%swap3A_1324, %swap3A_1325] {strides = array<i32>} : memref<8x100xi32, #tpu.memory_space<vmem>>, vector<1x16xi32>,
      %swap3A_1327 = vector.shape_cast %swap3A_1326 : vector<1x16xi32> to vector<16xi32>
      %swap3A_1328 = vector.shape_cast %add3A_1286 : vector<16xi32> to vector<1x16xi32>
      tpu.vector_store %arg5[%swap3A_1324, %swap3A_1325], %swap3A_1328 {strides = array<i32>} : memref<8x100xi32, #tpu.memory_space<vmem>>, vector<1x16xi32>,
      %get3A_1329 = arith.constant 6 : i32
      %get3A_1330 = arith.index_cast %get3A_1329 : i32 to index
      %get3A_1331 = arith.constant 0 : index
      %get3A_1332 = tpu.vector_load %arg5[%get3A_1330, %get3A_1331] {strides = array<i32>} : memref<8x100xi32, #tpu.memory_space<vmem>>, vector<1x16xi32>,
      %get3A_1333 = vector.shape_cast %get3A_1332 : vector<1x16xi32> to vector<16xi32>
      %shift_right_arithmetic3A_1334 = arith.constant 13 : i32
      %shift_right_arithmetic3A_1335 = vector.broadcast %shift_right_arithmetic3A_1334 : i32 to vector<16xi32>
      %shift_right_arithmetic3A_1336 = arith.shrsi %get3A_1333, %shift_right_arithmetic3A_1335 : vector<16xi32>
      %shift_left3A_1337 = arith.constant 13 : i32
      %shift_left3A_1338 = vector.broadcast %shift_left3A_1337 : i32 to vector<16xi32>
      %shift_left3A_1339 = arith.shli %shift_right_arithmetic3A_1336, %shift_left3A_1338 : vector<16xi32>
      %and3A_1340 = arith.constant 511 : i32
      %and3A_1341 = vector.broadcast %and3A_1340 : i32 to vector<16xi32>
      %and3A_1342 = arith.andi %get3A_1333, %and3A_1341 : vector<16xi32>
      %shift_left3A_1343 = arith.constant 4 : i32
      %shift_left3A_1344 = vector.broadcast %shift_left3A_1343 : i32 to vector<16xi32>
      %shift_left3A_1345 = arith.shli %and3A_1342, %shift_left3A_1344 : vector<16xi32>
      %add3A_1346 = arith.addi %shift_left3A_1339, %shift_left3A_1345 : vector<16xi32>
      %and3A_1347 = arith.constant 8191 : i32
      %and3A_1348 = vector.broadcast %and3A_1347 : i32 to vector<16xi32>
      %and3A_1349 = arith.andi %get3A_1333, %and3A_1348 : vector<16xi32>
      %shift_right_arithmetic3A_1350 = arith.constant 9 : i32
      %shift_right_arithmetic3A_1351 = vector.broadcast %shift_right_arithmetic3A_1350 : i32 to vector<16xi32>
      %shift_right_arithmetic3A_1352 = arith.shrsi %and3A_1349, %shift_right_arithmetic3A_1351 : vector<16xi32>
      %add3A_1353 = arith.addi %add3A_1346, %shift_right_arithmetic3A_1352 : vector<16xi32>
      %get3A_1354 = arith.constant 6 : i32
      %get3A_1355 = arith.index_cast %get3A_1354 : i32 to index
      %get3A_1356 = arith.constant 16 : index
      %get3A_1357 = tpu.vector_load %arg5[%get3A_1355, %get3A_1356] {strides = array<i32>} : memref<8x100xi32, #tpu.memory_space<vmem>>, vector<1x16xi32>,
      %get3A_1358 = vector.shape_cast %get3A_1357 : vector<1x16xi32> to vector<16xi32>
      %shift_right_arithmetic3A_1359 = arith.constant 13 : i32
      %shift_right_arithmetic3A_1360 = vector.broadcast %shift_right_arithmetic3A_1359 : i32 to vector<16xi32>
      %shift_right_arithmetic3A_1361 = arith.shrsi %get3A_1358, %shift_right_arithmetic3A_1360 : vector<16xi32>
      %shift_left3A_1362 = arith.constant 13 : i32
      %shift_left3A_1363 = vector.broadcast %shift_left3A_1362 : i32 to vector<16xi32>
      %shift_left3A_1364 = arith.shli %shift_right_arithmetic3A_1361, %shift_left3A_1363 : vector<16xi32>
      %and3A_1365 = arith.constant 511 : i32
      %and3A_1366 = vector.broadcast %and3A_1365 : i32 to vector<16xi32>
      %and3A_1367 = arith.andi %get3A_1358, %and3A_1366 : vector<16xi32>
      %shift_left3A_1368 = arith.constant 4 : i32
      %shift_left3A_1369 = vector.broadcast %shift_left3A_1368 : i32 to vector<16xi32>
      %shift_left3A_1370 = arith.shli %and3A_1367, %shift_left3A_1369 : vector<16xi32>
      %add3A_1371 = arith.addi %shift_left3A_1364, %shift_left3A_1370 : vector<16xi32>
      %and3A_1372 = arith.constant 8191 : i32
      %and3A_1373 = vector.broadcast %and3A_1372 : i32 to vector<16xi32>
      %and3A_1374 = arith.andi %get3A_1358, %and3A_1373 : vector<16xi32>
      %shift_right_arithmetic3A_1375 = arith.constant 9 : i32
      %shift_right_arithmetic3A_1376 = vector.broadcast %shift_right_arithmetic3A_1375 : i32 to vector<16xi32>
      %shift_right_arithmetic3A_1377 = arith.shrsi %and3A_1374, %shift_right_arithmetic3A_1376 : vector<16xi32>
      %add3A_1378 = arith.addi %add3A_1371, %shift_right_arithmetic3A_1377 : vector<16xi32>
      %get3A_1379 = arith.constant 6 : i32
      %get3A_1380 = arith.index_cast %get3A_1379 : i32 to index
      %get3A_1381 = arith.constant 32 : index
      %get3A_1382 = tpu.vector_load %arg5[%get3A_1380, %get3A_1381] {strides = array<i32>} : memref<8x100xi32, #tpu.memory_space<vmem>>, vector<1x16xi32>,
      %get3A_1383 = vector.shape_cast %get3A_1382 : vector<1x16xi32> to vector<16xi32>
      %shift_right_arithmetic3A_1384 = arith.constant 13 : i32
      %shift_right_arithmetic3A_1385 = vector.broadcast %shift_right_arithmetic3A_1384 : i32 to vector<16xi32>
      %shift_right_arithmetic3A_1386 = arith.shrsi %get3A_1383, %shift_right_arithmetic3A_1385 : vector<16xi32>
      %shift_left3A_1387 = arith.constant 13 : i32
      %shift_left3A_1388 = vector.broadcast %shift_left3A_1387 : i32 to vector<16xi32>
      %shift_left3A_1389 = arith.shli %shift_right_arithmetic3A_1386, %shift_left3A_1388 : vector<16xi32>
      %and3A_1390 = arith.constant 511 : i32
      %and3A_1391 = vector.broadcast %and3A_1390 : i32 to vector<16xi32>
      %and3A_1392 = arith.andi %get3A_1383, %and3A_1391 : vector<16xi32>
      %shift_left3A_1393 = arith.constant 4 : i32
      %shift_left3A_1394 = vector.broadcast %shift_left3A_1393 : i32 to vector<16xi32>
      %shift_left3A_1395 = arith.shli %and3A_1392, %shift_left3A_1394 : vector<16xi32>
      %add3A_1396 = arith.addi %shift_left3A_1389, %shift_left3A_1395 : vector<16xi32>
      %and3A_1397 = arith.constant 8191 : i32
      %and3A_1398 = vector.broadcast %and3A_1397 : i32 to vector<16xi32>
      %and3A_1399 = arith.andi %get3A_1383, %and3A_1398 : vector<16xi32>
      %shift_right_arithmetic3A_1400 = arith.constant 9 : i32
      %shift_right_arithmetic3A_1401 = vector.broadcast %shift_right_arithmetic3A_1400 : i32 to vector<16xi32>
      %shift_right_arithmetic3A_1402 = arith.shrsi %and3A_1399, %shift_right_arithmetic3A_1401 : vector<16xi32>
      %add3A_1403 = arith.addi %add3A_1396, %shift_right_arithmetic3A_1402 : vector<16xi32>
      %get3A_1404 = arith.constant 6 : i32
      %get3A_1405 = arith.index_cast %get3A_1404 : i32 to index
      %get3A_1406 = arith.constant 48 : index
      %get3A_1407 = tpu.vector_load %arg5[%get3A_1405, %get3A_1406] {strides = array<i32>} : memref<8x100xi32, #tpu.memory_space<vmem>>, vector<1x16xi32>,
      %get3A_1408 = vector.shape_cast %get3A_1407 : vector<1x16xi32> to vector<16xi32>
      %shift_right_arithmetic3A_1409 = arith.constant 13 : i32
      %shift_right_arithmetic3A_1410 = vector.broadcast %shift_right_arithmetic3A_1409 : i32 to vector<16xi32>
      %shift_right_arithmetic3A_1411 = arith.shrsi %get3A_1408, %shift_right_arithmetic3A_1410 : vector<16xi32>
      %shift_left3A_1412 = arith.constant 13 : i32
      %shift_left3A_1413 = vector.broadcast %shift_left3A_1412 : i32 to vector<16xi32>
      %shift_left3A_1414 = arith.shli %shift_right_arithmetic3A_1411, %shift_left3A_1413 : vector<16xi32>
      %and3A_1415 = arith.constant 511 : i32
      %and3A_1416 = vector.broadcast %and3A_1415 : i32 to vector<16xi32>
      %and3A_1417 = arith.andi %get3A_1408, %and3A_1416 : vector<16xi32>
      %shift_left3A_1418 = arith.constant 4 : i32
      %shift_left3A_1419 = vector.broadcast %shift_left3A_1418 : i32 to vector<16xi32>
      %shift_left3A_1420 = arith.shli %and3A_1417, %shift_left3A_1419 : vector<16xi32>
      %add3A_1421 = arith.addi %shift_left3A_1414, %shift_left3A_1420 : vector<16xi32>
      %and3A_1422 = arith.constant 8191 : i32
      %and3A_1423 = vector.broadcast %and3A_1422 : i32 to vector<16xi32>
      %and3A_1424 = arith.andi %get3A_1408, %and3A_1423 : vector<16xi32>
      %shift_right_arithmetic3A_1425 = arith.constant 9 : i32
      %shift_right_arithmetic3A_1426 = vector.broadcast %shift_right_arithmetic3A_1425 : i32 to vector<16xi32>
      %shift_right_arithmetic3A_1427 = arith.shrsi %and3A_1424, %shift_right_arithmetic3A_1426 : vector<16xi32>
      %add3A_1428 = arith.addi %add3A_1421, %shift_right_arithmetic3A_1427 : vector<16xi32>
      %get3A_1429 = arith.constant 6 : i32
      %get3A_1430 = arith.index_cast %get3A_1429 : i32 to index
      %get3A_1431 = arith.constant 64 : index
      %get3A_1432 = tpu.vector_load %arg5[%get3A_1430, %get3A_1431] {strides = array<i32>} : memref<8x100xi32, #tpu.memory_space<vmem>>, vector<1x16xi32>,
      %get3A_1433 = vector.shape_cast %get3A_1432 : vector<1x16xi32> to vector<16xi32>
      %shift_right_arithmetic3A_1434 = arith.constant 13 : i32
      %shift_right_arithmetic3A_1435 = vector.broadcast %shift_right_arithmetic3A_1434 : i32 to vector<16xi32>
      %shift_right_arithmetic3A_1436 = arith.shrsi %get3A_1433, %shift_right_arithmetic3A_1435 : vector<16xi32>
      %shift_left3A_1437 = arith.constant 13 : i32
      %shift_left3A_1438 = vector.broadcast %shift_left3A_1437 : i32 to vector<16xi32>
      %shift_left3A_1439 = arith.shli %shift_right_arithmetic3A_1436, %shift_left3A_1438 : vector<16xi32>
      %and3A_1440 = arith.constant 511 : i32
      %and3A_1441 = vector.broadcast %and3A_1440 : i32 to vector<16xi32>
      %and3A_1442 = arith.andi %get3A_1433, %and3A_1441 : vector<16xi32>
      %shift_left3A_1443 = arith.constant 4 : i32
      %shift_left3A_1444 = vector.broadcast %shift_left3A_1443 : i32 to vector<16xi32>
      %shift_left3A_1445 = arith.shli %and3A_1442, %shift_left3A_1444 : vector<16xi32>
      %add3A_1446 = arith.addi %shift_left3A_1439, %shift_left3A_1445 : vector<16xi32>
      %and3A_1447 = arith.constant 8191 : i32
      %and3A_1448 = vector.broadcast %and3A_1447 : i32 to vector<16xi32>
      %and3A_1449 = arith.andi %get3A_1433, %and3A_1448 : vector<16xi32>
      %shift_right_arithmetic3A_1450 = arith.constant 9 : i32
      %shift_right_arithmetic3A_1451 = vector.broadcast %shift_right_arithmetic3A_1450 : i32 to vector<16xi32>
      %shift_right_arithmetic3A_1452 = arith.shrsi %and3A_1449, %shift_right_arithmetic3A_1451 : vector<16xi32>
      %add3A_1453 = arith.addi %add3A_1446, %shift_right_arithmetic3A_1452 : vector<16xi32>
      %get3A_1454 = arith.constant 6 : i32
      %get3A_1455 = arith.index_cast %get3A_1454 : i32 to index
      %get3A_1456 = arith.constant 80 : index
      %get3A_1457 = tpu.vector_load %arg5[%get3A_1455, %get3A_1456] {strides = array<i32>} : memref<8x100xi32, #tpu.memory_space<vmem>>, vector<1x16xi32>,
      %get3A_1458 = vector.shape_cast %get3A_1457 : vector<1x16xi32> to vector<16xi32>
      %shift_right_arithmetic3A_1459 = arith.constant 13 : i32
      %shift_right_arithmetic3A_1460 = vector.broadcast %shift_right_arithmetic3A_1459 : i32 to vector<16xi32>
      %shift_right_arithmetic3A_1461 = arith.shrsi %get3A_1458, %shift_right_arithmetic3A_1460 : vector<16xi32>
      %shift_left3A_1462 = arith.constant 13 : i32
      %shift_left3A_1463 = vector.broadcast %shift_left3A_1462 : i32 to vector<16xi32>
      %shift_left3A_1464 = arith.shli %shift_right_arithmetic3A_1461, %shift_left3A_1463 : vector<16xi32>
      %and3A_1465 = arith.constant 511 : i32
      %and3A_1466 = vector.broadcast %and3A_1465 : i32 to vector<16xi32>
      %and3A_1467 = arith.andi %get3A_1458, %and3A_1466 : vector<16xi32>
      %shift_left3A_1468 = arith.constant 4 : i32
      %shift_left3A_1469 = vector.broadcast %shift_left3A_1468 : i32 to vector<16xi32>
      %shift_left3A_1470 = arith.shli %and3A_1467, %shift_left3A_1469 : vector<16xi32>
      %add3A_1471 = arith.addi %shift_left3A_1464, %shift_left3A_1470 : vector<16xi32>
      %and3A_1472 = arith.constant 8191 : i32
      %and3A_1473 = vector.broadcast %and3A_1472 : i32 to vector<16xi32>
      %and3A_1474 = arith.andi %get3A_1458, %and3A_1473 : vector<16xi32>
      %shift_right_arithmetic3A_1475 = arith.constant 9 : i32
      %shift_right_arithmetic3A_1476 = vector.broadcast %shift_right_arithmetic3A_1475 : i32 to vector<16xi32>
      %shift_right_arithmetic3A_1477 = arith.shrsi %and3A_1474, %shift_right_arithmetic3A_1476 : vector<16xi32>
      %add3A_1478 = arith.addi %add3A_1471, %shift_right_arithmetic3A_1477 : vector<16xi32>
      %get3A_1479 = arith.constant 6 : i32
      %get3A_1480 = arith.index_cast %get3A_1479 : i32 to index
      %get3A_1481 = arith.constant 84 : index
      %get3A_1482 = tpu.vector_load %arg5[%get3A_1480, %get3A_1481] {strides = array<i32>} : memref<8x100xi32, #tpu.memory_space<vmem>>, vector<1x16xi32>,
      %get3A_1483 = vector.shape_cast %get3A_1482 : vector<1x16xi32> to vector<16xi32>
      %shift_right_arithmetic3A_1484 = arith.constant 13 : i32
      %shift_right_arithmetic3A_1485 = vector.broadcast %shift_right_arithmetic3A_1484 : i32 to vector<16xi32>
      %shift_right_arithmetic3A_1486 = arith.shrsi %get3A_1483, %shift_right_arithmetic3A_1485 : vector<16xi32>
      %shift_left3A_1487 = arith.constant 13 : i32
      %shift_left3A_1488 = vector.broadcast %shift_left3A_1487 : i32 to vector<16xi32>
      %shift_left3A_1489 = arith.shli %shift_right_arithmetic3A_1486, %shift_left3A_1488 : vector<16xi32>
      %and3A_1490 = arith.constant 511 : i32
      %and3A_1491 = vector.broadcast %and3A_1490 : i32 to vector<16xi32>
      %and3A_1492 = arith.andi %get3A_1483, %and3A_1491 : vector<16xi32>
      %shift_left3A_1493 = arith.constant 4 : i32
      %shift_left3A_1494 = vector.broadcast %shift_left3A_1493 : i32 to vector<16xi32>
      %shift_left3A_1495 = arith.shli %and3A_1492, %shift_left3A_1494 : vector<16xi32>
      %add3A_1496 = arith.addi %shift_left3A_1489, %shift_left3A_1495 : vector<16xi32>
      %and3A_1497 = arith.constant 8191 : i32
      %and3A_1498 = vector.broadcast %and3A_1497 : i32 to vector<16xi32>
      %and3A_1499 = arith.andi %get3A_1483, %and3A_1498 : vector<16xi32>
      %shift_right_arithmetic3A_1500 = arith.constant 9 : i32
      %shift_right_arithmetic3A_1501 = vector.broadcast %shift_right_arithmetic3A_1500 : i32 to vector<16xi32>
      %shift_right_arithmetic3A_1502 = arith.shrsi %and3A_1499, %shift_right_arithmetic3A_1501 : vector<16xi32>
      %add3A_1503 = arith.addi %add3A_1496, %shift_right_arithmetic3A_1502 : vector<16xi32>
      %swap3A_1504 = arith.constant 6 : i32
      %swap3A_1505 = arith.index_cast %swap3A_1504 : i32 to index
      %swap3A_1506 = arith.constant 0 : index
      %swap3A_1507 = tpu.vector_load %arg5[%swap3A_1505, %swap3A_1506] {strides = array<i32>} : memref<8x100xi32, #tpu.memory_space<vmem>>, vector<1x16xi32>,
      %swap3A_1508 = vector.shape_cast %swap3A_1507 : vector<1x16xi32> to vector<16xi32>
      %swap3A_1509 = vector.shape_cast %add3A_1353 : vector<16xi32> to vector<1x16xi32>
      tpu.vector_store %arg5[%swap3A_1505, %swap3A_1506], %swap3A_1509 {strides = array<i32>} : memref<8x100xi32, #tpu.memory_space<vmem>>, vector<1x16xi32>,
      %swap3A_1510 = arith.constant 6 : i32
      %swap3A_1511 = arith.index_cast %swap3A_1510 : i32 to index
      %swap3A_1512 = arith.constant 16 : index
      %swap3A_1513 = tpu.vector_load %arg5[%swap3A_1511, %swap3A_1512] {strides = array<i32>} : memref<8x100xi32, #tpu.memory_space<vmem>>, vector<1x16xi32>,
      %swap3A_1514 = vector.shape_cast %swap3A_1513 : vector<1x16xi32> to vector<16xi32>
      %swap3A_1515 = vector.shape_cast %add3A_1378 : vector<16xi32> to vector<1x16xi32>
      tpu.vector_store %arg5[%swap3A_1511, %swap3A_1512], %swap3A_1515 {strides = array<i32>} : memref<8x100xi32, #tpu.memory_space<vmem>>, vector<1x16xi32>,
      %swap3A_1516 = arith.constant 6 : i32
      %swap3A_1517 = arith.index_cast %swap3A_1516 : i32 to index
      %swap3A_1518 = arith.constant 32 : index
      %swap3A_1519 = tpu.vector_load %arg5[%swap3A_1517, %swap3A_1518] {strides = array<i32>} : memref<8x100xi32, #tpu.memory_space<vmem>>, vector<1x16xi32>,
      %swap3A_1520 = vector.shape_cast %swap3A_1519 : vector<1x16xi32> to vector<16xi32>
      %swap3A_1521 = vector.shape_cast %add3A_1403 : vector<16xi32> to vector<1x16xi32>
      tpu.vector_store %arg5[%swap3A_1517, %swap3A_1518], %swap3A_1521 {strides = array<i32>} : memref<8x100xi32, #tpu.memory_space<vmem>>, vector<1x16xi32>,
      %swap3A_1522 = arith.constant 6 : i32
      %swap3A_1523 = arith.index_cast %swap3A_1522 : i32 to index
      %swap3A_1524 = arith.constant 48 : index
      %swap3A_1525 = tpu.vector_load %arg5[%swap3A_1523, %swap3A_1524] {strides = array<i32>} : memref<8x100xi32, #tpu.memory_space<vmem>>, vector<1x16xi32>,
      %swap3A_1526 = vector.shape_cast %swap3A_1525 : vector<1x16xi32> to vector<16xi32>
      %swap3A_1527 = vector.shape_cast %add3A_1428 : vector<16xi32> to vector<1x16xi32>
      tpu.vector_store %arg5[%swap3A_1523, %swap3A_1524], %swap3A_1527 {strides = array<i32>} : memref<8x100xi32, #tpu.memory_space<vmem>>, vector<1x16xi32>,
      %swap3A_1528 = arith.constant 6 : i32
      %swap3A_1529 = arith.index_cast %swap3A_1528 : i32 to index
      %swap3A_1530 = arith.constant 64 : index
      %swap3A_1531 = tpu.vector_load %arg5[%swap3A_1529, %swap3A_1530] {strides = array<i32>} : memref<8x100xi32, #tpu.memory_space<vmem>>, vector<1x16xi32>,
      %swap3A_1532 = vector.shape_cast %swap3A_1531 : vector<1x16xi32> to vector<16xi32>
      %swap3A_1533 = vector.shape_cast %add3A_1453 : vector<16xi32> to vector<1x16xi32>
      tpu.vector_store %arg5[%swap3A_1529, %swap3A_1530], %swap3A_1533 {strides = array<i32>} : memref<8x100xi32, #tpu.memory_space<vmem>>, vector<1x16xi32>,
      %swap3A_1534 = arith.constant 6 : i32
      %swap3A_1535 = arith.index_cast %swap3A_1534 : i32 to index
      %swap3A_1536 = arith.constant 80 : index
      %swap3A_1537 = tpu.vector_load %arg5[%swap3A_1535, %swap3A_1536] {strides = array<i32>} : memref<8x100xi32, #tpu.memory_space<vmem>>, vector<1x16xi32>,
      %swap3A_1538 = vector.shape_cast %swap3A_1537 : vector<1x16xi32> to vector<16xi32>
      %swap3A_1539 = vector.shape_cast %add3A_1478 : vector<16xi32> to vector<1x16xi32>
      tpu.vector_store %arg5[%swap3A_1535, %swap3A_1536], %swap3A_1539 {strides = array<i32>} : memref<8x100xi32, #tpu.memory_space<vmem>>, vector<1x16xi32>,
      %swap3A_1540 = arith.constant 6 : i32
      %swap3A_1541 = arith.index_cast %swap3A_1540 : i32 to index
      %swap3A_1542 = arith.constant 84 : index
      %swap3A_1543 = tpu.vector_load %arg5[%swap3A_1541, %swap3A_1542] {strides = array<i32>} : memref<8x100xi32, #tpu.memory_space<vmem>>, vector<1x16xi32>,
      %swap3A_1544 = vector.shape_cast %swap3A_1543 : vector<1x16xi32> to vector<16xi32>
      %swap3A_1545 = vector.shape_cast %add3A_1503 : vector<16xi32> to vector<1x16xi32>
      tpu.vector_store %arg5[%swap3A_1541, %swap3A_1542], %swap3A_1545 {strides = array<i32>} : memref<8x100xi32, #tpu.memory_space<vmem>>, vector<1x16xi32>,
      %get3A_1546 = arith.constant 7 : i32
      %get3A_1547 = arith.index_cast %get3A_1546 : i32 to index
      %get3A_1548 = arith.constant 0 : index
      %get3A_1549 = tpu.vector_load %arg5[%get3A_1547, %get3A_1548] {strides = array<i32>} : memref<8x100xi32, #tpu.memory_space<vmem>>, vector<1x16xi32>,
      %get3A_1550 = vector.shape_cast %get3A_1549 : vector<1x16xi32> to vector<16xi32>
      %shift_right_arithmetic3A_1551 = arith.constant 13 : i32
      %shift_right_arithmetic3A_1552 = vector.broadcast %shift_right_arithmetic3A_1551 : i32 to vector<16xi32>
      %shift_right_arithmetic3A_1553 = arith.shrsi %get3A_1550, %shift_right_arithmetic3A_1552 : vector<16xi32>
      %shift_left3A_1554 = arith.constant 13 : i32
      %shift_left3A_1555 = vector.broadcast %shift_left3A_1554 : i32 to vector<16xi32>
      %shift_left3A_1556 = arith.shli %shift_right_arithmetic3A_1553, %shift_left3A_1555 : vector<16xi32>
      %and3A_1557 = arith.constant 511 : i32
      %and3A_1558 = vector.broadcast %and3A_1557 : i32 to vector<16xi32>
      %and3A_1559 = arith.andi %get3A_1550, %and3A_1558 : vector<16xi32>
      %shift_left3A_1560 = arith.constant 4 : i32
      %shift_left3A_1561 = vector.broadcast %shift_left3A_1560 : i32 to vector<16xi32>
      %shift_left3A_1562 = arith.shli %and3A_1559, %shift_left3A_1561 : vector<16xi32>
      %add3A_1563 = arith.addi %shift_left3A_1556, %shift_left3A_1562 : vector<16xi32>
      %and3A_1564 = arith.constant 8191 : i32
      %and3A_1565 = vector.broadcast %and3A_1564 : i32 to vector<16xi32>
      %and3A_1566 = arith.andi %get3A_1550, %and3A_1565 : vector<16xi32>
      %shift_right_arithmetic3A_1567 = arith.constant 9 : i32
      %shift_right_arithmetic3A_1568 = vector.broadcast %shift_right_arithmetic3A_1567 : i32 to vector<16xi32>
      %shift_right_arithmetic3A_1569 = arith.shrsi %and3A_1566, %shift_right_arithmetic3A_1568 : vector<16xi32>
      %add3A_1570 = arith.addi %add3A_1563, %shift_right_arithmetic3A_1569 : vector<16xi32>
      %get3A_1571 = arith.constant 7 : i32
      %get3A_1572 = arith.index_cast %get3A_1571 : i32 to index
      %get3A_1573 = arith.constant 16 : index
      %get3A_1574 = tpu.vector_load %arg5[%get3A_1572, %get3A_1573] {strides = array<i32>} : memref<8x100xi32, #tpu.memory_space<vmem>>, vector<1x16xi32>,
      %get3A_1575 = vector.shape_cast %get3A_1574 : vector<1x16xi32> to vector<16xi32>
      %shift_right_arithmetic3A_1576 = arith.constant 13 : i32
      %shift_right_arithmetic3A_1577 = vector.broadcast %shift_right_arithmetic3A_1576 : i32 to vector<16xi32>
      %shift_right_arithmetic3A_1578 = arith.shrsi %get3A_1575, %shift_right_arithmetic3A_1577 : vector<16xi32>
      %shift_left3A_1579 = arith.constant 13 : i32
      %shift_left3A_1580 = vector.broadcast %shift_left3A_1579 : i32 to vector<16xi32>
      %shift_left3A_1581 = arith.shli %shift_right_arithmetic3A_1578, %shift_left3A_1580 : vector<16xi32>
      %and3A_1582 = arith.constant 511 : i32
      %and3A_1583 = vector.broadcast %and3A_1582 : i32 to vector<16xi32>
      %and3A_1584 = arith.andi %get3A_1575, %and3A_1583 : vector<16xi32>
      %shift_left3A_1585 = arith.constant 4 : i32
      %shift_left3A_1586 = vector.broadcast %shift_left3A_1585 : i32 to vector<16xi32>
      %shift_left3A_1587 = arith.shli %and3A_1584, %shift_left3A_1586 : vector<16xi32>
      %add3A_1588 = arith.addi %shift_left3A_1581, %shift_left3A_1587 : vector<16xi32>
      %and3A_1589 = arith.constant 8191 : i32
      %and3A_1590 = vector.broadcast %and3A_1589 : i32 to vector<16xi32>
      %and3A_1591 = arith.andi %get3A_1575, %and3A_1590 : vector<16xi32>
      %shift_right_arithmetic3A_1592 = arith.constant 9 : i32
      %shift_right_arithmetic3A_1593 = vector.broadcast %shift_right_arithmetic3A_1592 : i32 to vector<16xi32>
      %shift_right_arithmetic3A_1594 = arith.shrsi %and3A_1591, %shift_right_arithmetic3A_1593 : vector<16xi32>
      %add3A_1595 = arith.addi %add3A_1588, %shift_right_arithmetic3A_1594 : vector<16xi32>
      %get3A_1596 = arith.constant 7 : i32
      %get3A_1597 = arith.index_cast %get3A_1596 : i32 to index
      %get3A_1598 = arith.constant 32 : index
      %get3A_1599 = tpu.vector_load %arg5[%get3A_1597, %get3A_1598] {strides = array<i32>} : memref<8x100xi32, #tpu.memory_space<vmem>>, vector<1x16xi32>,
      %get3A_1600 = vector.shape_cast %get3A_1599 : vector<1x16xi32> to vector<16xi32>
      %shift_right_arithmetic3A_1601 = arith.constant 13 : i32
      %shift_right_arithmetic3A_1602 = vector.broadcast %shift_right_arithmetic3A_1601 : i32 to vector<16xi32>
      %shift_right_arithmetic3A_1603 = arith.shrsi %get3A_1600, %shift_right_arithmetic3A_1602 : vector<16xi32>
      %shift_left3A_1604 = arith.constant 13 : i32
      %shift_left3A_1605 = vector.broadcast %shift_left3A_1604 : i32 to vector<16xi32>
      %shift_left3A_1606 = arith.shli %shift_right_arithmetic3A_1603, %shift_left3A_1605 : vector<16xi32>
      %and3A_1607 = arith.constant 511 : i32
      %and3A_1608 = vector.broadcast %and3A_1607 : i32 to vector<16xi32>
      %and3A_1609 = arith.andi %get3A_1600, %and3A_1608 : vector<16xi32>
      %shift_left3A_1610 = arith.constant 4 : i32
      %shift_left3A_1611 = vector.broadcast %shift_left3A_1610 : i32 to vector<16xi32>
      %shift_left3A_1612 = arith.shli %and3A_1609, %shift_left3A_1611 : vector<16xi32>
      %add3A_1613 = arith.addi %shift_left3A_1606, %shift_left3A_1612 : vector<16xi32>
      %and3A_1614 = arith.constant 8191 : i32
      %and3A_1615 = vector.broadcast %and3A_1614 : i32 to vector<16xi32>
      %and3A_1616 = arith.andi %get3A_1600, %and3A_1615 : vector<16xi32>
      %shift_right_arithmetic3A_1617 = arith.constant 9 : i32
      %shift_right_arithmetic3A_1618 = vector.broadcast %shift_right_arithmetic3A_1617 : i32 to vector<16xi32>
      %shift_right_arithmetic3A_1619 = arith.shrsi %and3A_1616, %shift_right_arithmetic3A_1618 : vector<16xi32>
      %add3A_1620 = arith.addi %add3A_1613, %shift_right_arithmetic3A_1619 : vector<16xi32>
      %get3A_1621 = arith.constant 7 : i32
      %get3A_1622 = arith.index_cast %get3A_1621 : i32 to index
      %get3A_1623 = arith.constant 48 : index
      %get3A_1624 = tpu.vector_load %arg5[%get3A_1622, %get3A_1623] {strides = array<i32>} : memref<8x100xi32, #tpu.memory_space<vmem>>, vector<1x16xi32>,
      %get3A_1625 = vector.shape_cast %get3A_1624 : vector<1x16xi32> to vector<16xi32>
      %shift_right_arithmetic3A_1626 = arith.constant 13 : i32
      %shift_right_arithmetic3A_1627 = vector.broadcast %shift_right_arithmetic3A_1626 : i32 to vector<16xi32>
      %shift_right_arithmetic3A_1628 = arith.shrsi %get3A_1625, %shift_right_arithmetic3A_1627 : vector<16xi32>
      %shift_left3A_1629 = arith.constant 13 : i32
      %shift_left3A_1630 = vector.broadcast %shift_left3A_1629 : i32 to vector<16xi32>
      %shift_left3A_1631 = arith.shli %shift_right_arithmetic3A_1628, %shift_left3A_1630 : vector<16xi32>
      %and3A_1632 = arith.constant 511 : i32
      %and3A_1633 = vector.broadcast %and3A_1632 : i32 to vector<16xi32>
      %and3A_1634 = arith.andi %get3A_1625, %and3A_1633 : vector<16xi32>
      %shift_left3A_1635 = arith.constant 4 : i32
      %shift_left3A_1636 = vector.broadcast %shift_left3A_1635 : i32 to vector<16xi32>
      %shift_left3A_1637 = arith.shli %and3A_1634, %shift_left3A_1636 : vector<16xi32>
      %add3A_1638 = arith.addi %shift_left3A_1631, %shift_left3A_1637 : vector<16xi32>
      %and3A_1639 = arith.constant 8191 : i32
      %and3A_1640 = vector.broadcast %and3A_1639 : i32 to vector<16xi32>
      %and3A_1641 = arith.andi %get3A_1625, %and3A_1640 : vector<16xi32>
      %shift_right_arithmetic3A_1642 = arith.constant 9 : i32
      %shift_right_arithmetic3A_1643 = vector.broadcast %shift_right_arithmetic3A_1642 : i32 to vector<16xi32>
      %shift_right_arithmetic3A_1644 = arith.shrsi %and3A_1641, %shift_right_arithmetic3A_1643 : vector<16xi32>
      %add3A_1645 = arith.addi %add3A_1638, %shift_right_arithmetic3A_1644 : vector<16xi32>
      %get3A_1646 = arith.constant 7 : i32
      %get3A_1647 = arith.index_cast %get3A_1646 : i32 to index
      %get3A_1648 = arith.constant 64 : index
      %get3A_1649 = tpu.vector_load %arg5[%get3A_1647, %get3A_1648] {strides = array<i32>} : memref<8x100xi32, #tpu.memory_space<vmem>>, vector<1x16xi32>,
      %get3A_1650 = vector.shape_cast %get3A_1649 : vector<1x16xi32> to vector<16xi32>
      %shift_right_arithmetic3A_1651 = arith.constant 13 : i32
      %shift_right_arithmetic3A_1652 = vector.broadcast %shift_right_arithmetic3A_1651 : i32 to vector<16xi32>
      %shift_right_arithmetic3A_1653 = arith.shrsi %get3A_1650, %shift_right_arithmetic3A_1652 : vector<16xi32>
      %shift_left3A_1654 = arith.constant 13 : i32
      %shift_left3A_1655 = vector.broadcast %shift_left3A_1654 : i32 to vector<16xi32>
      %shift_left3A_1656 = arith.shli %shift_right_arithmetic3A_1653, %shift_left3A_1655 : vector<16xi32>
      %and3A_1657 = arith.constant 511 : i32
      %and3A_1658 = vector.broadcast %and3A_1657 : i32 to vector<16xi32>
      %and3A_1659 = arith.andi %get3A_1650, %and3A_1658 : vector<16xi32>
      %shift_left3A_1660 = arith.constant 4 : i32
      %shift_left3A_1661 = vector.broadcast %shift_left3A_1660 : i32 to vector<16xi32>
      %shift_left3A_1662 = arith.shli %and3A_1659, %shift_left3A_1661 : vector<16xi32>
      %add3A_1663 = arith.addi %shift_left3A_1656, %shift_left3A_1662 : vector<16xi32>
      %and3A_1664 = arith.constant 8191 : i32
      %and3A_1665 = vector.broadcast %and3A_1664 : i32 to vector<16xi32>
      %and3A_1666 = arith.andi %get3A_1650, %and3A_1665 : vector<16xi32>
      %shift_right_arithmetic3A_1667 = arith.constant 9 : i32
      %shift_right_arithmetic3A_1668 = vector.broadcast %shift_right_arithmetic3A_1667 : i32 to vector<16xi32>
      %shift_right_arithmetic3A_1669 = arith.shrsi %and3A_1666, %shift_right_arithmetic3A_1668 : vector<16xi32>
      %add3A_1670 = arith.addi %add3A_1663, %shift_right_arithmetic3A_1669 : vector<16xi32>
      %get3A_1671 = arith.constant 7 : i32
      %get3A_1672 = arith.index_cast %get3A_1671 : i32 to index
      %get3A_1673 = arith.constant 80 : index
      %get3A_1674 = tpu.vector_load %arg5[%get3A_1672, %get3A_1673] {strides = array<i32>} : memref<8x100xi32, #tpu.memory_space<vmem>>, vector<1x16xi32>,
      %get3A_1675 = vector.shape_cast %get3A_1674 : vector<1x16xi32> to vector<16xi32>
      %shift_right_arithmetic3A_1676 = arith.constant 13 : i32
      %shift_right_arithmetic3A_1677 = vector.broadcast %shift_right_arithmetic3A_1676 : i32 to vector<16xi32>
      %shift_right_arithmetic3A_1678 = arith.shrsi %get3A_1675, %shift_right_arithmetic3A_1677 : vector<16xi32>
      %shift_left3A_1679 = arith.constant 13 : i32
      %shift_left3A_1680 = vector.broadcast %shift_left3A_1679 : i32 to vector<16xi32>
      %shift_left3A_1681 = arith.shli %shift_right_arithmetic3A_1678, %shift_left3A_1680 : vector<16xi32>
      %and3A_1682 = arith.constant 511 : i32
      %and3A_1683 = vector.broadcast %and3A_1682 : i32 to vector<16xi32>
      %and3A_1684 = arith.andi %get3A_1675, %and3A_1683 : vector<16xi32>
      %shift_left3A_1685 = arith.constant 4 : i32
      %shift_left3A_1686 = vector.broadcast %shift_left3A_1685 : i32 to vector<16xi32>
      %shift_left3A_1687 = arith.shli %and3A_1684, %shift_left3A_1686 : vector<16xi32>
      %add3A_1688 = arith.addi %shift_left3A_1681, %shift_left3A_1687 : vector<16xi32>
      %and3A_1689 = arith.constant 8191 : i32
      %and3A_1690 = vector.broadcast %and3A_1689 : i32 to vector<16xi32>
      %and3A_1691 = arith.andi %get3A_1675, %and3A_1690 : vector<16xi32>
      %shift_right_arithmetic3A_1692 = arith.constant 9 : i32
      %shift_right_arithmetic3A_1693 = vector.broadcast %shift_right_arithmetic3A_1692 : i32 to vector<16xi32>
      %shift_right_arithmetic3A_1694 = arith.shrsi %and3A_1691, %shift_right_arithmetic3A_1693 : vector<16xi32>
      %add3A_1695 = arith.addi %add3A_1688, %shift_right_arithmetic3A_1694 : vector<16xi32>
      %get3A_1696 = arith.constant 7 : i32
      %get3A_1697 = arith.index_cast %get3A_1696 : i32 to index
      %get3A_1698 = arith.constant 84 : index
      %get3A_1699 = tpu.vector_load %arg5[%get3A_1697, %get3A_1698] {strides = array<i32>} : memref<8x100xi32, #tpu.memory_space<vmem>>, vector<1x16xi32>,
      %get3A_1700 = vector.shape_cast %get3A_1699 : vector<1x16xi32> to vector<16xi32>
      %shift_right_arithmetic3A_1701 = arith.constant 13 : i32
      %shift_right_arithmetic3A_1702 = vector.broadcast %shift_right_arithmetic3A_1701 : i32 to vector<16xi32>
      %shift_right_arithmetic3A_1703 = arith.shrsi %get3A_1700, %shift_right_arithmetic3A_1702 : vector<16xi32>
      %shift_left3A_1704 = arith.constant 13 : i32
      %shift_left3A_1705 = vector.broadcast %shift_left3A_1704 : i32 to vector<16xi32>
      %shift_left3A_1706 = arith.shli %shift_right_arithmetic3A_1703, %shift_left3A_1705 : vector<16xi32>
      %and3A_1707 = arith.constant 511 : i32
      %and3A_1708 = vector.broadcast %and3A_1707 : i32 to vector<16xi32>
      %and3A_1709 = arith.andi %get3A_1700, %and3A_1708 : vector<16xi32>
      %shift_left3A_1710 = arith.constant 4 : i32
      %shift_left3A_1711 = vector.broadcast %shift_left3A_1710 : i32 to vector<16xi32>
      %shift_left3A_1712 = arith.shli %and3A_1709, %shift_left3A_1711 : vector<16xi32>
      %add3A_1713 = arith.addi %shift_left3A_1706, %shift_left3A_1712 : vector<16xi32>
      %and3A_1714 = arith.constant 8191 : i32
      %and3A_1715 = vector.broadcast %and3A_1714 : i32 to vector<16xi32>
      %and3A_1716 = arith.andi %get3A_1700, %and3A_1715 : vector<16xi32>
      %shift_right_arithmetic3A_1717 = arith.constant 9 : i32
      %shift_right_arithmetic3A_1718 = vector.broadcast %shift_right_arithmetic3A_1717 : i32 to vector<16xi32>
      %shift_right_arithmetic3A_1719 = arith.shrsi %and3A_1716, %shift_right_arithmetic3A_1718 : vector<16xi32>
      %add3A_1720 = arith.addi %add3A_1713, %shift_right_arithmetic3A_1719 : vector<16xi32>
      %swap3A_1721 = arith.constant 7 : i32
      %swap3A_1722 = arith.index_cast %swap3A_1721 : i32 to index
      %swap3A_1723 = arith.constant 0 : index
      %swap3A_1724 = tpu.vector_load %arg5[%swap3A_1722, %swap3A_1723] {strides = array<i32>} : memref<8x100xi32, #tpu.memory_space<vmem>>, vector<1x16xi32>,
      %swap3A_1725 = vector.shape_cast %swap3A_1724 : vector<1x16xi32> to vector<16xi32>
      %swap3A_1726 = vector.shape_cast %add3A_1570 : vector<16xi32> to vector<1x16xi32>
      tpu.vector_store %arg5[%swap3A_1722, %swap3A_1723], %swap3A_1726 {strides = array<i32>} : memref<8x100xi32, #tpu.memory_space<vmem>>, vector<1x16xi32>,
      %swap3A_1727 = arith.constant 7 : i32
      %swap3A_1728 = arith.index_cast %swap3A_1727 : i32 to index
      %swap3A_1729 = arith.constant 16 : index
      %swap3A_1730 = tpu.vector_load %arg5[%swap3A_1728, %swap3A_1729] {strides = array<i32>} : memref<8x100xi32, #tpu.memory_space<vmem>>, vector<1x16xi32>,
      %swap3A_1731 = vector.shape_cast %swap3A_1730 : vector<1x16xi32> to vector<16xi32>
      %swap3A_1732 = vector.shape_cast %add3A_1595 : vector<16xi32> to vector<1x16xi32>
      tpu.vector_store %arg5[%swap3A_1728, %swap3A_1729], %swap3A_1732 {strides = array<i32>} : memref<8x100xi32, #tpu.memory_space<vmem>>, vector<1x16xi32>,
      %swap3A_1733 = arith.constant 7 : i32
      %swap3A_1734 = arith.index_cast %swap3A_1733 : i32 to index
      %swap3A_1735 = arith.constant 32 : index
      %swap3A_1736 = tpu.vector_load %arg5[%swap3A_1734, %swap3A_1735] {strides = array<i32>} : memref<8x100xi32, #tpu.memory_space<vmem>>, vector<1x16xi32>,
      %swap3A_1737 = vector.shape_cast %swap3A_1736 : vector<1x16xi32> to vector<16xi32>
      %swap3A_1738 = vector.shape_cast %add3A_1620 : vector<16xi32> to vector<1x16xi32>
      tpu.vector_store %arg5[%swap3A_1734, %swap3A_1735], %swap3A_1738 {strides = array<i32>} : memref<8x100xi32, #tpu.memory_space<vmem>>, vector<1x16xi32>,
      %swap3A_1739 = arith.constant 7 : i32
      %swap3A_1740 = arith.index_cast %swap3A_1739 : i32 to index
      %swap3A_1741 = arith.constant 48 : index
      %swap3A_1742 = tpu.vector_load %arg5[%swap3A_1740, %swap3A_1741] {strides = array<i32>} : memref<8x100xi32, #tpu.memory_space<vmem>>, vector<1x16xi32>,
      %swap3A_1743 = vector.shape_cast %swap3A_1742 : vector<1x16xi32> to vector<16xi32>
      %swap3A_1744 = vector.shape_cast %add3A_1645 : vector<16xi32> to vector<1x16xi32>
      tpu.vector_store %arg5[%swap3A_1740, %swap3A_1741], %swap3A_1744 {strides = array<i32>} : memref<8x100xi32, #tpu.memory_space<vmem>>, vector<1x16xi32>,
      %swap3A_1745 = arith.constant 7 : i32
      %swap3A_1746 = arith.index_cast %swap3A_1745 : i32 to index
      %swap3A_1747 = arith.constant 64 : index
      %swap3A_1748 = tpu.vector_load %arg5[%swap3A_1746, %swap3A_1747] {strides = array<i32>} : memref<8x100xi32, #tpu.memory_space<vmem>>, vector<1x16xi32>,
      %swap3A_1749 = vector.shape_cast %swap3A_1748 : vector<1x16xi32> to vector<16xi32>
      %swap3A_1750 = vector.shape_cast %add3A_1670 : vector<16xi32> to vector<1x16xi32>
      tpu.vector_store %arg5[%swap3A_1746, %swap3A_1747], %swap3A_1750 {strides = array<i32>} : memref<8x100xi32, #tpu.memory_space<vmem>>, vector<1x16xi32>,
      %swap3A_1751 = arith.constant 7 : i32
      %swap3A_1752 = arith.index_cast %swap3A_1751 : i32 to index
      %swap3A_1753 = arith.constant 80 : index
      %swap3A_1754 = tpu.vector_load %arg5[%swap3A_1752, %swap3A_1753] {strides = array<i32>} : memref<8x100xi32, #tpu.memory_space<vmem>>, vector<1x16xi32>,
      %swap3A_1755 = vector.shape_cast %swap3A_1754 : vector<1x16xi32> to vector<16xi32>
      %swap3A_1756 = vector.shape_cast %add3A_1695 : vector<16xi32> to vector<1x16xi32>
      tpu.vector_store %arg5[%swap3A_1752, %swap3A_1753], %swap3A_1756 {strides = array<i32>} : memref<8x100xi32, #tpu.memory_space<vmem>>, vector<1x16xi32>,
      %swap3A_1757 = arith.constant 7 : i32
      %swap3A_1758 = arith.index_cast %swap3A_1757 : i32 to index
      %swap3A_1759 = arith.constant 84 : index
      %swap3A_1760 = tpu.vector_load %arg5[%swap3A_1758, %swap3A_1759] {strides = array<i32>} : memref<8x100xi32, #tpu.memory_space<vmem>>, vector<1x16xi32>,
      %swap3A_1761 = vector.shape_cast %swap3A_1760 : vector<1x16xi32> to vector<16xi32>
      %swap3A_1762 = vector.shape_cast %add3A_1720 : vector<16xi32> to vector<1x16xi32>
      tpu.vector_store %arg5[%swap3A_1758, %swap3A_1759], %swap3A_1762 {strides = array<i32>} : memref<8x100xi32, #tpu.memory_space<vmem>>, vector<1x16xi32>,
      %dma_start3A = arith.constant 0 : i32
      %dma_start3A_1763 = arith.constant 0 : i32
      %dma_start3A_1764 = arith.constant 0 : i32
      %dma_start3A_1765 = tpu.memref_slice %arg6[%dma_start3A_1763, %dma_start3A_1764] : memref<800x32xf32, #tpu.memory_space<vmem>> -> memref<100x32xf32, #tpu.memory_space<vmem>>
      %dma_start3A_1766 = arith.constant 0 : i32
      %dma_start3A_1767 = tpu.memref_slice %arg5[%dma_start3A, %dma_start3A_1766] : memref<8x100xi32, #tpu.memory_space<vmem>> -> memref<1x100xi32, #tpu.memory_space<vmem>>
      %dma_start3A_1768 = tpu.memref_squeeze %dma_start3A_1767 : memref<1x100xi32, #tpu.memory_space<vmem>> -> memref<100xi32, #tpu.memory_space<vmem>>
      %dma_start3A_1769 = arith.constant 0 : i32
      %dma_start3A_1770 = arith.constant 0 : i32
      %dma_start3A_1771 = tpu.memref_slice %arg3[%dma_start3A_1769, %dma_start3A_1770] : memref<1007616x32xf32, #tpu.memory_space<hbm>> -> memref<1007616x32xf32, #tpu.memory_space<hbm>>
      tpu.enqueue_indirect_dma source(%dma_start3A_1771 : memref<1007616x32xf32, #tpu.memory_space<hbm>>) target(%dma_start3A_1765 : memref<100x32xf32, #tpu.memory_space<vmem>>) offsets(%dma_start3A_1768 : memref<100xi32, #tpu.memory_space<vmem>>) semaphore(%arg8 : memref<!tpu.dma_semaphore, #tpu.memory_space<semaphore_mem>>)
      %dma_start3A_1772 = arith.constant 1 : i32
      %dma_start3A_1773 = arith.constant 100 : i32
      %dma_start3A_1774 = arith.constant 0 : i32
      %dma_start3A_1775 = tpu.memref_slice %arg6[%dma_start3A_1773, %dma_start3A_1774] : memref<800x32xf32, #tpu.memory_space<vmem>> -> memref<100x32xf32, #tpu.memory_space<vmem>>
      %dma_start3A_1776 = arith.constant 0 : i32
      %dma_start3A_1777 = tpu.memref_slice %arg5[%dma_start3A_1772, %dma_start3A_1776] : memref<8x100xi32, #tpu.memory_space<vmem>> -> memref<1x100xi32, #tpu.memory_space<vmem>>
      %dma_start3A_1778 = tpu.memref_squeeze %dma_start3A_1777 : memref<1x100xi32, #tpu.memory_space<vmem>> -> memref<100xi32, #tpu.memory_space<vmem>>
      %dma_start3A_1779 = arith.constant 0 : i32
      %dma_start3A_1780 = arith.constant 0 : i32
      %dma_start3A_1781 = tpu.memref_slice %arg3[%dma_start3A_1779, %dma_start3A_1780] : memref<1007616x32xf32, #tpu.memory_space<hbm>> -> memref<1007616x32xf32, #tpu.memory_space<hbm>>
      tpu.enqueue_indirect_dma source(%dma_start3A_1781 : memref<1007616x32xf32, #tpu.memory_space<hbm>>) target(%dma_start3A_1775 : memref<100x32xf32, #tpu.memory_space<vmem>>) offsets(%dma_start3A_1778 : memref<100xi32, #tpu.memory_space<vmem>>) semaphore(%arg8 : memref<!tpu.dma_semaphore, #tpu.memory_space<semaphore_mem>>)
      %dma_start3A_1782 = arith.constant 2 : i32
      %dma_start3A_1783 = arith.constant 200 : i32
      %dma_start3A_1784 = arith.constant 0 : i32
      %dma_start3A_1785 = tpu.memref_slice %arg6[%dma_start3A_1783, %dma_start3A_1784] : memref<800x32xf32, #tpu.memory_space<vmem>> -> memref<100x32xf32, #tpu.memory_space<vmem>>
      %dma_start3A_1786 = arith.constant 0 : i32
      %dma_start3A_1787 = tpu.memref_slice %arg5[%dma_start3A_1782, %dma_start3A_1786] : memref<8x100xi32, #tpu.memory_space<vmem>> -> memref<1x100xi32, #tpu.memory_space<vmem>>
      %dma_start3A_1788 = tpu.memref_squeeze %dma_start3A_1787 : memref<1x100xi32, #tpu.memory_space<vmem>> -> memref<100xi32, #tpu.memory_space<vmem>>
      %dma_start3A_1789 = arith.constant 0 : i32
      %dma_start3A_1790 = arith.constant 0 : i32
      %dma_start3A_1791 = tpu.memref_slice %arg3[%dma_start3A_1789, %dma_start3A_1790] : memref<1007616x32xf32, #tpu.memory_space<hbm>> -> memref<1007616x32xf32, #tpu.memory_space<hbm>>
      tpu.enqueue_indirect_dma source(%dma_start3A_1791 : memref<1007616x32xf32, #tpu.memory_space<hbm>>) target(%dma_start3A_1785 : memref<100x32xf32, #tpu.memory_space<vmem>>) offsets(%dma_start3A_1788 : memref<100xi32, #tpu.memory_space<vmem>>) semaphore(%arg8 : memref<!tpu.dma_semaphore, #tpu.memory_space<semaphore_mem>>)
      %dma_start3A_1792 = arith.constant 3 : i32
      %dma_start3A_1793 = arith.constant 300 : i32
      %dma_start3A_1794 = arith.constant 0 : i32
      %dma_start3A_1795 = tpu.memref_slice %arg6[%dma_start3A_1793, %dma_start3A_1794] : memref<800x32xf32, #tpu.memory_space<vmem>> -> memref<100x32xf32, #tpu.memory_space<vmem>>
      %dma_start3A_1796 = arith.constant 0 : i32
      %dma_start3A_1797 = tpu.memref_slice %arg5[%dma_start3A_1792, %dma_start3A_1796] : memref<8x100xi32, #tpu.memory_space<vmem>> -> memref<1x100xi32, #tpu.memory_space<vmem>>
      %dma_start3A_1798 = tpu.memref_squeeze %dma_start3A_1797 : memref<1x100xi32, #tpu.memory_space<vmem>> -> memref<100xi32, #tpu.memory_space<vmem>>
      %dma_start3A_1799 = arith.constant 0 : i32
      %dma_start3A_1800 = arith.constant 0 : i32
      %dma_start3A_1801 = tpu.memref_slice %arg3[%dma_start3A_1799, %dma_start3A_1800] : memref<1007616x32xf32, #tpu.memory_space<hbm>> -> memref<1007616x32xf32, #tpu.memory_space<hbm>>
      tpu.enqueue_indirect_dma source(%dma_start3A_1801 : memref<1007616x32xf32, #tpu.memory_space<hbm>>) target(%dma_start3A_1795 : memref<100x32xf32, #tpu.memory_space<vmem>>) offsets(%dma_start3A_1798 : memref<100xi32, #tpu.memory_space<vmem>>) semaphore(%arg8 : memref<!tpu.dma_semaphore, #tpu.memory_space<semaphore_mem>>)
      %dma_start3A_1802 = arith.constant 4 : i32
      %dma_start3A_1803 = arith.constant 400 : i32
      %dma_start3A_1804 = arith.constant 0 : i32
      %dma_start3A_1805 = tpu.memref_slice %arg6[%dma_start3A_1803, %dma_start3A_1804] : memref<800x32xf32, #tpu.memory_space<vmem>> -> memref<100x32xf32, #tpu.memory_space<vmem>>
      %dma_start3A_1806 = arith.constant 0 : i32
      %dma_start3A_1807 = tpu.memref_slice %arg5[%dma_start3A_1802, %dma_start3A_1806] : memref<8x100xi32, #tpu.memory_space<vmem>> -> memref<1x100xi32, #tpu.memory_space<vmem>>
      %dma_start3A_1808 = tpu.memref_squeeze %dma_start3A_1807 : memref<1x100xi32, #tpu.memory_space<vmem>> -> memref<100xi32, #tpu.memory_space<vmem>>
      %dma_start3A_1809 = arith.constant 0 : i32
      %dma_start3A_1810 = arith.constant 0 : i32
      %dma_start3A_1811 = tpu.memref_slice %arg3[%dma_start3A_1809, %dma_start3A_1810] : memref<1007616x32xf32, #tpu.memory_space<hbm>> -> memref<1007616x32xf32, #tpu.memory_space<hbm>>
      tpu.enqueue_indirect_dma source(%dma_start3A_1811 : memref<1007616x32xf32, #tpu.memory_space<hbm>>) target(%dma_start3A_1805 : memref<100x32xf32, #tpu.memory_space<vmem>>) offsets(%dma_start3A_1808 : memref<100xi32, #tpu.memory_space<vmem>>) semaphore(%arg8 : memref<!tpu.dma_semaphore, #tpu.memory_space<semaphore_mem>>)
      %dma_start3A_1812 = arith.constant 5 : i32
      %dma_start3A_1813 = arith.constant 500 : i32
      %dma_start3A_1814 = arith.constant 0 : i32
      %dma_start3A_1815 = tpu.memref_slice %arg6[%dma_start3A_1813, %dma_start3A_1814] : memref<800x32xf32, #tpu.memory_space<vmem>> -> memref<100x32xf32, #tpu.memory_space<vmem>>
      %dma_start3A_1816 = arith.constant 0 : i32
      %dma_start3A_1817 = tpu.memref_slice %arg5[%dma_start3A_1812, %dma_start3A_1816] : memref<8x100xi32, #tpu.memory_space<vmem>> -> memref<1x100xi32, #tpu.memory_space<vmem>>
      %dma_start3A_1818 = tpu.memref_squeeze %dma_start3A_1817 : memref<1x100xi32, #tpu.memory_space<vmem>> -> memref<100xi32, #tpu.memory_space<vmem>>
      %dma_start3A_1819 = arith.constant 0 : i32
      %dma_start3A_1820 = arith.constant 0 : i32
      %dma_start3A_1821 = tpu.memref_slice %arg3[%dma_start3A_1819, %dma_start3A_1820] : memref<1007616x32xf32, #tpu.memory_space<hbm>> -> memref<1007616x32xf32, #tpu.memory_space<hbm>>
      tpu.enqueue_indirect_dma source(%dma_start3A_1821 : memref<1007616x32xf32, #tpu.memory_space<hbm>>) target(%dma_start3A_1815 : memref<100x32xf32, #tpu.memory_space<vmem>>) offsets(%dma_start3A_1818 : memref<100xi32, #tpu.memory_space<vmem>>) semaphore(%arg8 : memref<!tpu.dma_semaphore, #tpu.memory_space<semaphore_mem>>)
      %dma_start3A_1822 = arith.constant 6 : i32
      %dma_start3A_1823 = arith.constant 600 : i32
      %dma_start3A_1824 = arith.constant 0 : i32
      %dma_start3A_1825 = tpu.memref_slice %arg6[%dma_start3A_1823, %dma_start3A_1824] : memref<800x32xf32, #tpu.memory_space<vmem>> -> memref<100x32xf32, #tpu.memory_space<vmem>>
      %dma_start3A_1826 = arith.constant 0 : i32
      %dma_start3A_1827 = tpu.memref_slice %arg5[%dma_start3A_1822, %dma_start3A_1826] : memref<8x100xi32, #tpu.memory_space<vmem>> -> memref<1x100xi32, #tpu.memory_space<vmem>>
      %dma_start3A_1828 = tpu.memref_squeeze %dma_start3A_1827 : memref<1x100xi32, #tpu.memory_space<vmem>> -> memref<100xi32, #tpu.memory_space<vmem>>
      %dma_start3A_1829 = arith.constant 0 : i32
      %dma_start3A_1830 = arith.constant 0 : i32
      %dma_start3A_1831 = tpu.memref_slice %arg3[%dma_start3A_1829, %dma_start3A_1830] : memref<1007616x32xf32, #tpu.memory_space<hbm>> -> memref<1007616x32xf32, #tpu.memory_space<hbm>>
      tpu.enqueue_indirect_dma source(%dma_start3A_1831 : memref<1007616x32xf32, #tpu.memory_space<hbm>>) target(%dma_start3A_1825 : memref<100x32xf32, #tpu.memory_space<vmem>>) offsets(%dma_start3A_1828 : memref<100xi32, #tpu.memory_space<vmem>>) semaphore(%arg8 : memref<!tpu.dma_semaphore, #tpu.memory_space<semaphore_mem>>)
      %dma_start3A_1832 = arith.constant 7 : i32
      %dma_start3A_1833 = arith.constant 700 : i32
      %dma_start3A_1834 = arith.constant 0 : i32
      %dma_start3A_1835 = tpu.memref_slice %arg6[%dma_start3A_1833, %dma_start3A_1834] : memref<800x32xf32, #tpu.memory_space<vmem>> -> memref<100x32xf32, #tpu.memory_space<vmem>>
      %dma_start3A_1836 = arith.constant 0 : i32
      %dma_start3A_1837 = tpu.memref_slice %arg5[%dma_start3A_1832, %dma_start3A_1836] : memref<8x100xi32, #tpu.memory_space<vmem>> -> memref<1x100xi32, #tpu.memory_space<vmem>>
      %dma_start3A_1838 = tpu.memref_squeeze %dma_start3A_1837 : memref<1x100xi32, #tpu.memory_space<vmem>> -> memref<100xi32, #tpu.memory_space<vmem>>
      %dma_start3A_1839 = arith.constant 0 : i32
      %dma_start3A_1840 = arith.constant 0 : i32
      %dma_start3A_1841 = tpu.memref_slice %arg3[%dma_start3A_1839, %dma_start3A_1840] : memref<1007616x32xf32, #tpu.memory_space<hbm>> -> memref<1007616x32xf32, #tpu.memory_space<hbm>>
      tpu.enqueue_indirect_dma source(%dma_start3A_1841 : memref<1007616x32xf32, #tpu.memory_space<hbm>>) target(%dma_start3A_1835 : memref<100x32xf32, #tpu.memory_space<vmem>>) offsets(%dma_start3A_1838 : memref<100xi32, #tpu.memory_space<vmem>>) semaphore(%arg8 : memref<!tpu.dma_semaphore, #tpu.memory_space<semaphore_mem>>)
      %dma_wait3A = arith.constant 0 : i32
      %dma_wait3A_1842 = arith.constant 0 : i32
      %dma_wait3A_1843 = arith.constant 0 : i32
      %dma_wait3A_1844 = tpu.memref_slice %arg6[%dma_wait3A_1842, %dma_wait3A_1843] : memref<800x32xf32, #tpu.memory_space<vmem>> -> memref<100x32xf32, #tpu.memory_space<vmem>>
      %dma_wait3A_1845 = arith.constant 0 : i32
      %dma_wait3A_1846 = tpu.memref_slice %arg5[%dma_wait3A, %dma_wait3A_1845] : memref<8x100xi32, #tpu.memory_space<vmem>> -> memref<1x100xi32, #tpu.memory_space<vmem>>
      %dma_wait3A_1847 = tpu.memref_squeeze %dma_wait3A_1846 : memref<1x100xi32, #tpu.memory_space<vmem>> -> memref<100xi32, #tpu.memory_space<vmem>>
      %dma_wait3A_1848 = arith.constant 0 : i32
      %dma_wait3A_1849 = arith.constant 0 : i32
      %dma_wait3A_1850 = tpu.memref_slice %arg3[%dma_wait3A_1848, %dma_wait3A_1849] : memref<1007616x32xf32, #tpu.memory_space<hbm>> -> memref<1007616x32xf32, #tpu.memory_space<hbm>>
      tpu.wait_indirect_dma semaphore(%arg8 : memref<!tpu.dma_semaphore, #tpu.memory_space<semaphore_mem>>) src(%dma_wait3A_1850 : memref<1007616x32xf32, #tpu.memory_space<hbm>>) dst(%dma_wait3A_1844 : memref<100x32xf32, #tpu.memory_space<vmem>>)
      %dma_wait3A_1851 = arith.constant 1 : i32
      %dma_wait3A_1852 = arith.constant 100 : i32
      %dma_wait3A_1853 = arith.constant 0 : i32
      %dma_wait3A_1854 = tpu.memref_slice %arg6[%dma_wait3A_1852, %dma_wait3A_1853] : memref<800x32xf32, #tpu.memory_space<vmem>> -> memref<100x32xf32, #tpu.memory_space<vmem>>
      %dma_wait3A_1855 = arith.constant 0 : i32
      %dma_wait3A_1856 = tpu.memref_slice %arg5[%dma_wait3A_1851, %dma_wait3A_1855] : memref<8x100xi32, #tpu.memory_space<vmem>> -> memref<1x100xi32, #tpu.memory_space<vmem>>
      %dma_wait3A_1857 = tpu.memref_squeeze %dma_wait3A_1856 : memref<1x100xi32, #tpu.memory_space<vmem>> -> memref<100xi32, #tpu.memory_space<vmem>>
      %dma_wait3A_1858 = arith.constant 0 : i32
      %dma_wait3A_1859 = arith.constant 0 : i32
      %dma_wait3A_1860 = tpu.memref_slice %arg3[%dma_wait3A_1858, %dma_wait3A_1859] : memref<1007616x32xf32, #tpu.memory_space<hbm>> -> memref<1007616x32xf32, #tpu.memory_space<hbm>>
      tpu.wait_indirect_dma semaphore(%arg8 : memref<!tpu.dma_semaphore, #tpu.memory_space<semaphore_mem>>) src(%dma_wait3A_1860 : memref<1007616x32xf32, #tpu.memory_space<hbm>>) dst(%dma_wait3A_1854 : memref<100x32xf32, #tpu.memory_space<vmem>>)
      %dma_wait3A_1861 = arith.constant 2 : i32
      %dma_wait3A_1862 = arith.constant 200 : i32
      %dma_wait3A_1863 = arith.constant 0 : i32
      %dma_wait3A_1864 = tpu.memref_slice %arg6[%dma_wait3A_1862, %dma_wait3A_1863] : memref<800x32xf32, #tpu.memory_space<vmem>> -> memref<100x32xf32, #tpu.memory_space<vmem>>
      %dma_wait3A_1865 = arith.constant 0 : i32
      %dma_wait3A_1866 = tpu.memref_slice %arg5[%dma_wait3A_1861, %dma_wait3A_1865] : memref<8x100xi32, #tpu.memory_space<vmem>> -> memref<1x100xi32, #tpu.memory_space<vmem>>
      %dma_wait3A_1867 = tpu.memref_squeeze %dma_wait3A_1866 : memref<1x100xi32, #tpu.memory_space<vmem>> -> memref<100xi32, #tpu.memory_space<vmem>>
      %dma_wait3A_1868 = arith.constant 0 : i32
      %dma_wait3A_1869 = arith.constant 0 : i32
      %dma_wait3A_1870 = tpu.memref_slice %arg3[%dma_wait3A_1868, %dma_wait3A_1869] : memref<1007616x32xf32, #tpu.memory_space<hbm>> -> memref<1007616x32xf32, #tpu.memory_space<hbm>>
      tpu.wait_indirect_dma semaphore(%arg8 : memref<!tpu.dma_semaphore, #tpu.memory_space<semaphore_mem>>) src(%dma_wait3A_1870 : memref<1007616x32xf32, #tpu.memory_space<hbm>>) dst(%dma_wait3A_1864 : memref<100x32xf32, #tpu.memory_space<vmem>>)
      %dma_wait3A_1871 = arith.constant 3 : i32
      %dma_wait3A_1872 = arith.constant 300 : i32
      %dma_wait3A_1873 = arith.constant 0 : i32
      %dma_wait3A_1874 = tpu.memref_slice %arg6[%dma_wait3A_1872, %dma_wait3A_1873] : memref<800x32xf32, #tpu.memory_space<vmem>> -> memref<100x32xf32, #tpu.memory_space<vmem>>
      %dma_wait3A_1875 = arith.constant 0 : i32
      %dma_wait3A_1876 = tpu.memref_slice %arg5[%dma_wait3A_1871, %dma_wait3A_1875] : memref<8x100xi32, #tpu.memory_space<vmem>> -> memref<1x100xi32, #tpu.memory_space<vmem>>
      %dma_wait3A_1877 = tpu.memref_squeeze %dma_wait3A_1876 : memref<1x100xi32, #tpu.memory_space<vmem>> -> memref<100xi32, #tpu.memory_space<vmem>>
      %dma_wait3A_1878 = arith.constant 0 : i32
      %dma_wait3A_1879 = arith.constant 0 : i32
      %dma_wait3A_1880 = tpu.memref_slice %arg3[%dma_wait3A_1878, %dma_wait3A_1879] : memref<1007616x32xf32, #tpu.memory_space<hbm>> -> memref<1007616x32xf32, #tpu.memory_space<hbm>>
      tpu.wait_indirect_dma semaphore(%arg8 : memref<!tpu.dma_semaphore, #tpu.memory_space<semaphore_mem>>) src(%dma_wait3A_1880 : memref<1007616x32xf32, #tpu.memory_space<hbm>>) dst(%dma_wait3A_1874 : memref<100x32xf32, #tpu.memory_space<vmem>>)
      %dma_wait3A_1881 = arith.constant 4 : i32
      %dma_wait3A_1882 = arith.constant 400 : i32
      %dma_wait3A_1883 = arith.constant 0 : i32
      %dma_wait3A_1884 = tpu.memref_slice %arg6[%dma_wait3A_1882, %dma_wait3A_1883] : memref<800x32xf32, #tpu.memory_space<vmem>> -> memref<100x32xf32, #tpu.memory_space<vmem>>
      %dma_wait3A_1885 = arith.constant 0 : i32
      %dma_wait3A_1886 = tpu.memref_slice %arg5[%dma_wait3A_1881, %dma_wait3A_1885] : memref<8x100xi32, #tpu.memory_space<vmem>> -> memref<1x100xi32, #tpu.memory_space<vmem>>
      %dma_wait3A_1887 = tpu.memref_squeeze %dma_wait3A_1886 : memref<1x100xi32, #tpu.memory_space<vmem>> -> memref<100xi32, #tpu.memory_space<vmem>>
      %dma_wait3A_1888 = arith.constant 0 : i32
      %dma_wait3A_1889 = arith.constant 0 : i32
      %dma_wait3A_1890 = tpu.memref_slice %arg3[%dma_wait3A_1888, %dma_wait3A_1889] : memref<1007616x32xf32, #tpu.memory_space<hbm>> -> memref<1007616x32xf32, #tpu.memory_space<hbm>>
      tpu.wait_indirect_dma semaphore(%arg8 : memref<!tpu.dma_semaphore, #tpu.memory_space<semaphore_mem>>) src(%dma_wait3A_1890 : memref<1007616x32xf32, #tpu.memory_space<hbm>>) dst(%dma_wait3A_1884 : memref<100x32xf32, #tpu.memory_space<vmem>>)
      %dma_wait3A_1891 = arith.constant 5 : i32
      %dma_wait3A_1892 = arith.constant 500 : i32
      %dma_wait3A_1893 = arith.constant 0 : i32
      %dma_wait3A_1894 = tpu.memref_slice %arg6[%dma_wait3A_1892, %dma_wait3A_1893] : memref<800x32xf32, #tpu.memory_space<vmem>> -> memref<100x32xf32, #tpu.memory_space<vmem>>
      %dma_wait3A_1895 = arith.constant 0 : i32
      %dma_wait3A_1896 = tpu.memref_slice %arg5[%dma_wait3A_1891, %dma_wait3A_1895] : memref<8x100xi32, #tpu.memory_space<vmem>> -> memref<1x100xi32, #tpu.memory_space<vmem>>
      %dma_wait3A_1897 = tpu.memref_squeeze %dma_wait3A_1896 : memref<1x100xi32, #tpu.memory_space<vmem>> -> memref<100xi32, #tpu.memory_space<vmem>>
      %dma_wait3A_1898 = arith.constant 0 : i32
      %dma_wait3A_1899 = arith.constant 0 : i32
      %dma_wait3A_1900 = tpu.memref_slice %arg3[%dma_wait3A_1898, %dma_wait3A_1899] : memref<1007616x32xf32, #tpu.memory_space<hbm>> -> memref<1007616x32xf32, #tpu.memory_space<hbm>>
      tpu.wait_indirect_dma semaphore(%arg8 : memref<!tpu.dma_semaphore, #tpu.memory_space<semaphore_mem>>) src(%dma_wait3A_1900 : memref<1007616x32xf32, #tpu.memory_space<hbm>>) dst(%dma_wait3A_1894 : memref<100x32xf32, #tpu.memory_space<vmem>>)
      %dma_wait3A_1901 = arith.constant 6 : i32
      %dma_wait3A_1902 = arith.constant 600 : i32
      %dma_wait3A_1903 = arith.constant 0 : i32
      %dma_wait3A_1904 = tpu.memref_slice %arg6[%dma_wait3A_1902, %dma_wait3A_1903] : memref<800x32xf32, #tpu.memory_space<vmem>> -> memref<100x32xf32, #tpu.memory_space<vmem>>
      %dma_wait3A_1905 = arith.constant 0 : i32
      %dma_wait3A_1906 = tpu.memref_slice %arg5[%dma_wait3A_1901, %dma_wait3A_1905] : memref<8x100xi32, #tpu.memory_space<vmem>> -> memref<1x100xi32, #tpu.memory_space<vmem>>
      %dma_wait3A_1907 = tpu.memref_squeeze %dma_wait3A_1906 : memref<1x100xi32, #tpu.memory_space<vmem>> -> memref<100xi32, #tpu.memory_space<vmem>>
      %dma_wait3A_1908 = arith.constant 0 : i32
      %dma_wait3A_1909 = arith.constant 0 : i32
      %dma_wait3A_1910 = tpu.memref_slice %arg3[%dma_wait3A_1908, %dma_wait3A_1909] : memref<1007616x32xf32, #tpu.memory_space<hbm>> -> memref<1007616x32xf32, #tpu.memory_space<hbm>>
      tpu.wait_indirect_dma semaphore(%arg8 : memref<!tpu.dma_semaphore, #tpu.memory_space<semaphore_mem>>) src(%dma_wait3A_1910 : memref<1007616x32xf32, #tpu.memory_space<hbm>>) dst(%dma_wait3A_1904 : memref<100x32xf32, #tpu.memory_space<vmem>>)
      %dma_wait3A_1911 = arith.constant 7 : i32
      %dma_wait3A_1912 = arith.constant 700 : i32
      %dma_wait3A_1913 = arith.constant 0 : i32
      %dma_wait3A_1914 = tpu.memref_slice %arg6[%dma_wait3A_1912, %dma_wait3A_1913] : memref<800x32xf32, #tpu.memory_space<vmem>> -> memref<100x32xf32, #tpu.memory_space<vmem>>
      %dma_wait3A_1915 = arith.constant 0 : i32
      %dma_wait3A_1916 = tpu.memref_slice %arg5[%dma_wait3A_1911, %dma_wait3A_1915] : memref<8x100xi32, #tpu.memory_space<vmem>> -> memref<1x100xi32, #tpu.memory_space<vmem>>
      %dma_wait3A_1917 = tpu.memref_squeeze %dma_wait3A_1916 : memref<1x100xi32, #tpu.memory_space<vmem>> -> memref<100xi32, #tpu.memory_space<vmem>>
      %dma_wait3A_1918 = arith.constant 0 : i32
      %dma_wait3A_1919 = arith.constant 0 : i32
      %dma_wait3A_1920 = tpu.memref_slice %arg3[%dma_wait3A_1918, %dma_wait3A_1919] : memref<1007616x32xf32, #tpu.memory_space<hbm>> -> memref<1007616x32xf32, #tpu.memory_space<hbm>>
      tpu.wait_indirect_dma semaphore(%arg8 : memref<!tpu.dma_semaphore, #tpu.memory_space<semaphore_mem>>) src(%dma_wait3A_1920 : memref<1007616x32xf32, #tpu.memory_space<hbm>>) dst(%dma_wait3A_1914 : memref<100x32xf32, #tpu.memory_space<vmem>>)
      %scan3A_1921 = arith.constant 0 : i32
      %scan3A_1922 = arith.constant 0 : i32
      %scan3A_1923 = arith.constant 16 : i32
      %scan3A_1924 = arith.addi %scan3A_1922, %scan3A_1923 : i32
      %scan3A_1925 = arith.constant 1 : i32
      scf.for %scan3A_1927 = %scan3A_1922 to %scan3A_1924 step %scan3A_1925  : i32 {
        %mul3A_1928 = arith.constant 50 : i32
        %mul3A_1929 = arith.muli %scan3A_1927, %mul3A_1928 : i32
        %get3A_1930 = arith.index_cast %mul3A_1929 : i32 to index
        %get3A_1931 = arith.constant 0 : index
        %get3A_1932 = tpu.vector_load %arg6[%get3A_1930, %get3A_1931] {strides = array<i32>} : memref<800x32xf32, #tpu.memory_space<vmem>>, vector<1x16xf32>,
        %get3A_1933 = vector.shape_cast %get3A_1932 : vector<1x16xf32> to vector<16xf32>
        %get3A_1934 = arith.index_cast %mul3A_1929 : i32 to index
        %get3A_1935 = arith.constant 16 : index
        %get3A_1936 = tpu.vector_load %arg6[%get3A_1934, %get3A_1935] {strides = array<i32>} : memref<800x32xf32, #tpu.memory_space<vmem>>, vector<1x16xf32>,
        %get3A_1937 = vector.shape_cast %get3A_1936 : vector<1x16xf32> to vector<16xf32>
        %add3A_1938 = arith.constant 1 : i32
        %add3A_1939 = arith.addi %mul3A_1929, %add3A_1938 : i32
        %get3A_1940 = arith.index_cast %add3A_1939 : i32 to index
        %get3A_1941 = arith.constant 0 : index
        %get3A_1942 = tpu.vector_load %arg6[%get3A_1940, %get3A_1941] {strides = array<i32>} : memref<800x32xf32, #tpu.memory_space<vmem>>, vector<1x16xf32>,
        %get3A_1943 = vector.shape_cast %get3A_1942 : vector<1x16xf32> to vector<16xf32>
        %add3A_1944 = arith.addf %get3A_1933, %get3A_1943 : vector<16xf32>
        %add3A_1945 = arith.constant 1 : i32
        %add3A_1946 = arith.addi %mul3A_1929, %add3A_1945 : i32
        %get3A_1947 = arith.index_cast %add3A_1946 : i32 to index
        %get3A_1948 = arith.constant 16 : index
        %get3A_1949 = tpu.vector_load %arg6[%get3A_1947, %get3A_1948] {strides = array<i32>} : memref<800x32xf32, #tpu.memory_space<vmem>>, vector<1x16xf32>,
        %get3A_1950 = vector.shape_cast %get3A_1949 : vector<1x16xf32> to vector<16xf32>
        %add3A_1951 = arith.addf %get3A_1937, %get3A_1950 : vector<16xf32>
        %add3A_1952 = arith.constant 2 : i32
        %add3A_1953 = arith.addi %mul3A_1929, %add3A_1952 : i32
        %get3A_1954 = arith.index_cast %add3A_1953 : i32 to index
        %get3A_1955 = arith.constant 0 : index
        %get3A_1956 = tpu.vector_load %arg6[%get3A_1954, %get3A_1955] {strides = array<i32>} : memref<800x32xf32, #tpu.memory_space<vmem>>, vector<1x16xf32>,
        %get3A_1957 = vector.shape_cast %get3A_1956 : vector<1x16xf32> to vector<16xf32>
        %add3A_1958 = arith.addf %add3A_1944, %get3A_1957 : vector<16xf32>
        %add3A_1959 = arith.constant 2 : i32
        %add3A_1960 = arith.addi %mul3A_1929, %add3A_1959 : i32
        %get3A_1961 = arith.index_cast %add3A_1960 : i32 to index
        %get3A_1962 = arith.constant 16 : index
        %get3A_1963 = tpu.vector_load %arg6[%get3A_1961, %get3A_1962] {strides = array<i32>} : memref<800x32xf32, #tpu.memory_space<vmem>>, vector<1x16xf32>,
        %get3A_1964 = vector.shape_cast %get3A_1963 : vector<1x16xf32> to vector<16xf32>
        %add3A_1965 = arith.addf %add3A_1951, %get3A_1964 : vector<16xf32>
        %add3A_1966 = arith.constant 3 : i32
        %add3A_1967 = arith.addi %mul3A_1929, %add3A_1966 : i32
        %get3A_1968 = arith.index_cast %add3A_1967 : i32 to index
        %get3A_1969 = arith.constant 0 : index
        %get3A_1970 = tpu.vector_load %arg6[%get3A_1968, %get3A_1969] {strides = array<i32>} : memref<800x32xf32, #tpu.memory_space<vmem>>, vector<1x16xf32>,
        %get3A_1971 = vector.shape_cast %get3A_1970 : vector<1x16xf32> to vector<16xf32>
        %add3A_1972 = arith.addf %add3A_1958, %get3A_1971 : vector<16xf32>
        %add3A_1973 = arith.constant 3 : i32
        %add3A_1974 = arith.addi %mul3A_1929, %add3A_1973 : i32
        %get3A_1975 = arith.index_cast %add3A_1974 : i32 to index
        %get3A_1976 = arith.constant 16 : index
        %get3A_1977 = tpu.vector_load %arg6[%get3A_1975, %get3A_1976] {strides = array<i32>} : memref<800x32xf32, #tpu.memory_space<vmem>>, vector<1x16xf32>,
        %get3A_1978 = vector.shape_cast %get3A_1977 : vector<1x16xf32> to vector<16xf32>
        %add3A_1979 = arith.addf %add3A_1965, %get3A_1978 : vector<16xf32>
        %add3A_1980 = arith.constant 4 : i32
        %add3A_1981 = arith.addi %mul3A_1929, %add3A_1980 : i32
        %get3A_1982 = arith.index_cast %add3A_1981 : i32 to index
        %get3A_1983 = arith.constant 0 : index
        %get3A_1984 = tpu.vector_load %arg6[%get3A_1982, %get3A_1983] {strides = array<i32>} : memref<800x32xf32, #tpu.memory_space<vmem>>, vector<1x16xf32>,
        %get3A_1985 = vector.shape_cast %get3A_1984 : vector<1x16xf32> to vector<16xf32>
        %add3A_1986 = arith.addf %add3A_1972, %get3A_1985 : vector<16xf32>
        %add3A_1987 = arith.constant 4 : i32
        %add3A_1988 = arith.addi %mul3A_1929, %add3A_1987 : i32
        %get3A_1989 = arith.index_cast %add3A_1988 : i32 to index
        %get3A_1990 = arith.constant 16 : index
        %get3A_1991 = tpu.vector_load %arg6[%get3A_1989, %get3A_1990] {strides = array<i32>} : memref<800x32xf32, #tpu.memory_space<vmem>>, vector<1x16xf32>,
        %get3A_1992 = vector.shape_cast %get3A_1991 : vector<1x16xf32> to vector<16xf32>
        %add3A_1993 = arith.addf %add3A_1979, %get3A_1992 : vector<16xf32>
        %add3A_1994 = arith.constant 5 : i32
        %add3A_1995 = arith.addi %mul3A_1929, %add3A_1994 : i32
        %get3A_1996 = arith.index_cast %add3A_1995 : i32 to index
        %get3A_1997 = arith.constant 0 : index
        %get3A_1998 = tpu.vector_load %arg6[%get3A_1996, %get3A_1997] {strides = array<i32>} : memref<800x32xf32, #tpu.memory_space<vmem>>, vector<1x16xf32>,
        %get3A_1999 = vector.shape_cast %get3A_1998 : vector<1x16xf32> to vector<16xf32>
        %add3A_2000 = arith.addf %add3A_1986, %get3A_1999 : vector<16xf32>
        %add3A_2001 = arith.constant 5 : i32
        %add3A_2002 = arith.addi %mul3A_1929, %add3A_2001 : i32
        %get3A_2003 = arith.index_cast %add3A_2002 : i32 to index
        %get3A_2004 = arith.constant 16 : index
        %get3A_2005 = tpu.vector_load %arg6[%get3A_2003, %get3A_2004] {strides = array<i32>} : memref<800x32xf32, #tpu.memory_space<vmem>>, vector<1x16xf32>,
        %get3A_2006 = vector.shape_cast %get3A_2005 : vector<1x16xf32> to vector<16xf32>
        %add3A_2007 = arith.addf %add3A_1993, %get3A_2006 : vector<16xf32>
        %add3A_2008 = arith.constant 6 : i32
        %add3A_2009 = arith.addi %mul3A_1929, %add3A_2008 : i32
        %get3A_2010 = arith.index_cast %add3A_2009 : i32 to index
        %get3A_2011 = arith.constant 0 : index
        %get3A_2012 = tpu.vector_load %arg6[%get3A_2010, %get3A_2011] {strides = array<i32>} : memref<800x32xf32, #tpu.memory_space<vmem>>, vector<1x16xf32>,
        %get3A_2013 = vector.shape_cast %get3A_2012 : vector<1x16xf32> to vector<16xf32>
        %add3A_2014 = arith.addf %add3A_2000, %get3A_2013 : vector<16xf32>
        %add3A_2015 = arith.constant 6 : i32
        %add3A_2016 = arith.addi %mul3A_1929, %add3A_2015 : i32
        %get3A_2017 = arith.index_cast %add3A_2016 : i32 to index
        %get3A_2018 = arith.constant 16 : index
        %get3A_2019 = tpu.vector_load %arg6[%get3A_2017, %get3A_2018] {strides = array<i32>} : memref<800x32xf32, #tpu.memory_space<vmem>>, vector<1x16xf32>,
        %get3A_2020 = vector.shape_cast %get3A_2019 : vector<1x16xf32> to vector<16xf32>
        %add3A_2021 = arith.addf %add3A_2007, %get3A_2020 : vector<16xf32>
        %add3A_2022 = arith.constant 7 : i32
        %add3A_2023 = arith.addi %mul3A_1929, %add3A_2022 : i32
        %get3A_2024 = arith.index_cast %add3A_2023 : i32 to index
        %get3A_2025 = arith.constant 0 : index
        %get3A_2026 = tpu.vector_load %arg6[%get3A_2024, %get3A_2025] {strides = array<i32>} : memref<800x32xf32, #tpu.memory_space<vmem>>, vector<1x16xf32>,
        %get3A_2027 = vector.shape_cast %get3A_2026 : vector<1x16xf32> to vector<16xf32>
        %add3A_2028 = arith.addf %add3A_2014, %get3A_2027 : vector<16xf32>
        %add3A_2029 = arith.constant 7 : i32
        %add3A_2030 = arith.addi %mul3A_1929, %add3A_2029 : i32
        %get3A_2031 = arith.index_cast %add3A_2030 : i32 to index
        %get3A_2032 = arith.constant 16 : index
        %get3A_2033 = tpu.vector_load %arg6[%get3A_2031, %get3A_2032] {strides = array<i32>} : memref<800x32xf32, #tpu.memory_space<vmem>>, vector<1x16xf32>,
        %get3A_2034 = vector.shape_cast %get3A_2033 : vector<1x16xf32> to vector<16xf32>
        %add3A_2035 = arith.addf %add3A_2021, %get3A_2034 : vector<16xf32>
        %add3A_2036 = arith.constant 8 : i32
        %add3A_2037 = arith.addi %mul3A_1929, %add3A_2036 : i32
        %get3A_2038 = arith.index_cast %add3A_2037 : i32 to index
        %get3A_2039 = arith.constant 0 : index
        %get3A_2040 = tpu.vector_load %arg6[%get3A_2038, %get3A_2039] {strides = array<i32>} : memref<800x32xf32, #tpu.memory_space<vmem>>, vector<1x16xf32>,
        %get3A_2041 = vector.shape_cast %get3A_2040 : vector<1x16xf32> to vector<16xf32>
        %add3A_2042 = arith.addf %add3A_2028, %get3A_2041 : vector<16xf32>
        %add3A_2043 = arith.constant 8 : i32
        %add3A_2044 = arith.addi %mul3A_1929, %add3A_2043 : i32
        %get3A_2045 = arith.index_cast %add3A_2044 : i32 to index
        %get3A_2046 = arith.constant 16 : index
        %get3A_2047 = tpu.vector_load %arg6[%get3A_2045, %get3A_2046] {strides = array<i32>} : memref<800x32xf32, #tpu.memory_space<vmem>>, vector<1x16xf32>,
        %get3A_2048 = vector.shape_cast %get3A_2047 : vector<1x16xf32> to vector<16xf32>
        %add3A_2049 = arith.addf %add3A_2035, %get3A_2048 : vector<16xf32>
        %add3A_2050 = arith.constant 9 : i32
        %add3A_2051 = arith.addi %mul3A_1929, %add3A_2050 : i32
        %get3A_2052 = arith.index_cast %add3A_2051 : i32 to index
        %get3A_2053 = arith.constant 0 : index
        %get3A_2054 = tpu.vector_load %arg6[%get3A_2052, %get3A_2053] {strides = array<i32>} : memref<800x32xf32, #tpu.memory_space<vmem>>, vector<1x16xf32>,
        %get3A_2055 = vector.shape_cast %get3A_2054 : vector<1x16xf32> to vector<16xf32>
        %add3A_2056 = arith.addf %add3A_2042, %get3A_2055 : vector<16xf32>
        %add3A_2057 = arith.constant 9 : i32
        %add3A_2058 = arith.addi %mul3A_1929, %add3A_2057 : i32
        %get3A_2059 = arith.index_cast %add3A_2058 : i32 to index
        %get3A_2060 = arith.constant 16 : index
        %get3A_2061 = tpu.vector_load %arg6[%get3A_2059, %get3A_2060] {strides = array<i32>} : memref<800x32xf32, #tpu.memory_space<vmem>>, vector<1x16xf32>,
        %get3A_2062 = vector.shape_cast %get3A_2061 : vector<1x16xf32> to vector<16xf32>
        %add3A_2063 = arith.addf %add3A_2049, %get3A_2062 : vector<16xf32>
        %add3A_2064 = arith.constant 10 : i32
        %add3A_2065 = arith.addi %mul3A_1929, %add3A_2064 : i32
        %get3A_2066 = arith.index_cast %add3A_2065 : i32 to index
        %get3A_2067 = arith.constant 0 : index
        %get3A_2068 = tpu.vector_load %arg6[%get3A_2066, %get3A_2067] {strides = array<i32>} : memref<800x32xf32, #tpu.memory_space<vmem>>, vector<1x16xf32>,
        %get3A_2069 = vector.shape_cast %get3A_2068 : vector<1x16xf32> to vector<16xf32>
        %add3A_2070 = arith.addf %add3A_2056, %get3A_2069 : vector<16xf32>
        %add3A_2071 = arith.constant 10 : i32
        %add3A_2072 = arith.addi %mul3A_1929, %add3A_2071 : i32
        %get3A_2073 = arith.index_cast %add3A_2072 : i32 to index
        %get3A_2074 = arith.constant 16 : index
        %get3A_2075 = tpu.vector_load %arg6[%get3A_2073, %get3A_2074] {strides = array<i32>} : memref<800x32xf32, #tpu.memory_space<vmem>>, vector<1x16xf32>,
        %get3A_2076 = vector.shape_cast %get3A_2075 : vector<1x16xf32> to vector<16xf32>
        %add3A_2077 = arith.addf %add3A_2063, %get3A_2076 : vector<16xf32>
        %add3A_2078 = arith.constant 11 : i32
        %add3A_2079 = arith.addi %mul3A_1929, %add3A_2078 : i32
        %get3A_2080 = arith.index_cast %add3A_2079 : i32 to index
        %get3A_2081 = arith.constant 0 : index
        %get3A_2082 = tpu.vector_load %arg6[%get3A_2080, %get3A_2081] {strides = array<i32>} : memref<800x32xf32, #tpu.memory_space<vmem>>, vector<1x16xf32>,
        %get3A_2083 = vector.shape_cast %get3A_2082 : vector<1x16xf32> to vector<16xf32>
        %add3A_2084 = arith.addf %add3A_2070, %get3A_2083 : vector<16xf32>
        %add3A_2085 = arith.constant 11 : i32
        %add3A_2086 = arith.addi %mul3A_1929, %add3A_2085 : i32
        %get3A_2087 = arith.index_cast %add3A_2086 : i32 to index
        %get3A_2088 = arith.constant 16 : index
        %get3A_2089 = tpu.vector_load %arg6[%get3A_2087, %get3A_2088] {strides = array<i32>} : memref<800x32xf32, #tpu.memory_space<vmem>>, vector<1x16xf32>,
        %get3A_2090 = vector.shape_cast %get3A_2089 : vector<1x16xf32> to vector<16xf32>
        %add3A_2091 = arith.addf %add3A_2077, %get3A_2090 : vector<16xf32>
        %add3A_2092 = arith.constant 12 : i32
        %add3A_2093 = arith.addi %mul3A_1929, %add3A_2092 : i32
        %get3A_2094 = arith.index_cast %add3A_2093 : i32 to index
        %get3A_2095 = arith.constant 0 : index
        %get3A_2096 = tpu.vector_load %arg6[%get3A_2094, %get3A_2095] {strides = array<i32>} : memref<800x32xf32, #tpu.memory_space<vmem>>, vector<1x16xf32>,
        %get3A_2097 = vector.shape_cast %get3A_2096 : vector<1x16xf32> to vector<16xf32>
        %add3A_2098 = arith.addf %add3A_2084, %get3A_2097 : vector<16xf32>
        %add3A_2099 = arith.constant 12 : i32
        %add3A_2100 = arith.addi %mul3A_1929, %add3A_2099 : i32
        %get3A_2101 = arith.index_cast %add3A_2100 : i32 to index
        %get3A_2102 = arith.constant 16 : index
        %get3A_2103 = tpu.vector_load %arg6[%get3A_2101, %get3A_2102] {strides = array<i32>} : memref<800x32xf32, #tpu.memory_space<vmem>>, vector<1x16xf32>,
        %get3A_2104 = vector.shape_cast %get3A_2103 : vector<1x16xf32> to vector<16xf32>
        %add3A_2105 = arith.addf %add3A_2091, %get3A_2104 : vector<16xf32>
        %add3A_2106 = arith.constant 13 : i32
        %add3A_2107 = arith.addi %mul3A_1929, %add3A_2106 : i32
        %get3A_2108 = arith.index_cast %add3A_2107 : i32 to index
        %get3A_2109 = arith.constant 0 : index
        %get3A_2110 = tpu.vector_load %arg6[%get3A_2108, %get3A_2109] {strides = array<i32>} : memref<800x32xf32, #tpu.memory_space<vmem>>, vector<1x16xf32>,
        %get3A_2111 = vector.shape_cast %get3A_2110 : vector<1x16xf32> to vector<16xf32>
        %add3A_2112 = arith.addf %add3A_2098, %get3A_2111 : vector<16xf32>
        %add3A_2113 = arith.constant 13 : i32
        %add3A_2114 = arith.addi %mul3A_1929, %add3A_2113 : i32
        %get3A_2115 = arith.index_cast %add3A_2114 : i32 to index
        %get3A_2116 = arith.constant 16 : index
        %get3A_2117 = tpu.vector_load %arg6[%get3A_2115, %get3A_2116] {strides = array<i32>} : memref<800x32xf32, #tpu.memory_space<vmem>>, vector<1x16xf32>,
        %get3A_2118 = vector.shape_cast %get3A_2117 : vector<1x16xf32> to vector<16xf32>
        %add3A_2119 = arith.addf %add3A_2105, %get3A_2118 : vector<16xf32>
        %add3A_2120 = arith.constant 14 : i32
        %add3A_2121 = arith.addi %mul3A_1929, %add3A_2120 : i32
        %get3A_2122 = arith.index_cast %add3A_2121 : i32 to index
        %get3A_2123 = arith.constant 0 : index
        %get3A_2124 = tpu.vector_load %arg6[%get3A_2122, %get3A_2123] {strides = array<i32>} : memref<800x32xf32, #tpu.memory_space<vmem>>, vector<1x16xf32>,
        %get3A_2125 = vector.shape_cast %get3A_2124 : vector<1x16xf32> to vector<16xf32>
        %add3A_2126 = arith.addf %add3A_2112, %get3A_2125 : vector<16xf32>
        %add3A_2127 = arith.constant 14 : i32
        %add3A_2128 = arith.addi %mul3A_1929, %add3A_2127 : i32
        %get3A_2129 = arith.index_cast %add3A_2128 : i32 to index
        %get3A_2130 = arith.constant 16 : index
        %get3A_2131 = tpu.vector_load %arg6[%get3A_2129, %get3A_2130] {strides = array<i32>} : memref<800x32xf32, #tpu.memory_space<vmem>>, vector<1x16xf32>,
        %get3A_2132 = vector.shape_cast %get3A_2131 : vector<1x16xf32> to vector<16xf32>
        %add3A_2133 = arith.addf %add3A_2119, %get3A_2132 : vector<16xf32>
        %add3A_2134 = arith.constant 15 : i32
        %add3A_2135 = arith.addi %mul3A_1929, %add3A_2134 : i32
        %get3A_2136 = arith.index_cast %add3A_2135 : i32 to index
        %get3A_2137 = arith.constant 0 : index
        %get3A_2138 = tpu.vector_load %arg6[%get3A_2136, %get3A_2137] {strides = array<i32>} : memref<800x32xf32, #tpu.memory_space<vmem>>, vector<1x16xf32>,
        %get3A_2139 = vector.shape_cast %get3A_2138 : vector<1x16xf32> to vector<16xf32>
        %add3A_2140 = arith.addf %add3A_2126, %get3A_2139 : vector<16xf32>
        %add3A_2141 = arith.constant 15 : i32
        %add3A_2142 = arith.addi %mul3A_1929, %add3A_2141 : i32
        %get3A_2143 = arith.index_cast %add3A_2142 : i32 to index
        %get3A_2144 = arith.constant 16 : index
        %get3A_2145 = tpu.vector_load %arg6[%get3A_2143, %get3A_2144] {strides = array<i32>} : memref<800x32xf32, #tpu.memory_space<vmem>>, vector<1x16xf32>,
        %get3A_2146 = vector.shape_cast %get3A_2145 : vector<1x16xf32> to vector<16xf32>
        %add3A_2147 = arith.addf %add3A_2133, %get3A_2146 : vector<16xf32>
        %add3A_2148 = arith.constant 16 : i32
        %add3A_2149 = arith.addi %mul3A_1929, %add3A_2148 : i32
        %get3A_2150 = arith.index_cast %add3A_2149 : i32 to index
        %get3A_2151 = arith.constant 0 : index
        %get3A_2152 = tpu.vector_load %arg6[%get3A_2150, %get3A_2151] {strides = array<i32>} : memref<800x32xf32, #tpu.memory_space<vmem>>, vector<1x16xf32>,
        %get3A_2153 = vector.shape_cast %get3A_2152 : vector<1x16xf32> to vector<16xf32>
        %add3A_2154 = arith.addf %add3A_2140, %get3A_2153 : vector<16xf32>
        %add3A_2155 = arith.constant 16 : i32
        %add3A_2156 = arith.addi %mul3A_1929, %add3A_2155 : i32
        %get3A_2157 = arith.index_cast %add3A_2156 : i32 to index
        %get3A_2158 = arith.constant 16 : index
        %get3A_2159 = tpu.vector_load %arg6[%get3A_2157, %get3A_2158] {strides = array<i32>} : memref<800x32xf32, #tpu.memory_space<vmem>>, vector<1x16xf32>,
        %get3A_2160 = vector.shape_cast %get3A_2159 : vector<1x16xf32> to vector<16xf32>
        %add3A_2161 = arith.addf %add3A_2147, %get3A_2160 : vector<16xf32>
        %add3A_2162 = arith.constant 17 : i32
        %add3A_2163 = arith.addi %mul3A_1929, %add3A_2162 : i32
        %get3A_2164 = arith.index_cast %add3A_2163 : i32 to index
        %get3A_2165 = arith.constant 0 : index
        %get3A_2166 = tpu.vector_load %arg6[%get3A_2164, %get3A_2165] {strides = array<i32>} : memref<800x32xf32, #tpu.memory_space<vmem>>, vector<1x16xf32>,
        %get3A_2167 = vector.shape_cast %get3A_2166 : vector<1x16xf32> to vector<16xf32>
        %add3A_2168 = arith.addf %add3A_2154, %get3A_2167 : vector<16xf32>
        %add3A_2169 = arith.constant 17 : i32
        %add3A_2170 = arith.addi %mul3A_1929, %add3A_2169 : i32
        %get3A_2171 = arith.index_cast %add3A_2170 : i32 to index
        %get3A_2172 = arith.constant 16 : index
        %get3A_2173 = tpu.vector_load %arg6[%get3A_2171, %get3A_2172] {strides = array<i32>} : memref<800x32xf32, #tpu.memory_space<vmem>>, vector<1x16xf32>,
        %get3A_2174 = vector.shape_cast %get3A_2173 : vector<1x16xf32> to vector<16xf32>
        %add3A_2175 = arith.addf %add3A_2161, %get3A_2174 : vector<16xf32>
        %add3A_2176 = arith.constant 18 : i32
        %add3A_2177 = arith.addi %mul3A_1929, %add3A_2176 : i32
        %get3A_2178 = arith.index_cast %add3A_2177 : i32 to index
        %get3A_2179 = arith.constant 0 : index
        %get3A_2180 = tpu.vector_load %arg6[%get3A_2178, %get3A_2179] {strides = array<i32>} : memref<800x32xf32, #tpu.memory_space<vmem>>, vector<1x16xf32>,
        %get3A_2181 = vector.shape_cast %get3A_2180 : vector<1x16xf32> to vector<16xf32>
        %add3A_2182 = arith.addf %add3A_2168, %get3A_2181 : vector<16xf32>
        %add3A_2183 = arith.constant 18 : i32
        %add3A_2184 = arith.addi %mul3A_1929, %add3A_2183 : i32
        %get3A_2185 = arith.index_cast %add3A_2184 : i32 to index
        %get3A_2186 = arith.constant 16 : index
        %get3A_2187 = tpu.vector_load %arg6[%get3A_2185, %get3A_2186] {strides = array<i32>} : memref<800x32xf32, #tpu.memory_space<vmem>>, vector<1x16xf32>,
        %get3A_2188 = vector.shape_cast %get3A_2187 : vector<1x16xf32> to vector<16xf32>
        %add3A_2189 = arith.addf %add3A_2175, %get3A_2188 : vector<16xf32>
        %add3A_2190 = arith.constant 19 : i32
        %add3A_2191 = arith.addi %mul3A_1929, %add3A_2190 : i32
        %get3A_2192 = arith.index_cast %add3A_2191 : i32 to index
        %get3A_2193 = arith.constant 0 : index
        %get3A_2194 = tpu.vector_load %arg6[%get3A_2192, %get3A_2193] {strides = array<i32>} : memref<800x32xf32, #tpu.memory_space<vmem>>, vector<1x16xf32>,
        %get3A_2195 = vector.shape_cast %get3A_2194 : vector<1x16xf32> to vector<16xf32>
        %add3A_2196 = arith.addf %add3A_2182, %get3A_2195 : vector<16xf32>
        %add3A_2197 = arith.constant 19 : i32
        %add3A_2198 = arith.addi %mul3A_1929, %add3A_2197 : i32
        %get3A_2199 = arith.index_cast %add3A_2198 : i32 to index
        %get3A_2200 = arith.constant 16 : index
        %get3A_2201 = tpu.vector_load %arg6[%get3A_2199, %get3A_2200] {strides = array<i32>} : memref<800x32xf32, #tpu.memory_space<vmem>>, vector<1x16xf32>,
        %get3A_2202 = vector.shape_cast %get3A_2201 : vector<1x16xf32> to vector<16xf32>
        %add3A_2203 = arith.addf %add3A_2189, %get3A_2202 : vector<16xf32>
        %add3A_2204 = arith.constant 20 : i32
        %add3A_2205 = arith.addi %mul3A_1929, %add3A_2204 : i32
        %get3A_2206 = arith.index_cast %add3A_2205 : i32 to index
        %get3A_2207 = arith.constant 0 : index
        %get3A_2208 = tpu.vector_load %arg6[%get3A_2206, %get3A_2207] {strides = array<i32>} : memref<800x32xf32, #tpu.memory_space<vmem>>, vector<1x16xf32>,
        %get3A_2209 = vector.shape_cast %get3A_2208 : vector<1x16xf32> to vector<16xf32>
        %add3A_2210 = arith.addf %add3A_2196, %get3A_2209 : vector<16xf32>
        %add3A_2211 = arith.constant 20 : i32
        %add3A_2212 = arith.addi %mul3A_1929, %add3A_2211 : i32
        %get3A_2213 = arith.index_cast %add3A_2212 : i32 to index
        %get3A_2214 = arith.constant 16 : index
        %get3A_2215 = tpu.vector_load %arg6[%get3A_2213, %get3A_2214] {strides = array<i32>} : memref<800x32xf32, #tpu.memory_space<vmem>>, vector<1x16xf32>,
        %get3A_2216 = vector.shape_cast %get3A_2215 : vector<1x16xf32> to vector<16xf32>
        %add3A_2217 = arith.addf %add3A_2203, %get3A_2216 : vector<16xf32>
        %add3A_2218 = arith.constant 21 : i32
        %add3A_2219 = arith.addi %mul3A_1929, %add3A_2218 : i32
        %get3A_2220 = arith.index_cast %add3A_2219 : i32 to index
        %get3A_2221 = arith.constant 0 : index
        %get3A_2222 = tpu.vector_load %arg6[%get3A_2220, %get3A_2221] {strides = array<i32>} : memref<800x32xf32, #tpu.memory_space<vmem>>, vector<1x16xf32>,
        %get3A_2223 = vector.shape_cast %get3A_2222 : vector<1x16xf32> to vector<16xf32>
        %add3A_2224 = arith.addf %add3A_2210, %get3A_2223 : vector<16xf32>
        %add3A_2225 = arith.constant 21 : i32
        %add3A_2226 = arith.addi %mul3A_1929, %add3A_2225 : i32
        %get3A_2227 = arith.index_cast %add3A_2226 : i32 to index
        %get3A_2228 = arith.constant 16 : index
        %get3A_2229 = tpu.vector_load %arg6[%get3A_2227, %get3A_2228] {strides = array<i32>} : memref<800x32xf32, #tpu.memory_space<vmem>>, vector<1x16xf32>,
        %get3A_2230 = vector.shape_cast %get3A_2229 : vector<1x16xf32> to vector<16xf32>
        %add3A_2231 = arith.addf %add3A_2217, %get3A_2230 : vector<16xf32>
        %add3A_2232 = arith.constant 22 : i32
        %add3A_2233 = arith.addi %mul3A_1929, %add3A_2232 : i32
        %get3A_2234 = arith.index_cast %add3A_2233 : i32 to index
        %get3A_2235 = arith.constant 0 : index
        %get3A_2236 = tpu.vector_load %arg6[%get3A_2234, %get3A_2235] {strides = array<i32>} : memref<800x32xf32, #tpu.memory_space<vmem>>, vector<1x16xf32>,
        %get3A_2237 = vector.shape_cast %get3A_2236 : vector<1x16xf32> to vector<16xf32>
        %add3A_2238 = arith.addf %add3A_2224, %get3A_2237 : vector<16xf32>
        %add3A_2239 = arith.constant 22 : i32
        %add3A_2240 = arith.addi %mul3A_1929, %add3A_2239 : i32
        %get3A_2241 = arith.index_cast %add3A_2240 : i32 to index
        %get3A_2242 = arith.constant 16 : index
        %get3A_2243 = tpu.vector_load %arg6[%get3A_2241, %get3A_2242] {strides = array<i32>} : memref<800x32xf32, #tpu.memory_space<vmem>>, vector<1x16xf32>,
        %get3A_2244 = vector.shape_cast %get3A_2243 : vector<1x16xf32> to vector<16xf32>
        %add3A_2245 = arith.addf %add3A_2231, %get3A_2244 : vector<16xf32>
        %add3A_2246 = arith.constant 23 : i32
        %add3A_2247 = arith.addi %mul3A_1929, %add3A_2246 : i32
        %get3A_2248 = arith.index_cast %add3A_2247 : i32 to index
        %get3A_2249 = arith.constant 0 : index
        %get3A_2250 = tpu.vector_load %arg6[%get3A_2248, %get3A_2249] {strides = array<i32>} : memref<800x32xf32, #tpu.memory_space<vmem>>, vector<1x16xf32>,
        %get3A_2251 = vector.shape_cast %get3A_2250 : vector<1x16xf32> to vector<16xf32>
        %add3A_2252 = arith.addf %add3A_2238, %get3A_2251 : vector<16xf32>
        %add3A_2253 = arith.constant 23 : i32
        %add3A_2254 = arith.addi %mul3A_1929, %add3A_2253 : i32
        %get3A_2255 = arith.index_cast %add3A_2254 : i32 to index
        %get3A_2256 = arith.constant 16 : index
        %get3A_2257 = tpu.vector_load %arg6[%get3A_2255, %get3A_2256] {strides = array<i32>} : memref<800x32xf32, #tpu.memory_space<vmem>>, vector<1x16xf32>,
        %get3A_2258 = vector.shape_cast %get3A_2257 : vector<1x16xf32> to vector<16xf32>
        %add3A_2259 = arith.addf %add3A_2245, %get3A_2258 : vector<16xf32>
        %add3A_2260 = arith.constant 24 : i32
        %add3A_2261 = arith.addi %mul3A_1929, %add3A_2260 : i32
        %get3A_2262 = arith.index_cast %add3A_2261 : i32 to index
        %get3A_2263 = arith.constant 0 : index
        %get3A_2264 = tpu.vector_load %arg6[%get3A_2262, %get3A_2263] {strides = array<i32>} : memref<800x32xf32, #tpu.memory_space<vmem>>, vector<1x16xf32>,
        %get3A_2265 = vector.shape_cast %get3A_2264 : vector<1x16xf32> to vector<16xf32>
        %add3A_2266 = arith.addf %add3A_2252, %get3A_2265 : vector<16xf32>
        %add3A_2267 = arith.constant 24 : i32
        %add3A_2268 = arith.addi %mul3A_1929, %add3A_2267 : i32
        %get3A_2269 = arith.index_cast %add3A_2268 : i32 to index
        %get3A_2270 = arith.constant 16 : index
        %get3A_2271 = tpu.vector_load %arg6[%get3A_2269, %get3A_2270] {strides = array<i32>} : memref<800x32xf32, #tpu.memory_space<vmem>>, vector<1x16xf32>,
        %get3A_2272 = vector.shape_cast %get3A_2271 : vector<1x16xf32> to vector<16xf32>
        %add3A_2273 = arith.addf %add3A_2259, %get3A_2272 : vector<16xf32>
        %add3A_2274 = arith.constant 25 : i32
        %add3A_2275 = arith.addi %mul3A_1929, %add3A_2274 : i32
        %get3A_2276 = arith.index_cast %add3A_2275 : i32 to index
        %get3A_2277 = arith.constant 0 : index
        %get3A_2278 = tpu.vector_load %arg6[%get3A_2276, %get3A_2277] {strides = array<i32>} : memref<800x32xf32, #tpu.memory_space<vmem>>, vector<1x16xf32>,
        %get3A_2279 = vector.shape_cast %get3A_2278 : vector<1x16xf32> to vector<16xf32>
        %add3A_2280 = arith.addf %add3A_2266, %get3A_2279 : vector<16xf32>
        %add3A_2281 = arith.constant 25 : i32
        %add3A_2282 = arith.addi %mul3A_1929, %add3A_2281 : i32
        %get3A_2283 = arith.index_cast %add3A_2282 : i32 to index
        %get3A_2284 = arith.constant 16 : index
        %get3A_2285 = tpu.vector_load %arg6[%get3A_2283, %get3A_2284] {strides = array<i32>} : memref<800x32xf32, #tpu.memory_space<vmem>>, vector<1x16xf32>,
        %get3A_2286 = vector.shape_cast %get3A_2285 : vector<1x16xf32> to vector<16xf32>
        %add3A_2287 = arith.addf %add3A_2273, %get3A_2286 : vector<16xf32>
        %add3A_2288 = arith.constant 26 : i32
        %add3A_2289 = arith.addi %mul3A_1929, %add3A_2288 : i32
        %get3A_2290 = arith.index_cast %add3A_2289 : i32 to index
        %get3A_2291 = arith.constant 0 : index
        %get3A_2292 = tpu.vector_load %arg6[%get3A_2290, %get3A_2291] {strides = array<i32>} : memref<800x32xf32, #tpu.memory_space<vmem>>, vector<1x16xf32>,
        %get3A_2293 = vector.shape_cast %get3A_2292 : vector<1x16xf32> to vector<16xf32>
        %add3A_2294 = arith.addf %add3A_2280, %get3A_2293 : vector<16xf32>
        %add3A_2295 = arith.constant 26 : i32
        %add3A_2296 = arith.addi %mul3A_1929, %add3A_2295 : i32
        %get3A_2297 = arith.index_cast %add3A_2296 : i32 to index
        %get3A_2298 = arith.constant 16 : index
        %get3A_2299 = tpu.vector_load %arg6[%get3A_2297, %get3A_2298] {strides = array<i32>} : memref<800x32xf32, #tpu.memory_space<vmem>>, vector<1x16xf32>,
        %get3A_2300 = vector.shape_cast %get3A_2299 : vector<1x16xf32> to vector<16xf32>
        %add3A_2301 = arith.addf %add3A_2287, %get3A_2300 : vector<16xf32>
        %add3A_2302 = arith.constant 27 : i32
        %add3A_2303 = arith.addi %mul3A_1929, %add3A_2302 : i32
        %get3A_2304 = arith.index_cast %add3A_2303 : i32 to index
        %get3A_2305 = arith.constant 0 : index
        %get3A_2306 = tpu.vector_load %arg6[%get3A_2304, %get3A_2305] {strides = array<i32>} : memref<800x32xf32, #tpu.memory_space<vmem>>, vector<1x16xf32>,
        %get3A_2307 = vector.shape_cast %get3A_2306 : vector<1x16xf32> to vector<16xf32>
        %add3A_2308 = arith.addf %add3A_2294, %get3A_2307 : vector<16xf32>
        %add3A_2309 = arith.constant 27 : i32
        %add3A_2310 = arith.addi %mul3A_1929, %add3A_2309 : i32
        %get3A_2311 = arith.index_cast %add3A_2310 : i32 to index
        %get3A_2312 = arith.constant 16 : index
        %get3A_2313 = tpu.vector_load %arg6[%get3A_2311, %get3A_2312] {strides = array<i32>} : memref<800x32xf32, #tpu.memory_space<vmem>>, vector<1x16xf32>,
        %get3A_2314 = vector.shape_cast %get3A_2313 : vector<1x16xf32> to vector<16xf32>
        %add3A_2315 = arith.addf %add3A_2301, %get3A_2314 : vector<16xf32>
        %add3A_2316 = arith.constant 28 : i32
        %add3A_2317 = arith.addi %mul3A_1929, %add3A_2316 : i32
        %get3A_2318 = arith.index_cast %add3A_2317 : i32 to index
        %get3A_2319 = arith.constant 0 : index
        %get3A_2320 = tpu.vector_load %arg6[%get3A_2318, %get3A_2319] {strides = array<i32>} : memref<800x32xf32, #tpu.memory_space<vmem>>, vector<1x16xf32>,
        %get3A_2321 = vector.shape_cast %get3A_2320 : vector<1x16xf32> to vector<16xf32>
        %add3A_2322 = arith.addf %add3A_2308, %get3A_2321 : vector<16xf32>
        %add3A_2323 = arith.constant 28 : i32
        %add3A_2324 = arith.addi %mul3A_1929, %add3A_2323 : i32
        %get3A_2325 = arith.index_cast %add3A_2324 : i32 to index
        %get3A_2326 = arith.constant 16 : index
        %get3A_2327 = tpu.vector_load %arg6[%get3A_2325, %get3A_2326] {strides = array<i32>} : memref<800x32xf32, #tpu.memory_space<vmem>>, vector<1x16xf32>,
        %get3A_2328 = vector.shape_cast %get3A_2327 : vector<1x16xf32> to vector<16xf32>
        %add3A_2329 = arith.addf %add3A_2315, %get3A_2328 : vector<16xf32>
        %add3A_2330 = arith.constant 29 : i32
        %add3A_2331 = arith.addi %mul3A_1929, %add3A_2330 : i32
        %get3A_2332 = arith.index_cast %add3A_2331 : i32 to index
        %get3A_2333 = arith.constant 0 : index
        %get3A_2334 = tpu.vector_load %arg6[%get3A_2332, %get3A_2333] {strides = array<i32>} : memref<800x32xf32, #tpu.memory_space<vmem>>, vector<1x16xf32>,
        %get3A_2335 = vector.shape_cast %get3A_2334 : vector<1x16xf32> to vector<16xf32>
        %add3A_2336 = arith.addf %add3A_2322, %get3A_2335 : vector<16xf32>
        %add3A_2337 = arith.constant 29 : i32
        %add3A_2338 = arith.addi %mul3A_1929, %add3A_2337 : i32
        %get3A_2339 = arith.index_cast %add3A_2338 : i32 to index
        %get3A_2340 = arith.constant 16 : index
        %get3A_2341 = tpu.vector_load %arg6[%get3A_2339, %get3A_2340] {strides = array<i32>} : memref<800x32xf32, #tpu.memory_space<vmem>>, vector<1x16xf32>,
        %get3A_2342 = vector.shape_cast %get3A_2341 : vector<1x16xf32> to vector<16xf32>
        %add3A_2343 = arith.addf %add3A_2329, %get3A_2342 : vector<16xf32>
        %add3A_2344 = arith.constant 30 : i32
        %add3A_2345 = arith.addi %mul3A_1929, %add3A_2344 : i32
        %get3A_2346 = arith.index_cast %add3A_2345 : i32 to index
        %get3A_2347 = arith.constant 0 : index
        %get3A_2348 = tpu.vector_load %arg6[%get3A_2346, %get3A_2347] {strides = array<i32>} : memref<800x32xf32, #tpu.memory_space<vmem>>, vector<1x16xf32>,
        %get3A_2349 = vector.shape_cast %get3A_2348 : vector<1x16xf32> to vector<16xf32>
        %add3A_2350 = arith.addf %add3A_2336, %get3A_2349 : vector<16xf32>
        %add3A_2351 = arith.constant 30 : i32
        %add3A_2352 = arith.addi %mul3A_1929, %add3A_2351 : i32
        %get3A_2353 = arith.index_cast %add3A_2352 : i32 to index
        %get3A_2354 = arith.constant 16 : index
        %get3A_2355 = tpu.vector_load %arg6[%get3A_2353, %get3A_2354] {strides = array<i32>} : memref<800x32xf32, #tpu.memory_space<vmem>>, vector<1x16xf32>,
        %get3A_2356 = vector.shape_cast %get3A_2355 : vector<1x16xf32> to vector<16xf32>
        %add3A_2357 = arith.addf %add3A_2343, %get3A_2356 : vector<16xf32>
        %add3A_2358 = arith.constant 31 : i32
        %add3A_2359 = arith.addi %mul3A_1929, %add3A_2358 : i32
        %get3A_2360 = arith.index_cast %add3A_2359 : i32 to index
        %get3A_2361 = arith.constant 0 : index
        %get3A_2362 = tpu.vector_load %arg6[%get3A_2360, %get3A_2361] {strides = array<i32>} : memref<800x32xf32, #tpu.memory_space<vmem>>, vector<1x16xf32>,
        %get3A_2363 = vector.shape_cast %get3A_2362 : vector<1x16xf32> to vector<16xf32>
        %add3A_2364 = arith.addf %add3A_2350, %get3A_2363 : vector<16xf32>
        %add3A_2365 = arith.constant 31 : i32
        %add3A_2366 = arith.addi %mul3A_1929, %add3A_2365 : i32
        %get3A_2367 = arith.index_cast %add3A_2366 : i32 to index
        %get3A_2368 = arith.constant 16 : index
        %get3A_2369 = tpu.vector_load %arg6[%get3A_2367, %get3A_2368] {strides = array<i32>} : memref<800x32xf32, #tpu.memory_space<vmem>>, vector<1x16xf32>,
        %get3A_2370 = vector.shape_cast %get3A_2369 : vector<1x16xf32> to vector<16xf32>
        %add3A_2371 = arith.addf %add3A_2357, %get3A_2370 : vector<16xf32>
        %add3A_2372 = arith.constant 32 : i32
        %add3A_2373 = arith.addi %mul3A_1929, %add3A_2372 : i32
        %get3A_2374 = arith.index_cast %add3A_2373 : i32 to index
        %get3A_2375 = arith.constant 0 : index
        %get3A_2376 = tpu.vector_load %arg6[%get3A_2374, %get3A_2375] {strides = array<i32>} : memref<800x32xf32, #tpu.memory_space<vmem>>, vector<1x16xf32>,
        %get3A_2377 = vector.shape_cast %get3A_2376 : vector<1x16xf32> to vector<16xf32>
        %add3A_2378 = arith.addf %add3A_2364, %get3A_2377 : vector<16xf32>
        %add3A_2379 = arith.constant 32 : i32
        %add3A_2380 = arith.addi %mul3A_1929, %add3A_2379 : i32
        %get3A_2381 = arith.index_cast %add3A_2380 : i32 to index
        %get3A_2382 = arith.constant 16 : index
        %get3A_2383 = tpu.vector_load %arg6[%get3A_2381, %get3A_2382] {strides = array<i32>} : memref<800x32xf32, #tpu.memory_space<vmem>>, vector<1x16xf32>,
        %get3A_2384 = vector.shape_cast %get3A_2383 : vector<1x16xf32> to vector<16xf32>
        %add3A_2385 = arith.addf %add3A_2371, %get3A_2384 : vector<16xf32>
        %add3A_2386 = arith.constant 33 : i32
        %add3A_2387 = arith.addi %mul3A_1929, %add3A_2386 : i32
        %get3A_2388 = arith.index_cast %add3A_2387 : i32 to index
        %get3A_2389 = arith.constant 0 : index
        %get3A_2390 = tpu.vector_load %arg6[%get3A_2388, %get3A_2389] {strides = array<i32>} : memref<800x32xf32, #tpu.memory_space<vmem>>, vector<1x16xf32>,
        %get3A_2391 = vector.shape_cast %get3A_2390 : vector<1x16xf32> to vector<16xf32>
        %add3A_2392 = arith.addf %add3A_2378, %get3A_2391 : vector<16xf32>
        %add3A_2393 = arith.constant 33 : i32
        %add3A_2394 = arith.addi %mul3A_1929, %add3A_2393 : i32
        %get3A_2395 = arith.index_cast %add3A_2394 : i32 to index
        %get3A_2396 = arith.constant 16 : index
        %get3A_2397 = tpu.vector_load %arg6[%get3A_2395, %get3A_2396] {strides = array<i32>} : memref<800x32xf32, #tpu.memory_space<vmem>>, vector<1x16xf32>,
        %get3A_2398 = vector.shape_cast %get3A_2397 : vector<1x16xf32> to vector<16xf32>
        %add3A_2399 = arith.addf %add3A_2385, %get3A_2398 : vector<16xf32>
        %add3A_2400 = arith.constant 34 : i32
        %add3A_2401 = arith.addi %mul3A_1929, %add3A_2400 : i32
        %get3A_2402 = arith.index_cast %add3A_2401 : i32 to index
        %get3A_2403 = arith.constant 0 : index
        %get3A_2404 = tpu.vector_load %arg6[%get3A_2402, %get3A_2403] {strides = array<i32>} : memref<800x32xf32, #tpu.memory_space<vmem>>, vector<1x16xf32>,
        %get3A_2405 = vector.shape_cast %get3A_2404 : vector<1x16xf32> to vector<16xf32>
        %add3A_2406 = arith.addf %add3A_2392, %get3A_2405 : vector<16xf32>
        %add3A_2407 = arith.constant 34 : i32
        %add3A_2408 = arith.addi %mul3A_1929, %add3A_2407 : i32
        %get3A_2409 = arith.index_cast %add3A_2408 : i32 to index
        %get3A_2410 = arith.constant 16 : index
        %get3A_2411 = tpu.vector_load %arg6[%get3A_2409, %get3A_2410] {strides = array<i32>} : memref<800x32xf32, #tpu.memory_space<vmem>>, vector<1x16xf32>,
        %get3A_2412 = vector.shape_cast %get3A_2411 : vector<1x16xf32> to vector<16xf32>
        %add3A_2413 = arith.addf %add3A_2399, %get3A_2412 : vector<16xf32>
        %add3A_2414 = arith.constant 35 : i32
        %add3A_2415 = arith.addi %mul3A_1929, %add3A_2414 : i32
        %get3A_2416 = arith.index_cast %add3A_2415 : i32 to index
        %get3A_2417 = arith.constant 0 : index
        %get3A_2418 = tpu.vector_load %arg6[%get3A_2416, %get3A_2417] {strides = array<i32>} : memref<800x32xf32, #tpu.memory_space<vmem>>, vector<1x16xf32>,
        %get3A_2419 = vector.shape_cast %get3A_2418 : vector<1x16xf32> to vector<16xf32>
        %add3A_2420 = arith.addf %add3A_2406, %get3A_2419 : vector<16xf32>
        %add3A_2421 = arith.constant 35 : i32
        %add3A_2422 = arith.addi %mul3A_1929, %add3A_2421 : i32
        %get3A_2423 = arith.index_cast %add3A_2422 : i32 to index
        %get3A_2424 = arith.constant 16 : index
        %get3A_2425 = tpu.vector_load %arg6[%get3A_2423, %get3A_2424] {strides = array<i32>} : memref<800x32xf32, #tpu.memory_space<vmem>>, vector<1x16xf32>,
        %get3A_2426 = vector.shape_cast %get3A_2425 : vector<1x16xf32> to vector<16xf32>
        %add3A_2427 = arith.addf %add3A_2413, %get3A_2426 : vector<16xf32>
        %add3A_2428 = arith.constant 36 : i32
        %add3A_2429 = arith.addi %mul3A_1929, %add3A_2428 : i32
        %get3A_2430 = arith.index_cast %add3A_2429 : i32 to index
        %get3A_2431 = arith.constant 0 : index
        %get3A_2432 = tpu.vector_load %arg6[%get3A_2430, %get3A_2431] {strides = array<i32>} : memref<800x32xf32, #tpu.memory_space<vmem>>, vector<1x16xf32>,
        %get3A_2433 = vector.shape_cast %get3A_2432 : vector<1x16xf32> to vector<16xf32>
        %add3A_2434 = arith.addf %add3A_2420, %get3A_2433 : vector<16xf32>
        %add3A_2435 = arith.constant 36 : i32
        %add3A_2436 = arith.addi %mul3A_1929, %add3A_2435 : i32
        %get3A_2437 = arith.index_cast %add3A_2436 : i32 to index
        %get3A_2438 = arith.constant 16 : index
        %get3A_2439 = tpu.vector_load %arg6[%get3A_2437, %get3A_2438] {strides = array<i32>} : memref<800x32xf32, #tpu.memory_space<vmem>>, vector<1x16xf32>,
        %get3A_2440 = vector.shape_cast %get3A_2439 : vector<1x16xf32> to vector<16xf32>
        %add3A_2441 = arith.addf %add3A_2427, %get3A_2440 : vector<16xf32>
        %add3A_2442 = arith.constant 37 : i32
        %add3A_2443 = arith.addi %mul3A_1929, %add3A_2442 : i32
        %get3A_2444 = arith.index_cast %add3A_2443 : i32 to index
        %get3A_2445 = arith.constant 0 : index
        %get3A_2446 = tpu.vector_load %arg6[%get3A_2444, %get3A_2445] {strides = array<i32>} : memref<800x32xf32, #tpu.memory_space<vmem>>, vector<1x16xf32>,
        %get3A_2447 = vector.shape_cast %get3A_2446 : vector<1x16xf32> to vector<16xf32>
        %add3A_2448 = arith.addf %add3A_2434, %get3A_2447 : vector<16xf32>
        %add3A_2449 = arith.constant 37 : i32
        %add3A_2450 = arith.addi %mul3A_1929, %add3A_2449 : i32
        %get3A_2451 = arith.index_cast %add3A_2450 : i32 to index
        %get3A_2452 = arith.constant 16 : index
        %get3A_2453 = tpu.vector_load %arg6[%get3A_2451, %get3A_2452] {strides = array<i32>} : memref<800x32xf32, #tpu.memory_space<vmem>>, vector<1x16xf32>,
        %get3A_2454 = vector.shape_cast %get3A_2453 : vector<1x16xf32> to vector<16xf32>
        %add3A_2455 = arith.addf %add3A_2441, %get3A_2454 : vector<16xf32>
        %add3A_2456 = arith.constant 38 : i32
        %add3A_2457 = arith.addi %mul3A_1929, %add3A_2456 : i32
        %get3A_2458 = arith.index_cast %add3A_2457 : i32 to index
        %get3A_2459 = arith.constant 0 : index
        %get3A_2460 = tpu.vector_load %arg6[%get3A_2458, %get3A_2459] {strides = array<i32>} : memref<800x32xf32, #tpu.memory_space<vmem>>, vector<1x16xf32>,
        %get3A_2461 = vector.shape_cast %get3A_2460 : vector<1x16xf32> to vector<16xf32>
        %add3A_2462 = arith.addf %add3A_2448, %get3A_2461 : vector<16xf32>
        %add3A_2463 = arith.constant 38 : i32
        %add3A_2464 = arith.addi %mul3A_1929, %add3A_2463 : i32
        %get3A_2465 = arith.index_cast %add3A_2464 : i32 to index
        %get3A_2466 = arith.constant 16 : index
        %get3A_2467 = tpu.vector_load %arg6[%get3A_2465, %get3A_2466] {strides = array<i32>} : memref<800x32xf32, #tpu.memory_space<vmem>>, vector<1x16xf32>,
        %get3A_2468 = vector.shape_cast %get3A_2467 : vector<1x16xf32> to vector<16xf32>
        %add3A_2469 = arith.addf %add3A_2455, %get3A_2468 : vector<16xf32>
        %add3A_2470 = arith.constant 39 : i32
        %add3A_2471 = arith.addi %mul3A_1929, %add3A_2470 : i32
        %get3A_2472 = arith.index_cast %add3A_2471 : i32 to index
        %get3A_2473 = arith.constant 0 : index
        %get3A_2474 = tpu.vector_load %arg6[%get3A_2472, %get3A_2473] {strides = array<i32>} : memref<800x32xf32, #tpu.memory_space<vmem>>, vector<1x16xf32>,
        %get3A_2475 = vector.shape_cast %get3A_2474 : vector<1x16xf32> to vector<16xf32>
        %add3A_2476 = arith.addf %add3A_2462, %get3A_2475 : vector<16xf32>
        %add3A_2477 = arith.constant 39 : i32
        %add3A_2478 = arith.addi %mul3A_1929, %add3A_2477 : i32
        %get3A_2479 = arith.index_cast %add3A_2478 : i32 to index
        %get3A_2480 = arith.constant 16 : index
        %get3A_2481 = tpu.vector_load %arg6[%get3A_2479, %get3A_2480] {strides = array<i32>} : memref<800x32xf32, #tpu.memory_space<vmem>>, vector<1x16xf32>,
        %get3A_2482 = vector.shape_cast %get3A_2481 : vector<1x16xf32> to vector<16xf32>
        %add3A_2483 = arith.addf %add3A_2469, %get3A_2482 : vector<16xf32>
        %add3A_2484 = arith.constant 40 : i32
        %add3A_2485 = arith.addi %mul3A_1929, %add3A_2484 : i32
        %get3A_2486 = arith.index_cast %add3A_2485 : i32 to index
        %get3A_2487 = arith.constant 0 : index
        %get3A_2488 = tpu.vector_load %arg6[%get3A_2486, %get3A_2487] {strides = array<i32>} : memref<800x32xf32, #tpu.memory_space<vmem>>, vector<1x16xf32>,
        %get3A_2489 = vector.shape_cast %get3A_2488 : vector<1x16xf32> to vector<16xf32>
        %add3A_2490 = arith.addf %add3A_2476, %get3A_2489 : vector<16xf32>
        %add3A_2491 = arith.constant 40 : i32
        %add3A_2492 = arith.addi %mul3A_1929, %add3A_2491 : i32
        %get3A_2493 = arith.index_cast %add3A_2492 : i32 to index
        %get3A_2494 = arith.constant 16 : index
        %get3A_2495 = tpu.vector_load %arg6[%get3A_2493, %get3A_2494] {strides = array<i32>} : memref<800x32xf32, #tpu.memory_space<vmem>>, vector<1x16xf32>,
        %get3A_2496 = vector.shape_cast %get3A_2495 : vector<1x16xf32> to vector<16xf32>
        %add3A_2497 = arith.addf %add3A_2483, %get3A_2496 : vector<16xf32>
        %add3A_2498 = arith.constant 41 : i32
        %add3A_2499 = arith.addi %mul3A_1929, %add3A_2498 : i32
        %get3A_2500 = arith.index_cast %add3A_2499 : i32 to index
        %get3A_2501 = arith.constant 0 : index
        %get3A_2502 = tpu.vector_load %arg6[%get3A_2500, %get3A_2501] {strides = array<i32>} : memref<800x32xf32, #tpu.memory_space<vmem>>, vector<1x16xf32>,
        %get3A_2503 = vector.shape_cast %get3A_2502 : vector<1x16xf32> to vector<16xf32>
        %add3A_2504 = arith.addf %add3A_2490, %get3A_2503 : vector<16xf32>
        %add3A_2505 = arith.constant 41 : i32
        %add3A_2506 = arith.addi %mul3A_1929, %add3A_2505 : i32
        %get3A_2507 = arith.index_cast %add3A_2506 : i32 to index
        %get3A_2508 = arith.constant 16 : index
        %get3A_2509 = tpu.vector_load %arg6[%get3A_2507, %get3A_2508] {strides = array<i32>} : memref<800x32xf32, #tpu.memory_space<vmem>>, vector<1x16xf32>,
        %get3A_2510 = vector.shape_cast %get3A_2509 : vector<1x16xf32> to vector<16xf32>
        %add3A_2511 = arith.addf %add3A_2497, %get3A_2510 : vector<16xf32>
        %add3A_2512 = arith.constant 42 : i32
        %add3A_2513 = arith.addi %mul3A_1929, %add3A_2512 : i32
        %get3A_2514 = arith.index_cast %add3A_2513 : i32 to index
        %get3A_2515 = arith.constant 0 : index
        %get3A_2516 = tpu.vector_load %arg6[%get3A_2514, %get3A_2515] {strides = array<i32>} : memref<800x32xf32, #tpu.memory_space<vmem>>, vector<1x16xf32>,
        %get3A_2517 = vector.shape_cast %get3A_2516 : vector<1x16xf32> to vector<16xf32>
        %add3A_2518 = arith.addf %add3A_2504, %get3A_2517 : vector<16xf32>
        %add3A_2519 = arith.constant 42 : i32
        %add3A_2520 = arith.addi %mul3A_1929, %add3A_2519 : i32
        %get3A_2521 = arith.index_cast %add3A_2520 : i32 to index
        %get3A_2522 = arith.constant 16 : index
        %get3A_2523 = tpu.vector_load %arg6[%get3A_2521, %get3A_2522] {strides = array<i32>} : memref<800x32xf32, #tpu.memory_space<vmem>>, vector<1x16xf32>,
        %get3A_2524 = vector.shape_cast %get3A_2523 : vector<1x16xf32> to vector<16xf32>
        %add3A_2525 = arith.addf %add3A_2511, %get3A_2524 : vector<16xf32>
        %add3A_2526 = arith.constant 43 : i32
        %add3A_2527 = arith.addi %mul3A_1929, %add3A_2526 : i32
        %get3A_2528 = arith.index_cast %add3A_2527 : i32 to index
        %get3A_2529 = arith.constant 0 : index
        %get3A_2530 = tpu.vector_load %arg6[%get3A_2528, %get3A_2529] {strides = array<i32>} : memref<800x32xf32, #tpu.memory_space<vmem>>, vector<1x16xf32>,
        %get3A_2531 = vector.shape_cast %get3A_2530 : vector<1x16xf32> to vector<16xf32>
        %add3A_2532 = arith.addf %add3A_2518, %get3A_2531 : vector<16xf32>
        %add3A_2533 = arith.constant 43 : i32
        %add3A_2534 = arith.addi %mul3A_1929, %add3A_2533 : i32
        %get3A_2535 = arith.index_cast %add3A_2534 : i32 to index
        %get3A_2536 = arith.constant 16 : index
        %get3A_2537 = tpu.vector_load %arg6[%get3A_2535, %get3A_2536] {strides = array<i32>} : memref<800x32xf32, #tpu.memory_space<vmem>>, vector<1x16xf32>,
        %get3A_2538 = vector.shape_cast %get3A_2537 : vector<1x16xf32> to vector<16xf32>
        %add3A_2539 = arith.addf %add3A_2525, %get3A_2538 : vector<16xf32>
        %add3A_2540 = arith.constant 44 : i32
        %add3A_2541 = arith.addi %mul3A_1929, %add3A_2540 : i32
        %get3A_2542 = arith.index_cast %add3A_2541 : i32 to index
        %get3A_2543 = arith.constant 0 : index
        %get3A_2544 = tpu.vector_load %arg6[%get3A_2542, %get3A_2543] {strides = array<i32>} : memref<800x32xf32, #tpu.memory_space<vmem>>, vector<1x16xf32>,
        %get3A_2545 = vector.shape_cast %get3A_2544 : vector<1x16xf32> to vector<16xf32>
        %add3A_2546 = arith.addf %add3A_2532, %get3A_2545 : vector<16xf32>
        %add3A_2547 = arith.constant 44 : i32
        %add3A_2548 = arith.addi %mul3A_1929, %add3A_2547 : i32
        %get3A_2549 = arith.index_cast %add3A_2548 : i32 to index
        %get3A_2550 = arith.constant 16 : index
        %get3A_2551 = tpu.vector_load %arg6[%get3A_2549, %get3A_2550] {strides = array<i32>} : memref<800x32xf32, #tpu.memory_space<vmem>>, vector<1x16xf32>,
        %get3A_2552 = vector.shape_cast %get3A_2551 : vector<1x16xf32> to vector<16xf32>
        %add3A_2553 = arith.addf %add3A_2539, %get3A_2552 : vector<16xf32>
        %add3A_2554 = arith.constant 45 : i32
        %add3A_2555 = arith.addi %mul3A_1929, %add3A_2554 : i32
        %get3A_2556 = arith.index_cast %add3A_2555 : i32 to index
        %get3A_2557 = arith.constant 0 : index
        %get3A_2558 = tpu.vector_load %arg6[%get3A_2556, %get3A_2557] {strides = array<i32>} : memref<800x32xf32, #tpu.memory_space<vmem>>, vector<1x16xf32>,
        %get3A_2559 = vector.shape_cast %get3A_2558 : vector<1x16xf32> to vector<16xf32>
        %add3A_2560 = arith.addf %add3A_2546, %get3A_2559 : vector<16xf32>
        %add3A_2561 = arith.constant 45 : i32
        %add3A_2562 = arith.addi %mul3A_1929, %add3A_2561 : i32
        %get3A_2563 = arith.index_cast %add3A_2562 : i32 to index
        %get3A_2564 = arith.constant 16 : index
        %get3A_2565 = tpu.vector_load %arg6[%get3A_2563, %get3A_2564] {strides = array<i32>} : memref<800x32xf32, #tpu.memory_space<vmem>>, vector<1x16xf32>,
        %get3A_2566 = vector.shape_cast %get3A_2565 : vector<1x16xf32> to vector<16xf32>
        %add3A_2567 = arith.addf %add3A_2553, %get3A_2566 : vector<16xf32>
        %add3A_2568 = arith.constant 46 : i32
        %add3A_2569 = arith.addi %mul3A_1929, %add3A_2568 : i32
        %get3A_2570 = arith.index_cast %add3A_2569 : i32 to index
        %get3A_2571 = arith.constant 0 : index
        %get3A_2572 = tpu.vector_load %arg6[%get3A_2570, %get3A_2571] {strides = array<i32>} : memref<800x32xf32, #tpu.memory_space<vmem>>, vector<1x16xf32>,
        %get3A_2573 = vector.shape_cast %get3A_2572 : vector<1x16xf32> to vector<16xf32>
        %add3A_2574 = arith.addf %add3A_2560, %get3A_2573 : vector<16xf32>
        %add3A_2575 = arith.constant 46 : i32
        %add3A_2576 = arith.addi %mul3A_1929, %add3A_2575 : i32
        %get3A_2577 = arith.index_cast %add3A_2576 : i32 to index
        %get3A_2578 = arith.constant 16 : index
        %get3A_2579 = tpu.vector_load %arg6[%get3A_2577, %get3A_2578] {strides = array<i32>} : memref<800x32xf32, #tpu.memory_space<vmem>>, vector<1x16xf32>,
        %get3A_2580 = vector.shape_cast %get3A_2579 : vector<1x16xf32> to vector<16xf32>
        %add3A_2581 = arith.addf %add3A_2567, %get3A_2580 : vector<16xf32>
        %add3A_2582 = arith.constant 47 : i32
        %add3A_2583 = arith.addi %mul3A_1929, %add3A_2582 : i32
        %get3A_2584 = arith.index_cast %add3A_2583 : i32 to index
        %get3A_2585 = arith.constant 0 : index
        %get3A_2586 = tpu.vector_load %arg6[%get3A_2584, %get3A_2585] {strides = array<i32>} : memref<800x32xf32, #tpu.memory_space<vmem>>, vector<1x16xf32>,
        %get3A_2587 = vector.shape_cast %get3A_2586 : vector<1x16xf32> to vector<16xf32>
        %add3A_2588 = arith.addf %add3A_2574, %get3A_2587 : vector<16xf32>
        %add3A_2589 = arith.constant 47 : i32
        %add3A_2590 = arith.addi %mul3A_1929, %add3A_2589 : i32
        %get3A_2591 = arith.index_cast %add3A_2590 : i32 to index
        %get3A_2592 = arith.constant 16 : index
        %get3A_2593 = tpu.vector_load %arg6[%get3A_2591, %get3A_2592] {strides = array<i32>} : memref<800x32xf32, #tpu.memory_space<vmem>>, vector<1x16xf32>,
        %get3A_2594 = vector.shape_cast %get3A_2593 : vector<1x16xf32> to vector<16xf32>
        %add3A_2595 = arith.addf %add3A_2581, %get3A_2594 : vector<16xf32>
        %add3A_2596 = arith.constant 48 : i32
        %add3A_2597 = arith.addi %mul3A_1929, %add3A_2596 : i32
        %get3A_2598 = arith.index_cast %add3A_2597 : i32 to index
        %get3A_2599 = arith.constant 0 : index
        %get3A_2600 = tpu.vector_load %arg6[%get3A_2598, %get3A_2599] {strides = array<i32>} : memref<800x32xf32, #tpu.memory_space<vmem>>, vector<1x16xf32>,
        %get3A_2601 = vector.shape_cast %get3A_2600 : vector<1x16xf32> to vector<16xf32>
        %add3A_2602 = arith.addf %add3A_2588, %get3A_2601 : vector<16xf32>
        %add3A_2603 = arith.constant 48 : i32
        %add3A_2604 = arith.addi %mul3A_1929, %add3A_2603 : i32
        %get3A_2605 = arith.index_cast %add3A_2604 : i32 to index
        %get3A_2606 = arith.constant 16 : index
        %get3A_2607 = tpu.vector_load %arg6[%get3A_2605, %get3A_2606] {strides = array<i32>} : memref<800x32xf32, #tpu.memory_space<vmem>>, vector<1x16xf32>,
        %get3A_2608 = vector.shape_cast %get3A_2607 : vector<1x16xf32> to vector<16xf32>
        %add3A_2609 = arith.addf %add3A_2595, %get3A_2608 : vector<16xf32>
        %add3A_2610 = arith.constant 49 : i32
        %add3A_2611 = arith.addi %mul3A_1929, %add3A_2610 : i32
        %get3A_2612 = arith.index_cast %add3A_2611 : i32 to index
        %get3A_2613 = arith.constant 0 : index
        %get3A_2614 = tpu.vector_load %arg6[%get3A_2612, %get3A_2613] {strides = array<i32>} : memref<800x32xf32, #tpu.memory_space<vmem>>, vector<1x16xf32>,
        %get3A_2615 = vector.shape_cast %get3A_2614 : vector<1x16xf32> to vector<16xf32>
        %add3A_2616 = arith.addf %add3A_2602, %get3A_2615 : vector<16xf32>
        %add3A_2617 = arith.constant 49 : i32
        %add3A_2618 = arith.addi %mul3A_1929, %add3A_2617 : i32
        %get3A_2619 = arith.index_cast %add3A_2618 : i32 to index
        %get3A_2620 = arith.constant 16 : index
        %get3A_2621 = tpu.vector_load %arg6[%get3A_2619, %get3A_2620] {strides = array<i32>} : memref<800x32xf32, #tpu.memory_space<vmem>>, vector<1x16xf32>,
        %get3A_2622 = vector.shape_cast %get3A_2621 : vector<1x16xf32> to vector<16xf32>
        %add3A_2623 = arith.addf %add3A_2609, %get3A_2622 : vector<16xf32>
        %swap3A_2624 = arith.index_cast %scan3A_1927 : i32 to index
        %swap3A_2625 = arith.constant 0 : index
        %swap3A_2626 = tpu.vector_load %arg7[%swap3A_2624, %swap3A_2625] {strides = array<i32>} : memref<16x32xf32, #tpu.memory_space<vmem>>, vector<1x16xf32>,
        %swap3A_2627 = vector.shape_cast %swap3A_2626 : vector<1x16xf32> to vector<16xf32>
        %swap3A_2628 = vector.shape_cast %add3A_2616 : vector<16xf32> to vector<1x16xf32>
        tpu.vector_store %arg7[%swap3A_2624, %swap3A_2625], %swap3A_2628 {strides = array<i32>} : memref<16x32xf32, #tpu.memory_space<vmem>>, vector<1x16xf32>,
        %swap3A_2629 = arith.index_cast %scan3A_1927 : i32 to index
        %swap3A_2630 = arith.constant 16 : index
        %swap3A_2631 = tpu.vector_load %arg7[%swap3A_2629, %swap3A_2630] {strides = array<i32>} : memref<16x32xf32, #tpu.memory_space<vmem>>, vector<1x16xf32>,
        %swap3A_2632 = vector.shape_cast %swap3A_2631 : vector<1x16xf32> to vector<16xf32>
        %swap3A_2633 = vector.shape_cast %add3A_2623 : vector<16xf32> to vector<1x16xf32>
        tpu.vector_store %arg7[%swap3A_2629, %swap3A_2630], %swap3A_2633 {strides = array<i32>} : memref<16x32xf32, #tpu.memory_space<vmem>>, vector<1x16xf32>,
      }
      %scan3A_1926 = arith.constant 16 : i32
      "tpu.region"() ({
        %run_scoped3A = tpu.sem_alloc : memref<!tpu.dma_semaphore, #tpu.memory_space<semaphore_mem>>
        %dma_start3A_1927 = arith.constant 0 : i32
        %dma_start3A_1928 = tpu.memref_slice %arg4[%multiple_of3A, %dma_start3A_1927] : memref<16384x32xf32, #tpu.memory_space<hbm>> -> memref<16x32xf32, #tpu.memory_space<hbm>>
        %dma_start3A_1929 = arith.constant 0 : i32
        %dma_start3A_1930 = tpu.memref_slice %arg4[%multiple_of3A, %dma_start3A_1929] : memref<16384x32xf32, #tpu.memory_space<hbm>> -> memref<16x32xf32, #tpu.memory_space<hbm>>
        tpu.enqueue_dma source(%arg7 : memref<16x32xf32, #tpu.memory_space<vmem>>) target(%dma_start3A_1930 : memref<16x32xf32, #tpu.memory_space<hbm>>) target_semaphore(%run_scoped3A : memref<!tpu.dma_semaphore, #tpu.memory_space<semaphore_mem>>)
        %dma_wait3A_1931 = arith.constant 0 : i32
        %dma_wait3A_1932 = tpu.memref_slice %arg4[%multiple_of3A, %dma_wait3A_1931] : memref<16384x32xf32, #tpu.memory_space<hbm>> -> memref<16x32xf32, #tpu.memory_space<hbm>>
        %dma_wait3A_1933 = arith.constant 0 : i32
        %dma_wait3A_1934 = tpu.memref_slice %arg4[%multiple_of3A, %dma_wait3A_1933] : memref<16384x32xf32, #tpu.memory_space<hbm>> -> memref<16x32xf32, #tpu.memory_space<hbm>>
        tpu.wait_dma2 semaphore(%run_scoped3A : memref<!tpu.dma_semaphore, #tpu.memory_space<semaphore_mem>>) src(%arg7 : memref<16x32xf32, #tpu.memory_space<vmem>>) dst(%dma_wait3A_1934 : memref<16x32xf32, #tpu.memory_space<hbm>>)
        tpu.yield
      }) : () -> ()
    }
    %scan3A_7 = arith.constant 32 : i32
    return
  }
}

module attributes {stable_mosaic.version = 14 : i64} {
  func.func @_transpose_body(%arg0: i32, %arg1: memref<32x8192xf32, #tpu.memory_space<vmem>>, %arg2: memref<512x512xf32, #tpu.memory_space<vmem>>) attributes {dimension_semantics = [#tpu.dimension_semantics<arbitrary>], iteration_bounds = array<i64: 123>, scalar_prefetch = 0 : i64, scratch_operands = 0 : i64, tpu.core_type = #tpu.core_type<tc>, window_params = [{transform_indices = @transform_0, window_bounds = array<i64: 32, 8192>}, {transform_indices = @transform_1, window_bounds = array<i64: 512, 512>}]} {
    %get3A = arith.constant 0 : index
    %get3A_0 = arith.constant 0 : index
    %get3A_1 = vector.load %arg1[%get3A, %get3A_0] : memref<32x8192xf32, #tpu.memory_space<vmem>>, vector<32x8192xf32>
    %transpose3A = tpu.transpose %get3A_1, [1, 0] : vector<32x8192xf32> -> vector<8192x32xf32>
    %slice3A = vector.extract_strided_slice %transpose3A {offsets = [0, 0], sizes = [512, 32], strides = [1, 1]} : vector<8192x32xf32> to vector<512x32xf32>
    %slice3A_2 = vector.extract_strided_slice %transpose3A {offsets = [512, 0], sizes = [512, 32], strides = [1, 1]} : vector<8192x32xf32> to vector<512x32xf32>
    %slice3A_3 = vector.extract_strided_slice %transpose3A {offsets = [1024, 0], sizes = [512, 32], strides = [1, 1]} : vector<8192x32xf32> to vector<512x32xf32>
    %slice3A_4 = vector.extract_strided_slice %transpose3A {offsets = [1536, 0], sizes = [512, 32], strides = [1, 1]} : vector<8192x32xf32> to vector<512x32xf32>
    %slice3A_5 = vector.extract_strided_slice %transpose3A {offsets = [2048, 0], sizes = [512, 32], strides = [1, 1]} : vector<8192x32xf32> to vector<512x32xf32>
    %slice3A_6 = vector.extract_strided_slice %transpose3A {offsets = [2560, 0], sizes = [512, 32], strides = [1, 1]} : vector<8192x32xf32> to vector<512x32xf32>
    %slice3A_7 = vector.extract_strided_slice %transpose3A {offsets = [3072, 0], sizes = [512, 32], strides = [1, 1]} : vector<8192x32xf32> to vector<512x32xf32>
    %slice3A_8 = vector.extract_strided_slice %transpose3A {offsets = [3584, 0], sizes = [512, 32], strides = [1, 1]} : vector<8192x32xf32> to vector<512x32xf32>
    %slice3A_9 = vector.extract_strided_slice %transpose3A {offsets = [4096, 0], sizes = [512, 32], strides = [1, 1]} : vector<8192x32xf32> to vector<512x32xf32>
    %slice3A_10 = vector.extract_strided_slice %transpose3A {offsets = [4608, 0], sizes = [512, 32], strides = [1, 1]} : vector<8192x32xf32> to vector<512x32xf32>
    %slice3A_11 = vector.extract_strided_slice %transpose3A {offsets = [5120, 0], sizes = [512, 32], strides = [1, 1]} : vector<8192x32xf32> to vector<512x32xf32>
    %slice3A_12 = vector.extract_strided_slice %transpose3A {offsets = [5632, 0], sizes = [512, 32], strides = [1, 1]} : vector<8192x32xf32> to vector<512x32xf32>
    %slice3A_13 = vector.extract_strided_slice %transpose3A {offsets = [6144, 0], sizes = [512, 32], strides = [1, 1]} : vector<8192x32xf32> to vector<512x32xf32>
    %slice3A_14 = vector.extract_strided_slice %transpose3A {offsets = [6656, 0], sizes = [512, 32], strides = [1, 1]} : vector<8192x32xf32> to vector<512x32xf32>
    %slice3A_15 = vector.extract_strided_slice %transpose3A {offsets = [7168, 0], sizes = [512, 32], strides = [1, 1]} : vector<8192x32xf32> to vector<512x32xf32>
    %slice3A_16 = vector.extract_strided_slice %transpose3A {offsets = [7680, 0], sizes = [512, 32], strides = [1, 1]} : vector<8192x32xf32> to vector<512x32xf32>
    %concatenate3A = tpu.concatenate %slice3A, %slice3A_2, %slice3A_3, %slice3A_4, %slice3A_5, %slice3A_6, %slice3A_7, %slice3A_8, %slice3A_9, %slice3A_10, %slice3A_11, %slice3A_12, %slice3A_13, %slice3A_14, %slice3A_15, %slice3A_16 in 1 : vector<512x32xf32>, vector<512x32xf32>, vector<512x32xf32>, vector<512x32xf32>, vector<512x32xf32>, vector<512x32xf32>, vector<512x32xf32>, vector<512x32xf32>, vector<512x32xf32>, vector<512x32xf32>, vector<512x32xf32>, vector<512x32xf32>, vector<512x32xf32>, vector<512x32xf32>, vector<512x32xf32>, vector<512x32xf32> -> vector<512x512xf32>
    %swap3A = arith.constant 0 : index
    %swap3A_17 = arith.constant 0 : index
    %swap3A_18 = vector.load %arg2[%swap3A, %swap3A_17] : memref<512x512xf32, #tpu.memory_space<vmem>>, vector<512x512xf32>
    tpu.vector_store %arg2[%swap3A, %swap3A_17], %concatenate3A {strides = array<i32>} : memref<512x512xf32, #tpu.memory_space<vmem>>, vector<512x512xf32>,
    return
  }
  func.func @transform_0(%arg0: i32) -> (i32, i32) {
    %c0_i32 = arith.constant 0 : i32
    %c0_i32_0 = arith.constant 0 : i32
    return %c0_i32, %arg0 : i32, i32
  }
  func.func @transform_1(%arg0: i32) -> (i32, i32) {
    %c0_i32 = arith.constant 0 : i32
    %c0_i32_0 = arith.constant 0 : i32
    return %arg0, %c0_i32 : i32, i32
  }
}

module attributes {stable_mosaic.version = 14 : i64} {
  func.func @_mlp_body(%arg0: i32, %arg1: memref<2048x32xf32, #tpu.memory_space<vmem>>, %arg2: memref<2048x32xf32, #tpu.memory_space<vmem>>, %arg3: memref<256x64xf32, #tpu.memory_space<vmem>>, %arg4: memref<1x256xf32, #tpu.memory_space<vmem>>, %arg5: memref<256x256xf32, #tpu.memory_space<vmem>>, %arg6: memref<1x256xf32, #tpu.memory_space<vmem>>, %arg7: memref<128x256xf32, #tpu.memory_space<vmem>>, %arg8: memref<1x128xf32, #tpu.memory_space<vmem>>, %arg9: memref<2x128xf32, #tpu.memory_space<vmem>>, %arg10: memref<1x2xf32, #tpu.memory_space<vmem>>, %arg11: memref<2048x2xf32, #tpu.memory_space<vmem>>) attributes {dimension_semantics = [#tpu.dimension_semantics<arbitrary>], iteration_bounds = array<i64: 8>, scalar_prefetch = 0 : i64, scratch_operands = 0 : i64, tpu.core_type = #tpu.core_type<tc>, window_params = [{transform_indices = @transform_0, window_bounds = array<i64: 2048, 32>}, {transform_indices = @transform_1, window_bounds = array<i64: 2048, 32>}, {pipeline_mode = #tpu.pipeline_mode<synchronous>, transform_indices = @transform_2, window_bounds = array<i64: 256, 64>}, {pipeline_mode = #tpu.pipeline_mode<synchronous>, transform_indices = @transform_3, window_bounds = array<i64: 1, 256>}, {pipeline_mode = #tpu.pipeline_mode<synchronous>, transform_indices = @transform_4, window_bounds = array<i64: 256, 256>}, {pipeline_mode = #tpu.pipeline_mode<synchronous>, transform_indices = @transform_5, window_bounds = array<i64: 1, 256>}, {pipeline_mode = #tpu.pipeline_mode<synchronous>, transform_indices = @transform_6, window_bounds = array<i64: 128, 256>}, {pipeline_mode = #tpu.pipeline_mode<synchronous>, transform_indices = @transform_7, window_bounds = array<i64: 1, 128>}, {pipeline_mode = #tpu.pipeline_mode<synchronous>, transform_indices = @transform_8, window_bounds = array<i64: 2, 128>}, {pipeline_mode = #tpu.pipeline_mode<synchronous>, transform_indices = @transform_9, window_bounds = array<i64: 1, 2>}, {transform_indices = @transform_10, window_bounds = array<i64: 2048, 2>}]} {
    %get3A = arith.constant 0 : index
    %get3A_0 = arith.constant 0 : index
    %get3A_1 = vector.load %arg1[%get3A, %get3A_0] : memref<2048x32xf32, #tpu.memory_space<vmem>>, vector<2048x32xf32>
    %get3A_2 = arith.constant 0 : index
    %get3A_3 = arith.constant 0 : index
    %get3A_4 = vector.load %arg2[%get3A_2, %get3A_3] : memref<2048x32xf32, #tpu.memory_space<vmem>>, vector<2048x32xf32>
    %concatenate3A = tpu.concatenate %get3A_1, %get3A_4 in 1 : vector<2048x32xf32>, vector<2048x32xf32> -> vector<2048x64xf32>
    %get3A_5 = arith.constant 0 : index
    %get3A_6 = arith.constant 0 : index
    %get3A_7 = vector.load %arg3[%get3A_5, %get3A_6] : memref<256x64xf32, #tpu.memory_space<vmem>>, vector<256x64xf32>
    %dot_general3A = arith.constant dense<0.000000e+00> : vector<2048x256xf32>
    %dot_general3A_8 = tpu.matmul %concatenate3A, %get3A_7, %dot_general3A {dimension_numbers = #tpu.dot_dimension_numbers<[1], [1], [0], [0], [0, 0, 1, 0], [], []>, transpose_lhs_hint = false} : vector<2048x64xf32>, vector<256x64xf32>, vector<2048x256xf32> -> vector<2048x256xf32>
    %get3A_9 = arith.constant 0 : index
    %get3A_10 = arith.constant 0 : index
    %get3A_11 = vector.load %arg4[%get3A_9, %get3A_10] : memref<1x256xf32, #tpu.memory_space<vmem>>, vector<1x256xf32>
    %add3A = vector.broadcast %get3A_11 : vector<1x256xf32> to vector<2048x256xf32>
    %add3A_12 = arith.addf %dot_general3A_8, %add3A : vector<2048x256xf32>
    %max3A = arith.constant 0.000000e+00 : f32
    %max3A_13 = vector.broadcast %max3A : f32 to vector<2048x256xf32>
    %max3A_14 = arith.maximumf %add3A_12, %max3A_13 : vector<2048x256xf32>
    %get3A_15 = arith.constant 0 : index
    %get3A_16 = arith.constant 0 : index
    %get3A_17 = vector.load %arg5[%get3A_15, %get3A_16] : memref<256x256xf32, #tpu.memory_space<vmem>>, vector<256x256xf32>
    %dot_general3A_18 = arith.constant dense<0.000000e+00> : vector<2048x256xf32>
    %dot_general3A_19 = tpu.matmul %max3A_14, %get3A_17, %dot_general3A_18 {dimension_numbers = #tpu.dot_dimension_numbers<[1], [1], [0], [0], [0, 0, 1, 0], [], []>, transpose_lhs_hint = false} : vector<2048x256xf32>, vector<256x256xf32>, vector<2048x256xf32> -> vector<2048x256xf32>
    %get3A_20 = arith.constant 0 : index
    %get3A_21 = arith.constant 0 : index
    %get3A_22 = vector.load %arg6[%get3A_20, %get3A_21] : memref<1x256xf32, #tpu.memory_space<vmem>>, vector<1x256xf32>
    %add3A_23 = vector.broadcast %get3A_22 : vector<1x256xf32> to vector<2048x256xf32>
    %add3A_24 = arith.addf %dot_general3A_19, %add3A_23 : vector<2048x256xf32>
    %max3A_25 = arith.constant 0.000000e+00 : f32
    %max3A_26 = vector.broadcast %max3A_25 : f32 to vector<2048x256xf32>
    %max3A_27 = arith.maximumf %add3A_24, %max3A_26 : vector<2048x256xf32>
    %get3A_28 = arith.constant 0 : index
    %get3A_29 = arith.constant 0 : index
    %get3A_30 = vector.load %arg7[%get3A_28, %get3A_29] : memref<128x256xf32, #tpu.memory_space<vmem>>, vector<128x256xf32>
    %dot_general3A_31 = arith.constant dense<0.000000e+00> : vector<2048x128xf32>
    %dot_general3A_32 = tpu.matmul %max3A_27, %get3A_30, %dot_general3A_31 {dimension_numbers = #tpu.dot_dimension_numbers<[1], [1], [0], [0], [0, 0, 1, 0], [], []>, transpose_lhs_hint = false} : vector<2048x256xf32>, vector<128x256xf32>, vector<2048x128xf32> -> vector<2048x128xf32>
    %get3A_33 = arith.constant 0 : index
    %get3A_34 = arith.constant 0 : index
    %get3A_35 = vector.load %arg8[%get3A_33, %get3A_34] : memref<1x128xf32, #tpu.memory_space<vmem>>, vector<1x128xf32>
    %add3A_36 = vector.broadcast %get3A_35 : vector<1x128xf32> to vector<2048x128xf32>
    %add3A_37 = arith.addf %dot_general3A_32, %add3A_36 : vector<2048x128xf32>
    %max3A_38 = arith.constant 0.000000e+00 : f32
    %max3A_39 = vector.broadcast %max3A_38 : f32 to vector<2048x128xf32>
    %max3A_40 = arith.maximumf %add3A_37, %max3A_39 : vector<2048x128xf32>
    %get3A_41 = arith.constant 0 : index
    %get3A_42 = arith.constant 0 : index
    %get3A_43 = vector.load %arg9[%get3A_41, %get3A_42] : memref<2x128xf32, #tpu.memory_space<vmem>>, vector<2x128xf32>
    %dot_general3A_44 = arith.constant dense<0.000000e+00> : vector<2048x2xf32>
    %dot_general3A_45 = tpu.matmul %max3A_40, %get3A_43, %dot_general3A_44 {dimension_numbers = #tpu.dot_dimension_numbers<[1], [1], [0], [0], [0, 0, 1, 0], [], []>, transpose_lhs_hint = false} : vector<2048x128xf32>, vector<2x128xf32>, vector<2048x2xf32> -> vector<2048x2xf32>
    %get3A_46 = arith.constant 0 : index
    %get3A_47 = arith.constant 0 : index
    %get3A_48 = vector.load %arg10[%get3A_46, %get3A_47] : memref<1x2xf32, #tpu.memory_space<vmem>>, vector<1x2xf32>
    %add3A_49 = vector.broadcast %get3A_48 : vector<1x2xf32> to vector<2048x2xf32>
    %add3A_50 = arith.addf %dot_general3A_45, %add3A_49 : vector<2048x2xf32>
    %max3A_51 = arith.constant 0.000000e+00 : f32
    %max3A_52 = vector.broadcast %max3A_51 : f32 to vector<2048x2xf32>
    %max3A_53 = arith.maximumf %add3A_50, %max3A_52 : vector<2048x2xf32>
    %swap3A = arith.constant 0 : index
    %swap3A_54 = arith.constant 0 : index
    %swap3A_55 = vector.load %arg11[%swap3A, %swap3A_54] : memref<2048x2xf32, #tpu.memory_space<vmem>>, vector<2048x2xf32>
    tpu.vector_store %arg11[%swap3A, %swap3A_54], %max3A_53 {strides = array<i32>} : memref<2048x2xf32, #tpu.memory_space<vmem>>, vector<2048x2xf32>,
    return
  }
  func.func @transform_0(%arg0: i32) -> (i32, i32) {
    %c0_i32 = arith.constant 0 : i32
    %c0_i32_0 = arith.constant 0 : i32
    return %arg0, %c0_i32 : i32, i32
  }
  func.func @transform_1(%arg0: i32) -> (i32, i32) {
    %c0_i32 = arith.constant 0 : i32
    %c0_i32_0 = arith.constant 0 : i32
    return %arg0, %c0_i32 : i32, i32
  }
  func.func @transform_2(%arg0: i32) -> (i32, i32) {
    %c0_i32 = arith.constant 0 : i32
    %c0_i32_0 = arith.constant 0 : i32
    %c0_i32_1 = arith.constant 0 : i32
    return %c0_i32, %c0_i32_0 : i32, i32
  }
  func.func @transform_3(%arg0: i32) -> (i32, i32) {
    %c0_i32 = arith.constant 0 : i32
    %c0_i32_0 = arith.constant 0 : i32
    %c0_i32_1 = arith.constant 0 : i32
    return %c0_i32, %c0_i32_0 : i32, i32
  }
  func.func @transform_4(%arg0: i32) -> (i32, i32) {
    %c0_i32 = arith.constant 0 : i32
    %c0_i32_0 = arith.constant 0 : i32
    %c0_i32_1 = arith.constant 0 : i32
    return %c0_i32, %c0_i32_0 : i32, i32
  }
  func.func @transform_5(%arg0: i32) -> (i32, i32) {
    %c0_i32 = arith.constant 0 : i32
    %c0_i32_0 = arith.constant 0 : i32
    %c0_i32_1 = arith.constant 0 : i32
    return %c0_i32, %c0_i32_0 : i32, i32
  }
  func.func @transform_6(%arg0: i32) -> (i32, i32) {
    %c0_i32 = arith.constant 0 : i32
    %c0_i32_0 = arith.constant 0 : i32
    %c0_i32_1 = arith.constant 0 : i32
    return %c0_i32, %c0_i32_0 : i32, i32
  }
  func.func @transform_7(%arg0: i32) -> (i32, i32) {
    %c0_i32 = arith.constant 0 : i32
    %c0_i32_0 = arith.constant 0 : i32
    %c0_i32_1 = arith.constant 0 : i32
    return %c0_i32, %c0_i32_0 : i32, i32
  }
  func.func @transform_8(%arg0: i32) -> (i32, i32) {
    %c0_i32 = arith.constant 0 : i32
    %c0_i32_0 = arith.constant 0 : i32
    %c0_i32_1 = arith.constant 0 : i32
    return %c0_i32, %c0_i32_0 : i32, i32
  }
  func.func @transform_9(%arg0: i32) -> (i32, i32) {
    %c0_i32 = arith.constant 0 : i32
    %c0_i32_0 = arith.constant 0 : i32
    %c0_i32_1 = arith.constant 0 : i32
    return %c0_i32, %c0_i32_0 : i32, i32
  }
  func.func @transform_10(%arg0: i32) -> (i32, i32) {
    %c0_i32 = arith.constant 0 : i32
    %c0_i32_0 = arith.constant 0 : i32
    return %arg0, %c0_i32 : i32, i32
  }
}

</mosaic_0001>

<sc_bundles>
// kernel: kernel.10.cloned.1.call-start
scs
__scs_entry_jumppad:
0x0: {  	(pc) =	sbr.rel $0x88, $3  }
0x1: {  	(tag) =	ssettag $0x0;
	lr =	simm.s32 $0x1  }
0x2: {  	[smem:$0x3F95] =	sst lr;
	_ =	strace $0xD0000000  }
0x3: {  	_ = 	snop  }
0x4: {  	_ = 	snop  }
0x5: {  	_ = 	snop  }
0x6: {  	_ = 	snop  }
0x7: {  	_ = 	snop  }
__scs_overlays_trampoline_lowered:
0x8: {  	[smem:$0x3FA4] =	sst s0  }
0x9: {  	[smem:$0x3FA5] =	sst s1  }
0xa: {  	[smem:$0x3FA6] =	sst s2  }
0xb: {  	[smem:$0x3FA7] =	sst s3  }
0xc: {  	[smem:$0x3FA8] =	sst s4  }
0xd: {  	[smem:$0x3FA9] =	sst s5  }
0xe: {  	[smem:$0x3FAA] =	sst s6  }
0xf: {  	[smem:$0x3FAB] =	sst s7  }
0x10: {  	[smem:$0x3FAC] =	sst s8  }
0x11: {  	[smem:$0x3FAD] =	sst s9;
	s0 =	simm.s32 @!p0 $0x0  }
0x12: {  	s1 =	sld [smem:$0x3F93];
	s0 =	simm.s32 @p0 $0x1  }
0x13: {  	[smem:$0x3FAE] =	sst s0;
	s0 =	simm.s32 @!p1 $0x0  }
0x14: {  	s2 =	sld [smem:$0x3F92];
	s0 =	simm.s32 @p1 $0x1  }
0x15: {  	[smem:$0x3FAF] =	sst s0;
	s0 =	simm.s32 @!p2 $0x0  }
0x16: {  	s3 =	sld [smem:$0x3FDB];
	s0 =	simm.s32 @p2 $0x1  }
0x17: {  	s4 =	simm.s32 $0x1BF5;
	[smem:$0x3FB1] =	sst s0  }
0x18: {  	s0 =	sld [smem:$0x3F94];
	_ =	swait.ge [sflag:s4], $0x0  }
0x19: {  	s7 =	sld [smem:$0x3F95]  }
0x1a: {  	s8 =	sadd.s32 $0xFFFFE003, lr  }
0x1b: {  	s9 =	sadd.s32 $0xFFFFFEF7, lr;
	s5 =	simm.s32 $0xFFFFFFFF;
	p2 =	slt.u32 s8, $0xFFFFF086  }
0x1c: {  	p1 =	slt.u32 s9, $0xF7A;
	s5 =	simm.s32 @!p2 $0x0  }
0x1d: {  	s5 =	simm.s32 @p1 $0x1;
	p0 =	seq.s32 s7, s2  }
0x1e: {  	s7 =	smul.u32 @!p0 $0xF7A, s2;
	p2 =	seq.s32 @!p0 s5, $0x0  }
0x1f: {  	s9 =	smul.u32 $0xF7A, s1;
	s8 =	simm.s32 @!p0 $0x1BF5;
	p2 =	por !p2, p0  }
0x20: {  	[sflag:s8] =	ssyncset.s32 @!p0 $0xFFFFF086;
	s6 =	sadd.s32 @!p0 s3, s7;
	s7 =	simm.s32 @!p0 $0x108  }
0x21: {  	s3 =	sadd.s32 s3, s9;
	s6 =	sadd.s32 @!p0 $0x88, s6;
	s7 =	simm.s32 @p2 $0x1082  }
0x22: {  	[simem:s7], [sflag:s8] =	dma.local @!p0 [hbm:s6], $0xF7A  }
0x23: {  	s9 =	sor.u32 $0xD0000000, s2;
	s6 =	simm.s32 $0x108;
	_ =	swait.ge @!p0 [sflag:s8], $0x0  }
0x24: {  	s3 =	sadd.s32 $0x88, s3;
	s6 =	simm.s32 @!p1 $0x1082;
	[sflag:s4] =	ssyncset.s32 $0xFFFFF086  }
0x25: {  	[simem:s6], [sflag:s4] =	dma.local [hbm:s3], $0xF7A  }
0x26: {  	[smem:$0x3F95] =	sst s1;
	(tag) =	ssettag s2;
	_ =	strace s9  }
0x27: {  	s1 =	sld [smem:$0x3FA5]  }
0x28: {  	s2 =	sld [smem:$0x3FA6]  }
0x29: {  	s4 =	sld [smem:$0x3FA8]  }
0x2a: {  	p0 =	seq.s32 s5, $0x0;
	s5 =	sld [smem:$0x3FA9]  }
0x2b: {  	s6 =	sld [smem:$0x3FAA]  }
0x2c: {  	s7 =	sld [smem:$0x3FAB]  }
0x2d: {  	s3 =	simm.s32 $0x108;
	s8 =	sld [smem:$0x3FAC]  }
0x2e: {  	s3 =	simm.s32 @!p0 $0x1082;
	s9 =	sld [smem:$0x3FAD]  }
0x2f: {  	lr =	sadd.s32 s0, s3;
	s0 =	sld [smem:$0x3FA4]  }
0x30: {  	s3 =	sld [smem:$0x3FA7]  }
0x31: {  	[smem:$0x3FB0] =	sst s10  }
0x32: {  	s10 =	sld [smem:$0x3FAE];
	_ =	sdelay $0x3  }
0x33: {  	p0 =	seq.s32 s10, $0x1;
	s10 =	sld [smem:$0x3FB0];
	_ =	sdelay $0x3  }
0x34: {  	[smem:$0x3FB0] =	sst s10  }
0x35: {  	s10 =	sld [smem:$0x3FAF];
	_ =	sdelay $0x3  }
0x36: {  	p1 =	seq.s32 s10, $0x1;
	s10 =	sld [smem:$0x3FB0];
	_ =	sdelay $0x3  }
0x37: {  	[smem:$0x3FB0] =	sst s10  }
0x38: {  	s10 =	sld [smem:$0x3FB1]  }
0x39: {  	_ = 	snop;
	(pc) =	sbr.ind lr, $3  }
0x3a: {  	_ = 	snop  }
0x3b: {  	_ = 	snop  }
0x3c: {  	p2 =	seq.s32 s10, $0x1;
	s10 =	sld [smem:$0x3FB0]  }
0x3d: {  	_ =	shalt  }
0x3e: {  	_ =	shalt  }
0x3f: {  	_ =	shalt  }
0x40: {  	_ =	shalt  }
0x41: {  	_ =	shalt  }
0x42: {  	_ =	shalt  }
0x43: {  	_ =	shalt  }
0x44: {  	_ =	shalt  }
0x45: {  	_ =	shalt  }
0x46: {  	_ =	shalt  }
0x47: {  	_ =	shalt  }
0x48: {  	_ =	shalt  }
0x49: {  	_ =	shalt  }
0x4a: {  	_ =	shalt  }
0x4b: {  	_ =	shalt  }
0x4c: {  	_ =	shalt  }
0x4d: {  	_ =	shalt  }
0x4e: {  	_ =	shalt  }
0x4f: {  	_ =	shalt  }
0x50: {  	_ =	shalt  }
0x51: {  	_ =	shalt  }
0x52: {  	_ =	shalt  }
0x53: {  	_ =	shalt  }
0x54: {  	_ =	shalt  }
0x55: {  	_ =	shalt  }
0x56: {  	_ =	shalt  }
0x57: {  	_ =	shalt  }
0x58: {  	_ =	shalt  }
0x59: {  	_ =	shalt  }
0x5a: {  	_ =	shalt  }
0x5b: {  	_ =	shalt  }
0x5c: {  	_ =	shalt  }
0x5d: {  	_ =	shalt  }
0x5e: {  	_ =	shalt  }
0x5f: {  	_ =	shalt  }
0x60: {  	_ =	shalt  }
0x61: {  	_ =	shalt  }
0x62: {  	_ =	shalt  }
0x63: {  	_ =	shalt  }
0x64: {  	_ =	shalt  }
0x65: {  	_ =	shalt  }
0x66: {  	_ =	shalt  }
0x67: {  	_ =	shalt  }
0x68: {  	_ =	shalt  }
0x69: {  	_ =	shalt  }
0x6a: {  	_ =	shalt  }
0x6b: {  	_ =	shalt  }
0x6c: {  	_ =	shalt  }
0x6d: {  	_ =	shalt  }
0x6e: {  	_ =	shalt  }
0x6f: {  	_ =	shalt  }
0x70: {  	_ =	shalt  }
0x71: {  	_ =	shalt  }
0x72: {  	_ =	shalt  }
0x73: {  	_ =	shalt  }
0x74: {  	_ =	shalt  }
0x75: {  	_ =	shalt  }
0x76: {  	_ =	shalt  }
0x77: {  	_ =	shalt  }
0x78: {  	_ =	shalt  }
0x79: {  	_ =	shalt  }
0x7a: {  	_ =	shalt  }
0x7b: {  	_ =	shalt  }
0x7c: {  	_ =	shalt  }
0x7d: {  	_ =	shalt  }
0x7e: {  	_ =	shalt  }
0x7f: {  	_ =	shalt  }
0x80: {  	_ =	shalt  }
0x81: {  	_ =	shalt  }
0x82: {  	_ =	shalt  }
0x83: {  	_ =	shalt  }
0x84: {  	_ =	shalt  }
0x85: {  	_ =	shalt  }
0x86: {  	_ =	shalt  }
0x87: {  	_ =	shalt  }
.Lfunc_end0:
.L_simem_size_0:
called_computation.3_lowered:
.L_overlay_start_0:
0x88: {  	s2 =	sld [smem:$0x3FD9]  }
0x89: {  	s3 =	sld [smem:$0x3FFE];
	_ =	sdelay $0x1  }
0x8a: {  	s1 =	srdreg.scid  }
0x8b: {  	s0 =	sand.u32 $0x1, s1  }
0x8c: {  	s17 =	sshll.u32 s0, $0xA;
	s2 =	sadd.s32 s3, s2  }
0x8d: {  	s2 =	sadd.s32 s2, s17  }
0x8e: {  	[smem:$0x3FBC] =	sst s2  }
0x8f: {  	_ = 	snop  }
0x90: {  	s18 =	sld [smem:$0x3FC8];
	(tm) =	ssettm $0x1  }
0x91: {  	s19 =	sld [smem:$0x3FFB];
	_ =	sdelay $0x3  }
0x92: {  	_ =	strace s19  }
0x93: {  	s2 =	sld [smem:$0x3FFC];
	_ =	sdelay $0x3  }
0x94: {  	_ =	strace s2  }
0x95: {  	s2 =	sld [smem:$0x3FFD];
	_ =	sdelay $0x3  }
0x96: {  	_ =	strace s2  }
0x97: {  	_ =	strace $0x8FFFFFFF  }
0x98: {  	s20 =	sld [smem:$0x3FDB];
	_ =	sdelay $0x1  }
0x99: {  	s4 =	simm.s32 $_scs_section_size  }
0x9a: {  	s5 =	simm.s32 $_size__tile_overlayer_lowered;
	s6 =	simm.s32 $_tile_overlayer_lowered  }
0x9b: {  	s7 =	simm.s32 $0x1BFF;
	s21 =	sshll.u32 s6, $0x1;
	s4 =	sadd.s32 s4, s20  }
0x9c: {  	s22 =	simm.s32 $0x0;
	s5 =	sshll.u32 s5, $0x1;
	s6 =	sadd.s32 s21, s4  }
0x9d: {  	[timem:s22], [sflag:s7] =	dma.local [hbm:s6], s5  }
0x9e: {  	_ =	swait.ge [sflag:s7], s5  }
0x9f: {  	s5 =	ssub.s32 $0x0, s5;
	[sflag:s7] =	ssyncset.done $0x0  }
0xa0: {  	[sflag:s7] =	ssyncadd.s32 s5;
	_ =	sdelay $0x1  }
0xa1: {  	s23 =	simm.s32 $0x1B8B  }
0xa2: {  	_ =	swait.ge [sflag:s23], $0x1  }
0xa3: {  	[sflag:s23] =	ssyncset.done $0x0  }
0xa4: {  	[sflag:s23] =	ssyncadd.s32 $0xFFFFFFFF  }
0xa5: {  	s5 =	sld [smem:$0x0]  }
0xa6: {  	s6 =	sand.u32 $0xFFFFFFFE, s1  }
0xa7: {  	p0 =	sne.s32 s1, s6  }
0xa8: {  	s6 =	sshll.u32 @p0 s6, $0xE  }
0xa9: {  	s6 =	sadd.s32 @p0 $0x11B8D, s6;
	s7 =	sshll.u32 @p0 s5, $0x11  }
0xaa: {  	s6 =	sor.u32 @p0 s7, s6  }
0xab: {  	[sflag:s6] =	ssyncadd.remote.s32 @p0 $0x1;
	_ =	sdelay $0x1  }
0xac: {  	s6 =	simm.s32 @p0 $0x1B8D  }
0xad: {  	_ =	swait.eq @p0 [sflag:s6], $0x1  }
0xae: {  	[sflag:s6] =	ssyncadd.s32 @p0 $0xFFFFFFFF  }
0xaf: {  	s7 =	sshll.u32 @!p0 s1, $0xE  }
0xb0: {  	s7 =	sor.u32 @!p0 $0x4000, s7;
	s6 =	simm.s32 @!p0 $0x1B8D  }
0xb1: {  	s5 =	sshll.u32 @!p0 s5, $0x11;
	s7 =	sadd.s32 @!p0 $0x11B8D, s7;
	_ =	swait.eq @!p0 [sflag:s6], $0x1  }
0xb2: {  	s5 =	sor.u32 @!p0 s5, s7;
	[sflag:s6] =	ssyncadd.s32 @!p0 $0xFFFFFFFF  }
0xb3: {  	s25 =	simm.s32 $0x1B8E;
	s24 =	sld [smem:$0x3FFE];
	[sflag:s5] =	ssyncadd.remote.s32 @!p0 $0x1  }
0xb4: {  	s26 =	simm.s32 $execute0_lowered;
	[smem:$0x3FD2] =	sst s25  }
0xb5: {  	s6 =	sshll.u32 s26, $0x1;
	_ =	strace $0x8000004F;
	[dreg:$0x1] =	wrdreg $0xFFFFFFFF  }
0xb6: {  	s28 =	simm.s32 $_size_execute0_lowered;
	s4 =	sadd.s32 s4, s6;
	[dreg:$0x0] =	wrdreg $0x0  }
0xb7: {  	s6 =	sshll.u32 s28, $0x1;
	[dreg:$0x2] =	wrdreg s4  }
0xb8: {  	[dreg:$0x3] =	wrdreg s6  }
0xb9: {  	[dreg:$0x4] =	wrdreg $0xC0  }
0xba: {  	_ =	task [dreg:s22], $0x5FFFF  }
0xbb: {  	[dreg:$0x1] =	wrdreg $0xFFFFFFFF  }
0xbc: {  	[dreg:$0x0] =	wrdreg $0x60  }
0xbd: {  	[dreg:$0x2] =	wrdreg s18  }
0xbe: {  	[dreg:$0x3] =	wrdreg s24  }
0xbf: {  	[dreg:$0x4] =	wrdreg $0x9  }
0xc0: {  	_ =	task.clear_ibuf [dreg:s22], $0x5FFFF;
	_ =	strace $0x9000004F  }
0xc1: {  	s29 =	simm.s32 $0x9;
	_ =	strace $0x80000051  }
0xc2: {  	_ =	swait.ge [sflag:s29], $0x1  }
0xc3: {  	[sflag:s29] =	ssyncadd.s32 $0xFFFFFFFF  }
0xc4: {  	_ =	strace $0x90000051  }
0xc5: {  	_ =	sfence  }
0xc6: {  	s30 =	sld [smem:$0x0];
	_ =	sdelay $0x2  }
0xc7: {  	s31 =	sshll.u32 s1, $0xD;
	s1 =	sshrl.u32 s1, $0x2  }
0xc8: {  	s4 =	sand.u32 $0x4000, s31;
	s1 =	sadd.s32 s1, s30  }
0xc9: {  	s0 =	sor.u32 s4, s0;
	s1 =	sshll.u32 s1, $0x11  }
0xca: {  	s0 =	sor.u32 s1, s0  }
0xcb: {  	s0 =	sadd.s32 $0x8F2B, s0  }
0xcc: {  	[sflag:s0] =	ssyncadd.remote.s32 $0x1  }
0xcd: {  	_ =	sfence.sel $0xFFFF  }
0xce: {  	[dreg:$0x0] =	wrdreg $0xFFFFFFFF;
	(pc) =	sbr.abs _section_cstart, $3  }
0xcf: {  	[dreg:$0x1] =	wrdreg $0xFFFFFFFF  }
0xd0: {  	_ =	task.clear_ibuf [dreg:s22], $0x2FFFF;
	_ =	strace $0x9FFFFFFF  }
0xd1: {  	(tm) =	ssettm $0x7FFFFFFF  }
tec
execute0_lowered:
.L_overlay_start_1:
0x0: {  	(tag) =	ssettag $0x1  }
0x1: {  	s6 =	rddreg [dreg:$0x0]  }
0x2: {  	s4 =	rddreg [dreg:$0x1]  }
0x3: {  	s0 =	rddreg [dreg:$0x2];
	s2 =	simm.s32 $0x0;
	s1 =	stileid.u32  }
0x4: {  	s3 =	srdreg.scid;
	[smem:$0x7FF] =	sst s2  }
0x5: {  	s5 =	sshll.u32 s1, $0xC;
	s7 =	sand.u32 $0x1, s3;
	s3 =	sadd.s32 $0xB8A200, s4  }
0x6: {  	s9 =	sshll.u32 s1, $0xA;
	_ =	strace $0x80000050;
	s5 =	sadd.s32 s5, s4  }
0x7: {  	s29 =	ssub.s32 $0x2, s7;
	s10 =	sshll.u32 s7, $0x9;
	s7 =	sshll.u32 s7, $0xB  }
0x8: {  	s8 =	sshrl.u32 s29, $0x1;
	s30 =	sor.u32 s10, s9;
	s5 =	sadd.s32 s7, s5  }
0x9: {  	s7 =	simm.s32 $0x2;
	s9 =	simm.s32 $0x1;
	s10 =	simm.s32 $0x0  }
0xa: {  	s4 =	ssub.s32 s29, s8;
	s31 =	sshrl.u32 s30, $0x3;
	s5 =	sadd.s32 $0x12200, s5  }
0xb: {  	s8 =	simm.s32 $0x80;
	s4 =	smax.u32 s4, $0x1;
	s6 =	sadd.s32 s31, s6  }
.LBB2_1:
0xc: {  	s11 =	sadd.s32 $0x0, s6  }
0xd: {  	[tilespmem:s2], [sflag:$0x2] =	stream.linear.gather [hbm4b:s11+s2], $0x80, $0x38;
	[tilespmem:$0x1080] =	vst v63  }
0xe: {  	_ =	swait.ge [sflag:s7], $0x80  }
0xf: {  	[sflag:s7] =	ssyncset.done $0x0  }
0x10: {  	[sflag:s7] =	ssyncadd.s32 $0xFFFFFF80  }
0x11: {  	v4 =	vld [tilespmem:$0x70]  }
0x12: {  	v2 =	vld [tilespmem:$0x10]  }
0x13: {  	v6 =	vld [tilespmem:$0x40]  }
0x14: {  	v10 =	vld [tilespmem:$0x0]  }
0x15: {  	v5 =	vld [tilespmem:$0x30]  }
0x16: {  	v11 =	vld [tilespmem:$0x60]  }
0x17: {  	v13 =	vld [tilespmem:$0x20]  }
0x18: {  	v0 =	vshll.u32 v4, $0x4  }
0x19: {  	v8 =	vand.u32 $0xFFFFE000, v4;
	v3 =	vand.u32 $0xFFFFE000, v2;
	v1 =	vshll.u32 v6, $0x4  }
0x1a: {  	v15 =	vshll.u32 v10, $0x4;
	v12 =	vshrl.u32 v5, $0x9;
	v4 =	vshrl.u32 v4, $0x9  }
0x1b: {  	v7 =	vld [tilespmem:$0x50];
	v16 =	vshrl.u32 v10, $0x9;
	v18 =	vand.u32 $0xFFFFE000, v10;
	v10 =	vshll.u32 v11, $0x4  }
0x1c: {  	v19 =	vshll.u32 v13, $0x4;
	v9 =	vand.u32 $0x1FF0, v0;
	v0 =	vand.u32 $0xFFFFE000, v6  }
0x1d: {  	v17 =	vand.u32 $0xF, v4;
	v15 =	vand.u32 $0x1FF0, v15;
	v4 =	vshrl.u32 v11, $0x9  }
0x1e: {  	v16 =	vand.u32 $0xF, v16;
	v11 =	vand.u32 $0xFFFFE000, v11;
	v14 =	vor.u32 v8, v9  }
0x1f: {  	v8 =	vshll.u32 v2, $0x4;
	v9 =	vshrl.u32 v2, $0x9;
	v2 =	vshrl.u32 v6, $0x9  }
0x20: {  	v6 =	vshrl.u32 v7, $0x9;
	v17 =	vor.u32 v17, v14;
	v14 =	vand.u32 $0xFFFFE000, v5  }
0x21: {  	s12 =	simm.s32 $0x10;
	s13 =	smov.u32 s5;
	s11 =	smov.u32 s5;
	[tilespmem:$0x70] =	vst v17;
	v17 =	vor.u32 v18, v15;
	v18 =	vand.u32 $0x1FF0, v19;
	v15 =	vand.u32 $0xFFFFE000, v7  }
.LBB2_2:
0x22: {  	p0 =	sne.s32 s12, $0x30  }
0x23: {  	v19 =	vand.u32 $0xFFFFE000, v13;
	v13 =	vshrl.u32 v13, $0x9;
	v7 =	vshll.u32 v7, $0x4;
	s13 =	sadd.s32 $0x200, s13;
	s14 =	smov.u32 s12;
	s12 =	sadd.s32 $0x10, s12  }
0x24: {  	v16 =	vor.u32 v16, v17;
	v5 =	vshll.u32 v5, $0x4;
	v17 =	vor.u32 v19, v18  }
0x25: {  	v12 =	vand.u32 $0xF, v12;
	v13 =	vand.u32 $0xF, v13;
	v5 =	vand.u32 $0x1FF0, v5;
	[tilespmem:$0x0] =	vst v16  }
0x26: {  	v8 =	vand.u32 $0x1FF0, v8;
	v9 =	vand.u32 $0xF, v9;
	v5 =	vor.u32 v14, v5  }
0x27: {  	v3 =	vor.u32 v3, v8;
	v7 =	vand.u32 $0x1FF0, v7;
	v8 =	vor.u32 v13, v17  }
0x28: {  	v6 =	vand.u32 $0xF, v6;
	v3 =	vor.u32 v9, v3;
	v7 =	vor.u32 v15, v7;
	[tilespmem:$0x20] =	vst v8  }
0x29: {  	[tilespmem:$0x10] =	vst v3;
	v3 =	vor.u32 v12, v5;
	v5 =	vor.u32 v6, v7;
	v6 =	vand.u32 $0x1FF0, v10  }
0x2a: {  	v1 =	vand.u32 $0x1FF0, v1;
	v4 =	vand.u32 $0xF, v4;
	[tilespmem:$0x30] =	vst v3;
	v3 =	vor.u32 v11, v6  }
0x2b: {  	v0 =	vor.u32 v0, v1;
	v1 =	vand.u32 $0xF, v2;
	[tilespmem:$0x50] =	vst v5;
	v2 =	vor.u32 v4, v3  }
0x2c: {  	v0 =	vor.u32 v1, v0;
	[tilespmem:$0x60] =	vst v2  }
0x2d: {  	[tilespmem:$0x40] =	vst v0  }
0x2e: {  	[tilespmem:s8], [sflag:$0x1] =	stream.indirect.gather [hbm4b:s3+s8], $0x20, s2, s8, $0xb8;
	[tilespmem:$0x1080] =	vst v63  }
0x2f: {  	_ =	swait.ge [sflag:s9], $0x1000  }
0x30: {  	[sflag:s9] =	ssyncset.done $0x0  }
0x31: {  	[sflag:s9] =	ssyncadd.s32 $0xFFFFF000  }
0x32: {  	[hbm4b:s11+s2] =	stream.linear.scatter [tilespmem:s8], [sflag:$0x2], $0x1000, $0x38;
	[tilespmem:$0x1080] =	vst v63  }
0x33: {  	s14 =	sadd.s32 s14, s6;
	s11 =	smov.u32 s13;
	_ =	swait.ge [sflag:s7], $0x1000  }
0x34: {  	[sflag:s7] =	ssyncset.done $0x0  }
0x35: {  	[sflag:s7] =	ssyncadd.s32 $0xFFFFF000  }
0x36: {  	[tilespmem:s2], [sflag:$0x2] =	stream.linear.gather [hbm4b:s14+s2], $0x80, $0x38;
	[tilespmem:$0x1080] =	vst v63  }
0x37: {  	_ =	swait.ge [sflag:s7], $0x80  }
0x38: {  	[sflag:s7] =	ssyncset.done $0x0  }
0x39: {  	[sflag:s7] =	ssyncadd.s32 $0xFFFFFF80  }
0x3a: {  	v4 =	vld [tilespmem:$0x70]  }
0x3b: {  	v2 =	vld [tilespmem:$0x10]  }
0x3c: {  	v6 =	vld [tilespmem:$0x40]  }
0x3d: {  	v10 =	vld [tilespmem:$0x0]  }
0x3e: {  	v5 =	vld [tilespmem:$0x30]  }
0x3f: {  	v7 =	vld [tilespmem:$0x50];
	v8 =	vand.u32 $0xFFFFE000, v4;
	v0 =	vshll.u32 v4, $0x4  }
0x40: {  	v3 =	vand.u32 $0xFFFFE000, v2;
	v11 =	vld [tilespmem:$0x60];
	v9 =	vand.u32 $0x1FF0, v0  }
0x41: {  	v0 =	vand.u32 $0xFFFFE000, v6;
	v1 =	vshll.u32 v6, $0x4;
	v14 =	vor.u32 v8, v9  }
0x42: {  	v8 =	vshll.u32 v2, $0x4;
	v9 =	vshrl.u32 v2, $0x9;
	v2 =	vshrl.u32 v6, $0x9;
	v13 =	vld [tilespmem:$0x20]  }
0x43: {  	v4 =	vshrl.u32 v4, $0x9;
	v15 =	vshll.u32 v10, $0x4;
	v12 =	vshrl.u32 v5, $0x9  }
.Ltmp0:
0x44: {  	v17 =	vand.u32 $0xF, v4;
	v16 =	vshrl.u32 v10, $0x9;
	v6 =	vshrl.u32 v7, $0x9;
	(pc) =	sbr.rel @p0 .LBB2_2-.Ltmp0, $4  }
0x45: {  	v17 =	vor.u32 v17, v14;
	v15 =	vand.u32 $0x1FF0, v15;
	v4 =	vshrl.u32 v11, $0x9  }
0x46: {  	v18 =	vand.u32 $0xFFFFE000, v10;
	v14 =	vand.u32 $0xFFFFE000, v5;
	v10 =	vshll.u32 v11, $0x4;
	[tilespmem:$0x70] =	vst v17  }
0x47: {  	v16 =	vand.u32 $0xF, v16;
	v11 =	vand.u32 $0xFFFFE000, v11;
	v19 =	vshll.u32 v13, $0x4  }
0x48: {  	v17 =	vor.u32 v18, v15;
	v15 =	vand.u32 $0xFFFFE000, v7;
	v18 =	vand.u32 $0x1FF0, v19  }
0x49: {  	v19 =	vand.u32 $0xFFFFE000, v13;
	v55 =	vshrl.u32 v13, $0x9;
	v7 =	vshll.u32 v7, $0x4  }
0x4a: {  	v16 =	vor.u32 v16, v17;
	v5 =	vshll.u32 v5, $0x4;
	v12 =	vand.u32 $0xF, v12  }
0x4b: {  	v8 =	vand.u32 $0x1FF0, v8;
	v9 =	vand.u32 $0xF, v9;
	v60 =	vand.u32 $0x1FF0, v10  }
0x4c: {  	v1 =	vand.u32 $0x1FF0, v1;
	v56 =	vor.u32 v19, v18;
	v13 =	vand.u32 $0xF, v55  }
0x4d: {  	v4 =	vand.u32 $0xF, v4;
	[tilespmem:$0x0] =	vst v16;
	v3 =	vor.u32 v3, v8;
	v57 =	vor.u32 v13, v56  }
0x4e: {  	v62 =	vand.u32 $0xF, v2;
	v61 =	vor.u32 v11, v60;
	v3 =	vor.u32 v9, v3;
	[tilespmem:$0x20] =	vst v57  }
0x4f: {  	v5 =	vand.u32 $0x1FF0, v5;
	v0 =	vor.u32 v0, v1;
	v63 =	vor.u32 v4, v61;
	[tilespmem:$0x10] =	vst v3  }
0x50: {  	v7 =	vand.u32 $0x1FF0, v7;
	v5 =	vor.u32 v14, v5;
	v0 =	vor.u32 v62, v0;
	[tilespmem:$0x60] =	vst v63  }
0x51: {  	v6 =	vand.u32 $0xF, v6;
	v7 =	vor.u32 v15, v7;
	v58 =	vor.u32 v12, v5;
	[tilespmem:$0x40] =	vst v0  }
0x52: {  	v59 =	vor.u32 v6, v7;
	[tilespmem:$0x30] =	vst v58  }
0x53: {  	[tilespmem:$0x50] =	vst v59  }
0x54: {  	[tilespmem:s8], [sflag:$0x1] =	stream.indirect.gather [hbm4b:s3+s8], $0x20, s2, s8, $0xb8;
	[tilespmem:$0x1080] =	vst v63  }
0x55: {  	s10 =	sadd.s32 $0x1, s10;
	_ =	swait.ge [sflag:s9], $0x1000  }
0x56: {  	p0 =	sne.s32 s10, s4;
	[sflag:s9] =	ssyncset.done $0x0  }
.Ltmp1:
0x57: {  	[sflag:s9] =	ssyncadd.s32 $0xFFFFF000;
	(pc) =	sbr.rel @p0 .LBB2_1-.Ltmp1, $4  }
0x58: {  	[hbm4b:s11+s2] =	stream.linear.scatter [tilespmem:s8], [sflag:$0x2], $0x1000, $0x38;
	[tilespmem:$0x1080] =	vst v63  }
0x59: {  	_ =	swait.ge [sflag:s7], $0x1000  }
0x5a: {  	[sflag:s7] =	ssyncset.done $0x0  }
0x5b: {  	[sflag:s7] =	ssyncadd.s32 $0xFFFFF000  }
0x5c: {  	_ =	sfence.sel $0x180000  }
0x5d: {  	[bflag:$0x0] =	sbarrier.arrive $0xFFFF  }
0x5e: {  	p0 =	sne.s32 s1, $0x0;
	_ =	strace $0x90000050  }
0x5f: {  	s0 =	sadd.s32 @!p0 $0x100000, s0;
	[bflag:$0x2] =	sbarrier.arrive $0xFFFF  }
0x60: {  	[sflag:s0] =	ssyncadd.tile.s32 @!p0 $0x1;
	_ =	shalt  }
.Lfunc_end2:
_tile_overlayer_lowered:
.L_overlay_start_2:
0x61: {  	(tag) =	ssettag $0x2  }
0x62: {  	s0 =	rddreg [dreg:$0x0];
	s2 =	stileid.u32  }
0x63: {  	s1 =	rddreg [dreg:$0x1];
	p0 =	sne.s32 s2, $0x0  }
0x64: {  	s3 =	rddreg [dreg:$0x2];
	[bflag:$0x3] =	sbarrier.arrive $0xFFFF;
	s2 =	simm.s32 @!p0 $0x1C02  }
0x65: {  	[timem:s3], [sflag:s2] =	dma.local @!p0 [hbm:s0], s1  }
0x66: {  	s0 =	simm.s32 @!p0 $0x2  }
0x67: {  	_ =	swait.ge @!p0 [sflag:s0], s1  }
0x68: {  	s1 =	ssub.s32 @!p0 $0x0, s1;
	[sflag:s0] =	ssyncset.done @!p0 $0x0  }
0x69: {  	[sflag:s0] =	ssyncadd.s32 @!p0 s1  }
0x6a: {  	[bflag:$0x3] =	sbarrier.arrive $0xFFFF  }
0x6b: {  	_ =	shalt  }

// kernel: kernel.7.cloned.1.call-start
scs
__scs_entry_jumppad:
0x0: {  	(pc) =	sbr.rel $0x88, $3  }
0x1: {  	(tag) =	ssettag $0x0;
	lr =	simm.s32 $0x1  }
0x2: {  	[smem:$0x3F95] =	sst lr;
	_ =	strace $0xD0000000  }
0x3: {  	_ = 	snop  }
0x4: {  	_ = 	snop  }
0x5: {  	_ = 	snop  }
0x6: {  	_ = 	snop  }
0x7: {  	_ = 	snop  }
__scs_overlays_trampoline_lowered:
0x8: {  	[smem:$0x3FA4] =	sst s0  }
0x9: {  	[smem:$0x3FA5] =	sst s1  }
0xa: {  	[smem:$0x3FA6] =	sst s2  }
0xb: {  	[smem:$0x3FA7] =	sst s3  }
0xc: {  	[smem:$0x3FA8] =	sst s4  }
0xd: {  	[smem:$0x3FA9] =	sst s5  }
0xe: {  	[smem:$0x3FAA] =	sst s6  }
0xf: {  	[smem:$0x3FAB] =	sst s7  }
0x10: {  	[smem:$0x3FAC] =	sst s8  }
0x11: {  	[smem:$0x3FAD] =	sst s9;
	s0 =	simm.s32 @!p0 $0x0  }
0x12: {  	s1 =	sld [smem:$0x3F93];
	s0 =	simm.s32 @p0 $0x1  }
0x13: {  	[smem:$0x3FAE] =	sst s0;
	s0 =	simm.s32 @!p1 $0x0  }
0x14: {  	s2 =	sld [smem:$0x3F92];
	s0 =	simm.s32 @p1 $0x1  }
0x15: {  	[smem:$0x3FAF] =	sst s0;
	s0 =	simm.s32 @!p2 $0x0  }
0x16: {  	s3 =	sld [smem:$0x3FDB];
	s0 =	simm.s32 @p2 $0x1  }
0x17: {  	s4 =	simm.s32 $0x1BF5;
	[smem:$0x3FB1] =	sst s0  }
0x18: {  	s0 =	sld [smem:$0x3F94];
	_ =	swait.ge [sflag:s4], $0x0  }
0x19: {  	s7 =	sld [smem:$0x3F95]  }
0x1a: {  	s8 =	sadd.s32 $0xFFFFE003, lr  }
0x1b: {  	s9 =	sadd.s32 $0xFFFFFEF7, lr;
	s5 =	simm.s32 $0xFFFFFFFF;
	p2 =	slt.u32 s8, $0xFFFFF086  }
0x1c: {  	p1 =	slt.u32 s9, $0xF7A;
	s5 =	simm.s32 @!p2 $0x0  }
0x1d: {  	s5 =	simm.s32 @p1 $0x1;
	p0 =	seq.s32 s7, s2  }
0x1e: {  	s7 =	smul.u32 @!p0 $0xF7A, s2;
	p2 =	seq.s32 @!p0 s5, $0x0  }
0x1f: {  	s9 =	smul.u32 $0xF7A, s1;
	s8 =	simm.s32 @!p0 $0x1BF5;
	p2 =	por !p2, p0  }
0x20: {  	[sflag:s8] =	ssyncset.s32 @!p0 $0xFFFFF086;
	s6 =	sadd.s32 @!p0 s3, s7;
	s7 =	simm.s32 @!p0 $0x108  }
0x21: {  	s3 =	sadd.s32 s3, s9;
	s6 =	sadd.s32 @!p0 $0x88, s6;
	s7 =	simm.s32 @p2 $0x1082  }
0x22: {  	[simem:s7], [sflag:s8] =	dma.local @!p0 [hbm:s6], $0xF7A  }
0x23: {  	s9 =	sor.u32 $0xD0000000, s2;
	s6 =	simm.s32 $0x108;
	_ =	swait.ge @!p0 [sflag:s8], $0x0  }
0x24: {  	s3 =	sadd.s32 $0x88, s3;
	s6 =	simm.s32 @!p1 $0x1082;
	[sflag:s4] =	ssyncset.s32 $0xFFFFF086  }
0x25: {  	[simem:s6], [sflag:s4] =	dma.local [hbm:s3], $0xF7A  }
0x26: {  	[smem:$0x3F95] =	sst s1;
	(tag) =	ssettag s2;
	_ =	strace s9  }
0x27: {  	s1 =	sld [smem:$0x3FA5]  }
0x28: {  	s2 =	sld [smem:$0x3FA6]  }
0x29: {  	s4 =	sld [smem:$0x3FA8]  }
0x2a: {  	p0 =	seq.s32 s5, $0x0;
	s5 =	sld [smem:$0x3FA9]  }
0x2b: {  	s6 =	sld [smem:$0x3FAA]  }
0x2c: {  	s7 =	sld [smem:$0x3FAB]  }
0x2d: {  	s3 =	simm.s32 $0x108;
	s8 =	sld [smem:$0x3FAC]  }
0x2e: {  	s3 =	simm.s32 @!p0 $0x1082;
	s9 =	sld [smem:$0x3FAD]  }
0x2f: {  	lr =	sadd.s32 s0, s3;
	s0 =	sld [smem:$0x3FA4]  }
0x30: {  	s3 =	sld [smem:$0x3FA7]  }
0x31: {  	[smem:$0x3FB0] =	sst s10  }
0x32: {  	s10 =	sld [smem:$0x3FAE];
	_ =	sdelay $0x3  }
0x33: {  	p0 =	seq.s32 s10, $0x1;
	s10 =	sld [smem:$0x3FB0];
	_ =	sdelay $0x3  }
0x34: {  	[smem:$0x3FB0] =	sst s10  }
0x35: {  	s10 =	sld [smem:$0x3FAF];
	_ =	sdelay $0x3  }
0x36: {  	p1 =	seq.s32 s10, $0x1;
	s10 =	sld [smem:$0x3FB0];
	_ =	sdelay $0x3  }
0x37: {  	[smem:$0x3FB0] =	sst s10  }
0x38: {  	s10 =	sld [smem:$0x3FB1]  }
0x39: {  	_ = 	snop;
	(pc) =	sbr.ind lr, $3  }
0x3a: {  	_ = 	snop  }
0x3b: {  	_ = 	snop  }
0x3c: {  	p2 =	seq.s32 s10, $0x1;
	s10 =	sld [smem:$0x3FB0]  }
0x3d: {  	_ =	shalt  }
0x3e: {  	_ =	shalt  }
0x3f: {  	_ =	shalt  }
0x40: {  	_ =	shalt  }
0x41: {  	_ =	shalt  }
0x42: {  	_ =	shalt  }
0x43: {  	_ =	shalt  }
0x44: {  	_ =	shalt  }
0x45: {  	_ =	shalt  }
0x46: {  	_ =	shalt  }
0x47: {  	_ =	shalt  }
0x48: {  	_ =	shalt  }
0x49: {  	_ =	shalt  }
0x4a: {  	_ =	shalt  }
0x4b: {  	_ =	shalt  }
0x4c: {  	_ =	shalt  }
0x4d: {  	_ =	shalt  }
0x4e: {  	_ =	shalt  }
0x4f: {  	_ =	shalt  }
0x50: {  	_ =	shalt  }
0x51: {  	_ =	shalt  }
0x52: {  	_ =	shalt  }
0x53: {  	_ =	shalt  }
0x54: {  	_ =	shalt  }
0x55: {  	_ =	shalt  }
0x56: {  	_ =	shalt  }
0x57: {  	_ =	shalt  }
0x58: {  	_ =	shalt  }
0x59: {  	_ =	shalt  }
0x5a: {  	_ =	shalt  }
0x5b: {  	_ =	shalt  }
0x5c: {  	_ =	shalt  }
0x5d: {  	_ =	shalt  }
0x5e: {  	_ =	shalt  }
0x5f: {  	_ =	shalt  }
0x60: {  	_ =	shalt  }
0x61: {  	_ =	shalt  }
0x62: {  	_ =	shalt  }
0x63: {  	_ =	shalt  }
0x64: {  	_ =	shalt  }
0x65: {  	_ =	shalt  }
0x66: {  	_ =	shalt  }
0x67: {  	_ =	shalt  }
0x68: {  	_ =	shalt  }
0x69: {  	_ =	shalt  }
0x6a: {  	_ =	shalt  }
0x6b: {  	_ =	shalt  }
0x6c: {  	_ =	shalt  }
0x6d: {  	_ =	shalt  }
0x6e: {  	_ =	shalt  }
0x6f: {  	_ =	shalt  }
0x70: {  	_ =	shalt  }
0x71: {  	_ =	shalt  }
0x72: {  	_ =	shalt  }
0x73: {  	_ =	shalt  }
0x74: {  	_ =	shalt  }
0x75: {  	_ =	shalt  }
0x76: {  	_ =	shalt  }
0x77: {  	_ =	shalt  }
0x78: {  	_ =	shalt  }
0x79: {  	_ =	shalt  }
0x7a: {  	_ =	shalt  }
0x7b: {  	_ =	shalt  }
0x7c: {  	_ =	shalt  }
0x7d: {  	_ =	shalt  }
0x7e: {  	_ =	shalt  }
0x7f: {  	_ =	shalt  }
0x80: {  	_ =	shalt  }
0x81: {  	_ =	shalt  }
0x82: {  	_ =	shalt  }
0x83: {  	_ =	shalt  }
0x84: {  	_ =	shalt  }
0x85: {  	_ =	shalt  }
0x86: {  	_ =	shalt  }
0x87: {  	_ =	shalt  }
.Lfunc_end0:
.L_simem_size_0:
called_computation.2_lowered:
.L_overlay_start_0:
0x88: {  	s2 =	sld [smem:$0x3FD9]  }
0x89: {  	s3 =	sld [smem:$0x3FFE];
	_ =	sdelay $0x1  }
0x8a: {  	s1 =	srdreg.scid  }
0x8b: {  	s0 =	sand.u32 $0x1, s1  }
0x8c: {  	s17 =	sshll.u32 s0, $0xA;
	s2 =	sadd.s32 s3, s2  }
0x8d: {  	s2 =	sadd.s32 s2, s17  }
0x8e: {  	[smem:$0x3FBC] =	sst s2  }
0x8f: {  	_ = 	snop  }
0x90: {  	(tm) =	ssettm $0x1  }
0x91: {  	s18 =	sld [smem:$0x3FFB];
	_ =	sdelay $0x3  }
0x92: {  	_ =	strace s18  }
0x93: {  	s2 =	sld [smem:$0x3FFC];
	_ =	sdelay $0x3  }
0x94: {  	_ =	strace s2  }
0x95: {  	s2 =	sld [smem:$0x3FFD];
	_ =	sdelay $0x3  }
0x96: {  	_ =	strace s2  }
0x97: {  	_ =	strace $0x8FFFFFFF  }
0x98: {  	s19 =	sld [smem:$0x3FDB];
	_ =	sdelay $0x1  }
0x99: {  	s20 =	simm.s32 $_scs_section_size  }
0x9a: {  	s4 =	simm.s32 $_size__tile_overlayer_lowered;
	s5 =	simm.s32 $_tile_overlayer_lowered  }
0x9b: {  	s6 =	simm.s32 $0x1BFF;
	s21 =	sshll.u32 s5, $0x1;
	s3 =	sadd.s32 s20, s19  }
0x9c: {  	s22 =	simm.s32 $0x0;
	s4 =	sshll.u32 s4, $0x1;
	s5 =	sadd.s32 s21, s3  }
0x9d: {  	[timem:s22], [sflag:s6] =	dma.local [hbm:s5], s4  }
0x9e: {  	_ =	swait.ge [sflag:s6], s4  }
0x9f: {  	s4 =	ssub.s32 $0x0, s4;
	[sflag:s6] =	ssyncset.done $0x0  }
0xa0: {  	[sflag:s6] =	ssyncadd.s32 s4;
	_ =	sdelay $0x1  }
0xa1: {  	s23 =	simm.s32 $0x1B8B  }
0xa2: {  	_ =	swait.ge [sflag:s23], $0x1  }
0xa3: {  	[sflag:s23] =	ssyncset.done $0x0  }
0xa4: {  	[sflag:s23] =	ssyncadd.s32 $0xFFFFFFFF  }
0xa5: {  	s4 =	sld [smem:$0x0]  }
0xa6: {  	s5 =	sand.u32 $0xFFFFFFFE, s1  }
0xa7: {  	p0 =	sne.s32 s1, s5  }
0xa8: {  	s5 =	sshll.u32 @p0 s5, $0xE  }
0xa9: {  	s5 =	sadd.s32 @p0 $0x11B8D, s5;
	s6 =	sshll.u32 @p0 s4, $0x11  }
0xaa: {  	s5 =	sor.u32 @p0 s6, s5  }
0xab: {  	[sflag:s5] =	ssyncadd.remote.s32 @p0 $0x1;
	_ =	sdelay $0x1  }
0xac: {  	s5 =	simm.s32 @p0 $0x1B8D  }
0xad: {  	_ =	swait.eq @p0 [sflag:s5], $0x1  }
0xae: {  	[sflag:s5] =	ssyncadd.s32 @p0 $0xFFFFFFFF  }
0xaf: {  	s6 =	sshll.u32 @!p0 s1, $0xE  }
0xb0: {  	s6 =	sor.u32 @!p0 $0x4000, s6;
	s5 =	simm.s32 @!p0 $0x1B8D  }
0xb1: {  	s4 =	sshll.u32 @!p0 s4, $0x11;
	s6 =	sadd.s32 @!p0 $0x11B8D, s6;
	_ =	swait.eq @!p0 [sflag:s5], $0x1  }
0xb2: {  	s4 =	sor.u32 @!p0 s4, s6;
	[sflag:s5] =	ssyncadd.s32 @!p0 $0xFFFFFFFF  }
0xb3: {  	s25 =	simm.s32 $0x1B8E;
	s24 =	sld [smem:$0x3FFE];
	[sflag:s4] =	ssyncadd.remote.s32 @!p0 $0x1  }
0xb4: {  	s26 =	simm.s32 $execute0_lowered;
	[smem:$0x3FD2] =	sst s25  }
0xb5: {  	s5 =	sshll.u32 s26, $0x1;
	_ =	strace $0x8000004C;
	[dreg:$0x1] =	wrdreg $0xFFFFFFFF  }
0xb6: {  	s28 =	simm.s32 $_size_execute0_lowered;
	s3 =	sadd.s32 s3, s5;
	[dreg:$0x0] =	wrdreg $0x0  }
0xb7: {  	s5 =	sshll.u32 s28, $0x1;
	[dreg:$0x2] =	wrdreg s3  }
0xb8: {  	[dreg:$0x3] =	wrdreg s5  }
0xb9: {  	[dreg:$0x4] =	wrdreg $0xC0  }
0xba: {  	_ =	task [dreg:s22], $0x5FFFF  }
0xbb: {  	[dreg:$0x1] =	wrdreg $0xFFFFFFFF  }
0xbc: {  	[dreg:$0x0] =	wrdreg $0x60  }
0xbd: {  	[dreg:$0x2] =	wrdreg s24  }
0xbe: {  	[dreg:$0x3] =	wrdreg $0xA  }
0xbf: {  	_ =	task.clear_ibuf [dreg:s22], $0x4FFFF;
	_ =	strace $0x9000004C  }
0xc0: {  	s29 =	simm.s32 $0xA;
	_ =	strace $0x8000004E  }
0xc1: {  	_ =	swait.ge [sflag:s29], $0x1  }
0xc2: {  	[sflag:s29] =	ssyncadd.s32 $0xFFFFFFFF  }
0xc3: {  	_ =	strace $0x9000004E  }
0xc4: {  	_ =	sfence  }
0xc5: {  	s30 =	sld [smem:$0x0];
	_ =	sdelay $0x2  }
0xc6: {  	s31 =	sshll.u32 s1, $0xD;
	s1 =	sshrl.u32 s1, $0x2  }
0xc7: {  	s4 =	sand.u32 $0x4000, s31;
	s1 =	sadd.s32 s1, s30  }
0xc8: {  	s0 =	sor.u32 s4, s0;
	s1 =	sshll.u32 s1, $0x11  }
0xc9: {  	s0 =	sor.u32 s1, s0  }
0xca: {  	s0 =	sadd.s32 $0x8F2B, s0  }
0xcb: {  	[sflag:s0] =	ssyncadd.remote.s32 $0x1  }
0xcc: {  	_ =	sfence.sel $0xFFFF  }
0xcd: {  	[dreg:$0x0] =	wrdreg $0xFFFFFFFF;
	(pc) =	sbr.abs _section_cstart, $3  }
0xce: {  	[dreg:$0x1] =	wrdreg $0xFFFFFFFF  }
0xcf: {  	_ =	task.clear_ibuf [dreg:s22], $0x2FFFF;
	_ =	strace $0x9FFFFFFF  }
0xd0: {  	(tm) =	ssettm $0x7FFFFFFF  }
0xd1: {  	_ =	shalt  }
tec
execute0_lowered:
.L_overlay_start_1:
0x0: {  	(tag) =	ssettag $0x1  }
0x1: {  	s0 =	rddreg [dreg:$0x0]  }
0x2: {  	s1 =	simm.s32 $0x0;
	s2 =	srdreg.scid;
	s5 =	stileid.u32  }
0x3: {  	s9 =	simm.s32 $0x64;
	s10 =	simm.s32 $0x340;
	s11 =	simm.s32 $0x68  }
0x4: {  	s12 =	simm.s32 $0xFC0;
	s13 =	simm.s32 $0xD0;
	s14 =	simm.s32 $0x1C40  }
0x5: {  	s15 =	simm.s32 $0x138;
	s16 =	simm.s32 $0x28C0;
	s17 =	simm.s32 $0x1A0  }
0x6: {  	s18 =	simm.s32 $0x3540;
	s19 =	simm.s32 $0x208;
	s20 =	simm.s32 $0x41C0  }
0x7: {  	s21 =	simm.s32 $0x270;
	s22 =	simm.s32 $0x4E40;
	s23 =	simm.s32 $0x2D8  }
0x8: {  	s24 =	simm.s32 $0x5AC0;
	s25 =	simm.s32 $0x1;
	s26 =	simm.s32 $0x6740  }
0x9: {  	s28 =	simm.s32 $0x0;
	[smem:$0x7FF] =	sst s1;
	s2 =	sand.u32 $0x1, s2  }
0xa: {  	s3 =	sadd.s32 $0xF62200, s0;
	s4 =	sadd.s32 $0x3DA200, s0;
	s6 =	ssub.s32 $0x2, s2  }
0xb: {  	s8 =	sshll.u32 s5, $0xA;
	s5 =	sadd.s32 $0x2200, s0;
	s7 =	sshrl.u32 s6, $0x1  }
0xc: {  	_ =	strace $0x8000004D;
	s2 =	sshll.u32 s2, $0x9;
	s31 =	ssub.s32 s6, s7  }
0xd: {  	s6 =	sor.u32 s2, s8;
	s8 =	simm.s32 $0x2;
	s7 =	smax.u32 s31, $0x1  }
.LBB2_1:
0xe: {  	s29 =	simm.s32 $0x0  }
.LBB2_2:
0xf: {  	s0 =	sshll.u32 s29, $0x4  }
0x10: {  	s30 =	sadd.s32 s6, s0  }
0x11: {  	s0 =	sshrl.u32 s30, $0x1  }
0x12: {  	s0 =	smul.u32 $0xD, s0;
	_ =	sdelay $0x1  }
0x13: {  	s31 =	simm.s32 $0x0;
	s0 =	sadd.s32 s3, s0  }
0x14: {  	[tilespmem:s31], [sflag:$0x2] =	stream.linear.gather [hbm4b:s0+s31], $0x340, $0x38;
	[tilespmem:$0x6940] =	vst v63  }
0x15: {  	_ =	swait.ge [sflag:s8], $0x340  }
0x16: {  	[sflag:s8] =	ssyncset.done $0x0  }
0x17: {  	[sflag:s8] =	ssyncadd.s32 $0xFFFFFCC0  }
0x18: {  	v0 =	vld [tilespmem:$0x0]  }
0x19: {  	v1 =	vld [tilespmem:$0x10]  }
0x1a: {  	v2 =	vld [tilespmem:$0x20]  }
0x1b: {  	v5 =	vld [tilespmem:$0x30]  }
0x1c: {  	v6 =	vld [tilespmem:$0x40]  }
0x1d: {  	v8 =	vld [tilespmem:$0x50]  }
0x1e: {  	v52 =	vld [tilespmem:$0x54]  }
0x1f: {  	v9 =	vld [tilespmem:$0x68]  }
0x20: {  	v56 =	vld [tilespmem:$0x78];
	v3 =	vshll.u32 v0, $0x4  }
0x21: {  	v11 =	vld [tilespmem:$0x88];
	v4 =	vand.u32 $0xFFFFE000, v0;
	v0 =	vshrl.u32 v0, $0x9;
	v46 =	vshll.u32 v1, $0x4  }
0x22: {  	v12 =	vld [tilespmem:$0x98];
	v47 =	vshll.u32 v2, $0x4;
	v7 =	vand.u32 $0xFFFFE000, v2;
	v2 =	vshrl.u32 v2, $0x9  }
0x23: {  	v63 =	vld [tilespmem:$0xA8];
	v49 =	vand.u32 $0xFFFFE000, v5;
	v51 =	vshll.u32 v6, $0x4;
	v53 =	vand.u32 $0xFFFFE000, v6  }
0x24: {  	v14 =	vld [tilespmem:$0xB8];
	v54 =	vshrl.u32 v6, $0x9;
	v55 =	vshll.u32 v8, $0x4;
	v10 =	vand.u32 $0xFFFFE000, v8  }
0x25: {  	v15 =	vld [tilespmem:$0xBC];
	v8 =	vshrl.u32 v8, $0x9;
	v57 =	vshll.u32 v52, $0x4;
	v58 =	vand.u32 $0xFFFFE000, v52  }
0x26: {  	v23 =	vld [tilespmem:$0xD0];
	v59 =	vshll.u32 v9, $0x4;
	v60 =	vand.u32 $0xFFFFE000, v9;
	v61 =	vshrl.u32 v9, $0x9  }
0x27: {  	v31 =	vld [tilespmem:$0x100];
	v62 =	vshll.u32 v56, $0x4;
	v13 =	vand.u32 $0xFFFFE000, v56;
	v16 =	vshll.u32 v11, $0x4  }
0x28: {  	v17 =	vand.u32 $0xFFFFE000, v11;
	v11 =	vshrl.u32 v11, $0x9;
	v19 =	vshll.u32 v12, $0x4  }
0x29: {  	v20 =	vand.u32 $0xFFFFE000, v12;
	v21 =	vshrl.u32 v12, $0x9;
	v22 =	vshll.u32 v63, $0x4  }
0x2a: {  	v24 =	vshll.u32 v14, $0x4;
	v25 =	vand.u32 $0xFFFFE000, v14;
	v14 =	vshrl.u32 v14, $0x9  }
0x2b: {  	v27 =	vshll.u32 v15, $0x4;
	v28 =	vand.u32 $0xFFFFE000, v15;
	v29 =	vshrl.u32 v15, $0x9  }
0x2c: {  	v30 =	vshll.u32 v23, $0x4;
	v38 =	vshll.u32 v31, $0x4;
	v3 =	vand.u32 $0x1FF0, v3  }
0x2d: {  	v0 =	vand.u32 $0xF, v0;
	v48 =	vand.u32 $0xF, v2;
	v6 =	vand.u32 $0x1FF0, v55  }
0x2e: {  	v8 =	vand.u32 $0xF, v8;
	v9 =	vand.u32 $0x1FF0, v62;
	v18 =	vand.u32 $0xF, v11  }
0x2f: {  	v39 =	vld [tilespmem:$0x124];
	v11 =	vand.u32 $0x1FF0, v19;
	v12 =	vand.u32 $0x1FF0, v22;
	v26 =	vand.u32 $0xF, v14  }
0x30: {  	v14 =	vand.u32 $0x1FF0, v27;
	v19 =	vand.u32 $0xFFFFE000, v23;
	v15 =	vand.u32 $0x1FF0, v30  }
0x31: {  	v22 =	vand.u32 $0xFFFFE000, v31;
	v3 =	vor.u32 v4, v3;
	v4 =	vand.u32 $0x1FF0, v46  }
0x32: {  	v6 =	vor.u32 v10, v6;
	v10 =	vshrl.u32 v56, $0x9;
	v9 =	vor.u32 v13, v9  }
0x33: {  	v13 =	vshrl.u32 v63, $0x9;
	v15 =	vor.u32 v19, v15;
	v19 =	vshrl.u32 v31, $0x9  }
0x34: {  	v46 =	vshll.u32 v39, $0x4;
	v0 =	vor.u32 v0, v3;
	v3 =	vand.u32 $0xFFFFE000, v1  }
0x35: {  	v55 =	vld [tilespmem:$0x188];
	v1 =	vshrl.u32 v1, $0x9;
	v10 =	vand.u32 $0xF, v10;
	v13 =	vand.u32 $0xF, v13  }
0x36: {  	v3 =	vor.u32 v3, v4;
	v4 =	vand.u32 $0x1FF0, v47;
	v1 =	vand.u32 $0xF, v1  }
0x37: {  	v19 =	vand.u32 $0xF, v19;
	v4 =	vor.u32 v7, v4;
	v2 =	vor.u32 v1, v3  }
0x38: {  	v27 =	vld [tilespmem:$0x178];
	v3 =	vshll.u32 v5, $0x4;
	v5 =	vshrl.u32 v5, $0x9;
	v7 =	vshrl.u32 v52, $0x9  }
0x39: {  	v47 =	vld [tilespmem:$0x158];
	v1 =	vor.u32 v48, v4;
	v3 =	vand.u32 $0x1FF0, v3;
	v50 =	vand.u32 $0xF, v5  }
0x3a: {  	v5 =	vand.u32 $0x1FF0, v51;
	v7 =	vand.u32 $0xF, v7;
	v62 =	vshll.u32 v55, $0x4  }
0x3b: {  	v3 =	vor.u32 v49, v3;
	v4 =	vor.u32 v53, v5;
	v5 =	vand.u32 $0xF, v54  }
0x3c: {  	v31 =	vand.u32 $0xFFFFE000, v55;
	v3 =	vor.u32 v50, v3;
	v5 =	vor.u32 v5, v4  }
0x3d: {  	v4 =	vor.u32 v8, v6;
	v6 =	vand.u32 $0x1FF0, v57;
	v8 =	vand.u32 $0x1FF0, v59  }
0x3e: {  	v59 =	vshll.u32 v27, $0x4;
	v6 =	vor.u32 v58, v6;
	v54 =	vshll.u32 v47, $0x4  }
0x3f: {  	v6 =	vor.u32 v7, v6;
	v7 =	vor.u32 v60, v8;
	v8 =	vand.u32 $0xF, v61  }
0x40: {  	v60 =	vand.u32 $0xFFFFE000, v27;
	v61 =	vshrl.u32 v27, $0x9;
	v27 =	vand.u32 $0x1FF0, v62  }
0x41: {  	v8 =	vor.u32 v8, v7;
	v7 =	vor.u32 v10, v9;
	v9 =	vand.u32 $0x1FF0, v16  }
0x42: {  	v10 =	vor.u32 v20, v11;
	v16 =	vand.u32 $0xFFFFE000, v63;
	v11 =	vand.u32 $0xF, v21  }
0x43: {  	v20 =	vld [tilespmem:$0x110];
	v27 =	vor.u32 v31, v27;
	v9 =	vor.u32 v17, v9;
	v12 =	vor.u32 v16, v12  }
0x44: {  	v21 =	vld [tilespmem:$0x120];
	v11 =	vor.u32 v11, v10;
	v16 =	vshrl.u32 v23, $0x9;
	v9 =	vor.u32 v18, v9  }
0x45: {  	v63 =	vld [tilespmem:$0x1B0];
	v10 =	vor.u32 v13, v12;
	v12 =	vand.u32 $0x1FF0, v24;
	v13 =	vor.u32 v28, v14  }
0x46: {  	v17 =	vld [tilespmem:$0xE0];
	v14 =	vand.u32 $0xF, v29;
	v16 =	vand.u32 $0xF, v16;
	v28 =	vand.u32 $0xFFFFE000, v47  }
0x47: {  	v12 =	vor.u32 v25, v12;
	v14 =	vor.u32 v14, v13;
	v13 =	vor.u32 v16, v15  }
0x48: {  	v23 =	vld [tilespmem:$0x138];
	v25 =	vand.u32 $0xFFFFE000, v39;
	v12 =	vor.u32 v26, v12;
	v40 =	vshll.u32 v20, $0x4  }
0x49: {  	v41 =	vand.u32 $0xFFFFE000, v20;
	v20 =	vshrl.u32 v20, $0x9;
	v43 =	vshll.u32 v21, $0x4  }
0x4a: {  	v18 =	vld [tilespmem:$0xF0];
	v44 =	vand.u32 $0xFFFFE000, v21;
	v45 =	vshrl.u32 v21, $0x9;
	v21 =	vand.u32 $0x1FF0, v46  }
0x4b: {  	v31 =	vshrl.u32 v63, $0x9;
	v32 =	vshll.u32 v17, $0x4;
	v33 =	vand.u32 $0xFFFFE000, v17  }
0x4c: {  	v24 =	vld [tilespmem:$0x148];
	v17 =	vshrl.u32 v17, $0x9;
	v42 =	vand.u32 $0xF, v20;
	v20 =	vand.u32 $0x1FF0, v43  }
0x4d: {  	v21 =	vor.u32 v25, v21;
	v48 =	vshll.u32 v23, $0x4;
	v49 =	vand.u32 $0xFFFFE000, v23  }
0x4e: {  	v30 =	vld [tilespmem:$0x1A0];
	v23 =	vshrl.u32 v23, $0x9;
	v25 =	vshrl.u32 v47, $0x9;
	v31 =	vand.u32 $0xF, v31  }
0x4f: {  	v15 =	vand.u32 $0x1FF0, v32;
	v34 =	vand.u32 $0xF, v17;
	v35 =	vshll.u32 v18, $0x4  }
0x50: {  	v29 =	vld [tilespmem:$0x18C];
	v36 =	vand.u32 $0xFFFFE000, v18;
	v37 =	vshrl.u32 v18, $0x9;
	v18 =	vand.u32 $0x1FF0, v38  }
0x51: {  	v50 =	vand.u32 $0xF, v23;
	v51 =	vshll.u32 v24, $0x4;
	v52 =	vand.u32 $0xFFFFE000, v24  }
0x52: {  	v26 =	vld [tilespmem:$0x168];
	v53 =	vshrl.u32 v24, $0x9;
	v24 =	vand.u32 $0x1FF0, v54;
	v25 =	vand.u32 $0xF, v25  }
0x53: {  	v38 =	vand.u32 $0xFFFFE000, v30;
	v15 =	vor.u32 v33, v15;
	v17 =	vand.u32 $0x1FF0, v35  }
0x54: {  	v18 =	vor.u32 v22, v18;
	v22 =	vshrl.u32 v39, $0x9;
	v23 =	vand.u32 $0x1FF0, v51  }
0x55: {  	v24 =	vor.u32 v28, v24;
	v28 =	vshrl.u32 v55, $0x9;
	v35 =	vand.u32 $0xFFFFE000, v29  }
0x56: {  	v39 =	vshrl.u32 v30, $0x9;
	v15 =	vor.u32 v34, v15;
	v16 =	vor.u32 v36, v17  }
0x57: {  	v17 =	vand.u32 $0xF, v37;
	v22 =	vand.u32 $0xF, v22;
	v56 =	vshll.u32 v26, $0x4  }
0x58: {  	v57 =	vand.u32 $0xFFFFE000, v26;
	v26 =	vshrl.u32 v26, $0x9;
	v28 =	vand.u32 $0xF, v28  }
0x59: {  	v34 =	vshll.u32 v29, $0x4;
	v29 =	vshrl.u32 v29, $0x9;
	v37 =	vshll.u32 v30, $0x4  }
0x5a: {  	v17 =	vor.u32 v17, v16;
	v16 =	vor.u32 v19, v18;
	v18 =	vand.u32 $0x1FF0, v40  }
0x5b: {  	v19 =	vor.u32 v44, v20;
	v20 =	vand.u32 $0xF, v45;
	v58 =	vand.u32 $0xF, v26  }
0x5c: {  	v26 =	vand.u32 $0x1FF0, v59;
	v36 =	vand.u32 $0xF, v29;
	v29 =	vand.u32 $0x1FF0, v37  }
0x5d: {  	v32 =	vld [tilespmem:$0x1C0];
	v40 =	vshll.u32 v63, $0x4;
	v18 =	vor.u32 v41, v18;
	v20 =	vor.u32 v20, v19  }
0x5e: {  	v19 =	vor.u32 v22, v21;
	v21 =	vand.u32 $0x1FF0, v48;
	v22 =	vor.u32 v52, v23  }
0x5f: {  	v23 =	vand.u32 $0xF, v53;
	v30 =	vand.u32 $0x1FF0, v40;
	v18 =	vor.u32 v42, v18  }
0x60: {  	v21 =	vor.u32 v49, v21;
	v23 =	vor.u32 v23, v22;
	v22 =	vor.u32 v25, v24  }
0x61: {  	v33 =	vld [tilespmem:$0x1D0];
	v24 =	vand.u32 $0x1FF0, v56;
	v25 =	vor.u32 v60, v26;
	v26 =	vand.u32 $0xF, v61  }
0x62: {  	v42 =	vshll.u32 v32, $0x4;
	v43 =	vand.u32 $0xFFFFE000, v32;
	v32 =	vshrl.u32 v32, $0x9  }
0x63: {  	v21 =	vor.u32 v50, v21;
	v24 =	vor.u32 v57, v24;
	v26 =	vor.u32 v26, v25  }
0x64: {  	v25 =	vor.u32 v28, v27;
	v27 =	vand.u32 $0x1FF0, v34;
	v28 =	vor.u32 v38, v29  }
0x65: {  	v59 =	vld [tilespmem:$0x238];
	v34 =	vand.u32 $0xFFFFE000, v63;
	v29 =	vand.u32 $0xF, v39;
	v44 =	vand.u32 $0xF, v32  }
0x66: {  	v41 =	vld [tilespmem:$0x1E0];
	v45 =	vshll.u32 v33, $0x4;
	v46 =	vand.u32 $0xFFFFE000, v33;
	v47 =	vshrl.u32 v33, $0x9  }
0x67: {  	v53 =	vld [tilespmem:$0x218];
	v24 =	vor.u32 v58, v24;
	v27 =	vor.u32 v35, v27;
	v30 =	vor.u32 v34, v30  }
0x68: {  	v29 =	vor.u32 v29, v28;
	v32 =	vand.u32 $0x1FF0, v45;
	v27 =	vor.u32 v36, v27  }
0x69: {  	[tilespmem:$0x50] =	vst v4;
	v40 =	vld [tilespmem:$0x25C];
	v28 =	vor.u32 v31, v30;
	v30 =	vand.u32 $0x1FF0, v42;
	v31 =	vor.u32 v46, v32  }
0x6a: {  	[tilespmem:$0x54] =	vst v6;
	v49 =	vld [tilespmem:$0x208];
	v32 =	vand.u32 $0xF, v47;
	v39 =	vand.u32 $0xFFFFE000, v59;
	v6 =	vshrl.u32 v59, $0x9  }
0x6b: {  	v30 =	vor.u32 v43, v30;
	v48 =	vshll.u32 v41, $0x4;
	v37 =	vand.u32 $0xFFFFE000, v41  }
0x6c: {  	v34 =	vshrl.u32 v41, $0x9;
	v31 =	vor.u32 v32, v31;
	v60 =	vshll.u32 v53, $0x4  }
0x6d: {  	v61 =	vand.u32 $0xFFFFE000, v53;
	v62 =	vshrl.u32 v53, $0x9;
	v6 =	vand.u32 $0xF, v6  }
0x6e: {  	[tilespmem:$0x98] =	vst v11;
	v38 =	vld [tilespmem:$0x258];
	v47 =	vshll.u32 v40, $0x4;
	v11 =	vshrl.u32 v40, $0x9;
	v30 =	vor.u32 v44, v30  }
0x6f: {  	[tilespmem:$0x0] =	vst v0;
	v33 =	vand.u32 $0x1FF0, v48;
	v34 =	vand.u32 $0xF, v34;
	v54 =	vshll.u32 v49, $0x4  }
0x70: {  	[tilespmem:$0x10] =	vst v2;
	v35 =	vld [tilespmem:$0x1F0];
	v56 =	vand.u32 $0xFFFFE000, v49;
	v57 =	vshrl.u32 v49, $0x9;
	v63 =	vand.u32 $0xF, v62  }
0x71: {  	[tilespmem:$0xA8] =	vst v10;
	v55 =	vld [tilespmem:$0x228];
	v49 =	vand.u32 $0xFFFFE000, v40;
	v10 =	vand.u32 $0x1FF0, v47;
	v11 =	vand.u32 $0xF, v11  }
0x72: {  	[tilespmem:$0x40] =	vst v5;
	v36 =	vld [tilespmem:$0x1F4];
	v33 =	vor.u32 v37, v33;
	v5 =	vand.u32 $0x1FF0, v54;
	v58 =	vand.u32 $0xF, v57  }
0x73: {  	[tilespmem:$0x168] =	vst v24;
	v24 =	vld [tilespmem:$0x2C4];
	v37 =	vshll.u32 v59, $0x4;
	v43 =	vshll.u32 v38, $0x4;
	v45 =	vand.u32 $0xFFFFE000, v38  }
0x74: {  	[tilespmem:$0x20] =	vst v1;
	v46 =	vshrl.u32 v38, $0x9;
	v10 =	vor.u32 v49, v10;
	v0 =	vor.u32 v34, v33  }
0x75: {  	[tilespmem:$0x1B0] =	vst v28;
	v28 =	vld [tilespmem:$0x2D8];
	v50 =	vshll.u32 v35, $0x4;
	v2 =	vand.u32 $0xFFFFE000, v35;
	v51 =	vshrl.u32 v35, $0x9  }
0x76: {  	[tilespmem:$0x78] =	vst v7;
	v44 =	vld [tilespmem:$0x270];
	v4 =	vor.u32 v56, v5;
	v33 =	vshll.u32 v55, $0x4;
	v35 =	vand.u32 $0xFFFFE000, v55  }
0x77: {  	[tilespmem:$0x88] =	vst v9;
	v48 =	vld [tilespmem:$0x280];
	v9 =	vand.u32 $0x1FF0, v37;
	v32 =	vand.u32 $0x1FF0, v50;
	v52 =	vshll.u32 v36, $0x4  }
0x78: {  	v62 =	vld [tilespmem:$0x2C0];
	[tilespmem:$0x1D0] =	vst v31;
	v7 =	vand.u32 $0x1FF0, v33;
	v9 =	vor.u32 v39, v9;
	v31 =	vshrl.u32 v24, $0x9  }
0x79: {  	[tilespmem:$0x30] =	vst v3;
	v1 =	vor.u32 v2, v32;
	v2 =	vand.u32 $0xF, v51;
	v3 =	vand.u32 $0x1FF0, v52  }
0x7a: {  	[tilespmem:$0xB8] =	vst v12;
	v5 =	vor.u32 v35, v7;
	v6 =	vor.u32 v6, v9;
	v9 =	vand.u32 $0x1FF0, v43  }
0x7b: {  	[tilespmem:$0x188] =	vst v25;
	v51 =	vor.u32 v11, v10;
	v32 =	vshll.u32 v28, $0x4;
	v1 =	vor.u32 v2, v1  }
0x7c: {  	[tilespmem:$0x1C0] =	vst v30;
	v30 =	vld [tilespmem:$0x2E8];
	v2 =	vand.u32 $0xFFFFE000, v36;
	v52 =	vshll.u32 v44, $0x4;
	v53 =	vand.u32 $0xFFFFE000, v44  }
0x7d: {  	[tilespmem:$0x18C] =	vst v27;
	v49 =	vld [tilespmem:$0x32C];
	v12 =	vshrl.u32 v44, $0x9;
	v57 =	vand.u32 $0xFFFFE000, v48;
	v27 =	vshll.u32 v62, $0x4  }
0x7e: {  	[tilespmem:$0xF0] =	vst v17;
	v34 =	vld [tilespmem:$0x248];
	v17 =	vshrl.u32 v62, $0x9;
	v2 =	vor.u32 v2, v3;
	v3 =	vshrl.u32 v36, $0x9  }
0x7f: {  	[tilespmem:$0x1A0] =	vst v29;
	v56 =	vld [tilespmem:$0x2A0];
	v36 =	vshrl.u32 v55, $0x9;
	v10 =	vand.u32 $0x1FF0, v52;
	v54 =	vand.u32 $0xF, v12  }
0x80: {  	v55 =	vshll.u32 v48, $0x4;
	[tilespmem:$0x1F0] =	vst v1;
	v1 =	vand.u32 $0xFFFFE000, v62;
	v29 =	vand.u32 $0xF, v17  }
0x81: {  	v35 =	vshll.u32 v30, $0x4;
	v37 =	vand.u32 $0xFFFFE000, v30;
	v38 =	vshrl.u32 v30, $0x9  }
0x82: {  	[tilespmem:$0x68] =	vst v8;
	v52 =	vshll.u32 v49, $0x4;
	v3 =	vand.u32 $0xF, v3;
	v7 =	vand.u32 $0xF, v36  }
0x83: {  	[tilespmem:$0xE0] =	vst v15;
	v41 =	vshll.u32 v34, $0x4;
	v42 =	vand.u32 $0xFFFFE000, v34;
	v8 =	vshrl.u32 v34, $0x9  }
0x84: {  	[tilespmem:$0x120] =	vst v20;
	v40 =	vld [tilespmem:$0x318];
	v10 =	vor.u32 v53, v10;
	v12 =	vand.u32 $0x1FF0, v55;
	v20 =	vshll.u32 v56, $0x4  }
0x85: {  	[tilespmem:$0x138] =	vst v21;
	v50 =	vld [tilespmem:$0x290];
	v21 =	vand.u32 $0xFFFFE000, v56;
	v15 =	vshrl.u32 v56, $0x9;
	v34 =	vshrl.u32 v28, $0x9  }
0x86: {  	v33 =	vld [tilespmem:$0x2F8];
	[tilespmem:$0x238] =	vst v6;
	v6 =	vand.u32 $0x1FF0, v35;
	v39 =	vand.u32 $0xF, v38;
	v53 =	vand.u32 $0xFFFFE000, v49  }
0x87: {  	[tilespmem:$0xD0] =	vst v13;
	v2 =	vor.u32 v3, v2;
	v3 =	vor.u32 v58, v4;
	v4 =	vand.u32 $0x1FF0, v60  }
0x88: {  	[tilespmem:$0xBC] =	vst v14;
	v5 =	vor.u32 v7, v5;
	v7 =	vand.u32 $0x1FF0, v41;
	v8 =	vand.u32 $0xF, v8  }
0x89: {  	[tilespmem:$0x100] =	vst v16;
	v10 =	vor.u32 v54, v10;
	v11 =	vor.u32 v57, v12;
	v58 =	vshrl.u32 v48, $0x9  }
0x8a: {  	[tilespmem:$0x158] =	vst v22;
	v59 =	vshll.u32 v50, $0x4;
	v14 =	vshrl.u32 v50, $0x9;
	v22 =	vand.u32 $0xF, v15  }
0x8b: {  	[tilespmem:$0x110] =	vst v18;
	v6 =	vor.u32 v37, v6;
	v43 =	vand.u32 $0xFFFFE000, v33;
	v48 =	vshll.u32 v40, $0x4  }
0x8c: {  	[tilespmem:$0x124] =	vst v19;
	v54 =	vshrl.u32 v49, $0x9;
	v4 =	vor.u32 v61, v4;
	v7 =	vor.u32 v42, v7  }
0x8d: {  	[tilespmem:$0x148] =	vst v23;
	v61 =	vand.u32 $0xFFFFE000, v50;
	v13 =	vand.u32 $0x1FF0, v59;
	v12 =	vand.u32 $0xF, v58  }
0x8e: {  	v14 =	vand.u32 $0xF, v14;
	[tilespmem:$0x208] =	vst v3;
	v3 =	vand.u32 $0xFFFFE000, v24;
	v41 =	vor.u32 v39, v6  }
0x8f: {  	[tilespmem:$0x228] =	vst v5;
	v42 =	vshll.u32 v33, $0x4;
	v5 =	vshrl.u32 v33, $0x9;
	v4 =	vor.u32 v63, v4  }
0x90: {  	[tilespmem:$0x178] =	vst v26;
	v36 =	vld [tilespmem:$0x308];
	v7 =	vor.u32 v8, v7;
	v8 =	vor.u32 v45, v9;
	v9 =	vand.u32 $0xF, v46  }
0x91: {  	[tilespmem:$0x1E0] =	vst v0;
	v60 =	vld [tilespmem:$0x2B0];
	v13 =	vor.u32 v61, v13;
	v11 =	vor.u32 v12, v11;
	v6 =	vand.u32 $0x1FF0, v42  }
0x92: {  	[tilespmem:$0x1F4] =	vst v2;
	v5 =	vand.u32 $0xF, v5;
	v8 =	vor.u32 v9, v8;
	v63 =	vor.u32 v14, v13  }
0x93: {  	v13 =	vand.u32 $0x1FF0, v20;
	[tilespmem:$0x218] =	vst v4;
	v4 =	vand.u32 $0x1FF0, v32;
	v6 =	vor.u32 v43, v6  }
0x94: {  	v45 =	vld [tilespmem:$0x328];
	[tilespmem:$0x248] =	vst v7;
	v7 =	vand.u32 $0x1FF0, v48;
	v9 =	vshrl.u32 v40, $0x9;
	v13 =	vor.u32 v21, v13  }
0x95: {  	[tilespmem:$0x270] =	vst v10;
	v44 =	vshll.u32 v36, $0x4;
	v5 =	vor.u32 v5, v6;
	v46 =	vand.u32 $0xFFFFE000, v36  }
0x96: {  	[tilespmem:$0x2E8] =	vst v41;
	v47 =	vshrl.u32 v36, $0x9;
	v50 =	vand.u32 $0xF, v9;
	v23 =	vshll.u32 v60, $0x4  }
0x97: {  	[tilespmem:$0x280] =	vst v11;
	v13 =	vor.u32 v22, v13;
	v25 =	vand.u32 $0xFFFFE000, v60;
	v26 =	vshrl.u32 v60, $0x9  }
0x98: {  	[tilespmem:$0x258] =	vst v8;
	v8 =	vand.u32 $0x1FF0, v44;
	v15 =	vand.u32 $0x1FF0, v23;
	v2 =	vand.u32 $0xF, v26  }
0x99: {  	[tilespmem:$0x25C] =	vst v51;
	v0 =	vor.u32 v25, v15;
	v15 =	vand.u32 $0x1FF0, v27;
	v51 =	vshrl.u32 v45, $0x9  }
0x9a: {  	[tilespmem:$0x290] =	vst v63;
	v1 =	vor.u32 v1, v15;
	v0 =	vor.u32 v2, v0;
	v2 =	vshll.u32 v24, $0x4  }
0x9b: {  	v1 =	vor.u32 v29, v1;
	v2 =	vand.u32 $0x1FF0, v2;
	[tilespmem:$0x2B0] =	vst v0;
	v0 =	vor.u32 v46, v8  }
0x9c: {  	v2 =	vor.u32 v3, v2;
	v3 =	vand.u32 $0xF, v31;
	[tilespmem:$0x2C0] =	vst v1;
	v1 =	vand.u32 $0xFFFFE000, v40  }
0x9d: {  	[tilespmem:$0x2F8] =	vst v5;
	v2 =	vor.u32 v3, v2;
	v3 =	vand.u32 $0xFFFFE000, v28;
	v1 =	vor.u32 v1, v7  }
0x9e: {  	v3 =	vor.u32 v3, v4;
	v4 =	vand.u32 $0xF, v34;
	[tilespmem:$0x2C4] =	vst v2;
	v2 =	vand.u32 $0xF, v47  }
0x9f: {  	[tilespmem:$0x2A0] =	vst v13;
	v3 =	vor.u32 v4, v3;
	v0 =	vor.u32 v2, v0;
	v2 =	vshll.u32 v45, $0x4  }
0xa0: {  	v1 =	vor.u32 v50, v1;
	[tilespmem:$0x2D8] =	vst v3;
	v3 =	vand.u32 $0xFFFFE000, v45;
	v2 =	vand.u32 $0x1FF0, v2  }
0xa1: {  	v4 =	vand.u32 $0x1FF0, v52;
	[tilespmem:$0x318] =	vst v1;
	v2 =	vor.u32 v3, v2;
	v3 =	vand.u32 $0xF, v51  }
0xa2: {  	[tilespmem:$0x308] =	vst v0;
	v0 =	vor.u32 v3, v2;
	v2 =	vor.u32 v53, v4;
	v3 =	vand.u32 $0xF, v54  }
0xa3: {  	v1 =	vor.u32 v3, v2;
	[tilespmem:$0x328] =	vst v0  }
0xa4: {  	[tilespmem:$0x32C] =	vst v1  }
0xa5: {  	[tilespmem:s10], [sflag:$0x1] =	stream.indirect.gather [hbm4b:s4+s9], $0x20, s31, s9, $0xb8;
	[tilespmem:$0x6940] =	vst v63  }
0xa6: {  	_ = 	snop  }
0xa7: {  	[tilespmem:s12], [sflag:$0x1] =	stream.indirect.gather [hbm4b:s4+s9], $0x20, s11, s9, $0xb8;
	[tilespmem:$0x6940] =	vst v63  }
0xa8: {  	_ = 	snop  }
0xa9: {  	[tilespmem:s14], [sflag:$0x1] =	stream.indirect.gather [hbm4b:s4+s9], $0x20, s13, s9, $0xb8;
	[tilespmem:$0x6940] =	vst v63  }
0xaa: {  	_ = 	snop  }
0xab: {  	[tilespmem:s16], [sflag:$0x1] =	stream.indirect.gather [hbm4b:s4+s9], $0x20, s15, s9, $0xb8;
	[tilespmem:$0x6940] =	vst v63  }
0xac: {  	_ = 	snop  }
0xad: {  	[tilespmem:s18], [sflag:$0x1] =	stream.indirect.gather [hbm4b:s4+s9], $0x20, s17, s9, $0xb8;
	[tilespmem:$0x6940] =	vst v63  }
0xae: {  	_ = 	snop  }
0xaf: {  	[tilespmem:s20], [sflag:$0x1] =	stream.indirect.gather [hbm4b:s4+s9], $0x20, s19, s9, $0xb8;
	[tilespmem:$0x6940] =	vst v63  }
0xb0: {  	_ = 	snop  }
0xb1: {  	[tilespmem:s22], [sflag:$0x1] =	stream.indirect.gather [hbm4b:s4+s9], $0x20, s21, s9, $0xb8;
	[tilespmem:$0x6940] =	vst v63  }
0xb2: {  	_ = 	snop  }
0xb3: {  	[tilespmem:s24], [sflag:$0x1] =	stream.indirect.gather [hbm4b:s4+s9], $0x20, s23, s9, $0xb8;
	[tilespmem:$0x6940] =	vst v63  }
0xb4: {  	_ =	swait.ge [sflag:s25], $0xC80  }
0xb5: {  	[sflag:s25] =	ssyncset.done $0x0  }
0xb6: {  	[sflag:s25] =	ssyncadd.s32 $0xFFFFF380  }
0xb7: {  	_ =	swait.ge [sflag:s25], $0xC80  }
0xb8: {  	[sflag:s25] =	ssyncset.done $0x0  }
0xb9: {  	[sflag:s25] =	ssyncadd.s32 $0xFFFFF380  }
0xba: {  	_ =	swait.ge [sflag:s25], $0xC80  }
0xbb: {  	[sflag:s25] =	ssyncset.done $0x0  }
0xbc: {  	[sflag:s25] =	ssyncadd.s32 $0xFFFFF380  }
0xbd: {  	_ =	swait.ge [sflag:s25], $0xC80  }
0xbe: {  	[sflag:s25] =	ssyncset.done $0x0  }
0xbf: {  	[sflag:s25] =	ssyncadd.s32 $0xFFFFF380  }
0xc0: {  	_ =	swait.ge [sflag:s25], $0xC80  }
0xc1: {  	[sflag:s25] =	ssyncset.done $0x0  }
0xc2: {  	[sflag:s25] =	ssyncadd.s32 $0xFFFFF380  }
0xc3: {  	_ =	swait.ge [sflag:s25], $0xC80  }
0xc4: {  	[sflag:s25] =	ssyncset.done $0x0  }
0xc5: {  	[sflag:s25] =	ssyncadd.s32 $0xFFFFF380  }
0xc6: {  	_ =	swait.ge [sflag:s25], $0xC80  }
0xc7: {  	[sflag:s25] =	ssyncset.done $0x0  }
0xc8: {  	[sflag:s25] =	ssyncadd.s32 $0xFFFFF380  }
0xc9: {  	_ =	swait.ge [sflag:s25], $0xC80  }
0xca: {  	[sflag:s25] =	ssyncset.done $0x0  }
0xcb: {  	s31 =	simm.s32 $0x660;
	[sflag:s25] =	ssyncadd.s32 $0xFFFFF380  }
0xcc: {  	v0 =	vld [tilespmem:s31+$0xFFFFFD00]  }
0xcd: {  	v1 =	vld [tilespmem:s31+$0xFFFFFD10]  }
0xce: {  	v2 =	vld [tilespmem:s31+$0xFFFFFCE0]  }
0xcf: {  	v3 =	vld [tilespmem:s31+$0xFFFFFCF0]  }
0xd0: {  	v55 =	vld [tilespmem:s31+$0xFFFFFD20]  }
0xd1: {  	v56 =	vld [tilespmem:s31+$0xFFFFFD30]  }
0xd2: {  	v57 =	vld [tilespmem:s31+$0xFFFFFD40]  }
0xd3: {  	v58 =	vld [tilespmem:s31+$0xFFFFFD60];
	v0 =	vadd.f32 v0, v2  }
0xd4: {  	v2 =	vld [tilespmem:s31+$0xFFFFFD50]  }
0xd5: {  	v59 =	vld [tilespmem:s31+$0xFFFFFD80];
	v1 =	vadd.f32 v1, v3;
	v0 =	vadd.f32 v55, v0  }
0xd6: {  	v3 =	vld [tilespmem:s31+$0xFFFFFD70]  }
0xd7: {  	v60 =	vld [tilespmem:s31+$0xFFFFFD90];
	v1 =	vadd.f32 v56, v1;
	v0 =	vadd.f32 v57, v0  }
0xd8: {  	v61 =	vld [tilespmem:s31+$0xFFFFFDA0]  }
0xd9: {  	v62 =	vld [tilespmem:s31+$0xFFFFFDC0];
	v1 =	vadd.f32 v2, v1;
	v0 =	vadd.f32 v58, v0  }
0xda: {  	v2 =	vld [tilespmem:s31+$0xFFFFFDB0]  }
0xdb: {  	v63 =	vld [tilespmem:s31+$0xFFFFFDE0];
	v1 =	vadd.f32 v3, v1;
	v0 =	vadd.f32 v59, v0  }
0xdc: {  	v3 =	vld [tilespmem:s31+$0xFFFFFDD0]  }
0xdd: {  	v9 =	vld [tilespmem:s31+$0xFFFFFDF0];
	v1 =	vadd.f32 v60, v1;
	v0 =	vadd.f32 v61, v0  }
0xde: {  	v10 =	vld [tilespmem:s31+$0xFFFFFE00]  }
0xdf: {  	v11 =	vld [tilespmem:s31+$0xFFFFFE20];
	v1 =	vadd.f32 v2, v1;
	v0 =	vadd.f32 v62, v0  }
0xe0: {  	v2 =	vld [tilespmem:s31+$0xFFFFFE10]  }
0xe1: {  	v12 =	vld [tilespmem:s31+$0xFFFFFE40];
	v1 =	vadd.f32 v3, v1;
	v0 =	vadd.f32 v63, v0  }
0xe2: {  	v3 =	vld [tilespmem:s31+$0xFFFFFE30]  }
0xe3: {  	v13 =	vld [tilespmem:s31+$0xFFFFFE50];
	v1 =	vadd.f32 v9, v1;
	v0 =	vadd.f32 v10, v0  }
0xe4: {  	v14 =	vld [tilespmem:s31+$0xFFFFFE60]  }
0xe5: {  	v15 =	vld [tilespmem:s31+$0xFFFFFE80];
	v1 =	vadd.f32 v2, v1;
	v0 =	vadd.f32 v11, v0  }
0xe6: {  	v2 =	vld [tilespmem:s31+$0xFFFFFE70]  }
0xe7: {  	v16 =	vld [tilespmem:s31+$0xFFFFFEA0];
	v1 =	vadd.f32 v3, v1;
	v0 =	vadd.f32 v12, v0  }
0xe8: {  	v3 =	vld [tilespmem:s31+$0xFFFFFE90]  }
0xe9: {  	v17 =	vld [tilespmem:s31+$0xFFFFFEB0];
	v1 =	vadd.f32 v13, v1;
	v0 =	vadd.f32 v14, v0  }
0xea: {  	v18 =	vld [tilespmem:s31+$0xFFFFFEC0]  }
0xeb: {  	v19 =	vld [tilespmem:s31+$0xFFFFFEE0];
	v1 =	vadd.f32 v2, v1;
	v0 =	vadd.f32 v15, v0  }
0xec: {  	v2 =	vld [tilespmem:s31+$0xFFFFFED0]  }
0xed: {  	v20 =	vld [tilespmem:s31+$0xFFFFFF00];
	v1 =	vadd.f32 v3, v1;
	v0 =	vadd.f32 v16, v0  }
0xee: {  	v3 =	vld [tilespmem:s31+$0xFFFFFEF0]  }
0xef: {  	v21 =	vld [tilespmem:s31+$0xFFFFFF10];
	v1 =	vadd.f32 v17, v1;
	v0 =	vadd.f32 v18, v0  }
0xf0: {  	v22 =	vld [tilespmem:s31+$0xFFFFFF20]  }
0xf1: {  	v23 =	vld [tilespmem:s31+$0xFFFFFF40];
	v1 =	vadd.f32 v2, v1;
	v0 =	vadd.f32 v19, v0  }
0xf2: {  	v2 =	vld [tilespmem:s31+$0xFFFFFF30]  }
0xf3: {  	v24 =	vld [tilespmem:s31+$0xFFFFFF60];
	v1 =	vadd.f32 v3, v1;
	v0 =	vadd.f32 v20, v0  }
0xf4: {  	v3 =	vld [tilespmem:s31+$0xFFFFFF50]  }
0xf5: {  	v25 =	vld [tilespmem:s31+$0xFFFFFF70];
	v1 =	vadd.f32 v21, v1;
	v0 =	vadd.f32 v22, v0  }
0xf6: {  	v26 =	vld [tilespmem:s31+$0xFFFFFF80]  }
0xf7: {  	v27 =	vld [tilespmem:s31+$0xFFFFFFA0];
	v1 =	vadd.f32 v2, v1;
	v0 =	vadd.f32 v23, v0  }
0xf8: {  	v2 =	vld [tilespmem:s31+$0xFFFFFF90]  }
0xf9: {  	v28 =	vld [tilespmem:s31+$0xFFFFFFC0];
	v1 =	vadd.f32 v3, v1;
	v0 =	vadd.f32 v24, v0  }
0xfa: {  	v3 =	vld [tilespmem:s31+$0xFFFFFFB0]  }
0xfb: {  	v29 =	vld [tilespmem:s31+$0xFFFFFFD0];
	v1 =	vadd.f32 v25, v1;
	v0 =	vadd.f32 v26, v0  }
0xfc: {  	v30 =	vld [tilespmem:s31+$0xFFFFFFE0]  }
0xfd: {  	v31 =	vld [tilespmem:s31+$0x0];
	v1 =	vadd.f32 v2, v1;
	v0 =	vadd.f32 v27, v0  }
0xfe: {  	v2 =	vld [tilespmem:s31+$0xFFFFFFF0]  }
0xff: {  	v32 =	vld [tilespmem:s31+$0x20];
	v1 =	vadd.f32 v3, v1;
	v0 =	vadd.f32 v28, v0  }
0x100: {  	v3 =	vld [tilespmem:s31+$0x10]  }
0x101: {  	v33 =	vld [tilespmem:s31+$0x30];
	v1 =	vadd.f32 v29, v1;
	v0 =	vadd.f32 v30, v0  }
0x102: {  	v34 =	vld [tilespmem:s31+$0x40]  }
0x103: {  	v35 =	vld [tilespmem:s31+$0x60];
	v1 =	vadd.f32 v2, v1;
	v0 =	vadd.f32 v31, v0  }
0x104: {  	v2 =	vld [tilespmem:s31+$0x50]  }
0x105: {  	v36 =	vld [tilespmem:s31+$0x80];
	v1 =	vadd.f32 v3, v1;
	v0 =	vadd.f32 v32, v0  }
0x106: {  	v3 =	vld [tilespmem:s31+$0x70]  }
0x107: {  	v37 =	vld [tilespmem:s31+$0x90];
	v1 =	vadd.f32 v33, v1;
	v0 =	vadd.f32 v34, v0  }
0x108: {  	v38 =	vld [tilespmem:s31+$0xA0]  }
0x109: {  	v39 =	vld [tilespmem:s31+$0xC0];
	v1 =	vadd.f32 v2, v1;
	v0 =	vadd.f32 v35, v0  }
0x10a: {  	v2 =	vld [tilespmem:s31+$0xB0]  }
0x10b: {  	v40 =	vld [tilespmem:s31+$0xE0];
	v1 =	vadd.f32 v3, v1;
	v0 =	vadd.f32 v36, v0  }
0x10c: {  	v3 =	vld [tilespmem:s31+$0xD0]  }
0x10d: {  	v41 =	vld [tilespmem:s31+$0xF0];
	v1 =	vadd.f32 v37, v1;
	v0 =	vadd.f32 v38, v0  }
0x10e: {  	v42 =	vld [tilespmem:s31+$0x100]  }
0x10f: {  	v43 =	vld [tilespmem:s31+$0x120];
	v1 =	vadd.f32 v2, v1;
	v0 =	vadd.f32 v39, v0  }
0x110: {  	v2 =	vld [tilespmem:s31+$0x110]  }
0x111: {  	v44 =	vld [tilespmem:s31+$0x140];
	v1 =	vadd.f32 v3, v1;
	v0 =	vadd.f32 v40, v0  }
0x112: {  	v3 =	vld [tilespmem:s31+$0x130]  }
0x113: {  	v45 =	vld [tilespmem:s31+$0x150];
	v1 =	vadd.f32 v41, v1;
	v0 =	vadd.f32 v42, v0  }
0x114: {  	v46 =	vld [tilespmem:s31+$0x160]  }
0x115: {  	v47 =	vld [tilespmem:s31+$0x180];
	v1 =	vadd.f32 v2, v1;
	v0 =	vadd.f32 v43, v0  }
0x116: {  	v2 =	vld [tilespmem:s31+$0x170]  }
0x117: {  	v48 =	vld [tilespmem:s31+$0x1A0];
	v1 =	vadd.f32 v3, v1;
	v0 =	vadd.f32 v44, v0  }
0x118: {  	v3 =	vld [tilespmem:s31+$0x190]  }
0x119: {  	v49 =	vld [tilespmem:s31+$0x1B0];
	v1 =	vadd.f32 v45, v1;
	v0 =	vadd.f32 v46, v0  }
0x11a: {  	v50 =	vld [tilespmem:s31+$0x1C0]  }
0x11b: {  	v51 =	vld [tilespmem:s31+$0x1E0];
	v1 =	vadd.f32 v2, v1;
	v0 =	vadd.f32 v47, v0  }
0x11c: {  	v2 =	vld [tilespmem:s31+$0x1D0]  }
0x11d: {  	v52 =	vld [tilespmem:s31+$0x200];
	v1 =	vadd.f32 v3, v1;
	v0 =	vadd.f32 v48, v0  }
0x11e: {  	v3 =	vld [tilespmem:s31+$0x1F0]  }
0x11f: {  	v53 =	vld [tilespmem:s31+$0x210];
	v1 =	vadd.f32 v49, v1;
	v0 =	vadd.f32 v50, v0  }
0x120: {  	v54 =	vld [tilespmem:s31+$0x220]  }
0x121: {  	v55 =	vld [tilespmem:s31+$0x240];
	v1 =	vadd.f32 v2, v1;
	v0 =	vadd.f32 v51, v0  }
0x122: {  	v2 =	vld [tilespmem:s31+$0x230]  }
0x123: {  	v56 =	vld [tilespmem:s31+$0x260];
	v1 =	vadd.f32 v3, v1;
	v0 =	vadd.f32 v52, v0  }
0x124: {  	v3 =	vld [tilespmem:s31+$0x250]  }
0x125: {  	v57 =	vld [tilespmem:s31+$0x270];
	v1 =	vadd.f32 v53, v1;
	v0 =	vadd.f32 v54, v0  }
0x126: {  	v58 =	vld [tilespmem:s31+$0x280]  }
0x127: {  	v59 =	vld [tilespmem:s31+$0x2A0];
	v1 =	vadd.f32 v2, v1;
	v0 =	vadd.f32 v55, v0  }
0x128: {  	v2 =	vld [tilespmem:s31+$0x290]  }
0x129: {  	v60 =	vld [tilespmem:s31+$0x2C0];
	v1 =	vadd.f32 v3, v1;
	v0 =	vadd.f32 v56, v0  }
0x12a: {  	v3 =	vld [tilespmem:s31+$0x2B0]  }
0x12b: {  	v61 =	vld [tilespmem:s31+$0x2D0];
	v1 =	vadd.f32 v57, v1;
	v0 =	vadd.f32 v58, v0  }
0x12c: {  	v62 =	vld [tilespmem:s31+$0x2E0]  }
0x12d: {  	v63 =	vld [tilespmem:s31+$0x300];
	v1 =	vadd.f32 v2, v1;
	v0 =	vadd.f32 v59, v0  }
0x12e: {  	v2 =	vld [tilespmem:s31+$0x2F0]  }
0x12f: {  	v1 =	vadd.f32 v3, v1;
	v0 =	vadd.f32 v60, v0  }
0x130: {  	v3 =	vld [tilespmem:s31+$0x310]  }
0x131: {  	v1 =	vadd.f32 v61, v1;
	v0 =	vadd.f32 v62, v0;
	_ =	sdelay $0x1  }
0x132: {  	v1 =	vadd.f32 v2, v1;
	v2 =	vadd.f32 v63, v0  }
0x133: {  	s2 =	simm.s32 $0x0  }
0x134: {  	s0 =	simm.s32 $0x80;
	v0 =	vadd.f32 v3, v1;
	[tilespmem:s2+$0x6740] =	vst v2  }
.LBB2_3:
0x135: {  	p0 =	sne.s32 s0, $0x780  }
0x136: {  	[tilespmem:s2+$0x6750] =	vst v0;
	s31 =	sadd.s32 $0x640, s31;
	s2 =	smov.u32 s0;
	s0 =	sadd.s32 $0x80, s0  }
0x137: {  	v0 =	vld [tilespmem:s31+$0xFFFFFD00]  }
0x138: {  	v1 =	vld [tilespmem:s31+$0xFFFFFD10]  }
0x139: {  	v2 =	vld [tilespmem:s31+$0xFFFFFCE0]  }
0x13a: {  	v3 =	vld [tilespmem:s31+$0xFFFFFCF0]  }
0x13b: {  	v4 =	vld [tilespmem:s31+$0xFFFFFD20]  }
0x13c: {  	v5 =	vld [tilespmem:s31+$0xFFFFFD30]  }
0x13d: {  	v6 =	vld [tilespmem:s31+$0xFFFFFD40]  }
0x13e: {  	v0 =	vadd.f32 v0, v2;
	v2 =	vld [tilespmem:s31+$0xFFFFFD50]  }
0x13f: {  	v1 =	vadd.f32 v1, v3;
	v3 =	vld [tilespmem:s31+$0xFFFFFD60]  }
0x140: {  	v0 =	vadd.f32 v4, v0;
	v4 =	vld [tilespmem:s31+$0xFFFFFD70]  }
0x141: {  	v1 =	vadd.f32 v5, v1;
	v5 =	vld [tilespmem:s31+$0xFFFFFD80]  }
0x142: {  	v0 =	vadd.f32 v6, v0;
	v6 =	vld [tilespmem:s31+$0xFFFFFD90]  }
0x143: {  	v1 =	vadd.f32 v2, v1;
	v2 =	vld [tilespmem:s31+$0xFFFFFDA0]  }
0x144: {  	v0 =	vadd.f32 v3, v0;
	v3 =	vld [tilespmem:s31+$0xFFFFFDB0]  }
0x145: {  	v1 =	vadd.f32 v4, v1;
	v4 =	vld [tilespmem:s31+$0xFFFFFDC0]  }
0x146: {  	v0 =	vadd.f32 v5, v0;
	v5 =	vld [tilespmem:s31+$0xFFFFFDD0]  }
0x147: {  	v1 =	vadd.f32 v6, v1;
	v6 =	vld [tilespmem:s31+$0xFFFFFDE0]  }
0x148: {  	v0 =	vadd.f32 v2, v0;
	v2 =	vld [tilespmem:s31+$0xFFFFFDF0]  }
0x149: {  	v1 =	vadd.f32 v3, v1;
	v3 =	vld [tilespmem:s31+$0xFFFFFE00]  }
0x14a: {  	v0 =	vadd.f32 v4, v0;
	v4 =	vld [tilespmem:s31+$0xFFFFFE10]  }
0x14b: {  	v1 =	vadd.f32 v5, v1;
	v5 =	vld [tilespmem:s31+$0xFFFFFE20]  }
0x14c: {  	v0 =	vadd.f32 v6, v0;
	v6 =	vld [tilespmem:s31+$0xFFFFFE30]  }
0x14d: {  	v1 =	vadd.f32 v2, v1;
	v2 =	vld [tilespmem:s31+$0xFFFFFE40]  }
0x14e: {  	v0 =	vadd.f32 v3, v0;
	v3 =	vld [tilespmem:s31+$0xFFFFFE50]  }
0x14f: {  	v1 =	vadd.f32 v4, v1;
	v4 =	vld [tilespmem:s31+$0xFFFFFE60]  }
0x150: {  	v0 =	vadd.f32 v5, v0;
	v5 =	vld [tilespmem:s31+$0xFFFFFE70]  }
0x151: {  	v1 =	vadd.f32 v6, v1;
	v6 =	vld [tilespmem:s31+$0xFFFFFE80]  }
0x152: {  	v0 =	vadd.f32 v2, v0;
	v2 =	vld [tilespmem:s31+$0xFFFFFE90]  }
0x153: {  	v1 =	vadd.f32 v3, v1;
	v3 =	vld [tilespmem:s31+$0xFFFFFEA0]  }
0x154: {  	v0 =	vadd.f32 v4, v0;
	v4 =	vld [tilespmem:s31+$0xFFFFFEB0]  }
0x155: {  	v1 =	vadd.f32 v5, v1;
	v5 =	vld [tilespmem:s31+$0xFFFFFEC0]  }
0x156: {  	v0 =	vadd.f32 v6, v0;
	v6 =	vld [tilespmem:s31+$0xFFFFFED0]  }
0x157: {  	v1 =	vadd.f32 v2, v1;
	v2 =	vld [tilespmem:s31+$0xFFFFFEE0]  }
0x158: {  	v0 =	vadd.f32 v3, v0;
	v3 =	vld [tilespmem:s31+$0xFFFFFEF0]  }
0x159: {  	v1 =	vadd.f32 v4, v1;
	v4 =	vld [tilespmem:s31+$0xFFFFFF00]  }
0x15a: {  	v0 =	vadd.f32 v5, v0;
	v5 =	vld [tilespmem:s31+$0xFFFFFF10]  }
0x15b: {  	v1 =	vadd.f32 v6, v1;
	v6 =	vld [tilespmem:s31+$0xFFFFFF20]  }
0x15c: {  	v0 =	vadd.f32 v2, v0;
	v2 =	vld [tilespmem:s31+$0xFFFFFF30]  }
0x15d: {  	v1 =	vadd.f32 v3, v1;
	v3 =	vld [tilespmem:s31+$0xFFFFFF40]  }
0x15e: {  	v0 =	vadd.f32 v4, v0;
	v4 =	vld [tilespmem:s31+$0xFFFFFF50]  }
0x15f: {  	v1 =	vadd.f32 v5, v1;
	v5 =	vld [tilespmem:s31+$0xFFFFFF60]  }
0x160: {  	v0 =	vadd.f32 v6, v0;
	v6 =	vld [tilespmem:s31+$0xFFFFFF70]  }
0x161: {  	v1 =	vadd.f32 v2, v1;
	v2 =	vld [tilespmem:s31+$0xFFFFFF80]  }
0x162: {  	v0 =	vadd.f32 v3, v0;
	v3 =	vld [tilespmem:s31+$0xFFFFFF90]  }
0x163: {  	v1 =	vadd.f32 v4, v1;
	v4 =	vld [tilespmem:s31+$0xFFFFFFA0]  }
0x164: {  	v0 =	vadd.f32 v5, v0;
	v5 =	vld [tilespmem:s31+$0xFFFFFFB0]  }
0x165: {  	v1 =	vadd.f32 v6, v1;
	v6 =	vld [tilespmem:s31+$0xFFFFFFC0]  }
0x166: {  	v0 =	vadd.f32 v2, v0;
	v2 =	vld [tilespmem:s31+$0xFFFFFFD0]  }
0x167: {  	v1 =	vadd.f32 v3, v1;
	v3 =	vld [tilespmem:s31+$0xFFFFFFE0]  }
0x168: {  	v0 =	vadd.f32 v4, v0;
	v4 =	vld [tilespmem:s31+$0xFFFFFFF0]  }
0x169: {  	v1 =	vadd.f32 v5, v1;
	v5 =	vld [tilespmem:s31+$0x0]  }
0x16a: {  	v0 =	vadd.f32 v6, v0;
	v6 =	vld [tilespmem:s31+$0x10]  }
0x16b: {  	v1 =	vadd.f32 v2, v1;
	v2 =	vld [tilespmem:s31+$0x20]  }
0x16c: {  	v0 =	vadd.f32 v3, v0;
	v3 =	vld [tilespmem:s31+$0x30]  }
0x16d: {  	v1 =	vadd.f32 v4, v1;
	v4 =	vld [tilespmem:s31+$0x40]  }
0x16e: {  	v0 =	vadd.f32 v5, v0;
	v5 =	vld [tilespmem:s31+$0x50]  }
0x16f: {  	v1 =	vadd.f32 v6, v1;
	v6 =	vld [tilespmem:s31+$0x60]  }
0x170: {  	v0 =	vadd.f32 v2, v0;
	v2 =	vld [tilespmem:s31+$0x70]  }
0x171: {  	v1 =	vadd.f32 v3, v1;
	v3 =	vld [tilespmem:s31+$0x80]  }
0x172: {  	v0 =	vadd.f32 v4, v0;
	v4 =	vld [tilespmem:s31+$0x90]  }
0x173: {  	v1 =	vadd.f32 v5, v1;
	v5 =	vld [tilespmem:s31+$0xA0]  }
0x174: {  	v0 =	vadd.f32 v6, v0;
	v6 =	vld [tilespmem:s31+$0xB0]  }
0x175: {  	v1 =	vadd.f32 v2, v1;
	v2 =	vld [tilespmem:s31+$0xC0]  }
0x176: {  	v0 =	vadd.f32 v3, v0;
	v3 =	vld [tilespmem:s31+$0xD0]  }
0x177: {  	v1 =	vadd.f32 v4, v1;
	v4 =	vld [tilespmem:s31+$0xE0]  }
0x178: {  	v0 =	vadd.f32 v5, v0;
	v5 =	vld [tilespmem:s31+$0xF0]  }
0x179: {  	v1 =	vadd.f32 v6, v1;
	v6 =	vld [tilespmem:s31+$0x100]  }
0x17a: {  	v0 =	vadd.f32 v2, v0;
	v2 =	vld [tilespmem:s31+$0x110]  }
0x17b: {  	v1 =	vadd.f32 v3, v1;
	v3 =	vld [tilespmem:s31+$0x120]  }
0x17c: {  	v0 =	vadd.f32 v4, v0;
	v4 =	vld [tilespmem:s31+$0x130]  }
0x17d: {  	v1 =	vadd.f32 v5, v1;
	v5 =	vld [tilespmem:s31+$0x140]  }
0x17e: {  	v0 =	vadd.f32 v6, v0;
	v6 =	vld [tilespmem:s31+$0x150]  }
0x17f: {  	v1 =	vadd.f32 v2, v1;
	v2 =	vld [tilespmem:s31+$0x160]  }
0x180: {  	v0 =	vadd.f32 v3, v0;
	v3 =	vld [tilespmem:s31+$0x170]  }
0x181: {  	v1 =	vadd.f32 v4, v1;
	v4 =	vld [tilespmem:s31+$0x180]  }
0x182: {  	v0 =	vadd.f32 v5, v0;
	v5 =	vld [tilespmem:s31+$0x190]  }
0x183: {  	v1 =	vadd.f32 v6, v1;
	v6 =	vld [tilespmem:s31+$0x1A0]  }
0x184: {  	v0 =	vadd.f32 v2, v0;
	v2 =	vld [tilespmem:s31+$0x1B0]  }
0x185: {  	v1 =	vadd.f32 v3, v1;
	v3 =	vld [tilespmem:s31+$0x1C0]  }
0x186: {  	v0 =	vadd.f32 v4, v0;
	v4 =	vld [tilespmem:s31+$0x1D0]  }
0x187: {  	v1 =	vadd.f32 v5, v1;
	v5 =	vld [tilespmem:s31+$0x1E0]  }
0x188: {  	v0 =	vadd.f32 v6, v0;
	v6 =	vld [tilespmem:s31+$0x1F0]  }
0x189: {  	v1 =	vadd.f32 v2, v1;
	v2 =	vld [tilespmem:s31+$0x200]  }
0x18a: {  	v0 =	vadd.f32 v3, v0;
	v3 =	vld [tilespmem:s31+$0x210]  }
0x18b: {  	v1 =	vadd.f32 v4, v1;
	v4 =	vld [tilespmem:s31+$0x220]  }
0x18c: {  	v0 =	vadd.f32 v5, v0;
	v5 =	vld [tilespmem:s31+$0x230]  }
0x18d: {  	v1 =	vadd.f32 v6, v1;
	v6 =	vld [tilespmem:s31+$0x240]  }
0x18e: {  	v0 =	vadd.f32 v2, v0;
	v2 =	vld [tilespmem:s31+$0x250]  }
0x18f: {  	v1 =	vadd.f32 v3, v1;
	v3 =	vld [tilespmem:s31+$0x260]  }
0x190: {  	v0 =	vadd.f32 v4, v0;
	v4 =	vld [tilespmem:s31+$0x270]  }
0x191: {  	v1 =	vadd.f32 v5, v1;
	v5 =	vld [tilespmem:s31+$0x280]  }
0x192: {  	v0 =	vadd.f32 v6, v0;
	v6 =	vld [tilespmem:s31+$0x290]  }
0x193: {  	v1 =	vadd.f32 v2, v1;
	v2 =	vld [tilespmem:s31+$0x2A0]  }
0x194: {  	v0 =	vadd.f32 v3, v0;
	v3 =	vld [tilespmem:s31+$0x2B0]  }
0x195: {  	v1 =	vadd.f32 v4, v1;
	v4 =	vld [tilespmem:s31+$0x2C0]  }
0x196: {  	v0 =	vadd.f32 v5, v0;
	v5 =	vld [tilespmem:s31+$0x2D0]  }
0x197: {  	v1 =	vadd.f32 v6, v1;
	v6 =	vld [tilespmem:s31+$0x2E0]  }
0x198: {  	v0 =	vadd.f32 v2, v0;
	v2 =	vld [tilespmem:s31+$0x2F0]  }
0x199: {  	v1 =	vadd.f32 v3, v1;
	v3 =	vld [tilespmem:s31+$0x300]  }
0x19a: {  	v0 =	vadd.f32 v4, v0;
	v4 =	vld [tilespmem:s31+$0x310]  }
0x19b: {  	v1 =	vadd.f32 v5, v1  }
.Ltmp0:
0x19c: {  	v0 =	vadd.f32 v6, v0;
	(pc) =	sbr.rel @p0 .LBB2_3-.Ltmp0, $4  }
0x19d: {  	v1 =	vadd.f32 v2, v1  }
0x19e: {  	v2 =	vadd.f32 v3, v0  }
0x19f: {  	s2 =	sshra.s32 s2, $0x2;
	v0 =	vadd.f32 v4, v1  }
0x1a0: {  	[tilespmem:s2+$0x6740] =	vst v2  }
0x1a1: {  	s29 =	sadd.s32 $0x1, s29  }
0x1a2: {  	s0 =	sshll.u32 s30, $0x2;
	p0 =	sne.s32 s29, $0x20  }
.Ltmp1:
0x1a3: {  	[tilespmem:s2+$0x6750] =	vst v0;
	s0 =	sadd.s32 s5, s0;
	(pc) =	sbr.rel @p0 .LBB2_2-.Ltmp1, $4  }
0x1a4: {  	[hbm4b:s0+s1] =	stream.linear.scatter [tilespmem:s26], [sflag:$0x2], $0x200, $0x38;
	[tilespmem:$0x6940] =	vst v63  }
0x1a5: {  	_ =	swait.ge [sflag:s8], $0x200  }
0x1a6: {  	[sflag:s8] =	ssyncset.done $0x0  }
0x1a7: {  	[sflag:s8] =	ssyncadd.s32 $0xFFFFFE00  }
0x1a8: {  	s28 =	sadd.s32 $0x1, s28  }
0x1a9: {  	p0 =	sne.s32 s28, s7  }
.Ltmp2:
0x1aa: {  	_ = 	snop;
	(pc) =	sbr.rel @p0 .LBB2_1-.Ltmp2, $1  }
0x1ab: {  	_ =	sdelay $0x3  }
0x1ac: {  	_ =	sfence.sel $0x180000  }
0x1ad: {  	[bflag:$0x0] =	sbarrier.arrive $0xFFFF  }
0x1ae: {  	_ =	strace $0x9000004D  }
0x1af: {  	s0 =	stileid.u32;
	[bflag:$0x2] =	sbarrier.arrive $0xFFFF  }
0x1b0: {  	p0 =	sne.s32 s0, $0x0;
	s0 =	rddreg [dreg:$0x1]  }
0x1b1: {  	s0 =	sadd.s32 @!p0 $0x100000, s0  }
0x1b2: {  	[sflag:s0] =	ssyncadd.tile.s32 @!p0 $0x1;
	_ =	shalt  }
.Lfunc_end2:
_tile_overlayer_lowered:
.L_overlay_start_2:
0x1b3: {  	(tag) =	ssettag $0x2  }
0x1b4: {  	s0 =	rddreg [dreg:$0x0];
	s2 =	stileid.u32  }
0x1b5: {  	s1 =	rddreg [dreg:$0x1];
	p0 =	sne.s32 s2, $0x0  }
0x1b6: {  	s3 =	rddreg [dreg:$0x2];
	[bflag:$0x3] =	sbarrier.arrive $0xFFFF;
	s2 =	simm.s32 @!p0 $0x1C02  }
0x1b7: {  	[timem:s3], [sflag:s2] =	dma.local @!p0 [hbm:s0], s1  }
0x1b8: {  	s0 =	simm.s32 @!p0 $0x2  }
0x1b9: {  	_ =	swait.ge @!p0 [sflag:s0], s1  }
0x1ba: {  	s1 =	ssub.s32 @!p0 $0x0, s1;
	[sflag:s0] =	ssyncset.done @!p0 $0x0  }
0x1bb: {  	[sflag:s0] =	ssyncadd.s32 @!p0 s1  }
0x1bc: {  	[bflag:$0x3] =	sbarrier.arrive $0xFFFF  }
0x1bd: {  	_ =	shalt  }

// kernel: sparse-core-data-format-call.1.cloned.1.call-start
scs
called_computation.1_lowered:
.L_overlay_start_0:
0x0: {  	s1 =	sld [smem:$0x3FD9]  }
0x1: {  	s2 =	sld [smem:$0x3FFE];
	_ =	sdelay $0x1  }
0x2: {  	s3 =	srdreg.scid  }
0x3: {  	s0 =	sand.u32 $0x1, s3  }
0x4: {  	s17 =	sshll.u32 s0, $0xA;
	s1 =	sadd.s32 s2, s1  }
0x5: {  	s1 =	sadd.s32 s1, s17  }
0x6: {  	[smem:$0x3FBC] =	sst s1  }
0x7: {  	_ = 	snop  }
0x8: {  	(tm) =	ssettm $0x1  }
0x9: {  	s18 =	sld [smem:$0x3FFB];
	_ =	sdelay $0x3  }
0xa: {  	_ =	strace s18  }
0xb: {  	s1 =	sld [smem:$0x3FFC];
	_ =	sdelay $0x3  }
0xc: {  	_ =	strace s1  }
0xd: {  	s1 =	sld [smem:$0x3FFD];
	_ =	sdelay $0x3  }
0xe: {  	_ =	strace s1  }
0xf: {  	_ =	strace $0x8FFFFFFF  }
0x10: {  	s19 =	sld [smem:$0x3FDB];
	_ =	sdelay $0x1  }
0x11: {  	s20 =	simm.s32 $_scs_section_size  }
0x12: {  	s4 =	simm.s32 $_size__tile_overlayer_lowered;
	s5 =	simm.s32 $_tile_overlayer_lowered  }
0x13: {  	s23 =	simm.s32 $0x1BFF;
	s22 =	sshll.u32 s5, $0x1;
	s1 =	sadd.s32 s20, s19  }
0x14: {  	s6 =	simm.s32 $0x0;
	s21 =	sshll.u32 s4, $0x1;
	s4 =	sadd.s32 s22, s1  }
0x15: {  	[timem:s6], [sflag:s23] =	dma.local [hbm:s4], s21  }
0x16: {  	_ =	swait.ge [sflag:s23], s21  }
0x17: {  	s2 =	ssub.s32 $0x0, s21;
	[sflag:s23] =	ssyncset.done $0x0  }
0x18: {  	[sflag:s23] =	ssyncadd.s32 s2;
	_ =	sdelay $0x1  }
0x19: {  	s24 =	simm.s32 $0x1B8B  }
0x1a: {  	_ =	swait.ge [sflag:s24], $0x1  }
0x1b: {  	[sflag:s24] =	ssyncset.done $0x0  }
0x1c: {  	s26 =	simm.s32 $0x1B8E;
	s25 =	sld [smem:$0x3FFE];
	[sflag:s24] =	ssyncadd.s32 $0xFFFFFFFF  }
0x1d: {  	s27 =	simm.s32 $execute0_lowered;
	[smem:$0x3FD2] =	sst s26  }
0x1e: {  	s4 =	sshll.u32 s27, $0x1;
	_ =	strace $0x80000046;
	[dreg:$0x1] =	wrdreg $0xFFFFFFFF  }
0x1f: {  	s28 =	simm.s32 $_size_execute0_lowered;
	s1 =	sadd.s32 s1, s4;
	[dreg:$0x0] =	wrdreg $0x0  }
0x20: {  	s4 =	sshll.u32 s28, $0x1;
	[dreg:$0x2] =	wrdreg s1  }
0x21: {  	[dreg:$0x3] =	wrdreg s4  }
0x22: {  	[dreg:$0x4] =	wrdreg $0xC0  }
0x23: {  	_ =	task [dreg:s6], $0x5FFFF  }
0x24: {  	[dreg:$0x1] =	wrdreg $0xFFFFFFFF  }
0x25: {  	[dreg:$0x0] =	wrdreg $0x60  }
0x26: {  	[dreg:$0x2] =	wrdreg s25  }
0x27: {  	[dreg:$0x3] =	wrdreg $0xA  }
0x28: {  	_ =	task.clear_ibuf [dreg:s6], $0x4FFFF;
	_ =	strace $0x90000046  }
0x29: {  	s29 =	simm.s32 $0xA;
	_ =	strace $0x80000048  }
0x2a: {  	_ =	swait.ge [sflag:s29], $0x1  }
0x2b: {  	[sflag:s29] =	ssyncadd.s32 $0xFFFFFFFF  }
0x2c: {  	_ =	strace $0x90000048  }
0x2d: {  	_ =	sfence  }
0x2e: {  	s30 =	sld [smem:$0x0];
	_ =	sdelay $0x2  }
0x2f: {  	s31 =	sshll.u32 s3, $0xD;
	s3 =	sshrl.u32 s3, $0x2  }
0x30: {  	s2 =	sand.u32 $0x4000, s31;
	s1 =	sadd.s32 s3, s30  }
0x31: {  	s0 =	sor.u32 s2, s0;
	s1 =	sshll.u32 s1, $0x11  }
0x32: {  	s0 =	sor.u32 s1, s0  }
0x33: {  	s0 =	sadd.s32 $0x8F2B, s0  }
0x34: {  	[sflag:s0] =	ssyncadd.remote.s32 $0x1  }
0x35: {  	_ =	sfence.sel $0xFFFF  }
0x36: {  	[dreg:$0x0] =	wrdreg $0xFFFFFFFF;
	(pc) =	sbr.abs _section_cstart, $3  }
0x37: {  	[dreg:$0x1] =	wrdreg $0xFFFFFFFF  }
0x38: {  	_ =	task.clear_ibuf [dreg:s6], $0x2FFFF;
	_ =	strace $0x9FFFFFFF  }
0x39: {  	(tm) =	ssettm $0x7FFFFFFF  }
tec
execute0_lowered:
.L_overlay_start_1:
0x0: {  	(tag) =	ssettag $0x1  }
0x1: {  	s0 =	srdreg.scid  }
0x2: {  	s1 =	sshll.u32 s0, $0x4  }
0x3: {  	s4 =	rddreg [dreg:$0x0];
	s0 =	stileid.u32;
	s1 =	sand.u32 $0x10, s1  }
0x4: {  	s7 =	simm.s32 $0x1;
	s8 =	simm.s32 $0x2;
	s1 =	sor.u32 s0, s1  }
0x5: {  	s9 =	simm.s32 $0x0;
	s12 =	simm.s32 $0x0;
	s2 =	sshll.u32 s1, $0x2  }
0x6: {  	s11 =	simm.s32 $0x0;
	s3 =	sadd.s32 $0x2200, s4;
	s6 =	ssub.s32 $0x1EC0, s2  }
.Ltmp0:
0x7: {  	s4 =	sadd.s32 $0x3DA200, s4;
	s5 =	sand.u32 $0x7C, s6;
	(pc) =	sbr.rel .LBB1_1-.Ltmp0, $4  }
0x8: {  	s1 =	rddreg [dreg:$0x1];
	_ =	strace $0x80000047;
	p0 =	sne.s32 s5, $0x0  }
0x9: {  	s6 =	sshrl.u32 s6, $0x7;
	s5 =	simm.s32 $0x1;
	s7 =	simm.s32 @!p0 $0x0  }
0xa: {  	s10 =	smov.u32 s2;
	[sflag:s5] =	ssyncpa.u1 $0x0;
	s6 =	sadd.s32 s7, s6  }
0xb: {  	[sflag:s8] =	ssyncpa.u1 $0x0;
	s8 =	simm.s32 $0x0;
	s7 =	sadd.s32 $0x1, s6  }
.LBB1_9:
0xc: {  	s14 =	sadd.s32 $0x80, s10  }
0xd: {  	p1 =	sgt.s32 s14, $0x1EBF  }
0xe: {  	s14 =	smov.u32 @p1 s2;
	p1 =	sne.s32 s11, s7  }
.Ltmp1:
0xf: {  	p0 =	slt.u32 s11, $0x2;
	(pc) =	sbr.rel @!p1 .LBB1_10-.Ltmp1, $4  }
0x10: {  	s13 =	simm.s32 @!p0 $0x2  }
0x11: {  	s15 =	sadd.s32 $0x1, s11;
	_ =	swait.ge @!p0 [sflag:s13], $0x4000  }
0x12: {  	s12 =	smov.u32 s10;
	s9 =	sadd.s32 $0x4000, s9;
	[sflag:s13] =	ssyncset.done @!p0 $0x0  }
0x13: {  	s11 =	smov.u32 s15;
	s10 =	smov.u32 s14;
	[sflag:s13] =	ssyncadd.s32 @!p0 $0xFFFFC000  }
.LBB1_1:
0x14: {  	p0 =	sge.u32 s11, s6  }
0x15: {  	s13 =	sxor.u32 @!p0 $0xFFFFFFFF, s11  }
0x16: {  	s31 =	sadd.s32 $0xFFFFFFFF, s11;
	s14 =	sshll.u32 @!p0 s10, $0x9;
	s13 =	sshll.u32 @!p0 s13, $0xE  }
0x17: {  	s15 =	simm.s32 @!p0 $0x0;
	s14 =	sadd.s32 @!p0 s3, s14;
	s13 =	sand.u32 @!p0 $0x4000, s13  }
0x18: {  	[tilespmem:s13], [sflag:$0x1] =	stream.linear.gather @!p0 [hbm4b:s14+s15], $0x4000, $0x38;
	[tilespmem:$0x10000] =	vst v63  }
0x19: {  	p0 =	sge.u32 s31, s6  }
.Ltmp2:
0x1a: {  	_ = 	snop;
	(pc) =	sbr.rel @p0 .LBB1_9-.Ltmp2, $1  }
0x1b: {  	_ =	sdelay $0x3  }
0x1c: {  	s14 =	sand.u32 $0x4000, s9  }
0x1d: {  	_ =	swait.ge [sflag:s5], $0x4000;
	s15 =	sshll.u32 s11, $0xE;
	s16 =	simm.s32 $0x0  }
0x1e: {  	s13 =	sor.u32 $0x40, s14;
	[sflag:s5] =	ssyncset.done $0x0;
	s15 =	sand.u32 $0x4000, s15  }
0x1f: {  	s14 =	sor.u32 $0x8040, s14;
	[sflag:s5] =	ssyncadd.s32 $0xFFFFC000;
	s15 =	sor.u32 $0x8000, s15  }
.LBB1_3:
0x20: {  	s17 =	smov.u32 s14;
	s18 =	smov.u32 s13;
	s19 =	simm.s32 $0x0  }
.LBB1_4:
0x21: {  	v0 =	vmov s17;
	v2 =	vld [tilespmem:s18+$0x30]  }
0x22: {  	v4 =	vld [tilespmem:s18+$0xFFFFFFD0]  }
0x23: {  	v6 =	vld [tilespmem:s18+$0xFFFFFFE0]  }
0x24: {  	v7 =	vld [tilespmem:s18+$0xFFFFFFF0]  }
0x25: {  	s20 =	simm.s32 $0x0;
	v1 =	vld [tilespmem:s18+$0x0]  }
0x26: {  	v3 =	vld [tilespmem:s18+$0x10];
	[tilespmem:v0+s20+$0x30 ss:$0x1] =	vst.idx.msk $0xffff, v2  }
0x27: {  	v5 =	vld [tilespmem:s18+$0x20];
	[tilespmem:v0+s20+$0xFFFFFFD0 ss:$0x1] =	vst.idx.msk $0xffff, v4  }
0x28: {  	s21 =	sadd.s32 $0x80, s18;
	v2 =	vld [tilespmem:s18+$0xFFFFFFC0];
	[tilespmem:v0+s20+$0xFFFFFFE0 ss:$0x1] =	vst.idx.msk $0xffff, v6  }
0x29: {  	s22 =	simm.s32 $0x800;
	s23 =	simm.s32 $0x1000;
	v4 =	vld [tilespmem:s21+$0x30];
	[tilespmem:v0+s20+$0xFFFFFFF0 ss:$0x1] =	vst.idx.msk $0xffff, v7  }
.LBB1_5:
0x2a: {  	p0 =	sne.s32 s23, $0x3800;
	v6 =	vld [tilespmem:s21+$0xFFFFFFD0];
	[tilespmem:v0+s20+$0x0 ss:$0x1] =	vst.idx.msk $0xffff, v1  }
0x2b: {  	v7 =	vld [tilespmem:s21+$0xFFFFFFE0];
	[tilespmem:v0+s20+$0x10 ss:$0x1] =	vst.idx.msk $0xffff, v3  }
0x2c: {  	v8 =	vld [tilespmem:s21+$0xFFFFFFF0];
	[tilespmem:v0+s20+$0x20 ss:$0x1] =	vst.idx.msk $0xffff, v5  }
.Ltmp3:
0x2d: {  	v1 =	vld [tilespmem:s21+$0x0];
	[tilespmem:v0+s20+$0xFFFFFFC0 ss:$0x1] =	vst.idx.msk $0xffff, v2;
	s20 =	sshra.s32 s22, $0x2;
	s22 =	smov.u32 s23;
	(pc) =	sbr.rel @p0 .LBB1_5-.Ltmp3, $4  }
0x2e: {  	v3 =	vld [tilespmem:s21+$0x10];
	[tilespmem:v0+s20+$0x30 ss:$0x1] =	vst.idx.msk $0xffff, v4  }
0x2f: {  	[tilespmem:v0+s20+$0xFFFFFFD0 ss:$0x1] =	vst.idx.msk $0xffff, v6;
	v5 =	vld [tilespmem:s21+$0x20]  }
0x30: {  	v2 =	vld [tilespmem:s21+$0xFFFFFFC0];
	[tilespmem:v0+s20+$0xFFFFFFE0 ss:$0x1] =	vst.idx.msk $0xffff, v7;
	s21 =	sadd.s32 $0x80, s21  }
0x31: {  	s23 =	sadd.s32 $0x800, s23;
	v4 =	vld [tilespmem:s21+$0x30];
	[tilespmem:v0+s20+$0xFFFFFFF0 ss:$0x1] =	vst.idx.msk $0xffff, v8  }
0x32: {  	_ =	sdelay $0x3  }
0x33: {  	v6 =	vld [tilespmem:s21+$0xFFFFFFD0];
	[tilespmem:v0+s20+$0x0 ss:$0x1] =	vst.idx.msk $0xffff, v1  }
0x34: {  	v58 =	vld [tilespmem:s21+$0xFFFFFFE0];
	[tilespmem:v0+s20+$0x10 ss:$0x1] =	vst.idx.msk $0xffff, v3  }
0x35: {  	v59 =	vld [tilespmem:s21+$0xFFFFFFF0];
	[tilespmem:v0+s20+$0x20 ss:$0x1] =	vst.idx.msk $0xffff, v5  }
0x36: {  	s22 =	sshra.s32 s22, $0x2;
	v60 =	vld [tilespmem:s21+$0x0];
	[tilespmem:v0+s20+$0xFFFFFFC0 ss:$0x1] =	vst.idx.msk $0xffff, v2  }
0x37: {  	v61 =	vld [tilespmem:s21+$0x10];
	[tilespmem:v0+s22+$0x30 ss:$0x1] =	vst.idx.msk $0xffff, v4  }
0x38: {  	v62 =	vld [tilespmem:s21+$0x20];
	s19 =	sadd.s32 $0x1, s19;
	[tilespmem:v0+s22+$0xFFFFFFD0 ss:$0x1] =	vst.idx.msk $0xffff, v6  }
0x39: {  	v63 =	vld [tilespmem:s21+$0xFFFFFFC0];
	p0 =	sne.s32 s19, $0x4;
	[tilespmem:v0+s22+$0xFFFFFFE0 ss:$0x1] =	vst.idx.msk $0xffff, v58  }
.Ltmp4:
0x3a: {  	[tilespmem:v0+s22+$0xFFFFFFF0 ss:$0x1] =	vst.idx.msk $0xffff, v59;
	(pc) =	sbr.rel @p0 .LBB1_4-.Ltmp4, $4  }
0x3b: {  	[tilespmem:v0+s22+$0x0 ss:$0x1] =	vst.idx.msk $0xffff, v60  }
0x3c: {  	[tilespmem:v0+s22+$0x10 ss:$0x1] =	vst.idx.msk $0xffff, v61  }
0x3d: {  	[tilespmem:v0+s22+$0x20 ss:$0x1] =	vst.idx.msk $0xffff, v62  }
0x3e: {  	s18 =	sadd.s32 $0x400, s18;
	s17 =	sadd.s32 $0x80, s17;
	[tilespmem:v0+s22+$0xFFFFFFC0 ss:$0x1] =	vst.idx.msk $0xffff, v63  }
0x3f: {  	s16 =	sadd.s32 $0x1, s16  }
0x40: {  	p0 =	sne.s32 s16, $0x4  }
.Ltmp5:
0x41: {  	_ = 	snop;
	(pc) =	sbr.rel @p0 .LBB1_3-.Ltmp5, $2  }
0x42: {  	_ =	sdelay $0x2  }
0x43: {  	s13 =	sadd.s32 $0x1000, s13;
	s14 =	sadd.s32 $0x1000, s14  }
.Ltmp6:
0x44: {  	(pc) =	sbr.rel .LBB1_9-.Ltmp6, $4  }
0x45: {  	_ = 	snop  }
0x46: {  	s12 =	sshll.u32 s12, $0x9  }
0x47: {  	s12 =	sadd.s32 s4, s12  }
0x48: {  	[hbm4b:s12+s8] =	stream.linear.scatter [tilespmem:s15], [sflag:$0x2], $0x4000, $0x38;
	[tilespmem:$0x10000] =	vst v63  }
.LBB1_10:
0x49: {  	_ =	sfence.sel $0x180000  }
0x4a: {  	s2 =	simm.s32 $0x1;
	[bflag:$0x0] =	sbarrier.arrive $0xFFFF  }
0x4b: {  	s31 =	simm.s32 $0x2;
	[sflag:s2] =	ssyncpa.u1 $0x1  }
0x4c: {  	[sflag:s31] =	ssyncpa.u1 $0x1  }
0x4d: {  	p0 =	sne.s32 s0, $0x0;
	_ =	strace $0x90000047  }
0x4e: {  	s0 =	sadd.s32 @!p0 $0x100000, s1;
	[bflag:$0x2] =	sbarrier.arrive $0xFFFF  }
0x4f: {  	[sflag:s0] =	ssyncadd.tile.s32 @!p0 $0x1;
	_ =	shalt  }
.Lfunc_end1:
_tile_overlayer_lowered:
.L_overlay_start_2:
0x50: {  	(tag) =	ssettag $0x2  }
0x51: {  	s0 =	rddreg [dreg:$0x0];
	s2 =	stileid.u32  }
0x52: {  	s1 =	rddreg [dreg:$0x1];
	p0 =	sne.s32 s2, $0x0  }
0x53: {  	s3 =	rddreg [dreg:$0x2];
	[bflag:$0x3] =	sbarrier.arrive $0xFFFF;
	s2 =	simm.s32 @!p0 $0x1C01  }
0x54: {  	[timem:s3], [sflag:s2] =	dma.local @!p0 [hbm:s0], s1  }
0x55: {  	s0 =	simm.s32 @!p0 $0x1  }
0x56: {  	_ =	swait.ge @!p0 [sflag:s0], s1  }
0x57: {  	s1 =	ssub.s32 @!p0 $0x0, s1;
	[sflag:s0] =	ssyncset.done @!p0 $0x0  }
0x58: {  	[sflag:s0] =	ssyncadd.s32 @!p0 s1  }
0x59: {  	[bflag:$0x3] =	sbarrier.arrive $0xFFFF  }
0x5a: {  	_ =	shalt  }

// kernel: sparse-core-data-format-call.cloned.1.call-start
scs
called_computation_lowered:
.L_overlay_start_0:
0x0: {  	s2 =	sld [smem:$0x3FD9]  }
0x1: {  	s3 =	sld [smem:$0x3FFE];
	_ =	sdelay $0x1  }
0x2: {  	s1 =	srdreg.scid  }
0x3: {  	s0 =	sand.u32 $0x1, s1  }
0x4: {  	s18 =	sshll.u32 s0, $0xA;
	s2 =	sadd.s32 s3, s2  }
0x5: {  	s2 =	sadd.s32 s2, s18  }
0x6: {  	[smem:$0x3FBC] =	sst s2  }
0x7: {  	_ = 	snop  }
0x8: {  	(tm) =	ssettm $0x1  }
0x9: {  	s19 =	sld [smem:$0x3FFB];
	_ =	sdelay $0x3  }
0xa: {  	_ =	strace s19  }
0xb: {  	s2 =	sld [smem:$0x3FFC];
	_ =	sdelay $0x3  }
0xc: {  	_ =	strace s2  }
0xd: {  	s2 =	sld [smem:$0x3FFD];
	_ =	sdelay $0x3  }
0xe: {  	_ =	strace s2  }
0xf: {  	_ =	strace $0x8FFFFFFF  }
0x10: {  	s20 =	sld [smem:$0x3FDB];
	_ =	sdelay $0x1  }
0x11: {  	s21 =	simm.s32 $_scs_section_size  }
0x12: {  	s4 =	simm.s32 $_size__tile_overlayer_lowered;
	s5 =	simm.s32 $_tile_overlayer_lowered  }
0x13: {  	s6 =	simm.s32 $0x1BFF;
	s22 =	sshll.u32 s5, $0x1;
	s3 =	sadd.s32 s21, s20  }
0x14: {  	s23 =	simm.s32 $0x0;
	s4 =	sshll.u32 s4, $0x1;
	s5 =	sadd.s32 s22, s3  }
0x15: {  	[timem:s23], [sflag:s6] =	dma.local [hbm:s5], s4  }
0x16: {  	_ =	swait.ge [sflag:s6], s4  }
0x17: {  	s4 =	ssub.s32 $0x0, s4;
	[sflag:s6] =	ssyncset.done $0x0  }
0x18: {  	[sflag:s6] =	ssyncadd.s32 s4;
	_ =	sdelay $0x1  }
0x19: {  	s24 =	simm.s32 $0x1B8B  }
0x1a: {  	_ =	swait.ge [sflag:s24], $0x1  }
0x1b: {  	[sflag:s24] =	ssyncset.done $0x0  }
0x1c: {  	[sflag:s24] =	ssyncadd.s32 $0xFFFFFFFF  }
0x1d: {  	s4 =	sld [smem:$0x0]  }
0x1e: {  	s5 =	sand.u32 $0xFFFFFFFE, s1  }
0x1f: {  	p0 =	sne.s32 s1, s5  }
0x20: {  	s5 =	sshll.u32 @p0 s5, $0xE  }
0x21: {  	s5 =	sadd.s32 @p0 $0x11B8D, s5;
	s6 =	sshll.u32 @p0 s4, $0x11  }
0x22: {  	s5 =	sor.u32 @p0 s6, s5  }
0x23: {  	[sflag:s5] =	ssyncadd.remote.s32 @p0 $0x1;
	_ =	sdelay $0x1  }
0x24: {  	s5 =	simm.s32 @p0 $0x1B8D  }
0x25: {  	_ =	swait.eq @p0 [sflag:s5], $0x1  }
0x26: {  	[sflag:s5] =	ssyncadd.s32 @p0 $0xFFFFFFFF  }
0x27: {  	s6 =	sshll.u32 @!p0 s1, $0xE  }
0x28: {  	s6 =	sor.u32 @!p0 $0x4000, s6;
	s5 =	simm.s32 @!p0 $0x1B8D  }
0x29: {  	s4 =	sshll.u32 @!p0 s4, $0x11;
	s6 =	sadd.s32 @!p0 $0x11B8D, s6;
	_ =	swait.eq @!p0 [sflag:s5], $0x1  }
0x2a: {  	s4 =	sor.u32 @!p0 s4, s6;
	[sflag:s5] =	ssyncadd.s32 @!p0 $0xFFFFFFFF  }
0x2b: {  	s26 =	simm.s32 $0x1B8E;
	s25 =	sld [smem:$0x3FFE];
	[sflag:s4] =	ssyncadd.remote.s32 @!p0 $0x1  }
0x2c: {  	s27 =	simm.s32 $execute0_lowered;
	[smem:$0x3FD2] =	sst s26  }
0x2d: {  	s5 =	sshll.u32 s27, $0x1;
	_ =	strace $0x80000049;
	[dreg:$0x1] =	wrdreg $0xFFFFFFFF  }
0x2e: {  	s28 =	simm.s32 $_size_execute0_lowered;
	s3 =	sadd.s32 s3, s5;
	[dreg:$0x0] =	wrdreg $0x0  }
0x2f: {  	s5 =	sshll.u32 s28, $0x1;
	[dreg:$0x2] =	wrdreg s3  }
0x30: {  	[dreg:$0x3] =	wrdreg s5  }
0x31: {  	[dreg:$0x4] =	wrdreg $0xC0  }
0x32: {  	_ =	task [dreg:s23], $0x5FFFF  }
0x33: {  	[dreg:$0x1] =	wrdreg $0xFFFFFFFF  }
0x34: {  	[dreg:$0x0] =	wrdreg $0x60  }
0x35: {  	[dreg:$0x2] =	wrdreg s25  }
0x36: {  	[dreg:$0x3] =	wrdreg $0x9  }
0x37: {  	_ =	task.clear_ibuf [dreg:s23], $0x4FFFF;
	_ =	strace $0x90000049  }
0x38: {  	s29 =	simm.s32 $0x9;
	_ =	strace $0x8000004B  }
0x39: {  	_ =	swait.ge [sflag:s29], $0x1  }
0x3a: {  	[sflag:s29] =	ssyncadd.s32 $0xFFFFFFFF  }
0x3b: {  	_ =	strace $0x9000004B  }
0x3c: {  	_ =	sfence  }
0x3d: {  	s30 =	sld [smem:$0x0];
	_ =	sdelay $0x2  }
0x3e: {  	s31 =	sshll.u32 s1, $0xD;
	s1 =	sshrl.u32 s1, $0x2  }
0x3f: {  	s4 =	sand.u32 $0x4000, s31;
	s1 =	sadd.s32 s1, s30  }
0x40: {  	s0 =	sor.u32 s4, s0;
	s1 =	sshll.u32 s1, $0x11  }
0x41: {  	s0 =	sor.u32 s1, s0  }
0x42: {  	s0 =	sadd.s32 $0x8F2B, s0  }
0x43: {  	[sflag:s0] =	ssyncadd.remote.s32 $0x1  }
0x44: {  	_ =	sfence.sel $0xFFFF  }
0x45: {  	[dreg:$0x0] =	wrdreg $0xFFFFFFFF;
	(pc) =	sbr.abs _section_cstart, $3  }
0x46: {  	[dreg:$0x1] =	wrdreg $0xFFFFFFFF  }
0x47: {  	_ =	task.clear_ibuf [dreg:s23], $0x2FFFF;
	_ =	strace $0x9FFFFFFF  }
0x48: {  	(tm) =	ssettm $0x7FFFFFFF  }
0x49: {  	_ =	shalt  }
tec
execute0_lowered:
.L_overlay_start_1:
0x0: {  	(tag) =	ssettag $0x1  }
0x1: {  	s0 =	srdreg.scid  }
0x2: {  	s1 =	sshll.u32 s0, $0x4  }
0x3: {  	s4 =	rddreg [dreg:$0x0];
	s0 =	stileid.u32;
	s1 =	sand.u32 $0x10, s1  }
0x4: {  	s7 =	simm.s32 $0x1;
	s8 =	simm.s32 $0x2;
	s2 =	sor.u32 s0, s1  }
0x5: {  	s9 =	simm.s32 $0x0;
	s12 =	simm.s32 $0x0;
	s2 =	sshll.u32 s2, $0x2  }
0x6: {  	s11 =	simm.s32 $0x0;
	s3 =	sadd.s32 $0x7B2200, s4;
	s6 =	ssub.s32 $0x1EC0, s2  }
.Ltmp0:
0x7: {  	s4 =	sadd.s32 $0xB8A200, s4;
	s5 =	sand.u32 $0x7C, s6;
	(pc) =	sbr.rel .LBB1_1-.Ltmp0, $4  }
0x8: {  	s1 =	rddreg [dreg:$0x1];
	_ =	strace $0x8000004A;
	p0 =	sne.s32 s5, $0x0  }
0x9: {  	s6 =	sshrl.u32 s6, $0x7;
	s5 =	simm.s32 $0x1;
	s7 =	simm.s32 @!p0 $0x0  }
0xa: {  	s10 =	smov.u32 s2;
	[sflag:s5] =	ssyncpa.u1 $0x0;
	s6 =	sadd.s32 s7, s6  }
0xb: {  	[sflag:s8] =	ssyncpa.u1 $0x0;
	s8 =	simm.s32 $0x0;
	s7 =	sadd.s32 $0x1, s6  }
.LBB1_9:
0xc: {  	s14 =	sadd.s32 $0x80, s10  }
0xd: {  	p1 =	sgt.s32 s14, $0x1EBF  }
0xe: {  	s14 =	smov.u32 @p1 s2;
	p1 =	sne.s32 s11, s7  }
.Ltmp1:
0xf: {  	p0 =	slt.u32 s11, $0x2;
	(pc) =	sbr.rel @!p1 .LBB1_10-.Ltmp1, $4  }
0x10: {  	s13 =	simm.s32 @!p0 $0x2  }
0x11: {  	s15 =	sadd.s32 $0x1, s11;
	_ =	swait.ge @!p0 [sflag:s13], $0x4000  }
0x12: {  	s12 =	smov.u32 s10;
	s9 =	sadd.s32 $0x4000, s9;
	[sflag:s13] =	ssyncset.done @!p0 $0x0  }
0x13: {  	s11 =	smov.u32 s15;
	s10 =	smov.u32 s14;
	[sflag:s13] =	ssyncadd.s32 @!p0 $0xFFFFC000  }
.LBB1_1:
0x14: {  	p0 =	sge.u32 s11, s6  }
0x15: {  	s13 =	sxor.u32 @!p0 $0xFFFFFFFF, s11  }
0x16: {  	s31 =	sadd.s32 $0xFFFFFFFF, s11;
	s14 =	sshll.u32 @!p0 s10, $0x9;
	s13 =	sshll.u32 @!p0 s13, $0xE  }
0x17: {  	s15 =	simm.s32 @!p0 $0x0;
	s14 =	sadd.s32 @!p0 s3, s14;
	s13 =	sand.u32 @!p0 $0x4000, s13  }
0x18: {  	[tilespmem:s13], [sflag:$0x1] =	stream.linear.gather @!p0 [hbm4b:s14+s15], $0x4000, $0x38;
	[tilespmem:$0x10000] =	vst v63  }
0x19: {  	p0 =	sge.u32 s31, s6  }
.Ltmp2:
0x1a: {  	_ = 	snop;
	(pc) =	sbr.rel @p0 .LBB1_9-.Ltmp2, $1  }
0x1b: {  	_ =	sdelay $0x3  }
0x1c: {  	s14 =	sand.u32 $0x4000, s9  }
0x1d: {  	_ =	swait.ge [sflag:s5], $0x4000;
	s15 =	sshll.u32 s11, $0xE;
	s16 =	simm.s32 $0x0  }
0x1e: {  	s13 =	sor.u32 $0x40, s14;
	[sflag:s5] =	ssyncset.done $0x0;
	s15 =	sand.u32 $0x4000, s15  }
0x1f: {  	s14 =	sor.u32 $0x8040, s14;
	[sflag:s5] =	ssyncadd.s32 $0xFFFFC000;
	s15 =	sor.u32 $0x8000, s15  }
.LBB1_3:
0x20: {  	s17 =	smov.u32 s14;
	s18 =	smov.u32 s13;
	s19 =	simm.s32 $0x0  }
.LBB1_4:
0x21: {  	v0 =	vmov s17;
	v2 =	vld [tilespmem:s18+$0x30]  }
0x22: {  	v4 =	vld [tilespmem:s18+$0xFFFFFFD0]  }
0x23: {  	v6 =	vld [tilespmem:s18+$0xFFFFFFE0]  }
0x24: {  	v7 =	vld [tilespmem:s18+$0xFFFFFFF0]  }
0x25: {  	s20 =	simm.s32 $0x0;
	v1 =	vld [tilespmem:s18+$0x0]  }
0x26: {  	v3 =	vld [tilespmem:s18+$0x10];
	[tilespmem:v0+s20+$0x30 ss:$0x1] =	vst.idx.msk $0xffff, v2  }
0x27: {  	v5 =	vld [tilespmem:s18+$0x20];
	[tilespmem:v0+s20+$0xFFFFFFD0 ss:$0x1] =	vst.idx.msk $0xffff, v4  }
0x28: {  	s21 =	sadd.s32 $0x80, s18;
	v2 =	vld [tilespmem:s18+$0xFFFFFFC0];
	[tilespmem:v0+s20+$0xFFFFFFE0 ss:$0x1] =	vst.idx.msk $0xffff, v6  }
0x29: {  	s22 =	simm.s32 $0x800;
	s23 =	simm.s32 $0x1000;
	v4 =	vld [tilespmem:s21+$0x30];
	[tilespmem:v0+s20+$0xFFFFFFF0 ss:$0x1] =	vst.idx.msk $0xffff, v7  }
.LBB1_5:
0x2a: {  	p0 =	sne.s32 s23, $0x3800;
	v6 =	vld [tilespmem:s21+$0xFFFFFFD0];
	[tilespmem:v0+s20+$0x0 ss:$0x1] =	vst.idx.msk $0xffff, v1  }
0x2b: {  	v7 =	vld [tilespmem:s21+$0xFFFFFFE0];
	[tilespmem:v0+s20+$0x10 ss:$0x1] =	vst.idx.msk $0xffff, v3  }
0x2c: {  	v8 =	vld [tilespmem:s21+$0xFFFFFFF0];
	[tilespmem:v0+s20+$0x20 ss:$0x1] =	vst.idx.msk $0xffff, v5  }
.Ltmp3:
0x2d: {  	v1 =	vld [tilespmem:s21+$0x0];
	[tilespmem:v0+s20+$0xFFFFFFC0 ss:$0x1] =	vst.idx.msk $0xffff, v2;
	s20 =	sshra.s32 s22, $0x2;
	s22 =	smov.u32 s23;
	(pc) =	sbr.rel @p0 .LBB1_5-.Ltmp3, $4  }
0x2e: {  	v3 =	vld [tilespmem:s21+$0x10];
	[tilespmem:v0+s20+$0x30 ss:$0x1] =	vst.idx.msk $0xffff, v4  }
0x2f: {  	[tilespmem:v0+s20+$0xFFFFFFD0 ss:$0x1] =	vst.idx.msk $0xffff, v6;
	v5 =	vld [tilespmem:s21+$0x20]  }
0x30: {  	v2 =	vld [tilespmem:s21+$0xFFFFFFC0];
	[tilespmem:v0+s20+$0xFFFFFFE0 ss:$0x1] =	vst.idx.msk $0xffff, v7;
	s21 =	sadd.s32 $0x80, s21  }
0x31: {  	s23 =	sadd.s32 $0x800, s23;
	v4 =	vld [tilespmem:s21+$0x30];
	[tilespmem:v0+s20+$0xFFFFFFF0 ss:$0x1] =	vst.idx.msk $0xffff, v8  }
0x32: {  	_ =	sdelay $0x3  }
0x33: {  	v6 =	vld [tilespmem:s21+$0xFFFFFFD0];
	[tilespmem:v0+s20+$0x0 ss:$0x1] =	vst.idx.msk $0xffff, v1  }
0x34: {  	v58 =	vld [tilespmem:s21+$0xFFFFFFE0];
	[tilespmem:v0+s20+$0x10 ss:$0x1] =	vst.idx.msk $0xffff, v3  }
0x35: {  	v59 =	vld [tilespmem:s21+$0xFFFFFFF0];
	[tilespmem:v0+s20+$0x20 ss:$0x1] =	vst.idx.msk $0xffff, v5  }
0x36: {  	s22 =	sshra.s32 s22, $0x2;
	v60 =	vld [tilespmem:s21+$0x0];
	[tilespmem:v0+s20+$0xFFFFFFC0 ss:$0x1] =	vst.idx.msk $0xffff, v2  }
0x37: {  	v61 =	vld [tilespmem:s21+$0x10];
	[tilespmem:v0+s22+$0x30 ss:$0x1] =	vst.idx.msk $0xffff, v4  }
0x38: {  	v62 =	vld [tilespmem:s21+$0x20];
	s19 =	sadd.s32 $0x1, s19;
	[tilespmem:v0+s22+$0xFFFFFFD0 ss:$0x1] =	vst.idx.msk $0xffff, v6  }
0x39: {  	v63 =	vld [tilespmem:s21+$0xFFFFFFC0];
	p0 =	sne.s32 s19, $0x4;
	[tilespmem:v0+s22+$0xFFFFFFE0 ss:$0x1] =	vst.idx.msk $0xffff, v58  }
.Ltmp4:
0x3a: {  	[tilespmem:v0+s22+$0xFFFFFFF0 ss:$0x1] =	vst.idx.msk $0xffff, v59;
	(pc) =	sbr.rel @p0 .LBB1_4-.Ltmp4, $4  }
0x3b: {  	[tilespmem:v0+s22+$0x0 ss:$0x1] =	vst.idx.msk $0xffff, v60  }
0x3c: {  	[tilespmem:v0+s22+$0x10 ss:$0x1] =	vst.idx.msk $0xffff, v61  }
0x3d: {  	[tilespmem:v0+s22+$0x20 ss:$0x1] =	vst.idx.msk $0xffff, v62  }
0x3e: {  	s18 =	sadd.s32 $0x400, s18;
	s17 =	sadd.s32 $0x80, s17;
	[tilespmem:v0+s22+$0xFFFFFFC0 ss:$0x1] =	vst.idx.msk $0xffff, v63  }
0x3f: {  	s16 =	sadd.s32 $0x1, s16  }
0x40: {  	p0 =	sne.s32 s16, $0x4  }
.Ltmp5:
0x41: {  	_ = 	snop;
	(pc) =	sbr.rel @p0 .LBB1_3-.Ltmp5, $2  }
0x42: {  	_ =	sdelay $0x2  }
0x43: {  	s13 =	sadd.s32 $0x1000, s13;
	s14 =	sadd.s32 $0x1000, s14  }
.Ltmp6:
0x44: {  	(pc) =	sbr.rel .LBB1_9-.Ltmp6, $4  }
0x45: {  	_ = 	snop  }
0x46: {  	s12 =	sshll.u32 s12, $0x9  }
0x47: {  	s12 =	sadd.s32 s4, s12  }
0x48: {  	[hbm4b:s12+s8] =	stream.linear.scatter [tilespmem:s15], [sflag:$0x2], $0x4000, $0x38;
	[tilespmem:$0x10000] =	vst v63  }
.LBB1_10:
0x49: {  	_ =	sfence.sel $0x180000  }
0x4a: {  	s2 =	simm.s32 $0x1;
	[bflag:$0x0] =	sbarrier.arrive $0xFFFF  }
0x4b: {  	s31 =	simm.s32 $0x2;
	[sflag:s2] =	ssyncpa.u1 $0x1  }
0x4c: {  	[sflag:s31] =	ssyncpa.u1 $0x1  }
0x4d: {  	p0 =	sne.s32 s0, $0x0;
	_ =	strace $0x9000004A  }
0x4e: {  	s0 =	sadd.s32 @!p0 $0x100000, s1;
	[bflag:$0x2] =	sbarrier.arrive $0xFFFF  }
0x4f: {  	[sflag:s0] =	ssyncadd.tile.s32 @!p0 $0x1;
	_ =	shalt  }
.Lfunc_end1:
_tile_overlayer_lowered:
.L_overlay_start_2:
0x50: {  	(tag) =	ssettag $0x2  }
0x51: {  	s0 =	rddreg [dreg:$0x0];
	s2 =	stileid.u32  }
0x52: {  	s1 =	rddreg [dreg:$0x1];
	p0 =	sne.s32 s2, $0x0  }
0x53: {  	s3 =	rddreg [dreg:$0x2];
	[bflag:$0x3] =	sbarrier.arrive $0xFFFF;
	s2 =	simm.s32 @!p0 $0x1C01  }
0x54: {  	[timem:s3], [sflag:s2] =	dma.local @!p0 [hbm:s0], s1  }
0x55: {  	s0 =	simm.s32 @!p0 $0x1  }
0x56: {  	_ =	swait.ge @!p0 [sflag:s0], s1  }
0x57: {  	s1 =	ssub.s32 @!p0 $0x0, s1;
	[sflag:s0] =	ssyncset.done @!p0 $0x0  }
0x58: {  	[sflag:s0] =	ssyncadd.s32 @!p0 s1  }
0x59: {  	[bflag:$0x3] =	sbarrier.arrive $0xFFFF  }
0x5a: {  	_ =	shalt  }

</sc_bundles>
